<compile_context>
chip_gen: v7x
topology: tpu7x:2x2x1
jax: 0.10.2.dev20260603
libtpu: 0.0.44.dev20260713+nightly
codegen_flags: <defaults>
</compile_context>

<pallas_src>
import functools
import math

import jax
import jax.numpy as jnp
from jax import lax
from jax.experimental import pallas as pl
from jax.experimental.pallas import tpu as pltpu
from jax.experimental.pallas import tpu_sc as plsc

EMB_D = 128
NUM_EMB = 22
PAD_IDX = 21
SCALE = math.sqrt(float(EMB_D))

NUM_CORES = 2
NUM_SUBCORES = 16
NUM_WORKERS = NUM_CORES * NUM_SUBCORES

TOTAL = 4096 * 200
PER_WORKER = TOTAL // NUM_WORKERS
CHUNK = 128
NUM_CHUNKS = PER_WORKER // CHUNK
NUM_PAIRS = NUM_CHUNKS // 2
LANES = 16

_sc_mesh = plsc.VectorSubcoreMesh(core_axis_name="c", subcore_axis_name="s")


@functools.partial(
    pl.kernel,
    mesh=_sc_mesh,
    out_type=jax.ShapeDtypeStruct((TOTAL, EMB_D), jnp.float32),
    scratch_types=[
        pltpu.VMEM((NUM_CHUNKS, CHUNK), jnp.int32),
        pltpu.VMEM((3, 2 * CHUNK, EMB_D), jnp.float32),
        pltpu.VMEM((NUM_EMB, EMB_D), jnp.float32),
        pltpu.VMEM_SHARED((NUM_EMB, EMB_D), jnp.float32),
        pltpu.SemaphoreType.DMA,
        pltpu.SemaphoreType.DMA,
    ],
)
def _emb_kernel(table_hbm, idx_hbm, out_hbm, idx_v, rows_v, tab_v, tab_sh, gsem, ssem):
    wid = lax.axis_index("s") * NUM_CORES + lax.axis_index("c")
    base = wid * PER_WORKER

    @pl.when(lax.axis_index("s") == 0)
    def _stage_table():
        pltpu.sync_copy(table_hbm, tab_v)
        for r in range(NUM_EMB):
            for k in range(EMB_D // LANES):
                sl = pl.ds(k * LANES, LANES)
                if r == PAD_IDX:
                    tab_v[r, sl] = jnp.zeros((LANES,), jnp.float32)
                else:
                    tab_v[r, sl] = tab_v[r, sl] * SCALE
        pltpu.sync_copy(tab_v, tab_sh)

    plsc.subcore_barrier()

    def fire_pair(p, g):
        pltpu.async_copy(tab_sh.at[idx_v.at[2 * p]], rows_v.at[g, pl.ds(0, CHUNK)], gsem)
        pltpu.async_copy(
            tab_sh.at[idx_v.at[2 * p + 1]], rows_v.at[g, pl.ds(CHUNK, CHUNK)], gsem
        )

    def drain_gathers(g):
        pltpu.make_async_copy(
            out_hbm.at[pl.ds(0, CHUNK)], rows_v.at[g, pl.ds(0, CHUNK)], gsem
        ).wait()
        pltpu.make_async_copy(
            out_hbm.at[pl.ds(0, CHUNK)], rows_v.at[g, pl.ds(CHUNK, CHUNK)], gsem
        ).wait()

    def scatter_pair(p, g):
        off = base + p * (2 * CHUNK)
        pltpu.async_copy(rows_v.at[g], out_hbm.at[pl.ds(off, 2 * CHUNK)], ssem)

    def drain_scatters(g):
        pltpu.make_async_copy(rows_v.at[g], out_hbm.at[pl.ds(0, 2 * CHUNK)], ssem).wait()

    def process_pair(p, gi, fire_next, drain_prev):
        if fire_next:
            fire_pair(p + 1, (gi + 1) % 3)
        drain_gathers(gi)
        scatter_pair(p, gi)
        if drain_prev:
            drain_scatters((gi - 1) % 3)

    pltpu.sync_copy(idx_hbm.at[pl.ds(wid * NUM_CHUNKS, NUM_CHUNKS)], idx_v)
    fire_pair(0, 0)
    process_pair(0, 0, True, False)

    def body(c, carry):
        p = 3 * c + 1
        process_pair(p, 1, True, True)
        process_pair(p + 1, 2, True, True)
        process_pair(p + 2, 0, True, True)
        return carry

    lax.fori_loop(0, (NUM_PAIRS - 4) // 3, body, 0)
    process_pair(NUM_PAIRS - 3, 1, True, True)
    process_pair(NUM_PAIRS - 2, 2, True, True)
    process_pair(NUM_PAIRS - 1, 0, False, True)
    drain_scatters((NUM_PAIRS - 1) % 3)


def kernel(x, table):
    idx = x.reshape(NUM_WORKERS * NUM_CHUNKS, CHUNK).astype(jnp.int32)
    out = _emb_kernel(table, idx)
    return out.reshape(x.shape[0], x.shape[1], EMB_D)

# --- scband reference (transcript-rebuilt; emitter-appended) ---
"""Pipeline reference for scband-aa-embedder-48455821034076 (READ-ONLY COPY).

The authoritative reference and input builder live on the scoring server;
editing this copy changes nothing except your own understanding.
"""

import jax, jax.numpy as jnp
import numpy as np
import math

EMBEDDING_DIM = 128
NUM_EMBEDDINGS = 22
PADDING_IDX = 21

def setup_inputs(seed: int = 0) -> dict:
    key = jax.random.key(seed)
    k1, k2 = jax.random.split(key)
    x = jax.random.randint(k1, (4096, 200), 0, NUM_EMBEDDINGS, dtype=jnp.int64 if jax.config.jax_enable_x64 else jnp.int32)
    table = jax.random.normal(k2, (NUM_EMBEDDINGS, EMBEDDING_DIM), dtype=jnp.float32)
    # padding_idx row is zero-initialized in torch nn.Embedding
    table = table.at[PADDING_IDX].set(0.0)
    return {"x": x, "table": table}

def reference(x, table):
    # mask enforces padding_idx row is zero (faithful to nn.Embedding padding_idx)
    mask = jnp.ones((NUM_EMBEDDINGS, 1), dtype=table.dtype).at[PADDING_IDX].set(0.0)
    emb_table = table * mask
    out = jnp.take(emb_table, x, axis=0) * math.sqrt(EMBEDDING_DIM)
    return out

if __name__ == "__main__":
    import jax
    _d = setup_inputs()
    print(jax.jit(kernel)(*tuple(_d.values())))

</pallas_src>

<mosaic_0001>
#map = affine_map<(d0, d1) -> (0, 0)>
module attributes {stable_mosaic.version = 14 : i64} {
  func.func @_emb_kernel(%arg0: i32, %arg1: i32, %arg2: memref<22x128xf32, #tpu.memory_space<hbm>>, %arg3: memref<6400x128xi32, #tpu.memory_space<hbm>>, %arg4: memref<819200x128xf32, #tpu.memory_space<hbm>>, %arg5: memref<200x128xi32, #tpu.memory_space<vmem>>, %arg6: memref<3x256x128xf32, #tpu.memory_space<vmem>>, %arg7: memref<22x128xf32, #tpu.memory_space<vmem>>, %arg8: memref<22x128xf32, #tpu.memory_space<vmem_shared>>, %arg9: memref<!tpu.dma_semaphore, #tpu.memory_space<semaphore_mem>>, %arg10: memref<!tpu.dma_semaphore, #tpu.memory_space<semaphore_mem>>) attributes {dimension_semantics = [#tpu.dimension_semantics<core_parallel>, #tpu.dimension_semantics<subcore_parallel>], iteration_bounds = array<i64: 2, 16>, scalar_prefetch = 0 : i64, scratch_operands = 6 : i64, tpu.core_type = #tpu.core_type<sc_vector_subcore>, window_params = [{transform_indices = #map}, {transform_indices = #map}, {transform_indices = #map}]} {
    %mul3A = arith.constant 2 : i32
    %mul3A_0 = arith.muli %arg1, %mul3A : i32
    %add3A = arith.addi %mul3A_0, %arg0 : i32
    %mul3A_1 = arith.constant 25600 : i32
    %mul3A_2 = arith.muli %add3A, %mul3A_1 : i32
    %eq3A = arith.constant 0 : i32
    %eq3A_3 = arith.cmpi eq, %arg1, %eq3A : i32
    %convert_element_type3A = arith.extui %eq3A_3 : i1 to i32
    %cond3A = arith.constant 0 : i32
    %cond3A_4 = arith.cmpi ne, %convert_element_type3A, %cond3A : i32
    scf.if %cond3A_4 {
      "tpu.region"() ({
        %run_scoped3A = tpu.sem_alloc : memref<!tpu.dma_semaphore, #tpu.memory_space<semaphore_mem>>
        tpu.enqueue_dma source(%arg2 : memref<22x128xf32, #tpu.memory_space<hbm>>) target(%arg7 : memref<22x128xf32, #tpu.memory_space<vmem>>) target_semaphore(%run_scoped3A : memref<!tpu.dma_semaphore, #tpu.memory_space<semaphore_mem>>)
        tpu.wait_dma2 semaphore(%run_scoped3A : memref<!tpu.dma_semaphore, #tpu.memory_space<semaphore_mem>>) src(%arg2 : memref<22x128xf32, #tpu.memory_space<hbm>>) dst(%arg7 : memref<22x128xf32, #tpu.memory_space<vmem>>)
        tpu.yield
      }) : () -> ()
      %get3A = arith.constant 0 : i32
      %get3A_346 = arith.index_cast %get3A : i32 to index
      %get3A_347 = arith.constant 0 : index
      %get3A_348 = tpu.vector_load %arg7[%get3A_346, %get3A_347] {strides = array<i32>} : memref<22x128xf32, #tpu.memory_space<vmem>>, vector<1x16xf32>,
      %get3A_349 = vector.shape_cast %get3A_348 : vector<1x16xf32> to vector<16xf32>
      %mul3A_350 = arith.constant 11.3137083 : f32
      %mul3A_351 = vector.broadcast %mul3A_350 : f32 to vector<16xf32>
      %mul3A_352 = arith.mulf %get3A_349, %mul3A_351 : vector<16xf32>
      %swap3A = arith.constant 0 : i32
      %swap3A_353 = arith.index_cast %swap3A : i32 to index
      %swap3A_354 = arith.constant 0 : index
      %swap3A_355 = tpu.vector_load %arg7[%swap3A_353, %swap3A_354] {strides = array<i32>} : memref<22x128xf32, #tpu.memory_space<vmem>>, vector<1x16xf32>,
      %swap3A_356 = vector.shape_cast %swap3A_355 : vector<1x16xf32> to vector<16xf32>
      %swap3A_357 = vector.shape_cast %mul3A_352 : vector<16xf32> to vector<1x16xf32>
      tpu.vector_store %arg7[%swap3A_353, %swap3A_354], %swap3A_357 {strides = array<i32>} : memref<22x128xf32, #tpu.memory_space<vmem>>, vector<1x16xf32>,
      %get3A_358 = arith.constant 0 : i32
      %get3A_359 = arith.index_cast %get3A_358 : i32 to index
      %get3A_360 = arith.constant 16 : index
      %get3A_361 = tpu.vector_load %arg7[%get3A_359, %get3A_360] {strides = array<i32>} : memref<22x128xf32, #tpu.memory_space<vmem>>, vector<1x16xf32>,
      %get3A_362 = vector.shape_cast %get3A_361 : vector<1x16xf32> to vector<16xf32>
      %mul3A_363 = arith.constant 11.3137083 : f32
      %mul3A_364 = vector.broadcast %mul3A_363 : f32 to vector<16xf32>
      %mul3A_365 = arith.mulf %get3A_362, %mul3A_364 : vector<16xf32>
      %swap3A_366 = arith.constant 0 : i32
      %swap3A_367 = arith.index_cast %swap3A_366 : i32 to index
      %swap3A_368 = arith.constant 16 : index
      %swap3A_369 = tpu.vector_load %arg7[%swap3A_367, %swap3A_368] {strides = array<i32>} : memref<22x128xf32, #tpu.memory_space<vmem>>, vector<1x16xf32>,
      %swap3A_370 = vector.shape_cast %swap3A_369 : vector<1x16xf32> to vector<16xf32>
      %swap3A_371 = vector.shape_cast %mul3A_365 : vector<16xf32> to vector<1x16xf32>
      tpu.vector_store %arg7[%swap3A_367, %swap3A_368], %swap3A_371 {strides = array<i32>} : memref<22x128xf32, #tpu.memory_space<vmem>>, vector<1x16xf32>,
      %get3A_372 = arith.constant 0 : i32
      %get3A_373 = arith.index_cast %get3A_372 : i32 to index
      %get3A_374 = arith.constant 32 : index
      %get3A_375 = tpu.vector_load %arg7[%get3A_373, %get3A_374] {strides = array<i32>} : memref<22x128xf32, #tpu.memory_space<vmem>>, vector<1x16xf32>,
      %get3A_376 = vector.shape_cast %get3A_375 : vector<1x16xf32> to vector<16xf32>
      %mul3A_377 = arith.constant 11.3137083 : f32
      %mul3A_378 = vector.broadcast %mul3A_377 : f32 to vector<16xf32>
      %mul3A_379 = arith.mulf %get3A_376, %mul3A_378 : vector<16xf32>
      %swap3A_380 = arith.constant 0 : i32
      %swap3A_381 = arith.index_cast %swap3A_380 : i32 to index
      %swap3A_382 = arith.constant 32 : index
      %swap3A_383 = tpu.vector_load %arg7[%swap3A_381, %swap3A_382] {strides = array<i32>} : memref<22x128xf32, #tpu.memory_space<vmem>>, vector<1x16xf32>,
      %swap3A_384 = vector.shape_cast %swap3A_383 : vector<1x16xf32> to vector<16xf32>
      %swap3A_385 = vector.shape_cast %mul3A_379 : vector<16xf32> to vector<1x16xf32>
      tpu.vector_store %arg7[%swap3A_381, %swap3A_382], %swap3A_385 {strides = array<i32>} : memref<22x128xf32, #tpu.memory_space<vmem>>, vector<1x16xf32>,
      %get3A_386 = arith.constant 0 : i32
      %get3A_387 = arith.index_cast %get3A_386 : i32 to index
      %get3A_388 = arith.constant 48 : index
      %get3A_389 = tpu.vector_load %arg7[%get3A_387, %get3A_388] {strides = array<i32>} : memref<22x128xf32, #tpu.memory_space<vmem>>, vector<1x16xf32>,
      %get3A_390 = vector.shape_cast %get3A_389 : vector<1x16xf32> to vector<16xf32>
      %mul3A_391 = arith.constant 11.3137083 : f32
      %mul3A_392 = vector.broadcast %mul3A_391 : f32 to vector<16xf32>
      %mul3A_393 = arith.mulf %get3A_390, %mul3A_392 : vector<16xf32>
      %swap3A_394 = arith.constant 0 : i32
      %swap3A_395 = arith.index_cast %swap3A_394 : i32 to index
      %swap3A_396 = arith.constant 48 : index
      %swap3A_397 = tpu.vector_load %arg7[%swap3A_395, %swap3A_396] {strides = array<i32>} : memref<22x128xf32, #tpu.memory_space<vmem>>, vector<1x16xf32>,
      %swap3A_398 = vector.shape_cast %swap3A_397 : vector<1x16xf32> to vector<16xf32>
      %swap3A_399 = vector.shape_cast %mul3A_393 : vector<16xf32> to vector<1x16xf32>
      tpu.vector_store %arg7[%swap3A_395, %swap3A_396], %swap3A_399 {strides = array<i32>} : memref<22x128xf32, #tpu.memory_space<vmem>>, vector<1x16xf32>,
      %get3A_400 = arith.constant 0 : i32
      %get3A_401 = arith.index_cast %get3A_400 : i32 to index
      %get3A_402 = arith.constant 64 : index
      %get3A_403 = tpu.vector_load %arg7[%get3A_401, %get3A_402] {strides = array<i32>} : memref<22x128xf32, #tpu.memory_space<vmem>>, vector<1x16xf32>,
      %get3A_404 = vector.shape_cast %get3A_403 : vector<1x16xf32> to vector<16xf32>
      %mul3A_405 = arith.constant 11.3137083 : f32
      %mul3A_406 = vector.broadcast %mul3A_405 : f32 to vector<16xf32>
      %mul3A_407 = arith.mulf %get3A_404, %mul3A_406 : vector<16xf32>
      %swap3A_408 = arith.constant 0 : i32
      %swap3A_409 = arith.index_cast %swap3A_408 : i32 to index
      %swap3A_410 = arith.constant 64 : index
      %swap3A_411 = tpu.vector_load %arg7[%swap3A_409, %swap3A_410] {strides = array<i32>} : memref<22x128xf32, #tpu.memory_space<vmem>>, vector<1x16xf32>,
      %swap3A_412 = vector.shape_cast %swap3A_411 : vector<1x16xf32> to vector<16xf32>
      %swap3A_413 = vector.shape_cast %mul3A_407 : vector<16xf32> to vector<1x16xf32>
      tpu.vector_store %arg7[%swap3A_409, %swap3A_410], %swap3A_413 {strides = array<i32>} : memref<22x128xf32, #tpu.memory_space<vmem>>, vector<1x16xf32>,
      %get3A_414 = arith.constant 0 : i32
      %get3A_415 = arith.index_cast %get3A_414 : i32 to index
      %get3A_416 = arith.constant 80 : index
      %get3A_417 = tpu.vector_load %arg7[%get3A_415, %get3A_416] {strides = array<i32>} : memref<22x128xf32, #tpu.memory_space<vmem>>, vector<1x16xf32>,
      %get3A_418 = vector.shape_cast %get3A_417 : vector<1x16xf32> to vector<16xf32>
      %mul3A_419 = arith.constant 11.3137083 : f32
      %mul3A_420 = vector.broadcast %mul3A_419 : f32 to vector<16xf32>
      %mul3A_421 = arith.mulf %get3A_418, %mul3A_420 : vector<16xf32>
      %swap3A_422 = arith.constant 0 : i32
      %swap3A_423 = arith.index_cast %swap3A_422 : i32 to index
      %swap3A_424 = arith.constant 80 : index
      %swap3A_425 = tpu.vector_load %arg7[%swap3A_423, %swap3A_424] {strides = array<i32>} : memref<22x128xf32, #tpu.memory_space<vmem>>, vector<1x16xf32>,
      %swap3A_426 = vector.shape_cast %swap3A_425 : vector<1x16xf32> to vector<16xf32>
      %swap3A_427 = vector.shape_cast %mul3A_421 : vector<16xf32> to vector<1x16xf32>
      tpu.vector_store %arg7[%swap3A_423, %swap3A_424], %swap3A_427 {strides = array<i32>} : memref<22x128xf32, #tpu.memory_space<vmem>>, vector<1x16xf32>,
      %get3A_428 = arith.constant 0 : i32
      %get3A_429 = arith.index_cast %get3A_428 : i32 to index
      %get3A_430 = arith.constant 96 : index
      %get3A_431 = tpu.vector_load %arg7[%get3A_429, %get3A_430] {strides = array<i32>} : memref<22x128xf32, #tpu.memory_space<vmem>>, vector<1x16xf32>,
      %get3A_432 = vector.shape_cast %get3A_431 : vector<1x16xf32> to vector<16xf32>
      %mul3A_433 = arith.constant 11.3137083 : f32
      %mul3A_434 = vector.broadcast %mul3A_433 : f32 to vector<16xf32>
      %mul3A_435 = arith.mulf %get3A_432, %mul3A_434 : vector<16xf32>
      %swap3A_436 = arith.constant 0 : i32
      %swap3A_437 = arith.index_cast %swap3A_436 : i32 to index
      %swap3A_438 = arith.constant 96 : index
      %swap3A_439 = tpu.vector_load %arg7[%swap3A_437, %swap3A_438] {strides = array<i32>} : memref<22x128xf32, #tpu.memory_space<vmem>>, vector<1x16xf32>,
      %swap3A_440 = vector.shape_cast %swap3A_439 : vector<1x16xf32> to vector<16xf32>
      %swap3A_441 = vector.shape_cast %mul3A_435 : vector<16xf32> to vector<1x16xf32>
      tpu.vector_store %arg7[%swap3A_437, %swap3A_438], %swap3A_441 {strides = array<i32>} : memref<22x128xf32, #tpu.memory_space<vmem>>, vector<1x16xf32>,
      %get3A_442 = arith.constant 0 : i32
      %get3A_443 = arith.index_cast %get3A_442 : i32 to index
      %get3A_444 = arith.constant 112 : index
      %get3A_445 = tpu.vector_load %arg7[%get3A_443, %get3A_444] {strides = array<i32>} : memref<22x128xf32, #tpu.memory_space<vmem>>, vector<1x16xf32>,
      %get3A_446 = vector.shape_cast %get3A_445 : vector<1x16xf32> to vector<16xf32>
      %mul3A_447 = arith.constant 11.3137083 : f32
      %mul3A_448 = vector.broadcast %mul3A_447 : f32 to vector<16xf32>
      %mul3A_449 = arith.mulf %get3A_446, %mul3A_448 : vector<16xf32>
      %swap3A_450 = arith.constant 0 : i32
      %swap3A_451 = arith.index_cast %swap3A_450 : i32 to index
      %swap3A_452 = arith.constant 112 : index
      %swap3A_453 = tpu.vector_load %arg7[%swap3A_451, %swap3A_452] {strides = array<i32>} : memref<22x128xf32, #tpu.memory_space<vmem>>, vector<1x16xf32>,
      %swap3A_454 = vector.shape_cast %swap3A_453 : vector<1x16xf32> to vector<16xf32>
      %swap3A_455 = vector.shape_cast %mul3A_449 : vector<16xf32> to vector<1x16xf32>
      tpu.vector_store %arg7[%swap3A_451, %swap3A_452], %swap3A_455 {strides = array<i32>} : memref<22x128xf32, #tpu.memory_space<vmem>>, vector<1x16xf32>,
      %get3A_456 = arith.constant 1 : i32
      %get3A_457 = arith.index_cast %get3A_456 : i32 to index
      %get3A_458 = arith.constant 0 : index
      %get3A_459 = tpu.vector_load %arg7[%get3A_457, %get3A_458] {strides = array<i32>} : memref<22x128xf32, #tpu.memory_space<vmem>>, vector<1x16xf32>,
      %get3A_460 = vector.shape_cast %get3A_459 : vector<1x16xf32> to vector<16xf32>
      %mul3A_461 = arith.constant 11.3137083 : f32
      %mul3A_462 = vector.broadcast %mul3A_461 : f32 to vector<16xf32>
      %mul3A_463 = arith.mulf %get3A_460, %mul3A_462 : vector<16xf32>
      %swap3A_464 = arith.constant 1 : i32
      %swap3A_465 = arith.index_cast %swap3A_464 : i32 to index
      %swap3A_466 = arith.constant 0 : index
      %swap3A_467 = tpu.vector_load %arg7[%swap3A_465, %swap3A_466] {strides = array<i32>} : memref<22x128xf32, #tpu.memory_space<vmem>>, vector<1x16xf32>,
      %swap3A_468 = vector.shape_cast %swap3A_467 : vector<1x16xf32> to vector<16xf32>
      %swap3A_469 = vector.shape_cast %mul3A_463 : vector<16xf32> to vector<1x16xf32>
      tpu.vector_store %arg7[%swap3A_465, %swap3A_466], %swap3A_469 {strides = array<i32>} : memref<22x128xf32, #tpu.memory_space<vmem>>, vector<1x16xf32>,
      %get3A_470 = arith.constant 1 : i32
      %get3A_471 = arith.index_cast %get3A_470 : i32 to index
      %get3A_472 = arith.constant 16 : index
      %get3A_473 = tpu.vector_load %arg7[%get3A_471, %get3A_472] {strides = array<i32>} : memref<22x128xf32, #tpu.memory_space<vmem>>, vector<1x16xf32>,
      %get3A_474 = vector.shape_cast %get3A_473 : vector<1x16xf32> to vector<16xf32>
      %mul3A_475 = arith.constant 11.3137083 : f32
      %mul3A_476 = vector.broadcast %mul3A_475 : f32 to vector<16xf32>
      %mul3A_477 = arith.mulf %get3A_474, %mul3A_476 : vector<16xf32>
      %swap3A_478 = arith.constant 1 : i32
      %swap3A_479 = arith.index_cast %swap3A_478 : i32 to index
      %swap3A_480 = arith.constant 16 : index
      %swap3A_481 = tpu.vector_load %arg7[%swap3A_479, %swap3A_480] {strides = array<i32>} : memref<22x128xf32, #tpu.memory_space<vmem>>, vector<1x16xf32>,
      %swap3A_482 = vector.shape_cast %swap3A_481 : vector<1x16xf32> to vector<16xf32>
      %swap3A_483 = vector.shape_cast %mul3A_477 : vector<16xf32> to vector<1x16xf32>
      tpu.vector_store %arg7[%swap3A_479, %swap3A_480], %swap3A_483 {strides = array<i32>} : memref<22x128xf32, #tpu.memory_space<vmem>>, vector<1x16xf32>,
      %get3A_484 = arith.constant 1 : i32
      %get3A_485 = arith.index_cast %get3A_484 : i32 to index
      %get3A_486 = arith.constant 32 : index
      %get3A_487 = tpu.vector_load %arg7[%get3A_485, %get3A_486] {strides = array<i32>} : memref<22x128xf32, #tpu.memory_space<vmem>>, vector<1x16xf32>,
      %get3A_488 = vector.shape_cast %get3A_487 : vector<1x16xf32> to vector<16xf32>
      %mul3A_489 = arith.constant 11.3137083 : f32
      %mul3A_490 = vector.broadcast %mul3A_489 : f32 to vector<16xf32>
      %mul3A_491 = arith.mulf %get3A_488, %mul3A_490 : vector<16xf32>
      %swap3A_492 = arith.constant 1 : i32
      %swap3A_493 = arith.index_cast %swap3A_492 : i32 to index
      %swap3A_494 = arith.constant 32 : index
      %swap3A_495 = tpu.vector_load %arg7[%swap3A_493, %swap3A_494] {strides = array<i32>} : memref<22x128xf32, #tpu.memory_space<vmem>>, vector<1x16xf32>,
      %swap3A_496 = vector.shape_cast %swap3A_495 : vector<1x16xf32> to vector<16xf32>
      %swap3A_497 = vector.shape_cast %mul3A_491 : vector<16xf32> to vector<1x16xf32>
      tpu.vector_store %arg7[%swap3A_493, %swap3A_494], %swap3A_497 {strides = array<i32>} : memref<22x128xf32, #tpu.memory_space<vmem>>, vector<1x16xf32>,
      %get3A_498 = arith.constant 1 : i32
      %get3A_499 = arith.index_cast %get3A_498 : i32 to index
      %get3A_500 = arith.constant 48 : index
      %get3A_501 = tpu.vector_load %arg7[%get3A_499, %get3A_500] {strides = array<i32>} : memref<22x128xf32, #tpu.memory_space<vmem>>, vector<1x16xf32>,
      %get3A_502 = vector.shape_cast %get3A_501 : vector<1x16xf32> to vector<16xf32>
      %mul3A_503 = arith.constant 11.3137083 : f32
      %mul3A_504 = vector.broadcast %mul3A_503 : f32 to vector<16xf32>
      %mul3A_505 = arith.mulf %get3A_502, %mul3A_504 : vector<16xf32>
      %swap3A_506 = arith.constant 1 : i32
      %swap3A_507 = arith.index_cast %swap3A_506 : i32 to index
      %swap3A_508 = arith.constant 48 : index
      %swap3A_509 = tpu.vector_load %arg7[%swap3A_507, %swap3A_508] {strides = array<i32>} : memref<22x128xf32, #tpu.memory_space<vmem>>, vector<1x16xf32>,
      %swap3A_510 = vector.shape_cast %swap3A_509 : vector<1x16xf32> to vector<16xf32>
      %swap3A_511 = vector.shape_cast %mul3A_505 : vector<16xf32> to vector<1x16xf32>
      tpu.vector_store %arg7[%swap3A_507, %swap3A_508], %swap3A_511 {strides = array<i32>} : memref<22x128xf32, #tpu.memory_space<vmem>>, vector<1x16xf32>,
      %get3A_512 = arith.constant 1 : i32
      %get3A_513 = arith.index_cast %get3A_512 : i32 to index
      %get3A_514 = arith.constant 64 : index
      %get3A_515 = tpu.vector_load %arg7[%get3A_513, %get3A_514] {strides = array<i32>} : memref<22x128xf32, #tpu.memory_space<vmem>>, vector<1x16xf32>,
      %get3A_516 = vector.shape_cast %get3A_515 : vector<1x16xf32> to vector<16xf32>
      %mul3A_517 = arith.constant 11.3137083 : f32
      %mul3A_518 = vector.broadcast %mul3A_517 : f32 to vector<16xf32>
      %mul3A_519 = arith.mulf %get3A_516, %mul3A_518 : vector<16xf32>
      %swap3A_520 = arith.constant 1 : i32
      %swap3A_521 = arith.index_cast %swap3A_520 : i32 to index
      %swap3A_522 = arith.constant 64 : index
      %swap3A_523 = tpu.vector_load %arg7[%swap3A_521, %swap3A_522] {strides = array<i32>} : memref<22x128xf32, #tpu.memory_space<vmem>>, vector<1x16xf32>,
      %swap3A_524 = vector.shape_cast %swap3A_523 : vector<1x16xf32> to vector<16xf32>
      %swap3A_525 = vector.shape_cast %mul3A_519 : vector<16xf32> to vector<1x16xf32>
      tpu.vector_store %arg7[%swap3A_521, %swap3A_522], %swap3A_525 {strides = array<i32>} : memref<22x128xf32, #tpu.memory_space<vmem>>, vector<1x16xf32>,
      %get3A_526 = arith.constant 1 : i32
      %get3A_527 = arith.index_cast %get3A_526 : i32 to index
      %get3A_528 = arith.constant 80 : index
      %get3A_529 = tpu.vector_load %arg7[%get3A_527, %get3A_528] {strides = array<i32>} : memref<22x128xf32, #tpu.memory_space<vmem>>, vector<1x16xf32>,
      %get3A_530 = vector.shape_cast %get3A_529 : vector<1x16xf32> to vector<16xf32>
      %mul3A_531 = arith.constant 11.3137083 : f32
      %mul3A_532 = vector.broadcast %mul3A_531 : f32 to vector<16xf32>
      %mul3A_533 = arith.mulf %get3A_530, %mul3A_532 : vector<16xf32>
      %swap3A_534 = arith.constant 1 : i32
      %swap3A_535 = arith.index_cast %swap3A_534 : i32 to index
      %swap3A_536 = arith.constant 80 : index
      %swap3A_537 = tpu.vector_load %arg7[%swap3A_535, %swap3A_536] {strides = array<i32>} : memref<22x128xf32, #tpu.memory_space<vmem>>, vector<1x16xf32>,
      %swap3A_538 = vector.shape_cast %swap3A_537 : vector<1x16xf32> to vector<16xf32>
      %swap3A_539 = vector.shape_cast %mul3A_533 : vector<16xf32> to vector<1x16xf32>
      tpu.vector_store %arg7[%swap3A_535, %swap3A_536], %swap3A_539 {strides = array<i32>} : memref<22x128xf32, #tpu.memory_space<vmem>>, vector<1x16xf32>,
      %get3A_540 = arith.constant 1 : i32
      %get3A_541 = arith.index_cast %get3A_540 : i32 to index
      %get3A_542 = arith.constant 96 : index
      %get3A_543 = tpu.vector_load %arg7[%get3A_541, %get3A_542] {strides = array<i32>} : memref<22x128xf32, #tpu.memory_space<vmem>>, vector<1x16xf32>,
      %get3A_544 = vector.shape_cast %get3A_543 : vector<1x16xf32> to vector<16xf32>
      %mul3A_545 = arith.constant 11.3137083 : f32
      %mul3A_546 = vector.broadcast %mul3A_545 : f32 to vector<16xf32>
      %mul3A_547 = arith.mulf %get3A_544, %mul3A_546 : vector<16xf32>
      %swap3A_548 = arith.constant 1 : i32
      %swap3A_549 = arith.index_cast %swap3A_548 : i32 to index
      %swap3A_550 = arith.constant 96 : index
      %swap3A_551 = tpu.vector_load %arg7[%swap3A_549, %swap3A_550] {strides = array<i32>} : memref<22x128xf32, #tpu.memory_space<vmem>>, vector<1x16xf32>,
      %swap3A_552 = vector.shape_cast %swap3A_551 : vector<1x16xf32> to vector<16xf32>
      %swap3A_553 = vector.shape_cast %mul3A_547 : vector<16xf32> to vector<1x16xf32>
      tpu.vector_store %arg7[%swap3A_549, %swap3A_550], %swap3A_553 {strides = array<i32>} : memref<22x128xf32, #tpu.memory_space<vmem>>, vector<1x16xf32>,
      %get3A_554 = arith.constant 1 : i32
      %get3A_555 = arith.index_cast %get3A_554 : i32 to index
      %get3A_556 = arith.constant 112 : index
      %get3A_557 = tpu.vector_load %arg7[%get3A_555, %get3A_556] {strides = array<i32>} : memref<22x128xf32, #tpu.memory_space<vmem>>, vector<1x16xf32>,
      %get3A_558 = vector.shape_cast %get3A_557 : vector<1x16xf32> to vector<16xf32>
      %mul3A_559 = arith.constant 11.3137083 : f32
      %mul3A_560 = vector.broadcast %mul3A_559 : f32 to vector<16xf32>
      %mul3A_561 = arith.mulf %get3A_558, %mul3A_560 : vector<16xf32>
      %swap3A_562 = arith.constant 1 : i32
      %swap3A_563 = arith.index_cast %swap3A_562 : i32 to index
      %swap3A_564 = arith.constant 112 : index
      %swap3A_565 = tpu.vector_load %arg7[%swap3A_563, %swap3A_564] {strides = array<i32>} : memref<22x128xf32, #tpu.memory_space<vmem>>, vector<1x16xf32>,
      %swap3A_566 = vector.shape_cast %swap3A_565 : vector<1x16xf32> to vector<16xf32>
      %swap3A_567 = vector.shape_cast %mul3A_561 : vector<16xf32> to vector<1x16xf32>
      tpu.vector_store %arg7[%swap3A_563, %swap3A_564], %swap3A_567 {strides = array<i32>} : memref<22x128xf32, #tpu.memory_space<vmem>>, vector<1x16xf32>,
      %get3A_568 = arith.constant 2 : i32
      %get3A_569 = arith.index_cast %get3A_568 : i32 to index
      %get3A_570 = arith.constant 0 : index
      %get3A_571 = tpu.vector_load %arg7[%get3A_569, %get3A_570] {strides = array<i32>} : memref<22x128xf32, #tpu.memory_space<vmem>>, vector<1x16xf32>,
      %get3A_572 = vector.shape_cast %get3A_571 : vector<1x16xf32> to vector<16xf32>
      %mul3A_573 = arith.constant 11.3137083 : f32
      %mul3A_574 = vector.broadcast %mul3A_573 : f32 to vector<16xf32>
      %mul3A_575 = arith.mulf %get3A_572, %mul3A_574 : vector<16xf32>
      %swap3A_576 = arith.constant 2 : i32
      %swap3A_577 = arith.index_cast %swap3A_576 : i32 to index
      %swap3A_578 = arith.constant 0 : index
      %swap3A_579 = tpu.vector_load %arg7[%swap3A_577, %swap3A_578] {strides = array<i32>} : memref<22x128xf32, #tpu.memory_space<vmem>>, vector<1x16xf32>,
      %swap3A_580 = vector.shape_cast %swap3A_579 : vector<1x16xf32> to vector<16xf32>
      %swap3A_581 = vector.shape_cast %mul3A_575 : vector<16xf32> to vector<1x16xf32>
      tpu.vector_store %arg7[%swap3A_577, %swap3A_578], %swap3A_581 {strides = array<i32>} : memref<22x128xf32, #tpu.memory_space<vmem>>, vector<1x16xf32>,
      %get3A_582 = arith.constant 2 : i32
      %get3A_583 = arith.index_cast %get3A_582 : i32 to index
      %get3A_584 = arith.constant 16 : index
      %get3A_585 = tpu.vector_load %arg7[%get3A_583, %get3A_584] {strides = array<i32>} : memref<22x128xf32, #tpu.memory_space<vmem>>, vector<1x16xf32>,
      %get3A_586 = vector.shape_cast %get3A_585 : vector<1x16xf32> to vector<16xf32>
      %mul3A_587 = arith.constant 11.3137083 : f32
      %mul3A_588 = vector.broadcast %mul3A_587 : f32 to vector<16xf32>
      %mul3A_589 = arith.mulf %get3A_586, %mul3A_588 : vector<16xf32>
      %swap3A_590 = arith.constant 2 : i32
      %swap3A_591 = arith.index_cast %swap3A_590 : i32 to index
      %swap3A_592 = arith.constant 16 : index
      %swap3A_593 = tpu.vector_load %arg7[%swap3A_591, %swap3A_592] {strides = array<i32>} : memref<22x128xf32, #tpu.memory_space<vmem>>, vector<1x16xf32>,
      %swap3A_594 = vector.shape_cast %swap3A_593 : vector<1x16xf32> to vector<16xf32>
      %swap3A_595 = vector.shape_cast %mul3A_589 : vector<16xf32> to vector<1x16xf32>
      tpu.vector_store %arg7[%swap3A_591, %swap3A_592], %swap3A_595 {strides = array<i32>} : memref<22x128xf32, #tpu.memory_space<vmem>>, vector<1x16xf32>,
      %get3A_596 = arith.constant 2 : i32
      %get3A_597 = arith.index_cast %get3A_596 : i32 to index
      %get3A_598 = arith.constant 32 : index
      %get3A_599 = tpu.vector_load %arg7[%get3A_597, %get3A_598] {strides = array<i32>} : memref<22x128xf32, #tpu.memory_space<vmem>>, vector<1x16xf32>,
      %get3A_600 = vector.shape_cast %get3A_599 : vector<1x16xf32> to vector<16xf32>
      %mul3A_601 = arith.constant 11.3137083 : f32
      %mul3A_602 = vector.broadcast %mul3A_601 : f32 to vector<16xf32>
      %mul3A_603 = arith.mulf %get3A_600, %mul3A_602 : vector<16xf32>
      %swap3A_604 = arith.constant 2 : i32
      %swap3A_605 = arith.index_cast %swap3A_604 : i32 to index
      %swap3A_606 = arith.constant 32 : index
      %swap3A_607 = tpu.vector_load %arg7[%swap3A_605, %swap3A_606] {strides = array<i32>} : memref<22x128xf32, #tpu.memory_space<vmem>>, vector<1x16xf32>,
      %swap3A_608 = vector.shape_cast %swap3A_607 : vector<1x16xf32> to vector<16xf32>
      %swap3A_609 = vector.shape_cast %mul3A_603 : vector<16xf32> to vector<1x16xf32>
      tpu.vector_store %arg7[%swap3A_605, %swap3A_606], %swap3A_609 {strides = array<i32>} : memref<22x128xf32, #tpu.memory_space<vmem>>, vector<1x16xf32>,
      %get3A_610 = arith.constant 2 : i32
      %get3A_611 = arith.index_cast %get3A_610 : i32 to index
      %get3A_612 = arith.constant 48 : index
      %get3A_613 = tpu.vector_load %arg7[%get3A_611, %get3A_612] {strides = array<i32>} : memref<22x128xf32, #tpu.memory_space<vmem>>, vector<1x16xf32>,
      %get3A_614 = vector.shape_cast %get3A_613 : vector<1x16xf32> to vector<16xf32>
      %mul3A_615 = arith.constant 11.3137083 : f32
      %mul3A_616 = vector.broadcast %mul3A_615 : f32 to vector<16xf32>
      %mul3A_617 = arith.mulf %get3A_614, %mul3A_616 : vector<16xf32>
      %swap3A_618 = arith.constant 2 : i32
      %swap3A_619 = arith.index_cast %swap3A_618 : i32 to index
      %swap3A_620 = arith.constant 48 : index
      %swap3A_621 = tpu.vector_load %arg7[%swap3A_619, %swap3A_620] {strides = array<i32>} : memref<22x128xf32, #tpu.memory_space<vmem>>, vector<1x16xf32>,
      %swap3A_622 = vector.shape_cast %swap3A_621 : vector<1x16xf32> to vector<16xf32>
      %swap3A_623 = vector.shape_cast %mul3A_617 : vector<16xf32> to vector<1x16xf32>
      tpu.vector_store %arg7[%swap3A_619, %swap3A_620], %swap3A_623 {strides = array<i32>} : memref<22x128xf32, #tpu.memory_space<vmem>>, vector<1x16xf32>,
      %get3A_624 = arith.constant 2 : i32
      %get3A_625 = arith.index_cast %get3A_624 : i32 to index
      %get3A_626 = arith.constant 64 : index
      %get3A_627 = tpu.vector_load %arg7[%get3A_625, %get3A_626] {strides = array<i32>} : memref<22x128xf32, #tpu.memory_space<vmem>>, vector<1x16xf32>,
      %get3A_628 = vector.shape_cast %get3A_627 : vector<1x16xf32> to vector<16xf32>
      %mul3A_629 = arith.constant 11.3137083 : f32
      %mul3A_630 = vector.broadcast %mul3A_629 : f32 to vector<16xf32>
      %mul3A_631 = arith.mulf %get3A_628, %mul3A_630 : vector<16xf32>
      %swap3A_632 = arith.constant 2 : i32
      %swap3A_633 = arith.index_cast %swap3A_632 : i32 to index
      %swap3A_634 = arith.constant 64 : index
      %swap3A_635 = tpu.vector_load %arg7[%swap3A_633, %swap3A_634] {strides = array<i32>} : memref<22x128xf32, #tpu.memory_space<vmem>>, vector<1x16xf32>,
      %swap3A_636 = vector.shape_cast %swap3A_635 : vector<1x16xf32> to vector<16xf32>
      %swap3A_637 = vector.shape_cast %mul3A_631 : vector<16xf32> to vector<1x16xf32>
      tpu.vector_store %arg7[%swap3A_633, %swap3A_634], %swap3A_637 {strides = array<i32>} : memref<22x128xf32, #tpu.memory_space<vmem>>, vector<1x16xf32>,
      %get3A_638 = arith.constant 2 : i32
      %get3A_639 = arith.index_cast %get3A_638 : i32 to index
      %get3A_640 = arith.constant 80 : index
      %get3A_641 = tpu.vector_load %arg7[%get3A_639, %get3A_640] {strides = array<i32>} : memref<22x128xf32, #tpu.memory_space<vmem>>, vector<1x16xf32>,
      %get3A_642 = vector.shape_cast %get3A_641 : vector<1x16xf32> to vector<16xf32>
      %mul3A_643 = arith.constant 11.3137083 : f32
      %mul3A_644 = vector.broadcast %mul3A_643 : f32 to vector<16xf32>
      %mul3A_645 = arith.mulf %get3A_642, %mul3A_644 : vector<16xf32>
      %swap3A_646 = arith.constant 2 : i32
      %swap3A_647 = arith.index_cast %swap3A_646 : i32 to index
      %swap3A_648 = arith.constant 80 : index
      %swap3A_649 = tpu.vector_load %arg7[%swap3A_647, %swap3A_648] {strides = array<i32>} : memref<22x128xf32, #tpu.memory_space<vmem>>, vector<1x16xf32>,
      %swap3A_650 = vector.shape_cast %swap3A_649 : vector<1x16xf32> to vector<16xf32>
      %swap3A_651 = vector.shape_cast %mul3A_645 : vector<16xf32> to vector<1x16xf32>
      tpu.vector_store %arg7[%swap3A_647, %swap3A_648], %swap3A_651 {strides = array<i32>} : memref<22x128xf32, #tpu.memory_space<vmem>>, vector<1x16xf32>,
      %get3A_652 = arith.constant 2 : i32
      %get3A_653 = arith.index_cast %get3A_652 : i32 to index
      %get3A_654 = arith.constant 96 : index
      %get3A_655 = tpu.vector_load %arg7[%get3A_653, %get3A_654] {strides = array<i32>} : memref<22x128xf32, #tpu.memory_space<vmem>>, vector<1x16xf32>,
      %get3A_656 = vector.shape_cast %get3A_655 : vector<1x16xf32> to vector<16xf32>
      %mul3A_657 = arith.constant 11.3137083 : f32
      %mul3A_658 = vector.broadcast %mul3A_657 : f32 to vector<16xf32>
      %mul3A_659 = arith.mulf %get3A_656, %mul3A_658 : vector<16xf32>
      %swap3A_660 = arith.constant 2 : i32
      %swap3A_661 = arith.index_cast %swap3A_660 : i32 to index
      %swap3A_662 = arith.constant 96 : index
      %swap3A_663 = tpu.vector_load %arg7[%swap3A_661, %swap3A_662] {strides = array<i32>} : memref<22x128xf32, #tpu.memory_space<vmem>>, vector<1x16xf32>,
      %swap3A_664 = vector.shape_cast %swap3A_663 : vector<1x16xf32> to vector<16xf32>
      %swap3A_665 = vector.shape_cast %mul3A_659 : vector<16xf32> to vector<1x16xf32>
      tpu.vector_store %arg7[%swap3A_661, %swap3A_662], %swap3A_665 {strides = array<i32>} : memref<22x128xf32, #tpu.memory_space<vmem>>, vector<1x16xf32>,
      %get3A_666 = arith.constant 2 : i32
      %get3A_667 = arith.index_cast %get3A_666 : i32 to index
      %get3A_668 = arith.constant 112 : index
      %get3A_669 = tpu.vector_load %arg7[%get3A_667, %get3A_668] {strides = array<i32>} : memref<22x128xf32, #tpu.memory_space<vmem>>, vector<1x16xf32>,
      %get3A_670 = vector.shape_cast %get3A_669 : vector<1x16xf32> to vector<16xf32>
      %mul3A_671 = arith.constant 11.3137083 : f32
      %mul3A_672 = vector.broadcast %mul3A_671 : f32 to vector<16xf32>
      %mul3A_673 = arith.mulf %get3A_670, %mul3A_672 : vector<16xf32>
      %swap3A_674 = arith.constant 2 : i32
      %swap3A_675 = arith.index_cast %swap3A_674 : i32 to index
      %swap3A_676 = arith.constant 112 : index
      %swap3A_677 = tpu.vector_load %arg7[%swap3A_675, %swap3A_676] {strides = array<i32>} : memref<22x128xf32, #tpu.memory_space<vmem>>, vector<1x16xf32>,
      %swap3A_678 = vector.shape_cast %swap3A_677 : vector<1x16xf32> to vector<16xf32>
      %swap3A_679 = vector.shape_cast %mul3A_673 : vector<16xf32> to vector<1x16xf32>
      tpu.vector_store %arg7[%swap3A_675, %swap3A_676], %swap3A_679 {strides = array<i32>} : memref<22x128xf32, #tpu.memory_space<vmem>>, vector<1x16xf32>,
      %get3A_680 = arith.constant 3 : i32
      %get3A_681 = arith.index_cast %get3A_680 : i32 to index
      %get3A_682 = arith.constant 0 : index
      %get3A_683 = tpu.vector_load %arg7[%get3A_681, %get3A_682] {strides = array<i32>} : memref<22x128xf32, #tpu.memory_space<vmem>>, vector<1x16xf32>,
      %get3A_684 = vector.shape_cast %get3A_683 : vector<1x16xf32> to vector<16xf32>
      %mul3A_685 = arith.constant 11.3137083 : f32
      %mul3A_686 = vector.broadcast %mul3A_685 : f32 to vector<16xf32>
      %mul3A_687 = arith.mulf %get3A_684, %mul3A_686 : vector<16xf32>
      %swap3A_688 = arith.constant 3 : i32
      %swap3A_689 = arith.index_cast %swap3A_688 : i32 to index
      %swap3A_690 = arith.constant 0 : index
      %swap3A_691 = tpu.vector_load %arg7[%swap3A_689, %swap3A_690] {strides = array<i32>} : memref<22x128xf32, #tpu.memory_space<vmem>>, vector<1x16xf32>,
      %swap3A_692 = vector.shape_cast %swap3A_691 : vector<1x16xf32> to vector<16xf32>
      %swap3A_693 = vector.shape_cast %mul3A_687 : vector<16xf32> to vector<1x16xf32>
      tpu.vector_store %arg7[%swap3A_689, %swap3A_690], %swap3A_693 {strides = array<i32>} : memref<22x128xf32, #tpu.memory_space<vmem>>, vector<1x16xf32>,
      %get3A_694 = arith.constant 3 : i32
      %get3A_695 = arith.index_cast %get3A_694 : i32 to index
      %get3A_696 = arith.constant 16 : index
      %get3A_697 = tpu.vector_load %arg7[%get3A_695, %get3A_696] {strides = array<i32>} : memref<22x128xf32, #tpu.memory_space<vmem>>, vector<1x16xf32>,
      %get3A_698 = vector.shape_cast %get3A_697 : vector<1x16xf32> to vector<16xf32>
      %mul3A_699 = arith.constant 11.3137083 : f32
      %mul3A_700 = vector.broadcast %mul3A_699 : f32 to vector<16xf32>
      %mul3A_701 = arith.mulf %get3A_698, %mul3A_700 : vector<16xf32>
      %swap3A_702 = arith.constant 3 : i32
      %swap3A_703 = arith.index_cast %swap3A_702 : i32 to index
      %swap3A_704 = arith.constant 16 : index
      %swap3A_705 = tpu.vector_load %arg7[%swap3A_703, %swap3A_704] {strides = array<i32>} : memref<22x128xf32, #tpu.memory_space<vmem>>, vector<1x16xf32>,
      %swap3A_706 = vector.shape_cast %swap3A_705 : vector<1x16xf32> to vector<16xf32>
      %swap3A_707 = vector.shape_cast %mul3A_701 : vector<16xf32> to vector<1x16xf32>
      tpu.vector_store %arg7[%swap3A_703, %swap3A_704], %swap3A_707 {strides = array<i32>} : memref<22x128xf32, #tpu.memory_space<vmem>>, vector<1x16xf32>,
      %get3A_708 = arith.constant 3 : i32
      %get3A_709 = arith.index_cast %get3A_708 : i32 to index
      %get3A_710 = arith.constant 32 : index
      %get3A_711 = tpu.vector_load %arg7[%get3A_709, %get3A_710] {strides = array<i32>} : memref<22x128xf32, #tpu.memory_space<vmem>>, vector<1x16xf32>,
      %get3A_712 = vector.shape_cast %get3A_711 : vector<1x16xf32> to vector<16xf32>
      %mul3A_713 = arith.constant 11.3137083 : f32
      %mul3A_714 = vector.broadcast %mul3A_713 : f32 to vector<16xf32>
      %mul3A_715 = arith.mulf %get3A_712, %mul3A_714 : vector<16xf32>
      %swap3A_716 = arith.constant 3 : i32
      %swap3A_717 = arith.index_cast %swap3A_716 : i32 to index
      %swap3A_718 = arith.constant 32 : index
      %swap3A_719 = tpu.vector_load %arg7[%swap3A_717, %swap3A_718] {strides = array<i32>} : memref<22x128xf32, #tpu.memory_space<vmem>>, vector<1x16xf32>,
      %swap3A_720 = vector.shape_cast %swap3A_719 : vector<1x16xf32> to vector<16xf32>
      %swap3A_721 = vector.shape_cast %mul3A_715 : vector<16xf32> to vector<1x16xf32>
      tpu.vector_store %arg7[%swap3A_717, %swap3A_718], %swap3A_721 {strides = array<i32>} : memref<22x128xf32, #tpu.memory_space<vmem>>, vector<1x16xf32>,
      %get3A_722 = arith.constant 3 : i32
      %get3A_723 = arith.index_cast %get3A_722 : i32 to index
      %get3A_724 = arith.constant 48 : index
      %get3A_725 = tpu.vector_load %arg7[%get3A_723, %get3A_724] {strides = array<i32>} : memref<22x128xf32, #tpu.memory_space<vmem>>, vector<1x16xf32>,
      %get3A_726 = vector.shape_cast %get3A_725 : vector<1x16xf32> to vector<16xf32>
      %mul3A_727 = arith.constant 11.3137083 : f32
      %mul3A_728 = vector.broadcast %mul3A_727 : f32 to vector<16xf32>
      %mul3A_729 = arith.mulf %get3A_726, %mul3A_728 : vector<16xf32>
      %swap3A_730 = arith.constant 3 : i32
      %swap3A_731 = arith.index_cast %swap3A_730 : i32 to index
      %swap3A_732 = arith.constant 48 : index
      %swap3A_733 = tpu.vector_load %arg7[%swap3A_731, %swap3A_732] {strides = array<i32>} : memref<22x128xf32, #tpu.memory_space<vmem>>, vector<1x16xf32>,
      %swap3A_734 = vector.shape_cast %swap3A_733 : vector<1x16xf32> to vector<16xf32>
      %swap3A_735 = vector.shape_cast %mul3A_729 : vector<16xf32> to vector<1x16xf32>
      tpu.vector_store %arg7[%swap3A_731, %swap3A_732], %swap3A_735 {strides = array<i32>} : memref<22x128xf32, #tpu.memory_space<vmem>>, vector<1x16xf32>,
      %get3A_736 = arith.constant 3 : i32
      %get3A_737 = arith.index_cast %get3A_736 : i32 to index
      %get3A_738 = arith.constant 64 : index
      %get3A_739 = tpu.vector_load %arg7[%get3A_737, %get3A_738] {strides = array<i32>} : memref<22x128xf32, #tpu.memory_space<vmem>>, vector<1x16xf32>,
      %get3A_740 = vector.shape_cast %get3A_739 : vector<1x16xf32> to vector<16xf32>
      %mul3A_741 = arith.constant 11.3137083 : f32
      %mul3A_742 = vector.broadcast %mul3A_741 : f32 to vector<16xf32>
      %mul3A_743 = arith.mulf %get3A_740, %mul3A_742 : vector<16xf32>
      %swap3A_744 = arith.constant 3 : i32
      %swap3A_745 = arith.index_cast %swap3A_744 : i32 to index
      %swap3A_746 = arith.constant 64 : index
      %swap3A_747 = tpu.vector_load %arg7[%swap3A_745, %swap3A_746] {strides = array<i32>} : memref<22x128xf32, #tpu.memory_space<vmem>>, vector<1x16xf32>,
      %swap3A_748 = vector.shape_cast %swap3A_747 : vector<1x16xf32> to vector<16xf32>
      %swap3A_749 = vector.shape_cast %mul3A_743 : vector<16xf32> to vector<1x16xf32>
      tpu.vector_store %arg7[%swap3A_745, %swap3A_746], %swap3A_749 {strides = array<i32>} : memref<22x128xf32, #tpu.memory_space<vmem>>, vector<1x16xf32>,
      %get3A_750 = arith.constant 3 : i32
      %get3A_751 = arith.index_cast %get3A_750 : i32 to index
      %get3A_752 = arith.constant 80 : index
      %get3A_753 = tpu.vector_load %arg7[%get3A_751, %get3A_752] {strides = array<i32>} : memref<22x128xf32, #tpu.memory_space<vmem>>, vector<1x16xf32>,
      %get3A_754 = vector.shape_cast %get3A_753 : vector<1x16xf32> to vector<16xf32>
      %mul3A_755 = arith.constant 11.3137083 : f32
      %mul3A_756 = vector.broadcast %mul3A_755 : f32 to vector<16xf32>
      %mul3A_757 = arith.mulf %get3A_754, %mul3A_756 : vector<16xf32>
      %swap3A_758 = arith.constant 3 : i32
      %swap3A_759 = arith.index_cast %swap3A_758 : i32 to index
      %swap3A_760 = arith.constant 80 : index
      %swap3A_761 = tpu.vector_load %arg7[%swap3A_759, %swap3A_760] {strides = array<i32>} : memref<22x128xf32, #tpu.memory_space<vmem>>, vector<1x16xf32>,
      %swap3A_762 = vector.shape_cast %swap3A_761 : vector<1x16xf32> to vector<16xf32>
      %swap3A_763 = vector.shape_cast %mul3A_757 : vector<16xf32> to vector<1x16xf32>
      tpu.vector_store %arg7[%swap3A_759, %swap3A_760], %swap3A_763 {strides = array<i32>} : memref<22x128xf32, #tpu.memory_space<vmem>>, vector<1x16xf32>,
      %get3A_764 = arith.constant 3 : i32
      %get3A_765 = arith.index_cast %get3A_764 : i32 to index
      %get3A_766 = arith.constant 96 : index
      %get3A_767 = tpu.vector_load %arg7[%get3A_765, %get3A_766] {strides = array<i32>} : memref<22x128xf32, #tpu.memory_space<vmem>>, vector<1x16xf32>,
      %get3A_768 = vector.shape_cast %get3A_767 : vector<1x16xf32> to vector<16xf32>
      %mul3A_769 = arith.constant 11.3137083 : f32
      %mul3A_770 = vector.broadcast %mul3A_769 : f32 to vector<16xf32>
      %mul3A_771 = arith.mulf %get3A_768, %mul3A_770 : vector<16xf32>
      %swap3A_772 = arith.constant 3 : i32
      %swap3A_773 = arith.index_cast %swap3A_772 : i32 to index
      %swap3A_774 = arith.constant 96 : index
      %swap3A_775 = tpu.vector_load %arg7[%swap3A_773, %swap3A_774] {strides = array<i32>} : memref<22x128xf32, #tpu.memory_space<vmem>>, vector<1x16xf32>,
      %swap3A_776 = vector.shape_cast %swap3A_775 : vector<1x16xf32> to vector<16xf32>
      %swap3A_777 = vector.shape_cast %mul3A_771 : vector<16xf32> to vector<1x16xf32>
      tpu.vector_store %arg7[%swap3A_773, %swap3A_774], %swap3A_777 {strides = array<i32>} : memref<22x128xf32, #tpu.memory_space<vmem>>, vector<1x16xf32>,
      %get3A_778 = arith.constant 3 : i32
      %get3A_779 = arith.index_cast %get3A_778 : i32 to index
      %get3A_780 = arith.constant 112 : index
      %get3A_781 = tpu.vector_load %arg7[%get3A_779, %get3A_780] {strides = array<i32>} : memref<22x128xf32, #tpu.memory_space<vmem>>, vector<1x16xf32>,
      %get3A_782 = vector.shape_cast %get3A_781 : vector<1x16xf32> to vector<16xf32>
      %mul3A_783 = arith.constant 11.3137083 : f32
      %mul3A_784 = vector.broadcast %mul3A_783 : f32 to vector<16xf32>
      %mul3A_785 = arith.mulf %get3A_782, %mul3A_784 : vector<16xf32>
      %swap3A_786 = arith.constant 3 : i32
      %swap3A_787 = arith.index_cast %swap3A_786 : i32 to index
      %swap3A_788 = arith.constant 112 : index
      %swap3A_789 = tpu.vector_load %arg7[%swap3A_787, %swap3A_788] {strides = array<i32>} : memref<22x128xf32, #tpu.memory_space<vmem>>, vector<1x16xf32>,
      %swap3A_790 = vector.shape_cast %swap3A_789 : vector<1x16xf32> to vector<16xf32>
      %swap3A_791 = vector.shape_cast %mul3A_785 : vector<16xf32> to vector<1x16xf32>
      tpu.vector_store %arg7[%swap3A_787, %swap3A_788], %swap3A_791 {strides = array<i32>} : memref<22x128xf32, #tpu.memory_space<vmem>>, vector<1x16xf32>,
      %get3A_792 = arith.constant 4 : i32
      %get3A_793 = arith.index_cast %get3A_792 : i32 to index
      %get3A_794 = arith.constant 0 : index
      %get3A_795 = tpu.vector_load %arg7[%get3A_793, %get3A_794] {strides = array<i32>} : memref<22x128xf32, #tpu.memory_space<vmem>>, vector<1x16xf32>,
      %get3A_796 = vector.shape_cast %get3A_795 : vector<1x16xf32> to vector<16xf32>
      %mul3A_797 = arith.constant 11.3137083 : f32
      %mul3A_798 = vector.broadcast %mul3A_797 : f32 to vector<16xf32>
      %mul3A_799 = arith.mulf %get3A_796, %mul3A_798 : vector<16xf32>
      %swap3A_800 = arith.constant 4 : i32
      %swap3A_801 = arith.index_cast %swap3A_800 : i32 to index
      %swap3A_802 = arith.constant 0 : index
      %swap3A_803 = tpu.vector_load %arg7[%swap3A_801, %swap3A_802] {strides = array<i32>} : memref<22x128xf32, #tpu.memory_space<vmem>>, vector<1x16xf32>,
      %swap3A_804 = vector.shape_cast %swap3A_803 : vector<1x16xf32> to vector<16xf32>
      %swap3A_805 = vector.shape_cast %mul3A_799 : vector<16xf32> to vector<1x16xf32>
      tpu.vector_store %arg7[%swap3A_801, %swap3A_802], %swap3A_805 {strides = array<i32>} : memref<22x128xf32, #tpu.memory_space<vmem>>, vector<1x16xf32>,
      %get3A_806 = arith.constant 4 : i32
      %get3A_807 = arith.index_cast %get3A_806 : i32 to index
      %get3A_808 = arith.constant 16 : index
      %get3A_809 = tpu.vector_load %arg7[%get3A_807, %get3A_808] {strides = array<i32>} : memref<22x128xf32, #tpu.memory_space<vmem>>, vector<1x16xf32>,
      %get3A_810 = vector.shape_cast %get3A_809 : vector<1x16xf32> to vector<16xf32>
      %mul3A_811 = arith.constant 11.3137083 : f32
      %mul3A_812 = vector.broadcast %mul3A_811 : f32 to vector<16xf32>
      %mul3A_813 = arith.mulf %get3A_810, %mul3A_812 : vector<16xf32>
      %swap3A_814 = arith.constant 4 : i32
      %swap3A_815 = arith.index_cast %swap3A_814 : i32 to index
      %swap3A_816 = arith.constant 16 : index
      %swap3A_817 = tpu.vector_load %arg7[%swap3A_815, %swap3A_816] {strides = array<i32>} : memref<22x128xf32, #tpu.memory_space<vmem>>, vector<1x16xf32>,
      %swap3A_818 = vector.shape_cast %swap3A_817 : vector<1x16xf32> to vector<16xf32>
      %swap3A_819 = vector.shape_cast %mul3A_813 : vector<16xf32> to vector<1x16xf32>
      tpu.vector_store %arg7[%swap3A_815, %swap3A_816], %swap3A_819 {strides = array<i32>} : memref<22x128xf32, #tpu.memory_space<vmem>>, vector<1x16xf32>,
      %get3A_820 = arith.constant 4 : i32
      %get3A_821 = arith.index_cast %get3A_820 : i32 to index
      %get3A_822 = arith.constant 32 : index
      %get3A_823 = tpu.vector_load %arg7[%get3A_821, %get3A_822] {strides = array<i32>} : memref<22x128xf32, #tpu.memory_space<vmem>>, vector<1x16xf32>,
      %get3A_824 = vector.shape_cast %get3A_823 : vector<1x16xf32> to vector<16xf32>
      %mul3A_825 = arith.constant 11.3137083 : f32
      %mul3A_826 = vector.broadcast %mul3A_825 : f32 to vector<16xf32>
      %mul3A_827 = arith.mulf %get3A_824, %mul3A_826 : vector<16xf32>
      %swap3A_828 = arith.constant 4 : i32
      %swap3A_829 = arith.index_cast %swap3A_828 : i32 to index
      %swap3A_830 = arith.constant 32 : index
      %swap3A_831 = tpu.vector_load %arg7[%swap3A_829, %swap3A_830] {strides = array<i32>} : memref<22x128xf32, #tpu.memory_space<vmem>>, vector<1x16xf32>,
      %swap3A_832 = vector.shape_cast %swap3A_831 : vector<1x16xf32> to vector<16xf32>
      %swap3A_833 = vector.shape_cast %mul3A_827 : vector<16xf32> to vector<1x16xf32>
      tpu.vector_store %arg7[%swap3A_829, %swap3A_830], %swap3A_833 {strides = array<i32>} : memref<22x128xf32, #tpu.memory_space<vmem>>, vector<1x16xf32>,
      %get3A_834 = arith.constant 4 : i32
      %get3A_835 = arith.index_cast %get3A_834 : i32 to index
      %get3A_836 = arith.constant 48 : index
      %get3A_837 = tpu.vector_load %arg7[%get3A_835, %get3A_836] {strides = array<i32>} : memref<22x128xf32, #tpu.memory_space<vmem>>, vector<1x16xf32>,
      %get3A_838 = vector.shape_cast %get3A_837 : vector<1x16xf32> to vector<16xf32>
      %mul3A_839 = arith.constant 11.3137083 : f32
      %mul3A_840 = vector.broadcast %mul3A_839 : f32 to vector<16xf32>
      %mul3A_841 = arith.mulf %get3A_838, %mul3A_840 : vector<16xf32>
      %swap3A_842 = arith.constant 4 : i32
      %swap3A_843 = arith.index_cast %swap3A_842 : i32 to index
      %swap3A_844 = arith.constant 48 : index
      %swap3A_845 = tpu.vector_load %arg7[%swap3A_843, %swap3A_844] {strides = array<i32>} : memref<22x128xf32, #tpu.memory_space<vmem>>, vector<1x16xf32>,
      %swap3A_846 = vector.shape_cast %swap3A_845 : vector<1x16xf32> to vector<16xf32>
      %swap3A_847 = vector.shape_cast %mul3A_841 : vector<16xf32> to vector<1x16xf32>
      tpu.vector_store %arg7[%swap3A_843, %swap3A_844], %swap3A_847 {strides = array<i32>} : memref<22x128xf32, #tpu.memory_space<vmem>>, vector<1x16xf32>,
      %get3A_848 = arith.constant 4 : i32
      %get3A_849 = arith.index_cast %get3A_848 : i32 to index
      %get3A_850 = arith.constant 64 : index
      %get3A_851 = tpu.vector_load %arg7[%get3A_849, %get3A_850] {strides = array<i32>} : memref<22x128xf32, #tpu.memory_space<vmem>>, vector<1x16xf32>,
      %get3A_852 = vector.shape_cast %get3A_851 : vector<1x16xf32> to vector<16xf32>
      %mul3A_853 = arith.constant 11.3137083 : f32
      %mul3A_854 = vector.broadcast %mul3A_853 : f32 to vector<16xf32>
      %mul3A_855 = arith.mulf %get3A_852, %mul3A_854 : vector<16xf32>
      %swap3A_856 = arith.constant 4 : i32
      %swap3A_857 = arith.index_cast %swap3A_856 : i32 to index
      %swap3A_858 = arith.constant 64 : index
      %swap3A_859 = tpu.vector_load %arg7[%swap3A_857, %swap3A_858] {strides = array<i32>} : memref<22x128xf32, #tpu.memory_space<vmem>>, vector<1x16xf32>,
      %swap3A_860 = vector.shape_cast %swap3A_859 : vector<1x16xf32> to vector<16xf32>
      %swap3A_861 = vector.shape_cast %mul3A_855 : vector<16xf32> to vector<1x16xf32>
      tpu.vector_store %arg7[%swap3A_857, %swap3A_858], %swap3A_861 {strides = array<i32>} : memref<22x128xf32, #tpu.memory_space<vmem>>, vector<1x16xf32>,
      %get3A_862 = arith.constant 4 : i32
      %get3A_863 = arith.index_cast %get3A_862 : i32 to index
      %get3A_864 = arith.constant 80 : index
      %get3A_865 = tpu.vector_load %arg7[%get3A_863, %get3A_864] {strides = array<i32>} : memref<22x128xf32, #tpu.memory_space<vmem>>, vector<1x16xf32>,
      %get3A_866 = vector.shape_cast %get3A_865 : vector<1x16xf32> to vector<16xf32>
      %mul3A_867 = arith.constant 11.3137083 : f32
      %mul3A_868 = vector.broadcast %mul3A_867 : f32 to vector<16xf32>
      %mul3A_869 = arith.mulf %get3A_866, %mul3A_868 : vector<16xf32>
      %swap3A_870 = arith.constant 4 : i32
      %swap3A_871 = arith.index_cast %swap3A_870 : i32 to index
      %swap3A_872 = arith.constant 80 : index
      %swap3A_873 = tpu.vector_load %arg7[%swap3A_871, %swap3A_872] {strides = array<i32>} : memref<22x128xf32, #tpu.memory_space<vmem>>, vector<1x16xf32>,
      %swap3A_874 = vector.shape_cast %swap3A_873 : vector<1x16xf32> to vector<16xf32>
      %swap3A_875 = vector.shape_cast %mul3A_869 : vector<16xf32> to vector<1x16xf32>
      tpu.vector_store %arg7[%swap3A_871, %swap3A_872], %swap3A_875 {strides = array<i32>} : memref<22x128xf32, #tpu.memory_space<vmem>>, vector<1x16xf32>,
      %get3A_876 = arith.constant 4 : i32
      %get3A_877 = arith.index_cast %get3A_876 : i32 to index
      %get3A_878 = arith.constant 96 : index
      %get3A_879 = tpu.vector_load %arg7[%get3A_877, %get3A_878] {strides = array<i32>} : memref<22x128xf32, #tpu.memory_space<vmem>>, vector<1x16xf32>,
      %get3A_880 = vector.shape_cast %get3A_879 : vector<1x16xf32> to vector<16xf32>
      %mul3A_881 = arith.constant 11.3137083 : f32
      %mul3A_882 = vector.broadcast %mul3A_881 : f32 to vector<16xf32>
      %mul3A_883 = arith.mulf %get3A_880, %mul3A_882 : vector<16xf32>
      %swap3A_884 = arith.constant 4 : i32
      %swap3A_885 = arith.index_cast %swap3A_884 : i32 to index
      %swap3A_886 = arith.constant 96 : index
      %swap3A_887 = tpu.vector_load %arg7[%swap3A_885, %swap3A_886] {strides = array<i32>} : memref<22x128xf32, #tpu.memory_space<vmem>>, vector<1x16xf32>,
      %swap3A_888 = vector.shape_cast %swap3A_887 : vector<1x16xf32> to vector<16xf32>
      %swap3A_889 = vector.shape_cast %mul3A_883 : vector<16xf32> to vector<1x16xf32>
      tpu.vector_store %arg7[%swap3A_885, %swap3A_886], %swap3A_889 {strides = array<i32>} : memref<22x128xf32, #tpu.memory_space<vmem>>, vector<1x16xf32>,
      %get3A_890 = arith.constant 4 : i32
      %get3A_891 = arith.index_cast %get3A_890 : i32 to index
      %get3A_892 = arith.constant 112 : index
      %get3A_893 = tpu.vector_load %arg7[%get3A_891, %get3A_892] {strides = array<i32>} : memref<22x128xf32, #tpu.memory_space<vmem>>, vector<1x16xf32>,
      %get3A_894 = vector.shape_cast %get3A_893 : vector<1x16xf32> to vector<16xf32>
      %mul3A_895 = arith.constant 11.3137083 : f32
      %mul3A_896 = vector.broadcast %mul3A_895 : f32 to vector<16xf32>
      %mul3A_897 = arith.mulf %get3A_894, %mul3A_896 : vector<16xf32>
      %swap3A_898 = arith.constant 4 : i32
      %swap3A_899 = arith.index_cast %swap3A_898 : i32 to index
      %swap3A_900 = arith.constant 112 : index
      %swap3A_901 = tpu.vector_load %arg7[%swap3A_899, %swap3A_900] {strides = array<i32>} : memref<22x128xf32, #tpu.memory_space<vmem>>, vector<1x16xf32>,
      %swap3A_902 = vector.shape_cast %swap3A_901 : vector<1x16xf32> to vector<16xf32>
      %swap3A_903 = vector.shape_cast %mul3A_897 : vector<16xf32> to vector<1x16xf32>
      tpu.vector_store %arg7[%swap3A_899, %swap3A_900], %swap3A_903 {strides = array<i32>} : memref<22x128xf32, #tpu.memory_space<vmem>>, vector<1x16xf32>,
      %get3A_904 = arith.constant 5 : i32
      %get3A_905 = arith.index_cast %get3A_904 : i32 to index
      %get3A_906 = arith.constant 0 : index
      %get3A_907 = tpu.vector_load %arg7[%get3A_905, %get3A_906] {strides = array<i32>} : memref<22x128xf32, #tpu.memory_space<vmem>>, vector<1x16xf32>,
      %get3A_908 = vector.shape_cast %get3A_907 : vector<1x16xf32> to vector<16xf32>
      %mul3A_909 = arith.constant 11.3137083 : f32
      %mul3A_910 = vector.broadcast %mul3A_909 : f32 to vector<16xf32>
      %mul3A_911 = arith.mulf %get3A_908, %mul3A_910 : vector<16xf32>
      %swap3A_912 = arith.constant 5 : i32
      %swap3A_913 = arith.index_cast %swap3A_912 : i32 to index
      %swap3A_914 = arith.constant 0 : index
      %swap3A_915 = tpu.vector_load %arg7[%swap3A_913, %swap3A_914] {strides = array<i32>} : memref<22x128xf32, #tpu.memory_space<vmem>>, vector<1x16xf32>,
      %swap3A_916 = vector.shape_cast %swap3A_915 : vector<1x16xf32> to vector<16xf32>
      %swap3A_917 = vector.shape_cast %mul3A_911 : vector<16xf32> to vector<1x16xf32>
      tpu.vector_store %arg7[%swap3A_913, %swap3A_914], %swap3A_917 {strides = array<i32>} : memref<22x128xf32, #tpu.memory_space<vmem>>, vector<1x16xf32>,
      %get3A_918 = arith.constant 5 : i32
      %get3A_919 = arith.index_cast %get3A_918 : i32 to index
      %get3A_920 = arith.constant 16 : index
      %get3A_921 = tpu.vector_load %arg7[%get3A_919, %get3A_920] {strides = array<i32>} : memref<22x128xf32, #tpu.memory_space<vmem>>, vector<1x16xf32>,
      %get3A_922 = vector.shape_cast %get3A_921 : vector<1x16xf32> to vector<16xf32>
      %mul3A_923 = arith.constant 11.3137083 : f32
      %mul3A_924 = vector.broadcast %mul3A_923 : f32 to vector<16xf32>
      %mul3A_925 = arith.mulf %get3A_922, %mul3A_924 : vector<16xf32>
      %swap3A_926 = arith.constant 5 : i32
      %swap3A_927 = arith.index_cast %swap3A_926 : i32 to index
      %swap3A_928 = arith.constant 16 : index
      %swap3A_929 = tpu.vector_load %arg7[%swap3A_927, %swap3A_928] {strides = array<i32>} : memref<22x128xf32, #tpu.memory_space<vmem>>, vector<1x16xf32>,
      %swap3A_930 = vector.shape_cast %swap3A_929 : vector<1x16xf32> to vector<16xf32>
      %swap3A_931 = vector.shape_cast %mul3A_925 : vector<16xf32> to vector<1x16xf32>
      tpu.vector_store %arg7[%swap3A_927, %swap3A_928], %swap3A_931 {strides = array<i32>} : memref<22x128xf32, #tpu.memory_space<vmem>>, vector<1x16xf32>,
      %get3A_932 = arith.constant 5 : i32
      %get3A_933 = arith.index_cast %get3A_932 : i32 to index
      %get3A_934 = arith.constant 32 : index
      %get3A_935 = tpu.vector_load %arg7[%get3A_933, %get3A_934] {strides = array<i32>} : memref<22x128xf32, #tpu.memory_space<vmem>>, vector<1x16xf32>,
      %get3A_936 = vector.shape_cast %get3A_935 : vector<1x16xf32> to vector<16xf32>
      %mul3A_937 = arith.constant 11.3137083 : f32
      %mul3A_938 = vector.broadcast %mul3A_937 : f32 to vector<16xf32>
      %mul3A_939 = arith.mulf %get3A_936, %mul3A_938 : vector<16xf32>
      %swap3A_940 = arith.constant 5 : i32
      %swap3A_941 = arith.index_cast %swap3A_940 : i32 to index
      %swap3A_942 = arith.constant 32 : index
      %swap3A_943 = tpu.vector_load %arg7[%swap3A_941, %swap3A_942] {strides = array<i32>} : memref<22x128xf32, #tpu.memory_space<vmem>>, vector<1x16xf32>,
      %swap3A_944 = vector.shape_cast %swap3A_943 : vector<1x16xf32> to vector<16xf32>
      %swap3A_945 = vector.shape_cast %mul3A_939 : vector<16xf32> to vector<1x16xf32>
      tpu.vector_store %arg7[%swap3A_941, %swap3A_942], %swap3A_945 {strides = array<i32>} : memref<22x128xf32, #tpu.memory_space<vmem>>, vector<1x16xf32>,
      %get3A_946 = arith.constant 5 : i32
      %get3A_947 = arith.index_cast %get3A_946 : i32 to index
      %get3A_948 = arith.constant 48 : index
      %get3A_949 = tpu.vector_load %arg7[%get3A_947, %get3A_948] {strides = array<i32>} : memref<22x128xf32, #tpu.memory_space<vmem>>, vector<1x16xf32>,
      %get3A_950 = vector.shape_cast %get3A_949 : vector<1x16xf32> to vector<16xf32>
      %mul3A_951 = arith.constant 11.3137083 : f32
      %mul3A_952 = vector.broadcast %mul3A_951 : f32 to vector<16xf32>
      %mul3A_953 = arith.mulf %get3A_950, %mul3A_952 : vector<16xf32>
      %swap3A_954 = arith.constant 5 : i32
      %swap3A_955 = arith.index_cast %swap3A_954 : i32 to index
      %swap3A_956 = arith.constant 48 : index
      %swap3A_957 = tpu.vector_load %arg7[%swap3A_955, %swap3A_956] {strides = array<i32>} : memref<22x128xf32, #tpu.memory_space<vmem>>, vector<1x16xf32>,
      %swap3A_958 = vector.shape_cast %swap3A_957 : vector<1x16xf32> to vector<16xf32>
      %swap3A_959 = vector.shape_cast %mul3A_953 : vector<16xf32> to vector<1x16xf32>
      tpu.vector_store %arg7[%swap3A_955, %swap3A_956], %swap3A_959 {strides = array<i32>} : memref<22x128xf32, #tpu.memory_space<vmem>>, vector<1x16xf32>,
      %get3A_960 = arith.constant 5 : i32
      %get3A_961 = arith.index_cast %get3A_960 : i32 to index
      %get3A_962 = arith.constant 64 : index
      %get3A_963 = tpu.vector_load %arg7[%get3A_961, %get3A_962] {strides = array<i32>} : memref<22x128xf32, #tpu.memory_space<vmem>>, vector<1x16xf32>,
      %get3A_964 = vector.shape_cast %get3A_963 : vector<1x16xf32> to vector<16xf32>
      %mul3A_965 = arith.constant 11.3137083 : f32
      %mul3A_966 = vector.broadcast %mul3A_965 : f32 to vector<16xf32>
      %mul3A_967 = arith.mulf %get3A_964, %mul3A_966 : vector<16xf32>
      %swap3A_968 = arith.constant 5 : i32
      %swap3A_969 = arith.index_cast %swap3A_968 : i32 to index
      %swap3A_970 = arith.constant 64 : index
      %swap3A_971 = tpu.vector_load %arg7[%swap3A_969, %swap3A_970] {strides = array<i32>} : memref<22x128xf32, #tpu.memory_space<vmem>>, vector<1x16xf32>,
      %swap3A_972 = vector.shape_cast %swap3A_971 : vector<1x16xf32> to vector<16xf32>
      %swap3A_973 = vector.shape_cast %mul3A_967 : vector<16xf32> to vector<1x16xf32>
      tpu.vector_store %arg7[%swap3A_969, %swap3A_970], %swap3A_973 {strides = array<i32>} : memref<22x128xf32, #tpu.memory_space<vmem>>, vector<1x16xf32>,
      %get3A_974 = arith.constant 5 : i32
      %get3A_975 = arith.index_cast %get3A_974 : i32 to index
      %get3A_976 = arith.constant 80 : index
      %get3A_977 = tpu.vector_load %arg7[%get3A_975, %get3A_976] {strides = array<i32>} : memref<22x128xf32, #tpu.memory_space<vmem>>, vector<1x16xf32>,
      %get3A_978 = vector.shape_cast %get3A_977 : vector<1x16xf32> to vector<16xf32>
      %mul3A_979 = arith.constant 11.3137083 : f32
      %mul3A_980 = vector.broadcast %mul3A_979 : f32 to vector<16xf32>
      %mul3A_981 = arith.mulf %get3A_978, %mul3A_980 : vector<16xf32>
      %swap3A_982 = arith.constant 5 : i32
      %swap3A_983 = arith.index_cast %swap3A_982 : i32 to index
      %swap3A_984 = arith.constant 80 : index
      %swap3A_985 = tpu.vector_load %arg7[%swap3A_983, %swap3A_984] {strides = array<i32>} : memref<22x128xf32, #tpu.memory_space<vmem>>, vector<1x16xf32>,
      %swap3A_986 = vector.shape_cast %swap3A_985 : vector<1x16xf32> to vector<16xf32>
      %swap3A_987 = vector.shape_cast %mul3A_981 : vector<16xf32> to vector<1x16xf32>
      tpu.vector_store %arg7[%swap3A_983, %swap3A_984], %swap3A_987 {strides = array<i32>} : memref<22x128xf32, #tpu.memory_space<vmem>>, vector<1x16xf32>,
      %get3A_988 = arith.constant 5 : i32
      %get3A_989 = arith.index_cast %get3A_988 : i32 to index
      %get3A_990 = arith.constant 96 : index
      %get3A_991 = tpu.vector_load %arg7[%get3A_989, %get3A_990] {strides = array<i32>} : memref<22x128xf32, #tpu.memory_space<vmem>>, vector<1x16xf32>,
      %get3A_992 = vector.shape_cast %get3A_991 : vector<1x16xf32> to vector<16xf32>
      %mul3A_993 = arith.constant 11.3137083 : f32
      %mul3A_994 = vector.broadcast %mul3A_993 : f32 to vector<16xf32>
      %mul3A_995 = arith.mulf %get3A_992, %mul3A_994 : vector<16xf32>
      %swap3A_996 = arith.constant 5 : i32
      %swap3A_997 = arith.index_cast %swap3A_996 : i32 to index
      %swap3A_998 = arith.constant 96 : index
      %swap3A_999 = tpu.vector_load %arg7[%swap3A_997, %swap3A_998] {strides = array<i32>} : memref<22x128xf32, #tpu.memory_space<vmem>>, vector<1x16xf32>,
      %swap3A_1000 = vector.shape_cast %swap3A_999 : vector<1x16xf32> to vector<16xf32>
      %swap3A_1001 = vector.shape_cast %mul3A_995 : vector<16xf32> to vector<1x16xf32>
      tpu.vector_store %arg7[%swap3A_997, %swap3A_998], %swap3A_1001 {strides = array<i32>} : memref<22x128xf32, #tpu.memory_space<vmem>>, vector<1x16xf32>,
      %get3A_1002 = arith.constant 5 : i32
      %get3A_1003 = arith.index_cast %get3A_1002 : i32 to index
      %get3A_1004 = arith.constant 112 : index
      %get3A_1005 = tpu.vector_load %arg7[%get3A_1003, %get3A_1004] {strides = array<i32>} : memref<22x128xf32, #tpu.memory_space<vmem>>, vector<1x16xf32>,
      %get3A_1006 = vector.shape_cast %get3A_1005 : vector<1x16xf32> to vector<16xf32>
      %mul3A_1007 = arith.constant 11.3137083 : f32
      %mul3A_1008 = vector.broadcast %mul3A_1007 : f32 to vector<16xf32>
      %mul3A_1009 = arith.mulf %get3A_1006, %mul3A_1008 : vector<16xf32>
      %swap3A_1010 = arith.constant 5 : i32
      %swap3A_1011 = arith.index_cast %swap3A_1010 : i32 to index
      %swap3A_1012 = arith.constant 112 : index
      %swap3A_1013 = tpu.vector_load %arg7[%swap3A_1011, %swap3A_1012] {strides = array<i32>} : memref<22x128xf32, #tpu.memory_space<vmem>>, vector<1x16xf32>,
      %swap3A_1014 = vector.shape_cast %swap3A_1013 : vector<1x16xf32> to vector<16xf32>
      %swap3A_1015 = vector.shape_cast %mul3A_1009 : vector<16xf32> to vector<1x16xf32>
      tpu.vector_store %arg7[%swap3A_1011, %swap3A_1012], %swap3A_1015 {strides = array<i32>} : memref<22x128xf32, #tpu.memory_space<vmem>>, vector<1x16xf32>,
      %get3A_1016 = arith.constant 6 : i32
      %get3A_1017 = arith.index_cast %get3A_1016 : i32 to index
      %get3A_1018 = arith.constant 0 : index
      %get3A_1019 = tpu.vector_load %arg7[%get3A_1017, %get3A_1018] {strides = array<i32>} : memref<22x128xf32, #tpu.memory_space<vmem>>, vector<1x16xf32>,
      %get3A_1020 = vector.shape_cast %get3A_1019 : vector<1x16xf32> to vector<16xf32>
      %mul3A_1021 = arith.constant 11.3137083 : f32
      %mul3A_1022 = vector.broadcast %mul3A_1021 : f32 to vector<16xf32>
      %mul3A_1023 = arith.mulf %get3A_1020, %mul3A_1022 : vector<16xf32>
      %swap3A_1024 = arith.constant 6 : i32
      %swap3A_1025 = arith.index_cast %swap3A_1024 : i32 to index
      %swap3A_1026 = arith.constant 0 : index
      %swap3A_1027 = tpu.vector_load %arg7[%swap3A_1025, %swap3A_1026] {strides = array<i32>} : memref<22x128xf32, #tpu.memory_space<vmem>>, vector<1x16xf32>,
      %swap3A_1028 = vector.shape_cast %swap3A_1027 : vector<1x16xf32> to vector<16xf32>
      %swap3A_1029 = vector.shape_cast %mul3A_1023 : vector<16xf32> to vector<1x16xf32>
      tpu.vector_store %arg7[%swap3A_1025, %swap3A_1026], %swap3A_1029 {strides = array<i32>} : memref<22x128xf32, #tpu.memory_space<vmem>>, vector<1x16xf32>,
      %get3A_1030 = arith.constant 6 : i32
      %get3A_1031 = arith.index_cast %get3A_1030 : i32 to index
      %get3A_1032 = arith.constant 16 : index
      %get3A_1033 = tpu.vector_load %arg7[%get3A_1031, %get3A_1032] {strides = array<i32>} : memref<22x128xf32, #tpu.memory_space<vmem>>, vector<1x16xf32>,
      %get3A_1034 = vector.shape_cast %get3A_1033 : vector<1x16xf32> to vector<16xf32>
      %mul3A_1035 = arith.constant 11.3137083 : f32
      %mul3A_1036 = vector.broadcast %mul3A_1035 : f32 to vector<16xf32>
      %mul3A_1037 = arith.mulf %get3A_1034, %mul3A_1036 : vector<16xf32>
      %swap3A_1038 = arith.constant 6 : i32
      %swap3A_1039 = arith.index_cast %swap3A_1038 : i32 to index
      %swap3A_1040 = arith.constant 16 : index
      %swap3A_1041 = tpu.vector_load %arg7[%swap3A_1039, %swap3A_1040] {strides = array<i32>} : memref<22x128xf32, #tpu.memory_space<vmem>>, vector<1x16xf32>,
      %swap3A_1042 = vector.shape_cast %swap3A_1041 : vector<1x16xf32> to vector<16xf32>
      %swap3A_1043 = vector.shape_cast %mul3A_1037 : vector<16xf32> to vector<1x16xf32>
      tpu.vector_store %arg7[%swap3A_1039, %swap3A_1040], %swap3A_1043 {strides = array<i32>} : memref<22x128xf32, #tpu.memory_space<vmem>>, vector<1x16xf32>,
      %get3A_1044 = arith.constant 6 : i32
      %get3A_1045 = arith.index_cast %get3A_1044 : i32 to index
      %get3A_1046 = arith.constant 32 : index
      %get3A_1047 = tpu.vector_load %arg7[%get3A_1045, %get3A_1046] {strides = array<i32>} : memref<22x128xf32, #tpu.memory_space<vmem>>, vector<1x16xf32>,
      %get3A_1048 = vector.shape_cast %get3A_1047 : vector<1x16xf32> to vector<16xf32>
      %mul3A_1049 = arith.constant 11.3137083 : f32
      %mul3A_1050 = vector.broadcast %mul3A_1049 : f32 to vector<16xf32>
      %mul3A_1051 = arith.mulf %get3A_1048, %mul3A_1050 : vector<16xf32>
      %swap3A_1052 = arith.constant 6 : i32
      %swap3A_1053 = arith.index_cast %swap3A_1052 : i32 to index
      %swap3A_1054 = arith.constant 32 : index
      %swap3A_1055 = tpu.vector_load %arg7[%swap3A_1053, %swap3A_1054] {strides = array<i32>} : memref<22x128xf32, #tpu.memory_space<vmem>>, vector<1x16xf32>,
      %swap3A_1056 = vector.shape_cast %swap3A_1055 : vector<1x16xf32> to vector<16xf32>
      %swap3A_1057 = vector.shape_cast %mul3A_1051 : vector<16xf32> to vector<1x16xf32>
      tpu.vector_store %arg7[%swap3A_1053, %swap3A_1054], %swap3A_1057 {strides = array<i32>} : memref<22x128xf32, #tpu.memory_space<vmem>>, vector<1x16xf32>,
      %get3A_1058 = arith.constant 6 : i32
      %get3A_1059 = arith.index_cast %get3A_1058 : i32 to index
      %get3A_1060 = arith.constant 48 : index
      %get3A_1061 = tpu.vector_load %arg7[%get3A_1059, %get3A_1060] {strides = array<i32>} : memref<22x128xf32, #tpu.memory_space<vmem>>, vector<1x16xf32>,
      %get3A_1062 = vector.shape_cast %get3A_1061 : vector<1x16xf32> to vector<16xf32>
      %mul3A_1063 = arith.constant 11.3137083 : f32
      %mul3A_1064 = vector.broadcast %mul3A_1063 : f32 to vector<16xf32>
      %mul3A_1065 = arith.mulf %get3A_1062, %mul3A_1064 : vector<16xf32>
      %swap3A_1066 = arith.constant 6 : i32
      %swap3A_1067 = arith.index_cast %swap3A_1066 : i32 to index
      %swap3A_1068 = arith.constant 48 : index
      %swap3A_1069 = tpu.vector_load %arg7[%swap3A_1067, %swap3A_1068] {strides = array<i32>} : memref<22x128xf32, #tpu.memory_space<vmem>>, vector<1x16xf32>,
      %swap3A_1070 = vector.shape_cast %swap3A_1069 : vector<1x16xf32> to vector<16xf32>
      %swap3A_1071 = vector.shape_cast %mul3A_1065 : vector<16xf32> to vector<1x16xf32>
      tpu.vector_store %arg7[%swap3A_1067, %swap3A_1068], %swap3A_1071 {strides = array<i32>} : memref<22x128xf32, #tpu.memory_space<vmem>>, vector<1x16xf32>,
      %get3A_1072 = arith.constant 6 : i32
      %get3A_1073 = arith.index_cast %get3A_1072 : i32 to index
      %get3A_1074 = arith.constant 64 : index
      %get3A_1075 = tpu.vector_load %arg7[%get3A_1073, %get3A_1074] {strides = array<i32>} : memref<22x128xf32, #tpu.memory_space<vmem>>, vector<1x16xf32>,
      %get3A_1076 = vector.shape_cast %get3A_1075 : vector<1x16xf32> to vector<16xf32>
      %mul3A_1077 = arith.constant 11.3137083 : f32
      %mul3A_1078 = vector.broadcast %mul3A_1077 : f32 to vector<16xf32>
      %mul3A_1079 = arith.mulf %get3A_1076, %mul3A_1078 : vector<16xf32>
      %swap3A_1080 = arith.constant 6 : i32
      %swap3A_1081 = arith.index_cast %swap3A_1080 : i32 to index
      %swap3A_1082 = arith.constant 64 : index
      %swap3A_1083 = tpu.vector_load %arg7[%swap3A_1081, %swap3A_1082] {strides = array<i32>} : memref<22x128xf32, #tpu.memory_space<vmem>>, vector<1x16xf32>,
      %swap3A_1084 = vector.shape_cast %swap3A_1083 : vector<1x16xf32> to vector<16xf32>
      %swap3A_1085 = vector.shape_cast %mul3A_1079 : vector<16xf32> to vector<1x16xf32>
      tpu.vector_store %arg7[%swap3A_1081, %swap3A_1082], %swap3A_1085 {strides = array<i32>} : memref<22x128xf32, #tpu.memory_space<vmem>>, vector<1x16xf32>,
      %get3A_1086 = arith.constant 6 : i32
      %get3A_1087 = arith.index_cast %get3A_1086 : i32 to index
      %get3A_1088 = arith.constant 80 : index
      %get3A_1089 = tpu.vector_load %arg7[%get3A_1087, %get3A_1088] {strides = array<i32>} : memref<22x128xf32, #tpu.memory_space<vmem>>, vector<1x16xf32>,
      %get3A_1090 = vector.shape_cast %get3A_1089 : vector<1x16xf32> to vector<16xf32>
      %mul3A_1091 = arith.constant 11.3137083 : f32
      %mul3A_1092 = vector.broadcast %mul3A_1091 : f32 to vector<16xf32>
      %mul3A_1093 = arith.mulf %get3A_1090, %mul3A_1092 : vector<16xf32>
      %swap3A_1094 = arith.constant 6 : i32
      %swap3A_1095 = arith.index_cast %swap3A_1094 : i32 to index
      %swap3A_1096 = arith.constant 80 : index
      %swap3A_1097 = tpu.vector_load %arg7[%swap3A_1095, %swap3A_1096] {strides = array<i32>} : memref<22x128xf32, #tpu.memory_space<vmem>>, vector<1x16xf32>,
      %swap3A_1098 = vector.shape_cast %swap3A_1097 : vector<1x16xf32> to vector<16xf32>
      %swap3A_1099 = vector.shape_cast %mul3A_1093 : vector<16xf32> to vector<1x16xf32>
      tpu.vector_store %arg7[%swap3A_1095, %swap3A_1096], %swap3A_1099 {strides = array<i32>} : memref<22x128xf32, #tpu.memory_space<vmem>>, vector<1x16xf32>,
      %get3A_1100 = arith.constant 6 : i32
      %get3A_1101 = arith.index_cast %get3A_1100 : i32 to index
      %get3A_1102 = arith.constant 96 : index
      %get3A_1103 = tpu.vector_load %arg7[%get3A_1101, %get3A_1102] {strides = array<i32>} : memref<22x128xf32, #tpu.memory_space<vmem>>, vector<1x16xf32>,
      %get3A_1104 = vector.shape_cast %get3A_1103 : vector<1x16xf32> to vector<16xf32>
      %mul3A_1105 = arith.constant 11.3137083 : f32
      %mul3A_1106 = vector.broadcast %mul3A_1105 : f32 to vector<16xf32>
      %mul3A_1107 = arith.mulf %get3A_1104, %mul3A_1106 : vector<16xf32>
      %swap3A_1108 = arith.constant 6 : i32
      %swap3A_1109 = arith.index_cast %swap3A_1108 : i32 to index
      %swap3A_1110 = arith.constant 96 : index
      %swap3A_1111 = tpu.vector_load %arg7[%swap3A_1109, %swap3A_1110] {strides = array<i32>} : memref<22x128xf32, #tpu.memory_space<vmem>>, vector<1x16xf32>,
      %swap3A_1112 = vector.shape_cast %swap3A_1111 : vector<1x16xf32> to vector<16xf32>
      %swap3A_1113 = vector.shape_cast %mul3A_1107 : vector<16xf32> to vector<1x16xf32>
      tpu.vector_store %arg7[%swap3A_1109, %swap3A_1110], %swap3A_1113 {strides = array<i32>} : memref<22x128xf32, #tpu.memory_space<vmem>>, vector<1x16xf32>,
      %get3A_1114 = arith.constant 6 : i32
      %get3A_1115 = arith.index_cast %get3A_1114 : i32 to index
      %get3A_1116 = arith.constant 112 : index
      %get3A_1117 = tpu.vector_load %arg7[%get3A_1115, %get3A_1116] {strides = array<i32>} : memref<22x128xf32, #tpu.memory_space<vmem>>, vector<1x16xf32>,
      %get3A_1118 = vector.shape_cast %get3A_1117 : vector<1x16xf32> to vector<16xf32>
      %mul3A_1119 = arith.constant 11.3137083 : f32
      %mul3A_1120 = vector.broadcast %mul3A_1119 : f32 to vector<16xf32>
      %mul3A_1121 = arith.mulf %get3A_1118, %mul3A_1120 : vector<16xf32>
      %swap3A_1122 = arith.constant 6 : i32
      %swap3A_1123 = arith.index_cast %swap3A_1122 : i32 to index
      %swap3A_1124 = arith.constant 112 : index
      %swap3A_1125 = tpu.vector_load %arg7[%swap3A_1123, %swap3A_1124] {strides = array<i32>} : memref<22x128xf32, #tpu.memory_space<vmem>>, vector<1x16xf32>,
      %swap3A_1126 = vector.shape_cast %swap3A_1125 : vector<1x16xf32> to vector<16xf32>
      %swap3A_1127 = vector.shape_cast %mul3A_1121 : vector<16xf32> to vector<1x16xf32>
      tpu.vector_store %arg7[%swap3A_1123, %swap3A_1124], %swap3A_1127 {strides = array<i32>} : memref<22x128xf32, #tpu.memory_space<vmem>>, vector<1x16xf32>,
      %get3A_1128 = arith.constant 7 : i32
      %get3A_1129 = arith.index_cast %get3A_1128 : i32 to index
      %get3A_1130 = arith.constant 0 : index
      %get3A_1131 = tpu.vector_load %arg7[%get3A_1129, %get3A_1130] {strides = array<i32>} : memref<22x128xf32, #tpu.memory_space<vmem>>, vector<1x16xf32>,
      %get3A_1132 = vector.shape_cast %get3A_1131 : vector<1x16xf32> to vector<16xf32>
      %mul3A_1133 = arith.constant 11.3137083 : f32
      %mul3A_1134 = vector.broadcast %mul3A_1133 : f32 to vector<16xf32>
      %mul3A_1135 = arith.mulf %get3A_1132, %mul3A_1134 : vector<16xf32>
      %swap3A_1136 = arith.constant 7 : i32
      %swap3A_1137 = arith.index_cast %swap3A_1136 : i32 to index
      %swap3A_1138 = arith.constant 0 : index
      %swap3A_1139 = tpu.vector_load %arg7[%swap3A_1137, %swap3A_1138] {strides = array<i32>} : memref<22x128xf32, #tpu.memory_space<vmem>>, vector<1x16xf32>,
      %swap3A_1140 = vector.shape_cast %swap3A_1139 : vector<1x16xf32> to vector<16xf32>
      %swap3A_1141 = vector.shape_cast %mul3A_1135 : vector<16xf32> to vector<1x16xf32>
      tpu.vector_store %arg7[%swap3A_1137, %swap3A_1138], %swap3A_1141 {strides = array<i32>} : memref<22x128xf32, #tpu.memory_space<vmem>>, vector<1x16xf32>,
      %get3A_1142 = arith.constant 7 : i32
      %get3A_1143 = arith.index_cast %get3A_1142 : i32 to index
      %get3A_1144 = arith.constant 16 : index
      %get3A_1145 = tpu.vector_load %arg7[%get3A_1143, %get3A_1144] {strides = array<i32>} : memref<22x128xf32, #tpu.memory_space<vmem>>, vector<1x16xf32>,
      %get3A_1146 = vector.shape_cast %get3A_1145 : vector<1x16xf32> to vector<16xf32>
      %mul3A_1147 = arith.constant 11.3137083 : f32
      %mul3A_1148 = vector.broadcast %mul3A_1147 : f32 to vector<16xf32>
      %mul3A_1149 = arith.mulf %get3A_1146, %mul3A_1148 : vector<16xf32>
      %swap3A_1150 = arith.constant 7 : i32
      %swap3A_1151 = arith.index_cast %swap3A_1150 : i32 to index
      %swap3A_1152 = arith.constant 16 : index
      %swap3A_1153 = tpu.vector_load %arg7[%swap3A_1151, %swap3A_1152] {strides = array<i32>} : memref<22x128xf32, #tpu.memory_space<vmem>>, vector<1x16xf32>,
      %swap3A_1154 = vector.shape_cast %swap3A_1153 : vector<1x16xf32> to vector<16xf32>
      %swap3A_1155 = vector.shape_cast %mul3A_1149 : vector<16xf32> to vector<1x16xf32>
      tpu.vector_store %arg7[%swap3A_1151, %swap3A_1152], %swap3A_1155 {strides = array<i32>} : memref<22x128xf32, #tpu.memory_space<vmem>>, vector<1x16xf32>,
      %get3A_1156 = arith.constant 7 : i32
      %get3A_1157 = arith.index_cast %get3A_1156 : i32 to index
      %get3A_1158 = arith.constant 32 : index
      %get3A_1159 = tpu.vector_load %arg7[%get3A_1157, %get3A_1158] {strides = array<i32>} : memref<22x128xf32, #tpu.memory_space<vmem>>, vector<1x16xf32>,
      %get3A_1160 = vector.shape_cast %get3A_1159 : vector<1x16xf32> to vector<16xf32>
      %mul3A_1161 = arith.constant 11.3137083 : f32
      %mul3A_1162 = vector.broadcast %mul3A_1161 : f32 to vector<16xf32>
      %mul3A_1163 = arith.mulf %get3A_1160, %mul3A_1162 : vector<16xf32>
      %swap3A_1164 = arith.constant 7 : i32
      %swap3A_1165 = arith.index_cast %swap3A_1164 : i32 to index
      %swap3A_1166 = arith.constant 32 : index
      %swap3A_1167 = tpu.vector_load %arg7[%swap3A_1165, %swap3A_1166] {strides = array<i32>} : memref<22x128xf32, #tpu.memory_space<vmem>>, vector<1x16xf32>,
      %swap3A_1168 = vector.shape_cast %swap3A_1167 : vector<1x16xf32> to vector<16xf32>
      %swap3A_1169 = vector.shape_cast %mul3A_1163 : vector<16xf32> to vector<1x16xf32>
      tpu.vector_store %arg7[%swap3A_1165, %swap3A_1166], %swap3A_1169 {strides = array<i32>} : memref<22x128xf32, #tpu.memory_space<vmem>>, vector<1x16xf32>,
      %get3A_1170 = arith.constant 7 : i32
      %get3A_1171 = arith.index_cast %get3A_1170 : i32 to index
      %get3A_1172 = arith.constant 48 : index
      %get3A_1173 = tpu.vector_load %arg7[%get3A_1171, %get3A_1172] {strides = array<i32>} : memref<22x128xf32, #tpu.memory_space<vmem>>, vector<1x16xf32>,
      %get3A_1174 = vector.shape_cast %get3A_1173 : vector<1x16xf32> to vector<16xf32>
      %mul3A_1175 = arith.constant 11.3137083 : f32
      %mul3A_1176 = vector.broadcast %mul3A_1175 : f32 to vector<16xf32>
      %mul3A_1177 = arith.mulf %get3A_1174, %mul3A_1176 : vector<16xf32>
      %swap3A_1178 = arith.constant 7 : i32
      %swap3A_1179 = arith.index_cast %swap3A_1178 : i32 to index
      %swap3A_1180 = arith.constant 48 : index
      %swap3A_1181 = tpu.vector_load %arg7[%swap3A_1179, %swap3A_1180] {strides = array<i32>} : memref<22x128xf32, #tpu.memory_space<vmem>>, vector<1x16xf32>,
      %swap3A_1182 = vector.shape_cast %swap3A_1181 : vector<1x16xf32> to vector<16xf32>
      %swap3A_1183 = vector.shape_cast %mul3A_1177 : vector<16xf32> to vector<1x16xf32>
      tpu.vector_store %arg7[%swap3A_1179, %swap3A_1180], %swap3A_1183 {strides = array<i32>} : memref<22x128xf32, #tpu.memory_space<vmem>>, vector<1x16xf32>,
      %get3A_1184 = arith.constant 7 : i32
      %get3A_1185 = arith.index_cast %get3A_1184 : i32 to index
      %get3A_1186 = arith.constant 64 : index
      %get3A_1187 = tpu.vector_load %arg7[%get3A_1185, %get3A_1186] {strides = array<i32>} : memref<22x128xf32, #tpu.memory_space<vmem>>, vector<1x16xf32>,
      %get3A_1188 = vector.shape_cast %get3A_1187 : vector<1x16xf32> to vector<16xf32>
      %mul3A_1189 = arith.constant 11.3137083 : f32
      %mul3A_1190 = vector.broadcast %mul3A_1189 : f32 to vector<16xf32>
      %mul3A_1191 = arith.mulf %get3A_1188, %mul3A_1190 : vector<16xf32>
      %swap3A_1192 = arith.constant 7 : i32
      %swap3A_1193 = arith.index_cast %swap3A_1192 : i32 to index
      %swap3A_1194 = arith.constant 64 : index
      %swap3A_1195 = tpu.vector_load %arg7[%swap3A_1193, %swap3A_1194] {strides = array<i32>} : memref<22x128xf32, #tpu.memory_space<vmem>>, vector<1x16xf32>,
      %swap3A_1196 = vector.shape_cast %swap3A_1195 : vector<1x16xf32> to vector<16xf32>
      %swap3A_1197 = vector.shape_cast %mul3A_1191 : vector<16xf32> to vector<1x16xf32>
      tpu.vector_store %arg7[%swap3A_1193, %swap3A_1194], %swap3A_1197 {strides = array<i32>} : memref<22x128xf32, #tpu.memory_space<vmem>>, vector<1x16xf32>,
      %get3A_1198 = arith.constant 7 : i32
      %get3A_1199 = arith.index_cast %get3A_1198 : i32 to index
      %get3A_1200 = arith.constant 80 : index
      %get3A_1201 = tpu.vector_load %arg7[%get3A_1199, %get3A_1200] {strides = array<i32>} : memref<22x128xf32, #tpu.memory_space<vmem>>, vector<1x16xf32>,
      %get3A_1202 = vector.shape_cast %get3A_1201 : vector<1x16xf32> to vector<16xf32>
      %mul3A_1203 = arith.constant 11.3137083 : f32
      %mul3A_1204 = vector.broadcast %mul3A_1203 : f32 to vector<16xf32>
      %mul3A_1205 = arith.mulf %get3A_1202, %mul3A_1204 : vector<16xf32>
      %swap3A_1206 = arith.constant 7 : i32
      %swap3A_1207 = arith.index_cast %swap3A_1206 : i32 to index
      %swap3A_1208 = arith.constant 80 : index
      %swap3A_1209 = tpu.vector_load %arg7[%swap3A_1207, %swap3A_1208] {strides = array<i32>} : memref<22x128xf32, #tpu.memory_space<vmem>>, vector<1x16xf32>,
      %swap3A_1210 = vector.shape_cast %swap3A_1209 : vector<1x16xf32> to vector<16xf32>
      %swap3A_1211 = vector.shape_cast %mul3A_1205 : vector<16xf32> to vector<1x16xf32>
      tpu.vector_store %arg7[%swap3A_1207, %swap3A_1208], %swap3A_1211 {strides = array<i32>} : memref<22x128xf32, #tpu.memory_space<vmem>>, vector<1x16xf32>,
      %get3A_1212 = arith.constant 7 : i32
      %get3A_1213 = arith.index_cast %get3A_1212 : i32 to index
      %get3A_1214 = arith.constant 96 : index
      %get3A_1215 = tpu.vector_load %arg7[%get3A_1213, %get3A_1214] {strides = array<i32>} : memref<22x128xf32, #tpu.memory_space<vmem>>, vector<1x16xf32>,
      %get3A_1216 = vector.shape_cast %get3A_1215 : vector<1x16xf32> to vector<16xf32>
      %mul3A_1217 = arith.constant 11.3137083 : f32
      %mul3A_1218 = vector.broadcast %mul3A_1217 : f32 to vector<16xf32>
      %mul3A_1219 = arith.mulf %get3A_1216, %mul3A_1218 : vector<16xf32>
      %swap3A_1220 = arith.constant 7 : i32
      %swap3A_1221 = arith.index_cast %swap3A_1220 : i32 to index
      %swap3A_1222 = arith.constant 96 : index
      %swap3A_1223 = tpu.vector_load %arg7[%swap3A_1221, %swap3A_1222] {strides = array<i32>} : memref<22x128xf32, #tpu.memory_space<vmem>>, vector<1x16xf32>,
      %swap3A_1224 = vector.shape_cast %swap3A_1223 : vector<1x16xf32> to vector<16xf32>
      %swap3A_1225 = vector.shape_cast %mul3A_1219 : vector<16xf32> to vector<1x16xf32>
      tpu.vector_store %arg7[%swap3A_1221, %swap3A_1222], %swap3A_1225 {strides = array<i32>} : memref<22x128xf32, #tpu.memory_space<vmem>>, vector<1x16xf32>,
      %get3A_1226 = arith.constant 7 : i32
      %get3A_1227 = arith.index_cast %get3A_1226 : i32 to index
      %get3A_1228 = arith.constant 112 : index
      %get3A_1229 = tpu.vector_load %arg7[%get3A_1227, %get3A_1228] {strides = array<i32>} : memref<22x128xf32, #tpu.memory_space<vmem>>, vector<1x16xf32>,
      %get3A_1230 = vector.shape_cast %get3A_1229 : vector<1x16xf32> to vector<16xf32>
      %mul3A_1231 = arith.constant 11.3137083 : f32
      %mul3A_1232 = vector.broadcast %mul3A_1231 : f32 to vector<16xf32>
      %mul3A_1233 = arith.mulf %get3A_1230, %mul3A_1232 : vector<16xf32>
      %swap3A_1234 = arith.constant 7 : i32
      %swap3A_1235 = arith.index_cast %swap3A_1234 : i32 to index
      %swap3A_1236 = arith.constant 112 : index
      %swap3A_1237 = tpu.vector_load %arg7[%swap3A_1235, %swap3A_1236] {strides = array<i32>} : memref<22x128xf32, #tpu.memory_space<vmem>>, vector<1x16xf32>,
      %swap3A_1238 = vector.shape_cast %swap3A_1237 : vector<1x16xf32> to vector<16xf32>
      %swap3A_1239 = vector.shape_cast %mul3A_1233 : vector<16xf32> to vector<1x16xf32>
      tpu.vector_store %arg7[%swap3A_1235, %swap3A_1236], %swap3A_1239 {strides = array<i32>} : memref<22x128xf32, #tpu.memory_space<vmem>>, vector<1x16xf32>,
      %get3A_1240 = arith.constant 8 : i32
      %get3A_1241 = arith.index_cast %get3A_1240 : i32 to index
      %get3A_1242 = arith.constant 0 : index
      %get3A_1243 = tpu.vector_load %arg7[%get3A_1241, %get3A_1242] {strides = array<i32>} : memref<22x128xf32, #tpu.memory_space<vmem>>, vector<1x16xf32>,
      %get3A_1244 = vector.shape_cast %get3A_1243 : vector<1x16xf32> to vector<16xf32>
      %mul3A_1245 = arith.constant 11.3137083 : f32
      %mul3A_1246 = vector.broadcast %mul3A_1245 : f32 to vector<16xf32>
      %mul3A_1247 = arith.mulf %get3A_1244, %mul3A_1246 : vector<16xf32>
      %swap3A_1248 = arith.constant 8 : i32
      %swap3A_1249 = arith.index_cast %swap3A_1248 : i32 to index
      %swap3A_1250 = arith.constant 0 : index
      %swap3A_1251 = tpu.vector_load %arg7[%swap3A_1249, %swap3A_1250] {strides = array<i32>} : memref<22x128xf32, #tpu.memory_space<vmem>>, vector<1x16xf32>,
      %swap3A_1252 = vector.shape_cast %swap3A_1251 : vector<1x16xf32> to vector<16xf32>
      %swap3A_1253 = vector.shape_cast %mul3A_1247 : vector<16xf32> to vector<1x16xf32>
      tpu.vector_store %arg7[%swap3A_1249, %swap3A_1250], %swap3A_1253 {strides = array<i32>} : memref<22x128xf32, #tpu.memory_space<vmem>>, vector<1x16xf32>,
      %get3A_1254 = arith.constant 8 : i32
      %get3A_1255 = arith.index_cast %get3A_1254 : i32 to index
      %get3A_1256 = arith.constant 16 : index
      %get3A_1257 = tpu.vector_load %arg7[%get3A_1255, %get3A_1256] {strides = array<i32>} : memref<22x128xf32, #tpu.memory_space<vmem>>, vector<1x16xf32>,
      %get3A_1258 = vector.shape_cast %get3A_1257 : vector<1x16xf32> to vector<16xf32>
      %mul3A_1259 = arith.constant 11.3137083 : f32
      %mul3A_1260 = vector.broadcast %mul3A_1259 : f32 to vector<16xf32>
      %mul3A_1261 = arith.mulf %get3A_1258, %mul3A_1260 : vector<16xf32>
      %swap3A_1262 = arith.constant 8 : i32
      %swap3A_1263 = arith.index_cast %swap3A_1262 : i32 to index
      %swap3A_1264 = arith.constant 16 : index
      %swap3A_1265 = tpu.vector_load %arg7[%swap3A_1263, %swap3A_1264] {strides = array<i32>} : memref<22x128xf32, #tpu.memory_space<vmem>>, vector<1x16xf32>,
      %swap3A_1266 = vector.shape_cast %swap3A_1265 : vector<1x16xf32> to vector<16xf32>
      %swap3A_1267 = vector.shape_cast %mul3A_1261 : vector<16xf32> to vector<1x16xf32>
      tpu.vector_store %arg7[%swap3A_1263, %swap3A_1264], %swap3A_1267 {strides = array<i32>} : memref<22x128xf32, #tpu.memory_space<vmem>>, vector<1x16xf32>,
      %get3A_1268 = arith.constant 8 : i32
      %get3A_1269 = arith.index_cast %get3A_1268 : i32 to index
      %get3A_1270 = arith.constant 32 : index
      %get3A_1271 = tpu.vector_load %arg7[%get3A_1269, %get3A_1270] {strides = array<i32>} : memref<22x128xf32, #tpu.memory_space<vmem>>, vector<1x16xf32>,
      %get3A_1272 = vector.shape_cast %get3A_1271 : vector<1x16xf32> to vector<16xf32>
      %mul3A_1273 = arith.constant 11.3137083 : f32
      %mul3A_1274 = vector.broadcast %mul3A_1273 : f32 to vector<16xf32>
      %mul3A_1275 = arith.mulf %get3A_1272, %mul3A_1274 : vector<16xf32>
      %swap3A_1276 = arith.constant 8 : i32
      %swap3A_1277 = arith.index_cast %swap3A_1276 : i32 to index
      %swap3A_1278 = arith.constant 32 : index
      %swap3A_1279 = tpu.vector_load %arg7[%swap3A_1277, %swap3A_1278] {strides = array<i32>} : memref<22x128xf32, #tpu.memory_space<vmem>>, vector<1x16xf32>,
      %swap3A_1280 = vector.shape_cast %swap3A_1279 : vector<1x16xf32> to vector<16xf32>
      %swap3A_1281 = vector.shape_cast %mul3A_1275 : vector<16xf32> to vector<1x16xf32>
      tpu.vector_store %arg7[%swap3A_1277, %swap3A_1278], %swap3A_1281 {strides = array<i32>} : memref<22x128xf32, #tpu.memory_space<vmem>>, vector<1x16xf32>,
      %get3A_1282 = arith.constant 8 : i32
      %get3A_1283 = arith.index_cast %get3A_1282 : i32 to index
      %get3A_1284 = arith.constant 48 : index
      %get3A_1285 = tpu.vector_load %arg7[%get3A_1283, %get3A_1284] {strides = array<i32>} : memref<22x128xf32, #tpu.memory_space<vmem>>, vector<1x16xf32>,
      %get3A_1286 = vector.shape_cast %get3A_1285 : vector<1x16xf32> to vector<16xf32>
      %mul3A_1287 = arith.constant 11.3137083 : f32
      %mul3A_1288 = vector.broadcast %mul3A_1287 : f32 to vector<16xf32>
      %mul3A_1289 = arith.mulf %get3A_1286, %mul3A_1288 : vector<16xf32>
      %swap3A_1290 = arith.constant 8 : i32
      %swap3A_1291 = arith.index_cast %swap3A_1290 : i32 to index
      %swap3A_1292 = arith.constant 48 : index
      %swap3A_1293 = tpu.vector_load %arg7[%swap3A_1291, %swap3A_1292] {strides = array<i32>} : memref<22x128xf32, #tpu.memory_space<vmem>>, vector<1x16xf32>,
      %swap3A_1294 = vector.shape_cast %swap3A_1293 : vector<1x16xf32> to vector<16xf32>
      %swap3A_1295 = vector.shape_cast %mul3A_1289 : vector<16xf32> to vector<1x16xf32>
      tpu.vector_store %arg7[%swap3A_1291, %swap3A_1292], %swap3A_1295 {strides = array<i32>} : memref<22x128xf32, #tpu.memory_space<vmem>>, vector<1x16xf32>,
      %get3A_1296 = arith.constant 8 : i32
      %get3A_1297 = arith.index_cast %get3A_1296 : i32 to index
      %get3A_1298 = arith.constant 64 : index
      %get3A_1299 = tpu.vector_load %arg7[%get3A_1297, %get3A_1298] {strides = array<i32>} : memref<22x128xf32, #tpu.memory_space<vmem>>, vector<1x16xf32>,
      %get3A_1300 = vector.shape_cast %get3A_1299 : vector<1x16xf32> to vector<16xf32>
      %mul3A_1301 = arith.constant 11.3137083 : f32
      %mul3A_1302 = vector.broadcast %mul3A_1301 : f32 to vector<16xf32>
      %mul3A_1303 = arith.mulf %get3A_1300, %mul3A_1302 : vector<16xf32>
      %swap3A_1304 = arith.constant 8 : i32
      %swap3A_1305 = arith.index_cast %swap3A_1304 : i32 to index
      %swap3A_1306 = arith.constant 64 : index
      %swap3A_1307 = tpu.vector_load %arg7[%swap3A_1305, %swap3A_1306] {strides = array<i32>} : memref<22x128xf32, #tpu.memory_space<vmem>>, vector<1x16xf32>,
      %swap3A_1308 = vector.shape_cast %swap3A_1307 : vector<1x16xf32> to vector<16xf32>
      %swap3A_1309 = vector.shape_cast %mul3A_1303 : vector<16xf32> to vector<1x16xf32>
      tpu.vector_store %arg7[%swap3A_1305, %swap3A_1306], %swap3A_1309 {strides = array<i32>} : memref<22x128xf32, #tpu.memory_space<vmem>>, vector<1x16xf32>,
      %get3A_1310 = arith.constant 8 : i32
      %get3A_1311 = arith.index_cast %get3A_1310 : i32 to index
      %get3A_1312 = arith.constant 80 : index
      %get3A_1313 = tpu.vector_load %arg7[%get3A_1311, %get3A_1312] {strides = array<i32>} : memref<22x128xf32, #tpu.memory_space<vmem>>, vector<1x16xf32>,
      %get3A_1314 = vector.shape_cast %get3A_1313 : vector<1x16xf32> to vector<16xf32>
      %mul3A_1315 = arith.constant 11.3137083 : f32
      %mul3A_1316 = vector.broadcast %mul3A_1315 : f32 to vector<16xf32>
      %mul3A_1317 = arith.mulf %get3A_1314, %mul3A_1316 : vector<16xf32>
      %swap3A_1318 = arith.constant 8 : i32
      %swap3A_1319 = arith.index_cast %swap3A_1318 : i32 to index
      %swap3A_1320 = arith.constant 80 : index
      %swap3A_1321 = tpu.vector_load %arg7[%swap3A_1319, %swap3A_1320] {strides = array<i32>} : memref<22x128xf32, #tpu.memory_space<vmem>>, vector<1x16xf32>,
      %swap3A_1322 = vector.shape_cast %swap3A_1321 : vector<1x16xf32> to vector<16xf32>
      %swap3A_1323 = vector.shape_cast %mul3A_1317 : vector<16xf32> to vector<1x16xf32>
      tpu.vector_store %arg7[%swap3A_1319, %swap3A_1320], %swap3A_1323 {strides = array<i32>} : memref<22x128xf32, #tpu.memory_space<vmem>>, vector<1x16xf32>,
      %get3A_1324 = arith.constant 8 : i32
      %get3A_1325 = arith.index_cast %get3A_1324 : i32 to index
      %get3A_1326 = arith.constant 96 : index
      %get3A_1327 = tpu.vector_load %arg7[%get3A_1325, %get3A_1326] {strides = array<i32>} : memref<22x128xf32, #tpu.memory_space<vmem>>, vector<1x16xf32>,
      %get3A_1328 = vector.shape_cast %get3A_1327 : vector<1x16xf32> to vector<16xf32>
      %mul3A_1329 = arith.constant 11.3137083 : f32
      %mul3A_1330 = vector.broadcast %mul3A_1329 : f32 to vector<16xf32>
      %mul3A_1331 = arith.mulf %get3A_1328, %mul3A_1330 : vector<16xf32>
      %swap3A_1332 = arith.constant 8 : i32
      %swap3A_1333 = arith.index_cast %swap3A_1332 : i32 to index
      %swap3A_1334 = arith.constant 96 : index
      %swap3A_1335 = tpu.vector_load %arg7[%swap3A_1333, %swap3A_1334] {strides = array<i32>} : memref<22x128xf32, #tpu.memory_space<vmem>>, vector<1x16xf32>,
      %swap3A_1336 = vector.shape_cast %swap3A_1335 : vector<1x16xf32> to vector<16xf32>
      %swap3A_1337 = vector.shape_cast %mul3A_1331 : vector<16xf32> to vector<1x16xf32>
      tpu.vector_store %arg7[%swap3A_1333, %swap3A_1334], %swap3A_1337 {strides = array<i32>} : memref<22x128xf32, #tpu.memory_space<vmem>>, vector<1x16xf32>,
      %get3A_1338 = arith.constant 8 : i32
      %get3A_1339 = arith.index_cast %get3A_1338 : i32 to index
      %get3A_1340 = arith.constant 112 : index
      %get3A_1341 = tpu.vector_load %arg7[%get3A_1339, %get3A_1340] {strides = array<i32>} : memref<22x128xf32, #tpu.memory_space<vmem>>, vector<1x16xf32>,
      %get3A_1342 = vector.shape_cast %get3A_1341 : vector<1x16xf32> to vector<16xf32>
      %mul3A_1343 = arith.constant 11.3137083 : f32
      %mul3A_1344 = vector.broadcast %mul3A_1343 : f32 to vector<16xf32>
      %mul3A_1345 = arith.mulf %get3A_1342, %mul3A_1344 : vector<16xf32>
      %swap3A_1346 = arith.constant 8 : i32
      %swap3A_1347 = arith.index_cast %swap3A_1346 : i32 to index
      %swap3A_1348 = arith.constant 112 : index
      %swap3A_1349 = tpu.vector_load %arg7[%swap3A_1347, %swap3A_1348] {strides = array<i32>} : memref<22x128xf32, #tpu.memory_space<vmem>>, vector<1x16xf32>,
      %swap3A_1350 = vector.shape_cast %swap3A_1349 : vector<1x16xf32> to vector<16xf32>
      %swap3A_1351 = vector.shape_cast %mul3A_1345 : vector<16xf32> to vector<1x16xf32>
      tpu.vector_store %arg7[%swap3A_1347, %swap3A_1348], %swap3A_1351 {strides = array<i32>} : memref<22x128xf32, #tpu.memory_space<vmem>>, vector<1x16xf32>,
      %get3A_1352 = arith.constant 9 : i32
      %get3A_1353 = arith.index_cast %get3A_1352 : i32 to index
      %get3A_1354 = arith.constant 0 : index
      %get3A_1355 = tpu.vector_load %arg7[%get3A_1353, %get3A_1354] {strides = array<i32>} : memref<22x128xf32, #tpu.memory_space<vmem>>, vector<1x16xf32>,
      %get3A_1356 = vector.shape_cast %get3A_1355 : vector<1x16xf32> to vector<16xf32>
      %mul3A_1357 = arith.constant 11.3137083 : f32
      %mul3A_1358 = vector.broadcast %mul3A_1357 : f32 to vector<16xf32>
      %mul3A_1359 = arith.mulf %get3A_1356, %mul3A_1358 : vector<16xf32>
      %swap3A_1360 = arith.constant 9 : i32
      %swap3A_1361 = arith.index_cast %swap3A_1360 : i32 to index
      %swap3A_1362 = arith.constant 0 : index
      %swap3A_1363 = tpu.vector_load %arg7[%swap3A_1361, %swap3A_1362] {strides = array<i32>} : memref<22x128xf32, #tpu.memory_space<vmem>>, vector<1x16xf32>,
      %swap3A_1364 = vector.shape_cast %swap3A_1363 : vector<1x16xf32> to vector<16xf32>
      %swap3A_1365 = vector.shape_cast %mul3A_1359 : vector<16xf32> to vector<1x16xf32>
      tpu.vector_store %arg7[%swap3A_1361, %swap3A_1362], %swap3A_1365 {strides = array<i32>} : memref<22x128xf32, #tpu.memory_space<vmem>>, vector<1x16xf32>,
      %get3A_1366 = arith.constant 9 : i32
      %get3A_1367 = arith.index_cast %get3A_1366 : i32 to index
      %get3A_1368 = arith.constant 16 : index
      %get3A_1369 = tpu.vector_load %arg7[%get3A_1367, %get3A_1368] {strides = array<i32>} : memref<22x128xf32, #tpu.memory_space<vmem>>, vector<1x16xf32>,
      %get3A_1370 = vector.shape_cast %get3A_1369 : vector<1x16xf32> to vector<16xf32>
      %mul3A_1371 = arith.constant 11.3137083 : f32
      %mul3A_1372 = vector.broadcast %mul3A_1371 : f32 to vector<16xf32>
      %mul3A_1373 = arith.mulf %get3A_1370, %mul3A_1372 : vector<16xf32>
      %swap3A_1374 = arith.constant 9 : i32
      %swap3A_1375 = arith.index_cast %swap3A_1374 : i32 to index
      %swap3A_1376 = arith.constant 16 : index
      %swap3A_1377 = tpu.vector_load %arg7[%swap3A_1375, %swap3A_1376] {strides = array<i32>} : memref<22x128xf32, #tpu.memory_space<vmem>>, vector<1x16xf32>,
      %swap3A_1378 = vector.shape_cast %swap3A_1377 : vector<1x16xf32> to vector<16xf32>
      %swap3A_1379 = vector.shape_cast %mul3A_1373 : vector<16xf32> to vector<1x16xf32>
      tpu.vector_store %arg7[%swap3A_1375, %swap3A_1376], %swap3A_1379 {strides = array<i32>} : memref<22x128xf32, #tpu.memory_space<vmem>>, vector<1x16xf32>,
      %get3A_1380 = arith.constant 9 : i32
      %get3A_1381 = arith.index_cast %get3A_1380 : i32 to index
      %get3A_1382 = arith.constant 32 : index
      %get3A_1383 = tpu.vector_load %arg7[%get3A_1381, %get3A_1382] {strides = array<i32>} : memref<22x128xf32, #tpu.memory_space<vmem>>, vector<1x16xf32>,
      %get3A_1384 = vector.shape_cast %get3A_1383 : vector<1x16xf32> to vector<16xf32>
      %mul3A_1385 = arith.constant 11.3137083 : f32
      %mul3A_1386 = vector.broadcast %mul3A_1385 : f32 to vector<16xf32>
      %mul3A_1387 = arith.mulf %get3A_1384, %mul3A_1386 : vector<16xf32>
      %swap3A_1388 = arith.constant 9 : i32
      %swap3A_1389 = arith.index_cast %swap3A_1388 : i32 to index
      %swap3A_1390 = arith.constant 32 : index
      %swap3A_1391 = tpu.vector_load %arg7[%swap3A_1389, %swap3A_1390] {strides = array<i32>} : memref<22x128xf32, #tpu.memory_space<vmem>>, vector<1x16xf32>,
      %swap3A_1392 = vector.shape_cast %swap3A_1391 : vector<1x16xf32> to vector<16xf32>
      %swap3A_1393 = vector.shape_cast %mul3A_1387 : vector<16xf32> to vector<1x16xf32>
      tpu.vector_store %arg7[%swap3A_1389, %swap3A_1390], %swap3A_1393 {strides = array<i32>} : memref<22x128xf32, #tpu.memory_space<vmem>>, vector<1x16xf32>,
      %get3A_1394 = arith.constant 9 : i32
      %get3A_1395 = arith.index_cast %get3A_1394 : i32 to index
      %get3A_1396 = arith.constant 48 : index
      %get3A_1397 = tpu.vector_load %arg7[%get3A_1395, %get3A_1396] {strides = array<i32>} : memref<22x128xf32, #tpu.memory_space<vmem>>, vector<1x16xf32>,
      %get3A_1398 = vector.shape_cast %get3A_1397 : vector<1x16xf32> to vector<16xf32>
      %mul3A_1399 = arith.constant 11.3137083 : f32
      %mul3A_1400 = vector.broadcast %mul3A_1399 : f32 to vector<16xf32>
      %mul3A_1401 = arith.mulf %get3A_1398, %mul3A_1400 : vector<16xf32>
      %swap3A_1402 = arith.constant 9 : i32
      %swap3A_1403 = arith.index_cast %swap3A_1402 : i32 to index
      %swap3A_1404 = arith.constant 48 : index
      %swap3A_1405 = tpu.vector_load %arg7[%swap3A_1403, %swap3A_1404] {strides = array<i32>} : memref<22x128xf32, #tpu.memory_space<vmem>>, vector<1x16xf32>,
      %swap3A_1406 = vector.shape_cast %swap3A_1405 : vector<1x16xf32> to vector<16xf32>
      %swap3A_1407 = vector.shape_cast %mul3A_1401 : vector<16xf32> to vector<1x16xf32>
      tpu.vector_store %arg7[%swap3A_1403, %swap3A_1404], %swap3A_1407 {strides = array<i32>} : memref<22x128xf32, #tpu.memory_space<vmem>>, vector<1x16xf32>,
      %get3A_1408 = arith.constant 9 : i32
      %get3A_1409 = arith.index_cast %get3A_1408 : i32 to index
      %get3A_1410 = arith.constant 64 : index
      %get3A_1411 = tpu.vector_load %arg7[%get3A_1409, %get3A_1410] {strides = array<i32>} : memref<22x128xf32, #tpu.memory_space<vmem>>, vector<1x16xf32>,
      %get3A_1412 = vector.shape_cast %get3A_1411 : vector<1x16xf32> to vector<16xf32>
      %mul3A_1413 = arith.constant 11.3137083 : f32
      %mul3A_1414 = vector.broadcast %mul3A_1413 : f32 to vector<16xf32>
      %mul3A_1415 = arith.mulf %get3A_1412, %mul3A_1414 : vector<16xf32>
      %swap3A_1416 = arith.constant 9 : i32
      %swap3A_1417 = arith.index_cast %swap3A_1416 : i32 to index
      %swap3A_1418 = arith.constant 64 : index
      %swap3A_1419 = tpu.vector_load %arg7[%swap3A_1417, %swap3A_1418] {strides = array<i32>} : memref<22x128xf32, #tpu.memory_space<vmem>>, vector<1x16xf32>,
      %swap3A_1420 = vector.shape_cast %swap3A_1419 : vector<1x16xf32> to vector<16xf32>
      %swap3A_1421 = vector.shape_cast %mul3A_1415 : vector<16xf32> to vector<1x16xf32>
      tpu.vector_store %arg7[%swap3A_1417, %swap3A_1418], %swap3A_1421 {strides = array<i32>} : memref<22x128xf32, #tpu.memory_space<vmem>>, vector<1x16xf32>,
      %get3A_1422 = arith.constant 9 : i32
      %get3A_1423 = arith.index_cast %get3A_1422 : i32 to index
      %get3A_1424 = arith.constant 80 : index
      %get3A_1425 = tpu.vector_load %arg7[%get3A_1423, %get3A_1424] {strides = array<i32>} : memref<22x128xf32, #tpu.memory_space<vmem>>, vector<1x16xf32>,
      %get3A_1426 = vector.shape_cast %get3A_1425 : vector<1x16xf32> to vector<16xf32>
      %mul3A_1427 = arith.constant 11.3137083 : f32
      %mul3A_1428 = vector.broadcast %mul3A_1427 : f32 to vector<16xf32>
      %mul3A_1429 = arith.mulf %get3A_1426, %mul3A_1428 : vector<16xf32>
      %swap3A_1430 = arith.constant 9 : i32
      %swap3A_1431 = arith.index_cast %swap3A_1430 : i32 to index
      %swap3A_1432 = arith.constant 80 : index
      %swap3A_1433 = tpu.vector_load %arg7[%swap3A_1431, %swap3A_1432] {strides = array<i32>} : memref<22x128xf32, #tpu.memory_space<vmem>>, vector<1x16xf32>,
      %swap3A_1434 = vector.shape_cast %swap3A_1433 : vector<1x16xf32> to vector<16xf32>
      %swap3A_1435 = vector.shape_cast %mul3A_1429 : vector<16xf32> to vector<1x16xf32>
      tpu.vector_store %arg7[%swap3A_1431, %swap3A_1432], %swap3A_1435 {strides = array<i32>} : memref<22x128xf32, #tpu.memory_space<vmem>>, vector<1x16xf32>,
      %get3A_1436 = arith.constant 9 : i32
      %get3A_1437 = arith.index_cast %get3A_1436 : i32 to index
      %get3A_1438 = arith.constant 96 : index
      %get3A_1439 = tpu.vector_load %arg7[%get3A_1437, %get3A_1438] {strides = array<i32>} : memref<22x128xf32, #tpu.memory_space<vmem>>, vector<1x16xf32>,
      %get3A_1440 = vector.shape_cast %get3A_1439 : vector<1x16xf32> to vector<16xf32>
      %mul3A_1441 = arith.constant 11.3137083 : f32
      %mul3A_1442 = vector.broadcast %mul3A_1441 : f32 to vector<16xf32>
      %mul3A_1443 = arith.mulf %get3A_1440, %mul3A_1442 : vector<16xf32>
      %swap3A_1444 = arith.constant 9 : i32
      %swap3A_1445 = arith.index_cast %swap3A_1444 : i32 to index
      %swap3A_1446 = arith.constant 96 : index
      %swap3A_1447 = tpu.vector_load %arg7[%swap3A_1445, %swap3A_1446] {strides = array<i32>} : memref<22x128xf32, #tpu.memory_space<vmem>>, vector<1x16xf32>,
      %swap3A_1448 = vector.shape_cast %swap3A_1447 : vector<1x16xf32> to vector<16xf32>
      %swap3A_1449 = vector.shape_cast %mul3A_1443 : vector<16xf32> to vector<1x16xf32>
      tpu.vector_store %arg7[%swap3A_1445, %swap3A_1446], %swap3A_1449 {strides = array<i32>} : memref<22x128xf32, #tpu.memory_space<vmem>>, vector<1x16xf32>,
      %get3A_1450 = arith.constant 9 : i32
      %get3A_1451 = arith.index_cast %get3A_1450 : i32 to index
      %get3A_1452 = arith.constant 112 : index
      %get3A_1453 = tpu.vector_load %arg7[%get3A_1451, %get3A_1452] {strides = array<i32>} : memref<22x128xf32, #tpu.memory_space<vmem>>, vector<1x16xf32>,
      %get3A_1454 = vector.shape_cast %get3A_1453 : vector<1x16xf32> to vector<16xf32>
      %mul3A_1455 = arith.constant 11.3137083 : f32
      %mul3A_1456 = vector.broadcast %mul3A_1455 : f32 to vector<16xf32>
      %mul3A_1457 = arith.mulf %get3A_1454, %mul3A_1456 : vector<16xf32>
      %swap3A_1458 = arith.constant 9 : i32
      %swap3A_1459 = arith.index_cast %swap3A_1458 : i32 to index
      %swap3A_1460 = arith.constant 112 : index
      %swap3A_1461 = tpu.vector_load %arg7[%swap3A_1459, %swap3A_1460] {strides = array<i32>} : memref<22x128xf32, #tpu.memory_space<vmem>>, vector<1x16xf32>,
      %swap3A_1462 = vector.shape_cast %swap3A_1461 : vector<1x16xf32> to vector<16xf32>
      %swap3A_1463 = vector.shape_cast %mul3A_1457 : vector<16xf32> to vector<1x16xf32>
      tpu.vector_store %arg7[%swap3A_1459, %swap3A_1460], %swap3A_1463 {strides = array<i32>} : memref<22x128xf32, #tpu.memory_space<vmem>>, vector<1x16xf32>,
      %get3A_1464 = arith.constant 10 : i32
      %get3A_1465 = arith.index_cast %get3A_1464 : i32 to index
      %get3A_1466 = arith.constant 0 : index
      %get3A_1467 = tpu.vector_load %arg7[%get3A_1465, %get3A_1466] {strides = array<i32>} : memref<22x128xf32, #tpu.memory_space<vmem>>, vector<1x16xf32>,
      %get3A_1468 = vector.shape_cast %get3A_1467 : vector<1x16xf32> to vector<16xf32>
      %mul3A_1469 = arith.constant 11.3137083 : f32
      %mul3A_1470 = vector.broadcast %mul3A_1469 : f32 to vector<16xf32>
      %mul3A_1471 = arith.mulf %get3A_1468, %mul3A_1470 : vector<16xf32>
      %swap3A_1472 = arith.constant 10 : i32
      %swap3A_1473 = arith.index_cast %swap3A_1472 : i32 to index
      %swap3A_1474 = arith.constant 0 : index
      %swap3A_1475 = tpu.vector_load %arg7[%swap3A_1473, %swap3A_1474] {strides = array<i32>} : memref<22x128xf32, #tpu.memory_space<vmem>>, vector<1x16xf32>,
      %swap3A_1476 = vector.shape_cast %swap3A_1475 : vector<1x16xf32> to vector<16xf32>
      %swap3A_1477 = vector.shape_cast %mul3A_1471 : vector<16xf32> to vector<1x16xf32>
      tpu.vector_store %arg7[%swap3A_1473, %swap3A_1474], %swap3A_1477 {strides = array<i32>} : memref<22x128xf32, #tpu.memory_space<vmem>>, vector<1x16xf32>,
      %get3A_1478 = arith.constant 10 : i32
      %get3A_1479 = arith.index_cast %get3A_1478 : i32 to index
      %get3A_1480 = arith.constant 16 : index
      %get3A_1481 = tpu.vector_load %arg7[%get3A_1479, %get3A_1480] {strides = array<i32>} : memref<22x128xf32, #tpu.memory_space<vmem>>, vector<1x16xf32>,
      %get3A_1482 = vector.shape_cast %get3A_1481 : vector<1x16xf32> to vector<16xf32>
      %mul3A_1483 = arith.constant 11.3137083 : f32
      %mul3A_1484 = vector.broadcast %mul3A_1483 : f32 to vector<16xf32>
      %mul3A_1485 = arith.mulf %get3A_1482, %mul3A_1484 : vector<16xf32>
      %swap3A_1486 = arith.constant 10 : i32
      %swap3A_1487 = arith.index_cast %swap3A_1486 : i32 to index
      %swap3A_1488 = arith.constant 16 : index
      %swap3A_1489 = tpu.vector_load %arg7[%swap3A_1487, %swap3A_1488] {strides = array<i32>} : memref<22x128xf32, #tpu.memory_space<vmem>>, vector<1x16xf32>,
      %swap3A_1490 = vector.shape_cast %swap3A_1489 : vector<1x16xf32> to vector<16xf32>
      %swap3A_1491 = vector.shape_cast %mul3A_1485 : vector<16xf32> to vector<1x16xf32>
      tpu.vector_store %arg7[%swap3A_1487, %swap3A_1488], %swap3A_1491 {strides = array<i32>} : memref<22x128xf32, #tpu.memory_space<vmem>>, vector<1x16xf32>,
      %get3A_1492 = arith.constant 10 : i32
      %get3A_1493 = arith.index_cast %get3A_1492 : i32 to index
      %get3A_1494 = arith.constant 32 : index
      %get3A_1495 = tpu.vector_load %arg7[%get3A_1493, %get3A_1494] {strides = array<i32>} : memref<22x128xf32, #tpu.memory_space<vmem>>, vector<1x16xf32>,
      %get3A_1496 = vector.shape_cast %get3A_1495 : vector<1x16xf32> to vector<16xf32>
      %mul3A_1497 = arith.constant 11.3137083 : f32
      %mul3A_1498 = vector.broadcast %mul3A_1497 : f32 to vector<16xf32>
      %mul3A_1499 = arith.mulf %get3A_1496, %mul3A_1498 : vector<16xf32>
      %swap3A_1500 = arith.constant 10 : i32
      %swap3A_1501 = arith.index_cast %swap3A_1500 : i32 to index
      %swap3A_1502 = arith.constant 32 : index
      %swap3A_1503 = tpu.vector_load %arg7[%swap3A_1501, %swap3A_1502] {strides = array<i32>} : memref<22x128xf32, #tpu.memory_space<vmem>>, vector<1x16xf32>,
      %swap3A_1504 = vector.shape_cast %swap3A_1503 : vector<1x16xf32> to vector<16xf32>
      %swap3A_1505 = vector.shape_cast %mul3A_1499 : vector<16xf32> to vector<1x16xf32>
      tpu.vector_store %arg7[%swap3A_1501, %swap3A_1502], %swap3A_1505 {strides = array<i32>} : memref<22x128xf32, #tpu.memory_space<vmem>>, vector<1x16xf32>,
      %get3A_1506 = arith.constant 10 : i32
      %get3A_1507 = arith.index_cast %get3A_1506 : i32 to index
      %get3A_1508 = arith.constant 48 : index
      %get3A_1509 = tpu.vector_load %arg7[%get3A_1507, %get3A_1508] {strides = array<i32>} : memref<22x128xf32, #tpu.memory_space<vmem>>, vector<1x16xf32>,
      %get3A_1510 = vector.shape_cast %get3A_1509 : vector<1x16xf32> to vector<16xf32>
      %mul3A_1511 = arith.constant 11.3137083 : f32
      %mul3A_1512 = vector.broadcast %mul3A_1511 : f32 to vector<16xf32>
      %mul3A_1513 = arith.mulf %get3A_1510, %mul3A_1512 : vector<16xf32>
      %swap3A_1514 = arith.constant 10 : i32
      %swap3A_1515 = arith.index_cast %swap3A_1514 : i32 to index
      %swap3A_1516 = arith.constant 48 : index
      %swap3A_1517 = tpu.vector_load %arg7[%swap3A_1515, %swap3A_1516] {strides = array<i32>} : memref<22x128xf32, #tpu.memory_space<vmem>>, vector<1x16xf32>,
      %swap3A_1518 = vector.shape_cast %swap3A_1517 : vector<1x16xf32> to vector<16xf32>
      %swap3A_1519 = vector.shape_cast %mul3A_1513 : vector<16xf32> to vector<1x16xf32>
      tpu.vector_store %arg7[%swap3A_1515, %swap3A_1516], %swap3A_1519 {strides = array<i32>} : memref<22x128xf32, #tpu.memory_space<vmem>>, vector<1x16xf32>,
      %get3A_1520 = arith.constant 10 : i32
      %get3A_1521 = arith.index_cast %get3A_1520 : i32 to index
      %get3A_1522 = arith.constant 64 : index
      %get3A_1523 = tpu.vector_load %arg7[%get3A_1521, %get3A_1522] {strides = array<i32>} : memref<22x128xf32, #tpu.memory_space<vmem>>, vector<1x16xf32>,
      %get3A_1524 = vector.shape_cast %get3A_1523 : vector<1x16xf32> to vector<16xf32>
      %mul3A_1525 = arith.constant 11.3137083 : f32
      %mul3A_1526 = vector.broadcast %mul3A_1525 : f32 to vector<16xf32>
      %mul3A_1527 = arith.mulf %get3A_1524, %mul3A_1526 : vector<16xf32>
      %swap3A_1528 = arith.constant 10 : i32
      %swap3A_1529 = arith.index_cast %swap3A_1528 : i32 to index
      %swap3A_1530 = arith.constant 64 : index
      %swap3A_1531 = tpu.vector_load %arg7[%swap3A_1529, %swap3A_1530] {strides = array<i32>} : memref<22x128xf32, #tpu.memory_space<vmem>>, vector<1x16xf32>,
      %swap3A_1532 = vector.shape_cast %swap3A_1531 : vector<1x16xf32> to vector<16xf32>
      %swap3A_1533 = vector.shape_cast %mul3A_1527 : vector<16xf32> to vector<1x16xf32>
      tpu.vector_store %arg7[%swap3A_1529, %swap3A_1530], %swap3A_1533 {strides = array<i32>} : memref<22x128xf32, #tpu.memory_space<vmem>>, vector<1x16xf32>,
      %get3A_1534 = arith.constant 10 : i32
      %get3A_1535 = arith.index_cast %get3A_1534 : i32 to index
      %get3A_1536 = arith.constant 80 : index
      %get3A_1537 = tpu.vector_load %arg7[%get3A_1535, %get3A_1536] {strides = array<i32>} : memref<22x128xf32, #tpu.memory_space<vmem>>, vector<1x16xf32>,
      %get3A_1538 = vector.shape_cast %get3A_1537 : vector<1x16xf32> to vector<16xf32>
      %mul3A_1539 = arith.constant 11.3137083 : f32
      %mul3A_1540 = vector.broadcast %mul3A_1539 : f32 to vector<16xf32>
      %mul3A_1541 = arith.mulf %get3A_1538, %mul3A_1540 : vector<16xf32>
      %swap3A_1542 = arith.constant 10 : i32
      %swap3A_1543 = arith.index_cast %swap3A_1542 : i32 to index
      %swap3A_1544 = arith.constant 80 : index
      %swap3A_1545 = tpu.vector_load %arg7[%swap3A_1543, %swap3A_1544] {strides = array<i32>} : memref<22x128xf32, #tpu.memory_space<vmem>>, vector<1x16xf32>,
      %swap3A_1546 = vector.shape_cast %swap3A_1545 : vector<1x16xf32> to vector<16xf32>
      %swap3A_1547 = vector.shape_cast %mul3A_1541 : vector<16xf32> to vector<1x16xf32>
      tpu.vector_store %arg7[%swap3A_1543, %swap3A_1544], %swap3A_1547 {strides = array<i32>} : memref<22x128xf32, #tpu.memory_space<vmem>>, vector<1x16xf32>,
      %get3A_1548 = arith.constant 10 : i32
      %get3A_1549 = arith.index_cast %get3A_1548 : i32 to index
      %get3A_1550 = arith.constant 96 : index
      %get3A_1551 = tpu.vector_load %arg7[%get3A_1549, %get3A_1550] {strides = array<i32>} : memref<22x128xf32, #tpu.memory_space<vmem>>, vector<1x16xf32>,
      %get3A_1552 = vector.shape_cast %get3A_1551 : vector<1x16xf32> to vector<16xf32>
      %mul3A_1553 = arith.constant 11.3137083 : f32
      %mul3A_1554 = vector.broadcast %mul3A_1553 : f32 to vector<16xf32>
      %mul3A_1555 = arith.mulf %get3A_1552, %mul3A_1554 : vector<16xf32>
      %swap3A_1556 = arith.constant 10 : i32
      %swap3A_1557 = arith.index_cast %swap3A_1556 : i32 to index
      %swap3A_1558 = arith.constant 96 : index
      %swap3A_1559 = tpu.vector_load %arg7[%swap3A_1557, %swap3A_1558] {strides = array<i32>} : memref<22x128xf32, #tpu.memory_space<vmem>>, vector<1x16xf32>,
      %swap3A_1560 = vector.shape_cast %swap3A_1559 : vector<1x16xf32> to vector<16xf32>
      %swap3A_1561 = vector.shape_cast %mul3A_1555 : vector<16xf32> to vector<1x16xf32>
      tpu.vector_store %arg7[%swap3A_1557, %swap3A_1558], %swap3A_1561 {strides = array<i32>} : memref<22x128xf32, #tpu.memory_space<vmem>>, vector<1x16xf32>,
      %get3A_1562 = arith.constant 10 : i32
      %get3A_1563 = arith.index_cast %get3A_1562 : i32 to index
      %get3A_1564 = arith.constant 112 : index
      %get3A_1565 = tpu.vector_load %arg7[%get3A_1563, %get3A_1564] {strides = array<i32>} : memref<22x128xf32, #tpu.memory_space<vmem>>, vector<1x16xf32>,
      %get3A_1566 = vector.shape_cast %get3A_1565 : vector<1x16xf32> to vector<16xf32>
      %mul3A_1567 = arith.constant 11.3137083 : f32
      %mul3A_1568 = vector.broadcast %mul3A_1567 : f32 to vector<16xf32>
      %mul3A_1569 = arith.mulf %get3A_1566, %mul3A_1568 : vector<16xf32>
      %swap3A_1570 = arith.constant 10 : i32
      %swap3A_1571 = arith.index_cast %swap3A_1570 : i32 to index
      %swap3A_1572 = arith.constant 112 : index
      %swap3A_1573 = tpu.vector_load %arg7[%swap3A_1571, %swap3A_1572] {strides = array<i32>} : memref<22x128xf32, #tpu.memory_space<vmem>>, vector<1x16xf32>,
      %swap3A_1574 = vector.shape_cast %swap3A_1573 : vector<1x16xf32> to vector<16xf32>
      %swap3A_1575 = vector.shape_cast %mul3A_1569 : vector<16xf32> to vector<1x16xf32>
      tpu.vector_store %arg7[%swap3A_1571, %swap3A_1572], %swap3A_1575 {strides = array<i32>} : memref<22x128xf32, #tpu.memory_space<vmem>>, vector<1x16xf32>,
      %get3A_1576 = arith.constant 11 : i32
      %get3A_1577 = arith.index_cast %get3A_1576 : i32 to index
      %get3A_1578 = arith.constant 0 : index
      %get3A_1579 = tpu.vector_load %arg7[%get3A_1577, %get3A_1578] {strides = array<i32>} : memref<22x128xf32, #tpu.memory_space<vmem>>, vector<1x16xf32>,
      %get3A_1580 = vector.shape_cast %get3A_1579 : vector<1x16xf32> to vector<16xf32>
      %mul3A_1581 = arith.constant 11.3137083 : f32
      %mul3A_1582 = vector.broadcast %mul3A_1581 : f32 to vector<16xf32>
      %mul3A_1583 = arith.mulf %get3A_1580, %mul3A_1582 : vector<16xf32>
      %swap3A_1584 = arith.constant 11 : i32
      %swap3A_1585 = arith.index_cast %swap3A_1584 : i32 to index
      %swap3A_1586 = arith.constant 0 : index
      %swap3A_1587 = tpu.vector_load %arg7[%swap3A_1585, %swap3A_1586] {strides = array<i32>} : memref<22x128xf32, #tpu.memory_space<vmem>>, vector<1x16xf32>,
      %swap3A_1588 = vector.shape_cast %swap3A_1587 : vector<1x16xf32> to vector<16xf32>
      %swap3A_1589 = vector.shape_cast %mul3A_1583 : vector<16xf32> to vector<1x16xf32>
      tpu.vector_store %arg7[%swap3A_1585, %swap3A_1586], %swap3A_1589 {strides = array<i32>} : memref<22x128xf32, #tpu.memory_space<vmem>>, vector<1x16xf32>,
      %get3A_1590 = arith.constant 11 : i32
      %get3A_1591 = arith.index_cast %get3A_1590 : i32 to index
      %get3A_1592 = arith.constant 16 : index
      %get3A_1593 = tpu.vector_load %arg7[%get3A_1591, %get3A_1592] {strides = array<i32>} : memref<22x128xf32, #tpu.memory_space<vmem>>, vector<1x16xf32>,
      %get3A_1594 = vector.shape_cast %get3A_1593 : vector<1x16xf32> to vector<16xf32>
      %mul3A_1595 = arith.constant 11.3137083 : f32
      %mul3A_1596 = vector.broadcast %mul3A_1595 : f32 to vector<16xf32>
      %mul3A_1597 = arith.mulf %get3A_1594, %mul3A_1596 : vector<16xf32>
      %swap3A_1598 = arith.constant 11 : i32
      %swap3A_1599 = arith.index_cast %swap3A_1598 : i32 to index
      %swap3A_1600 = arith.constant 16 : index
      %swap3A_1601 = tpu.vector_load %arg7[%swap3A_1599, %swap3A_1600] {strides = array<i32>} : memref<22x128xf32, #tpu.memory_space<vmem>>, vector<1x16xf32>,
      %swap3A_1602 = vector.shape_cast %swap3A_1601 : vector<1x16xf32> to vector<16xf32>
      %swap3A_1603 = vector.shape_cast %mul3A_1597 : vector<16xf32> to vector<1x16xf32>
      tpu.vector_store %arg7[%swap3A_1599, %swap3A_1600], %swap3A_1603 {strides = array<i32>} : memref<22x128xf32, #tpu.memory_space<vmem>>, vector<1x16xf32>,
      %get3A_1604 = arith.constant 11 : i32
      %get3A_1605 = arith.index_cast %get3A_1604 : i32 to index
      %get3A_1606 = arith.constant 32 : index
      %get3A_1607 = tpu.vector_load %arg7[%get3A_1605, %get3A_1606] {strides = array<i32>} : memref<22x128xf32, #tpu.memory_space<vmem>>, vector<1x16xf32>,
      %get3A_1608 = vector.shape_cast %get3A_1607 : vector<1x16xf32> to vector<16xf32>
      %mul3A_1609 = arith.constant 11.3137083 : f32
      %mul3A_1610 = vector.broadcast %mul3A_1609 : f32 to vector<16xf32>
      %mul3A_1611 = arith.mulf %get3A_1608, %mul3A_1610 : vector<16xf32>
      %swap3A_1612 = arith.constant 11 : i32
      %swap3A_1613 = arith.index_cast %swap3A_1612 : i32 to index
      %swap3A_1614 = arith.constant 32 : index
      %swap3A_1615 = tpu.vector_load %arg7[%swap3A_1613, %swap3A_1614] {strides = array<i32>} : memref<22x128xf32, #tpu.memory_space<vmem>>, vector<1x16xf32>,
      %swap3A_1616 = vector.shape_cast %swap3A_1615 : vector<1x16xf32> to vector<16xf32>
      %swap3A_1617 = vector.shape_cast %mul3A_1611 : vector<16xf32> to vector<1x16xf32>
      tpu.vector_store %arg7[%swap3A_1613, %swap3A_1614], %swap3A_1617 {strides = array<i32>} : memref<22x128xf32, #tpu.memory_space<vmem>>, vector<1x16xf32>,
      %get3A_1618 = arith.constant 11 : i32
      %get3A_1619 = arith.index_cast %get3A_1618 : i32 to index
      %get3A_1620 = arith.constant 48 : index
      %get3A_1621 = tpu.vector_load %arg7[%get3A_1619, %get3A_1620] {strides = array<i32>} : memref<22x128xf32, #tpu.memory_space<vmem>>, vector<1x16xf32>,
      %get3A_1622 = vector.shape_cast %get3A_1621 : vector<1x16xf32> to vector<16xf32>
      %mul3A_1623 = arith.constant 11.3137083 : f32
      %mul3A_1624 = vector.broadcast %mul3A_1623 : f32 to vector<16xf32>
      %mul3A_1625 = arith.mulf %get3A_1622, %mul3A_1624 : vector<16xf32>
      %swap3A_1626 = arith.constant 11 : i32
      %swap3A_1627 = arith.index_cast %swap3A_1626 : i32 to index
      %swap3A_1628 = arith.constant 48 : index
      %swap3A_1629 = tpu.vector_load %arg7[%swap3A_1627, %swap3A_1628] {strides = array<i32>} : memref<22x128xf32, #tpu.memory_space<vmem>>, vector<1x16xf32>,
      %swap3A_1630 = vector.shape_cast %swap3A_1629 : vector<1x16xf32> to vector<16xf32>
      %swap3A_1631 = vector.shape_cast %mul3A_1625 : vector<16xf32> to vector<1x16xf32>
      tpu.vector_store %arg7[%swap3A_1627, %swap3A_1628], %swap3A_1631 {strides = array<i32>} : memref<22x128xf32, #tpu.memory_space<vmem>>, vector<1x16xf32>,
      %get3A_1632 = arith.constant 11 : i32
      %get3A_1633 = arith.index_cast %get3A_1632 : i32 to index
      %get3A_1634 = arith.constant 64 : index
      %get3A_1635 = tpu.vector_load %arg7[%get3A_1633, %get3A_1634] {strides = array<i32>} : memref<22x128xf32, #tpu.memory_space<vmem>>, vector<1x16xf32>,
      %get3A_1636 = vector.shape_cast %get3A_1635 : vector<1x16xf32> to vector<16xf32>
      %mul3A_1637 = arith.constant 11.3137083 : f32
      %mul3A_1638 = vector.broadcast %mul3A_1637 : f32 to vector<16xf32>
      %mul3A_1639 = arith.mulf %get3A_1636, %mul3A_1638 : vector<16xf32>
      %swap3A_1640 = arith.constant 11 : i32
      %swap3A_1641 = arith.index_cast %swap3A_1640 : i32 to index
      %swap3A_1642 = arith.constant 64 : index
      %swap3A_1643 = tpu.vector_load %arg7[%swap3A_1641, %swap3A_1642] {strides = array<i32>} : memref<22x128xf32, #tpu.memory_space<vmem>>, vector<1x16xf32>,
      %swap3A_1644 = vector.shape_cast %swap3A_1643 : vector<1x16xf32> to vector<16xf32>
      %swap3A_1645 = vector.shape_cast %mul3A_1639 : vector<16xf32> to vector<1x16xf32>
      tpu.vector_store %arg7[%swap3A_1641, %swap3A_1642], %swap3A_1645 {strides = array<i32>} : memref<22x128xf32, #tpu.memory_space<vmem>>, vector<1x16xf32>,
      %get3A_1646 = arith.constant 11 : i32
      %get3A_1647 = arith.index_cast %get3A_1646 : i32 to index
      %get3A_1648 = arith.constant 80 : index
      %get3A_1649 = tpu.vector_load %arg7[%get3A_1647, %get3A_1648] {strides = array<i32>} : memref<22x128xf32, #tpu.memory_space<vmem>>, vector<1x16xf32>,
      %get3A_1650 = vector.shape_cast %get3A_1649 : vector<1x16xf32> to vector<16xf32>
      %mul3A_1651 = arith.constant 11.3137083 : f32
      %mul3A_1652 = vector.broadcast %mul3A_1651 : f32 to vector<16xf32>
      %mul3A_1653 = arith.mulf %get3A_1650, %mul3A_1652 : vector<16xf32>
      %swap3A_1654 = arith.constant 11 : i32
      %swap3A_1655 = arith.index_cast %swap3A_1654 : i32 to index
      %swap3A_1656 = arith.constant 80 : index
      %swap3A_1657 = tpu.vector_load %arg7[%swap3A_1655, %swap3A_1656] {strides = array<i32>} : memref<22x128xf32, #tpu.memory_space<vmem>>, vector<1x16xf32>,
      %swap3A_1658 = vector.shape_cast %swap3A_1657 : vector<1x16xf32> to vector<16xf32>
      %swap3A_1659 = vector.shape_cast %mul3A_1653 : vector<16xf32> to vector<1x16xf32>
      tpu.vector_store %arg7[%swap3A_1655, %swap3A_1656], %swap3A_1659 {strides = array<i32>} : memref<22x128xf32, #tpu.memory_space<vmem>>, vector<1x16xf32>,
      %get3A_1660 = arith.constant 11 : i32
      %get3A_1661 = arith.index_cast %get3A_1660 : i32 to index
      %get3A_1662 = arith.constant 96 : index
      %get3A_1663 = tpu.vector_load %arg7[%get3A_1661, %get3A_1662] {strides = array<i32>} : memref<22x128xf32, #tpu.memory_space<vmem>>, vector<1x16xf32>,
      %get3A_1664 = vector.shape_cast %get3A_1663 : vector<1x16xf32> to vector<16xf32>
      %mul3A_1665 = arith.constant 11.3137083 : f32
      %mul3A_1666 = vector.broadcast %mul3A_1665 : f32 to vector<16xf32>
      %mul3A_1667 = arith.mulf %get3A_1664, %mul3A_1666 : vector<16xf32>
      %swap3A_1668 = arith.constant 11 : i32
      %swap3A_1669 = arith.index_cast %swap3A_1668 : i32 to index
      %swap3A_1670 = arith.constant 96 : index
      %swap3A_1671 = tpu.vector_load %arg7[%swap3A_1669, %swap3A_1670] {strides = array<i32>} : memref<22x128xf32, #tpu.memory_space<vmem>>, vector<1x16xf32>,
      %swap3A_1672 = vector.shape_cast %swap3A_1671 : vector<1x16xf32> to vector<16xf32>
      %swap3A_1673 = vector.shape_cast %mul3A_1667 : vector<16xf32> to vector<1x16xf32>
      tpu.vector_store %arg7[%swap3A_1669, %swap3A_1670], %swap3A_1673 {strides = array<i32>} : memref<22x128xf32, #tpu.memory_space<vmem>>, vector<1x16xf32>,
      %get3A_1674 = arith.constant 11 : i32
      %get3A_1675 = arith.index_cast %get3A_1674 : i32 to index
      %get3A_1676 = arith.constant 112 : index
      %get3A_1677 = tpu.vector_load %arg7[%get3A_1675, %get3A_1676] {strides = array<i32>} : memref<22x128xf32, #tpu.memory_space<vmem>>, vector<1x16xf32>,
      %get3A_1678 = vector.shape_cast %get3A_1677 : vector<1x16xf32> to vector<16xf32>
      %mul3A_1679 = arith.constant 11.3137083 : f32
      %mul3A_1680 = vector.broadcast %mul3A_1679 : f32 to vector<16xf32>
      %mul3A_1681 = arith.mulf %get3A_1678, %mul3A_1680 : vector<16xf32>
      %swap3A_1682 = arith.constant 11 : i32
      %swap3A_1683 = arith.index_cast %swap3A_1682 : i32 to index
      %swap3A_1684 = arith.constant 112 : index
      %swap3A_1685 = tpu.vector_load %arg7[%swap3A_1683, %swap3A_1684] {strides = array<i32>} : memref<22x128xf32, #tpu.memory_space<vmem>>, vector<1x16xf32>,
      %swap3A_1686 = vector.shape_cast %swap3A_1685 : vector<1x16xf32> to vector<16xf32>
      %swap3A_1687 = vector.shape_cast %mul3A_1681 : vector<16xf32> to vector<1x16xf32>
      tpu.vector_store %arg7[%swap3A_1683, %swap3A_1684], %swap3A_1687 {strides = array<i32>} : memref<22x128xf32, #tpu.memory_space<vmem>>, vector<1x16xf32>,
      %get3A_1688 = arith.constant 12 : i32
      %get3A_1689 = arith.index_cast %get3A_1688 : i32 to index
      %get3A_1690 = arith.constant 0 : index
      %get3A_1691 = tpu.vector_load %arg7[%get3A_1689, %get3A_1690] {strides = array<i32>} : memref<22x128xf32, #tpu.memory_space<vmem>>, vector<1x16xf32>,
      %get3A_1692 = vector.shape_cast %get3A_1691 : vector<1x16xf32> to vector<16xf32>
      %mul3A_1693 = arith.constant 11.3137083 : f32
      %mul3A_1694 = vector.broadcast %mul3A_1693 : f32 to vector<16xf32>
      %mul3A_1695 = arith.mulf %get3A_1692, %mul3A_1694 : vector<16xf32>
      %swap3A_1696 = arith.constant 12 : i32
      %swap3A_1697 = arith.index_cast %swap3A_1696 : i32 to index
      %swap3A_1698 = arith.constant 0 : index
      %swap3A_1699 = tpu.vector_load %arg7[%swap3A_1697, %swap3A_1698] {strides = array<i32>} : memref<22x128xf32, #tpu.memory_space<vmem>>, vector<1x16xf32>,
      %swap3A_1700 = vector.shape_cast %swap3A_1699 : vector<1x16xf32> to vector<16xf32>
      %swap3A_1701 = vector.shape_cast %mul3A_1695 : vector<16xf32> to vector<1x16xf32>
      tpu.vector_store %arg7[%swap3A_1697, %swap3A_1698], %swap3A_1701 {strides = array<i32>} : memref<22x128xf32, #tpu.memory_space<vmem>>, vector<1x16xf32>,
      %get3A_1702 = arith.constant 12 : i32
      %get3A_1703 = arith.index_cast %get3A_1702 : i32 to index
      %get3A_1704 = arith.constant 16 : index
      %get3A_1705 = tpu.vector_load %arg7[%get3A_1703, %get3A_1704] {strides = array<i32>} : memref<22x128xf32, #tpu.memory_space<vmem>>, vector<1x16xf32>,
      %get3A_1706 = vector.shape_cast %get3A_1705 : vector<1x16xf32> to vector<16xf32>
      %mul3A_1707 = arith.constant 11.3137083 : f32
      %mul3A_1708 = vector.broadcast %mul3A_1707 : f32 to vector<16xf32>
      %mul3A_1709 = arith.mulf %get3A_1706, %mul3A_1708 : vector<16xf32>
      %swap3A_1710 = arith.constant 12 : i32
      %swap3A_1711 = arith.index_cast %swap3A_1710 : i32 to index
      %swap3A_1712 = arith.constant 16 : index
      %swap3A_1713 = tpu.vector_load %arg7[%swap3A_1711, %swap3A_1712] {strides = array<i32>} : memref<22x128xf32, #tpu.memory_space<vmem>>, vector<1x16xf32>,
      %swap3A_1714 = vector.shape_cast %swap3A_1713 : vector<1x16xf32> to vector<16xf32>
      %swap3A_1715 = vector.shape_cast %mul3A_1709 : vector<16xf32> to vector<1x16xf32>
      tpu.vector_store %arg7[%swap3A_1711, %swap3A_1712], %swap3A_1715 {strides = array<i32>} : memref<22x128xf32, #tpu.memory_space<vmem>>, vector<1x16xf32>,
      %get3A_1716 = arith.constant 12 : i32
      %get3A_1717 = arith.index_cast %get3A_1716 : i32 to index
      %get3A_1718 = arith.constant 32 : index
      %get3A_1719 = tpu.vector_load %arg7[%get3A_1717, %get3A_1718] {strides = array<i32>} : memref<22x128xf32, #tpu.memory_space<vmem>>, vector<1x16xf32>,
      %get3A_1720 = vector.shape_cast %get3A_1719 : vector<1x16xf32> to vector<16xf32>
      %mul3A_1721 = arith.constant 11.3137083 : f32
      %mul3A_1722 = vector.broadcast %mul3A_1721 : f32 to vector<16xf32>
      %mul3A_1723 = arith.mulf %get3A_1720, %mul3A_1722 : vector<16xf32>
      %swap3A_1724 = arith.constant 12 : i32
      %swap3A_1725 = arith.index_cast %swap3A_1724 : i32 to index
      %swap3A_1726 = arith.constant 32 : index
      %swap3A_1727 = tpu.vector_load %arg7[%swap3A_1725, %swap3A_1726] {strides = array<i32>} : memref<22x128xf32, #tpu.memory_space<vmem>>, vector<1x16xf32>,
      %swap3A_1728 = vector.shape_cast %swap3A_1727 : vector<1x16xf32> to vector<16xf32>
      %swap3A_1729 = vector.shape_cast %mul3A_1723 : vector<16xf32> to vector<1x16xf32>
      tpu.vector_store %arg7[%swap3A_1725, %swap3A_1726], %swap3A_1729 {strides = array<i32>} : memref<22x128xf32, #tpu.memory_space<vmem>>, vector<1x16xf32>,
      %get3A_1730 = arith.constant 12 : i32
      %get3A_1731 = arith.index_cast %get3A_1730 : i32 to index
      %get3A_1732 = arith.constant 48 : index
      %get3A_1733 = tpu.vector_load %arg7[%get3A_1731, %get3A_1732] {strides = array<i32>} : memref<22x128xf32, #tpu.memory_space<vmem>>, vector<1x16xf32>,
      %get3A_1734 = vector.shape_cast %get3A_1733 : vector<1x16xf32> to vector<16xf32>
      %mul3A_1735 = arith.constant 11.3137083 : f32
      %mul3A_1736 = vector.broadcast %mul3A_1735 : f32 to vector<16xf32>
      %mul3A_1737 = arith.mulf %get3A_1734, %mul3A_1736 : vector<16xf32>
      %swap3A_1738 = arith.constant 12 : i32
      %swap3A_1739 = arith.index_cast %swap3A_1738 : i32 to index
      %swap3A_1740 = arith.constant 48 : index
      %swap3A_1741 = tpu.vector_load %arg7[%swap3A_1739, %swap3A_1740] {strides = array<i32>} : memref<22x128xf32, #tpu.memory_space<vmem>>, vector<1x16xf32>,
      %swap3A_1742 = vector.shape_cast %swap3A_1741 : vector<1x16xf32> to vector<16xf32>
      %swap3A_1743 = vector.shape_cast %mul3A_1737 : vector<16xf32> to vector<1x16xf32>
      tpu.vector_store %arg7[%swap3A_1739, %swap3A_1740], %swap3A_1743 {strides = array<i32>} : memref<22x128xf32, #tpu.memory_space<vmem>>, vector<1x16xf32>,
      %get3A_1744 = arith.constant 12 : i32
      %get3A_1745 = arith.index_cast %get3A_1744 : i32 to index
      %get3A_1746 = arith.constant 64 : index
      %get3A_1747 = tpu.vector_load %arg7[%get3A_1745, %get3A_1746] {strides = array<i32>} : memref<22x128xf32, #tpu.memory_space<vmem>>, vector<1x16xf32>,
      %get3A_1748 = vector.shape_cast %get3A_1747 : vector<1x16xf32> to vector<16xf32>
      %mul3A_1749 = arith.constant 11.3137083 : f32
      %mul3A_1750 = vector.broadcast %mul3A_1749 : f32 to vector<16xf32>
      %mul3A_1751 = arith.mulf %get3A_1748, %mul3A_1750 : vector<16xf32>
      %swap3A_1752 = arith.constant 12 : i32
      %swap3A_1753 = arith.index_cast %swap3A_1752 : i32 to index
      %swap3A_1754 = arith.constant 64 : index
      %swap3A_1755 = tpu.vector_load %arg7[%swap3A_1753, %swap3A_1754] {strides = array<i32>} : memref<22x128xf32, #tpu.memory_space<vmem>>, vector<1x16xf32>,
      %swap3A_1756 = vector.shape_cast %swap3A_1755 : vector<1x16xf32> to vector<16xf32>
      %swap3A_1757 = vector.shape_cast %mul3A_1751 : vector<16xf32> to vector<1x16xf32>
      tpu.vector_store %arg7[%swap3A_1753, %swap3A_1754], %swap3A_1757 {strides = array<i32>} : memref<22x128xf32, #tpu.memory_space<vmem>>, vector<1x16xf32>,
      %get3A_1758 = arith.constant 12 : i32
      %get3A_1759 = arith.index_cast %get3A_1758 : i32 to index
      %get3A_1760 = arith.constant 80 : index
      %get3A_1761 = tpu.vector_load %arg7[%get3A_1759, %get3A_1760] {strides = array<i32>} : memref<22x128xf32, #tpu.memory_space<vmem>>, vector<1x16xf32>,
      %get3A_1762 = vector.shape_cast %get3A_1761 : vector<1x16xf32> to vector<16xf32>
      %mul3A_1763 = arith.constant 11.3137083 : f32
      %mul3A_1764 = vector.broadcast %mul3A_1763 : f32 to vector<16xf32>
      %mul3A_1765 = arith.mulf %get3A_1762, %mul3A_1764 : vector<16xf32>
      %swap3A_1766 = arith.constant 12 : i32
      %swap3A_1767 = arith.index_cast %swap3A_1766 : i32 to index
      %swap3A_1768 = arith.constant 80 : index
      %swap3A_1769 = tpu.vector_load %arg7[%swap3A_1767, %swap3A_1768] {strides = array<i32>} : memref<22x128xf32, #tpu.memory_space<vmem>>, vector<1x16xf32>,
      %swap3A_1770 = vector.shape_cast %swap3A_1769 : vector<1x16xf32> to vector<16xf32>
      %swap3A_1771 = vector.shape_cast %mul3A_1765 : vector<16xf32> to vector<1x16xf32>
      tpu.vector_store %arg7[%swap3A_1767, %swap3A_1768], %swap3A_1771 {strides = array<i32>} : memref<22x128xf32, #tpu.memory_space<vmem>>, vector<1x16xf32>,
      %get3A_1772 = arith.constant 12 : i32
      %get3A_1773 = arith.index_cast %get3A_1772 : i32 to index
      %get3A_1774 = arith.constant 96 : index
      %get3A_1775 = tpu.vector_load %arg7[%get3A_1773, %get3A_1774] {strides = array<i32>} : memref<22x128xf32, #tpu.memory_space<vmem>>, vector<1x16xf32>,
      %get3A_1776 = vector.shape_cast %get3A_1775 : vector<1x16xf32> to vector<16xf32>
      %mul3A_1777 = arith.constant 11.3137083 : f32
      %mul3A_1778 = vector.broadcast %mul3A_1777 : f32 to vector<16xf32>
      %mul3A_1779 = arith.mulf %get3A_1776, %mul3A_1778 : vector<16xf32>
      %swap3A_1780 = arith.constant 12 : i32
      %swap3A_1781 = arith.index_cast %swap3A_1780 : i32 to index
      %swap3A_1782 = arith.constant 96 : index
      %swap3A_1783 = tpu.vector_load %arg7[%swap3A_1781, %swap3A_1782] {strides = array<i32>} : memref<22x128xf32, #tpu.memory_space<vmem>>, vector<1x16xf32>,
      %swap3A_1784 = vector.shape_cast %swap3A_1783 : vector<1x16xf32> to vector<16xf32>
      %swap3A_1785 = vector.shape_cast %mul3A_1779 : vector<16xf32> to vector<1x16xf32>
      tpu.vector_store %arg7[%swap3A_1781, %swap3A_1782], %swap3A_1785 {strides = array<i32>} : memref<22x128xf32, #tpu.memory_space<vmem>>, vector<1x16xf32>,
      %get3A_1786 = arith.constant 12 : i32
      %get3A_1787 = arith.index_cast %get3A_1786 : i32 to index
      %get3A_1788 = arith.constant 112 : index
      %get3A_1789 = tpu.vector_load %arg7[%get3A_1787, %get3A_1788] {strides = array<i32>} : memref<22x128xf32, #tpu.memory_space<vmem>>, vector<1x16xf32>,
      %get3A_1790 = vector.shape_cast %get3A_1789 : vector<1x16xf32> to vector<16xf32>
      %mul3A_1791 = arith.constant 11.3137083 : f32
      %mul3A_1792 = vector.broadcast %mul3A_1791 : f32 to vector<16xf32>
      %mul3A_1793 = arith.mulf %get3A_1790, %mul3A_1792 : vector<16xf32>
      %swap3A_1794 = arith.constant 12 : i32
      %swap3A_1795 = arith.index_cast %swap3A_1794 : i32 to index
      %swap3A_1796 = arith.constant 112 : index
      %swap3A_1797 = tpu.vector_load %arg7[%swap3A_1795, %swap3A_1796] {strides = array<i32>} : memref<22x128xf32, #tpu.memory_space<vmem>>, vector<1x16xf32>,
      %swap3A_1798 = vector.shape_cast %swap3A_1797 : vector<1x16xf32> to vector<16xf32>
      %swap3A_1799 = vector.shape_cast %mul3A_1793 : vector<16xf32> to vector<1x16xf32>
      tpu.vector_store %arg7[%swap3A_1795, %swap3A_1796], %swap3A_1799 {strides = array<i32>} : memref<22x128xf32, #tpu.memory_space<vmem>>, vector<1x16xf32>,
      %get3A_1800 = arith.constant 13 : i32
      %get3A_1801 = arith.index_cast %get3A_1800 : i32 to index
      %get3A_1802 = arith.constant 0 : index
      %get3A_1803 = tpu.vector_load %arg7[%get3A_1801, %get3A_1802] {strides = array<i32>} : memref<22x128xf32, #tpu.memory_space<vmem>>, vector<1x16xf32>,
      %get3A_1804 = vector.shape_cast %get3A_1803 : vector<1x16xf32> to vector<16xf32>
      %mul3A_1805 = arith.constant 11.3137083 : f32
      %mul3A_1806 = vector.broadcast %mul3A_1805 : f32 to vector<16xf32>
      %mul3A_1807 = arith.mulf %get3A_1804, %mul3A_1806 : vector<16xf32>
      %swap3A_1808 = arith.constant 13 : i32
      %swap3A_1809 = arith.index_cast %swap3A_1808 : i32 to index
      %swap3A_1810 = arith.constant 0 : index
      %swap3A_1811 = tpu.vector_load %arg7[%swap3A_1809, %swap3A_1810] {strides = array<i32>} : memref<22x128xf32, #tpu.memory_space<vmem>>, vector<1x16xf32>,
      %swap3A_1812 = vector.shape_cast %swap3A_1811 : vector<1x16xf32> to vector<16xf32>
      %swap3A_1813 = vector.shape_cast %mul3A_1807 : vector<16xf32> to vector<1x16xf32>
      tpu.vector_store %arg7[%swap3A_1809, %swap3A_1810], %swap3A_1813 {strides = array<i32>} : memref<22x128xf32, #tpu.memory_space<vmem>>, vector<1x16xf32>,
      %get3A_1814 = arith.constant 13 : i32
      %get3A_1815 = arith.index_cast %get3A_1814 : i32 to index
      %get3A_1816 = arith.constant 16 : index
      %get3A_1817 = tpu.vector_load %arg7[%get3A_1815, %get3A_1816] {strides = array<i32>} : memref<22x128xf32, #tpu.memory_space<vmem>>, vector<1x16xf32>,
      %get3A_1818 = vector.shape_cast %get3A_1817 : vector<1x16xf32> to vector<16xf32>
      %mul3A_1819 = arith.constant 11.3137083 : f32
      %mul3A_1820 = vector.broadcast %mul3A_1819 : f32 to vector<16xf32>
      %mul3A_1821 = arith.mulf %get3A_1818, %mul3A_1820 : vector<16xf32>
      %swap3A_1822 = arith.constant 13 : i32
      %swap3A_1823 = arith.index_cast %swap3A_1822 : i32 to index
      %swap3A_1824 = arith.constant 16 : index
      %swap3A_1825 = tpu.vector_load %arg7[%swap3A_1823, %swap3A_1824] {strides = array<i32>} : memref<22x128xf32, #tpu.memory_space<vmem>>, vector<1x16xf32>,
      %swap3A_1826 = vector.shape_cast %swap3A_1825 : vector<1x16xf32> to vector<16xf32>
      %swap3A_1827 = vector.shape_cast %mul3A_1821 : vector<16xf32> to vector<1x16xf32>
      tpu.vector_store %arg7[%swap3A_1823, %swap3A_1824], %swap3A_1827 {strides = array<i32>} : memref<22x128xf32, #tpu.memory_space<vmem>>, vector<1x16xf32>,
      %get3A_1828 = arith.constant 13 : i32
      %get3A_1829 = arith.index_cast %get3A_1828 : i32 to index
      %get3A_1830 = arith.constant 32 : index
      %get3A_1831 = tpu.vector_load %arg7[%get3A_1829, %get3A_1830] {strides = array<i32>} : memref<22x128xf32, #tpu.memory_space<vmem>>, vector<1x16xf32>,
      %get3A_1832 = vector.shape_cast %get3A_1831 : vector<1x16xf32> to vector<16xf32>
      %mul3A_1833 = arith.constant 11.3137083 : f32
      %mul3A_1834 = vector.broadcast %mul3A_1833 : f32 to vector<16xf32>
      %mul3A_1835 = arith.mulf %get3A_1832, %mul3A_1834 : vector<16xf32>
      %swap3A_1836 = arith.constant 13 : i32
      %swap3A_1837 = arith.index_cast %swap3A_1836 : i32 to index
      %swap3A_1838 = arith.constant 32 : index
      %swap3A_1839 = tpu.vector_load %arg7[%swap3A_1837, %swap3A_1838] {strides = array<i32>} : memref<22x128xf32, #tpu.memory_space<vmem>>, vector<1x16xf32>,
      %swap3A_1840 = vector.shape_cast %swap3A_1839 : vector<1x16xf32> to vector<16xf32>
      %swap3A_1841 = vector.shape_cast %mul3A_1835 : vector<16xf32> to vector<1x16xf32>
      tpu.vector_store %arg7[%swap3A_1837, %swap3A_1838], %swap3A_1841 {strides = array<i32>} : memref<22x128xf32, #tpu.memory_space<vmem>>, vector<1x16xf32>,
      %get3A_1842 = arith.constant 13 : i32
      %get3A_1843 = arith.index_cast %get3A_1842 : i32 to index
      %get3A_1844 = arith.constant 48 : index
      %get3A_1845 = tpu.vector_load %arg7[%get3A_1843, %get3A_1844] {strides = array<i32>} : memref<22x128xf32, #tpu.memory_space<vmem>>, vector<1x16xf32>,
      %get3A_1846 = vector.shape_cast %get3A_1845 : vector<1x16xf32> to vector<16xf32>
      %mul3A_1847 = arith.constant 11.3137083 : f32
      %mul3A_1848 = vector.broadcast %mul3A_1847 : f32 to vector<16xf32>
      %mul3A_1849 = arith.mulf %get3A_1846, %mul3A_1848 : vector<16xf32>
      %swap3A_1850 = arith.constant 13 : i32
      %swap3A_1851 = arith.index_cast %swap3A_1850 : i32 to index
      %swap3A_1852 = arith.constant 48 : index
      %swap3A_1853 = tpu.vector_load %arg7[%swap3A_1851, %swap3A_1852] {strides = array<i32>} : memref<22x128xf32, #tpu.memory_space<vmem>>, vector<1x16xf32>,
      %swap3A_1854 = vector.shape_cast %swap3A_1853 : vector<1x16xf32> to vector<16xf32>
      %swap3A_1855 = vector.shape_cast %mul3A_1849 : vector<16xf32> to vector<1x16xf32>
      tpu.vector_store %arg7[%swap3A_1851, %swap3A_1852], %swap3A_1855 {strides = array<i32>} : memref<22x128xf32, #tpu.memory_space<vmem>>, vector<1x16xf32>,
      %get3A_1856 = arith.constant 13 : i32
      %get3A_1857 = arith.index_cast %get3A_1856 : i32 to index
      %get3A_1858 = arith.constant 64 : index
      %get3A_1859 = tpu.vector_load %arg7[%get3A_1857, %get3A_1858] {strides = array<i32>} : memref<22x128xf32, #tpu.memory_space<vmem>>, vector<1x16xf32>,
      %get3A_1860 = vector.shape_cast %get3A_1859 : vector<1x16xf32> to vector<16xf32>
      %mul3A_1861 = arith.constant 11.3137083 : f32
      %mul3A_1862 = vector.broadcast %mul3A_1861 : f32 to vector<16xf32>
      %mul3A_1863 = arith.mulf %get3A_1860, %mul3A_1862 : vector<16xf32>
      %swap3A_1864 = arith.constant 13 : i32
      %swap3A_1865 = arith.index_cast %swap3A_1864 : i32 to index
      %swap3A_1866 = arith.constant 64 : index
      %swap3A_1867 = tpu.vector_load %arg7[%swap3A_1865, %swap3A_1866] {strides = array<i32>} : memref<22x128xf32, #tpu.memory_space<vmem>>, vector<1x16xf32>,
      %swap3A_1868 = vector.shape_cast %swap3A_1867 : vector<1x16xf32> to vector<16xf32>
      %swap3A_1869 = vector.shape_cast %mul3A_1863 : vector<16xf32> to vector<1x16xf32>
      tpu.vector_store %arg7[%swap3A_1865, %swap3A_1866], %swap3A_1869 {strides = array<i32>} : memref<22x128xf32, #tpu.memory_space<vmem>>, vector<1x16xf32>,
      %get3A_1870 = arith.constant 13 : i32
      %get3A_1871 = arith.index_cast %get3A_1870 : i32 to index
      %get3A_1872 = arith.constant 80 : index
      %get3A_1873 = tpu.vector_load %arg7[%get3A_1871, %get3A_1872] {strides = array<i32>} : memref<22x128xf32, #tpu.memory_space<vmem>>, vector<1x16xf32>,
      %get3A_1874 = vector.shape_cast %get3A_1873 : vector<1x16xf32> to vector<16xf32>
      %mul3A_1875 = arith.constant 11.3137083 : f32
      %mul3A_1876 = vector.broadcast %mul3A_1875 : f32 to vector<16xf32>
      %mul3A_1877 = arith.mulf %get3A_1874, %mul3A_1876 : vector<16xf32>
      %swap3A_1878 = arith.constant 13 : i32
      %swap3A_1879 = arith.index_cast %swap3A_1878 : i32 to index
      %swap3A_1880 = arith.constant 80 : index
      %swap3A_1881 = tpu.vector_load %arg7[%swap3A_1879, %swap3A_1880] {strides = array<i32>} : memref<22x128xf32, #tpu.memory_space<vmem>>, vector<1x16xf32>,
      %swap3A_1882 = vector.shape_cast %swap3A_1881 : vector<1x16xf32> to vector<16xf32>
      %swap3A_1883 = vector.shape_cast %mul3A_1877 : vector<16xf32> to vector<1x16xf32>
      tpu.vector_store %arg7[%swap3A_1879, %swap3A_1880], %swap3A_1883 {strides = array<i32>} : memref<22x128xf32, #tpu.memory_space<vmem>>, vector<1x16xf32>,
      %get3A_1884 = arith.constant 13 : i32
      %get3A_1885 = arith.index_cast %get3A_1884 : i32 to index
      %get3A_1886 = arith.constant 96 : index
      %get3A_1887 = tpu.vector_load %arg7[%get3A_1885, %get3A_1886] {strides = array<i32>} : memref<22x128xf32, #tpu.memory_space<vmem>>, vector<1x16xf32>,
      %get3A_1888 = vector.shape_cast %get3A_1887 : vector<1x16xf32> to vector<16xf32>
      %mul3A_1889 = arith.constant 11.3137083 : f32
      %mul3A_1890 = vector.broadcast %mul3A_1889 : f32 to vector<16xf32>
      %mul3A_1891 = arith.mulf %get3A_1888, %mul3A_1890 : vector<16xf32>
      %swap3A_1892 = arith.constant 13 : i32
      %swap3A_1893 = arith.index_cast %swap3A_1892 : i32 to index
      %swap3A_1894 = arith.constant 96 : index
      %swap3A_1895 = tpu.vector_load %arg7[%swap3A_1893, %swap3A_1894] {strides = array<i32>} : memref<22x128xf32, #tpu.memory_space<vmem>>, vector<1x16xf32>,
      %swap3A_1896 = vector.shape_cast %swap3A_1895 : vector<1x16xf32> to vector<16xf32>
      %swap3A_1897 = vector.shape_cast %mul3A_1891 : vector<16xf32> to vector<1x16xf32>
      tpu.vector_store %arg7[%swap3A_1893, %swap3A_1894], %swap3A_1897 {strides = array<i32>} : memref<22x128xf32, #tpu.memory_space<vmem>>, vector<1x16xf32>,
      %get3A_1898 = arith.constant 13 : i32
      %get3A_1899 = arith.index_cast %get3A_1898 : i32 to index
      %get3A_1900 = arith.constant 112 : index
      %get3A_1901 = tpu.vector_load %arg7[%get3A_1899, %get3A_1900] {strides = array<i32>} : memref<22x128xf32, #tpu.memory_space<vmem>>, vector<1x16xf32>,
      %get3A_1902 = vector.shape_cast %get3A_1901 : vector<1x16xf32> to vector<16xf32>
      %mul3A_1903 = arith.constant 11.3137083 : f32
      %mul3A_1904 = vector.broadcast %mul3A_1903 : f32 to vector<16xf32>
      %mul3A_1905 = arith.mulf %get3A_1902, %mul3A_1904 : vector<16xf32>
      %swap3A_1906 = arith.constant 13 : i32
      %swap3A_1907 = arith.index_cast %swap3A_1906 : i32 to index
      %swap3A_1908 = arith.constant 112 : index
      %swap3A_1909 = tpu.vector_load %arg7[%swap3A_1907, %swap3A_1908] {strides = array<i32>} : memref<22x128xf32, #tpu.memory_space<vmem>>, vector<1x16xf32>,
      %swap3A_1910 = vector.shape_cast %swap3A_1909 : vector<1x16xf32> to vector<16xf32>
      %swap3A_1911 = vector.shape_cast %mul3A_1905 : vector<16xf32> to vector<1x16xf32>
      tpu.vector_store %arg7[%swap3A_1907, %swap3A_1908], %swap3A_1911 {strides = array<i32>} : memref<22x128xf32, #tpu.memory_space<vmem>>, vector<1x16xf32>,
      %get3A_1912 = arith.constant 14 : i32
      %get3A_1913 = arith.index_cast %get3A_1912 : i32 to index
      %get3A_1914 = arith.constant 0 : index
      %get3A_1915 = tpu.vector_load %arg7[%get3A_1913, %get3A_1914] {strides = array<i32>} : memref<22x128xf32, #tpu.memory_space<vmem>>, vector<1x16xf32>,
      %get3A_1916 = vector.shape_cast %get3A_1915 : vector<1x16xf32> to vector<16xf32>
      %mul3A_1917 = arith.constant 11.3137083 : f32
      %mul3A_1918 = vector.broadcast %mul3A_1917 : f32 to vector<16xf32>
      %mul3A_1919 = arith.mulf %get3A_1916, %mul3A_1918 : vector<16xf32>
      %swap3A_1920 = arith.constant 14 : i32
      %swap3A_1921 = arith.index_cast %swap3A_1920 : i32 to index
      %swap3A_1922 = arith.constant 0 : index
      %swap3A_1923 = tpu.vector_load %arg7[%swap3A_1921, %swap3A_1922] {strides = array<i32>} : memref<22x128xf32, #tpu.memory_space<vmem>>, vector<1x16xf32>,
      %swap3A_1924 = vector.shape_cast %swap3A_1923 : vector<1x16xf32> to vector<16xf32>
      %swap3A_1925 = vector.shape_cast %mul3A_1919 : vector<16xf32> to vector<1x16xf32>
      tpu.vector_store %arg7[%swap3A_1921, %swap3A_1922], %swap3A_1925 {strides = array<i32>} : memref<22x128xf32, #tpu.memory_space<vmem>>, vector<1x16xf32>,
      %get3A_1926 = arith.constant 14 : i32
      %get3A_1927 = arith.index_cast %get3A_1926 : i32 to index
      %get3A_1928 = arith.constant 16 : index
      %get3A_1929 = tpu.vector_load %arg7[%get3A_1927, %get3A_1928] {strides = array<i32>} : memref<22x128xf32, #tpu.memory_space<vmem>>, vector<1x16xf32>,
      %get3A_1930 = vector.shape_cast %get3A_1929 : vector<1x16xf32> to vector<16xf32>
      %mul3A_1931 = arith.constant 11.3137083 : f32
      %mul3A_1932 = vector.broadcast %mul3A_1931 : f32 to vector<16xf32>
      %mul3A_1933 = arith.mulf %get3A_1930, %mul3A_1932 : vector<16xf32>
      %swap3A_1934 = arith.constant 14 : i32
      %swap3A_1935 = arith.index_cast %swap3A_1934 : i32 to index
      %swap3A_1936 = arith.constant 16 : index
      %swap3A_1937 = tpu.vector_load %arg7[%swap3A_1935, %swap3A_1936] {strides = array<i32>} : memref<22x128xf32, #tpu.memory_space<vmem>>, vector<1x16xf32>,
      %swap3A_1938 = vector.shape_cast %swap3A_1937 : vector<1x16xf32> to vector<16xf32>
      %swap3A_1939 = vector.shape_cast %mul3A_1933 : vector<16xf32> to vector<1x16xf32>
      tpu.vector_store %arg7[%swap3A_1935, %swap3A_1936], %swap3A_1939 {strides = array<i32>} : memref<22x128xf32, #tpu.memory_space<vmem>>, vector<1x16xf32>,
      %get3A_1940 = arith.constant 14 : i32
      %get3A_1941 = arith.index_cast %get3A_1940 : i32 to index
      %get3A_1942 = arith.constant 32 : index
      %get3A_1943 = tpu.vector_load %arg7[%get3A_1941, %get3A_1942] {strides = array<i32>} : memref<22x128xf32, #tpu.memory_space<vmem>>, vector<1x16xf32>,
      %get3A_1944 = vector.shape_cast %get3A_1943 : vector<1x16xf32> to vector<16xf32>
      %mul3A_1945 = arith.constant 11.3137083 : f32
      %mul3A_1946 = vector.broadcast %mul3A_1945 : f32 to vector<16xf32>
      %mul3A_1947 = arith.mulf %get3A_1944, %mul3A_1946 : vector<16xf32>
      %swap3A_1948 = arith.constant 14 : i32
      %swap3A_1949 = arith.index_cast %swap3A_1948 : i32 to index
      %swap3A_1950 = arith.constant 32 : index
      %swap3A_1951 = tpu.vector_load %arg7[%swap3A_1949, %swap3A_1950] {strides = array<i32>} : memref<22x128xf32, #tpu.memory_space<vmem>>, vector<1x16xf32>,
      %swap3A_1952 = vector.shape_cast %swap3A_1951 : vector<1x16xf32> to vector<16xf32>
      %swap3A_1953 = vector.shape_cast %mul3A_1947 : vector<16xf32> to vector<1x16xf32>
      tpu.vector_store %arg7[%swap3A_1949, %swap3A_1950], %swap3A_1953 {strides = array<i32>} : memref<22x128xf32, #tpu.memory_space<vmem>>, vector<1x16xf32>,
      %get3A_1954 = arith.constant 14 : i32
      %get3A_1955 = arith.index_cast %get3A_1954 : i32 to index
      %get3A_1956 = arith.constant 48 : index
      %get3A_1957 = tpu.vector_load %arg7[%get3A_1955, %get3A_1956] {strides = array<i32>} : memref<22x128xf32, #tpu.memory_space<vmem>>, vector<1x16xf32>,
      %get3A_1958 = vector.shape_cast %get3A_1957 : vector<1x16xf32> to vector<16xf32>
      %mul3A_1959 = arith.constant 11.3137083 : f32
      %mul3A_1960 = vector.broadcast %mul3A_1959 : f32 to vector<16xf32>
      %mul3A_1961 = arith.mulf %get3A_1958, %mul3A_1960 : vector<16xf32>
      %swap3A_1962 = arith.constant 14 : i32
      %swap3A_1963 = arith.index_cast %swap3A_1962 : i32 to index
      %swap3A_1964 = arith.constant 48 : index
      %swap3A_1965 = tpu.vector_load %arg7[%swap3A_1963, %swap3A_1964] {strides = array<i32>} : memref<22x128xf32, #tpu.memory_space<vmem>>, vector<1x16xf32>,
      %swap3A_1966 = vector.shape_cast %swap3A_1965 : vector<1x16xf32> to vector<16xf32>
      %swap3A_1967 = vector.shape_cast %mul3A_1961 : vector<16xf32> to vector<1x16xf32>
      tpu.vector_store %arg7[%swap3A_1963, %swap3A_1964], %swap3A_1967 {strides = array<i32>} : memref<22x128xf32, #tpu.memory_space<vmem>>, vector<1x16xf32>,
      %get3A_1968 = arith.constant 14 : i32
      %get3A_1969 = arith.index_cast %get3A_1968 : i32 to index
      %get3A_1970 = arith.constant 64 : index
      %get3A_1971 = tpu.vector_load %arg7[%get3A_1969, %get3A_1970] {strides = array<i32>} : memref<22x128xf32, #tpu.memory_space<vmem>>, vector<1x16xf32>,
      %get3A_1972 = vector.shape_cast %get3A_1971 : vector<1x16xf32> to vector<16xf32>
      %mul3A_1973 = arith.constant 11.3137083 : f32
      %mul3A_1974 = vector.broadcast %mul3A_1973 : f32 to vector<16xf32>
      %mul3A_1975 = arith.mulf %get3A_1972, %mul3A_1974 : vector<16xf32>
      %swap3A_1976 = arith.constant 14 : i32
      %swap3A_1977 = arith.index_cast %swap3A_1976 : i32 to index
      %swap3A_1978 = arith.constant 64 : index
      %swap3A_1979 = tpu.vector_load %arg7[%swap3A_1977, %swap3A_1978] {strides = array<i32>} : memref<22x128xf32, #tpu.memory_space<vmem>>, vector<1x16xf32>,
      %swap3A_1980 = vector.shape_cast %swap3A_1979 : vector<1x16xf32> to vector<16xf32>
      %swap3A_1981 = vector.shape_cast %mul3A_1975 : vector<16xf32> to vector<1x16xf32>
      tpu.vector_store %arg7[%swap3A_1977, %swap3A_1978], %swap3A_1981 {strides = array<i32>} : memref<22x128xf32, #tpu.memory_space<vmem>>, vector<1x16xf32>,
      %get3A_1982 = arith.constant 14 : i32
      %get3A_1983 = arith.index_cast %get3A_1982 : i32 to index
      %get3A_1984 = arith.constant 80 : index
      %get3A_1985 = tpu.vector_load %arg7[%get3A_1983, %get3A_1984] {strides = array<i32>} : memref<22x128xf32, #tpu.memory_space<vmem>>, vector<1x16xf32>,
      %get3A_1986 = vector.shape_cast %get3A_1985 : vector<1x16xf32> to vector<16xf32>
      %mul3A_1987 = arith.constant 11.3137083 : f32
      %mul3A_1988 = vector.broadcast %mul3A_1987 : f32 to vector<16xf32>
      %mul3A_1989 = arith.mulf %get3A_1986, %mul3A_1988 : vector<16xf32>
      %swap3A_1990 = arith.constant 14 : i32
      %swap3A_1991 = arith.index_cast %swap3A_1990 : i32 to index
      %swap3A_1992 = arith.constant 80 : index
      %swap3A_1993 = tpu.vector_load %arg7[%swap3A_1991, %swap3A_1992] {strides = array<i32>} : memref<22x128xf32, #tpu.memory_space<vmem>>, vector<1x16xf32>,
      %swap3A_1994 = vector.shape_cast %swap3A_1993 : vector<1x16xf32> to vector<16xf32>
      %swap3A_1995 = vector.shape_cast %mul3A_1989 : vector<16xf32> to vector<1x16xf32>
      tpu.vector_store %arg7[%swap3A_1991, %swap3A_1992], %swap3A_1995 {strides = array<i32>} : memref<22x128xf32, #tpu.memory_space<vmem>>, vector<1x16xf32>,
      %get3A_1996 = arith.constant 14 : i32
      %get3A_1997 = arith.index_cast %get3A_1996 : i32 to index
      %get3A_1998 = arith.constant 96 : index
      %get3A_1999 = tpu.vector_load %arg7[%get3A_1997, %get3A_1998] {strides = array<i32>} : memref<22x128xf32, #tpu.memory_space<vmem>>, vector<1x16xf32>,
      %get3A_2000 = vector.shape_cast %get3A_1999 : vector<1x16xf32> to vector<16xf32>
      %mul3A_2001 = arith.constant 11.3137083 : f32
      %mul3A_2002 = vector.broadcast %mul3A_2001 : f32 to vector<16xf32>
      %mul3A_2003 = arith.mulf %get3A_2000, %mul3A_2002 : vector<16xf32>
      %swap3A_2004 = arith.constant 14 : i32
      %swap3A_2005 = arith.index_cast %swap3A_2004 : i32 to index
      %swap3A_2006 = arith.constant 96 : index
      %swap3A_2007 = tpu.vector_load %arg7[%swap3A_2005, %swap3A_2006] {strides = array<i32>} : memref<22x128xf32, #tpu.memory_space<vmem>>, vector<1x16xf32>,
      %swap3A_2008 = vector.shape_cast %swap3A_2007 : vector<1x16xf32> to vector<16xf32>
      %swap3A_2009 = vector.shape_cast %mul3A_2003 : vector<16xf32> to vector<1x16xf32>
      tpu.vector_store %arg7[%swap3A_2005, %swap3A_2006], %swap3A_2009 {strides = array<i32>} : memref<22x128xf32, #tpu.memory_space<vmem>>, vector<1x16xf32>,
      %get3A_2010 = arith.constant 14 : i32
      %get3A_2011 = arith.index_cast %get3A_2010 : i32 to index
      %get3A_2012 = arith.constant 112 : index
      %get3A_2013 = tpu.vector_load %arg7[%get3A_2011, %get3A_2012] {strides = array<i32>} : memref<22x128xf32, #tpu.memory_space<vmem>>, vector<1x16xf32>,
      %get3A_2014 = vector.shape_cast %get3A_2013 : vector<1x16xf32> to vector<16xf32>
      %mul3A_2015 = arith.constant 11.3137083 : f32
      %mul3A_2016 = vector.broadcast %mul3A_2015 : f32 to vector<16xf32>
      %mul3A_2017 = arith.mulf %get3A_2014, %mul3A_2016 : vector<16xf32>
      %swap3A_2018 = arith.constant 14 : i32
      %swap3A_2019 = arith.index_cast %swap3A_2018 : i32 to index
      %swap3A_2020 = arith.constant 112 : index
      %swap3A_2021 = tpu.vector_load %arg7[%swap3A_2019, %swap3A_2020] {strides = array<i32>} : memref<22x128xf32, #tpu.memory_space<vmem>>, vector<1x16xf32>,
      %swap3A_2022 = vector.shape_cast %swap3A_2021 : vector<1x16xf32> to vector<16xf32>
      %swap3A_2023 = vector.shape_cast %mul3A_2017 : vector<16xf32> to vector<1x16xf32>
      tpu.vector_store %arg7[%swap3A_2019, %swap3A_2020], %swap3A_2023 {strides = array<i32>} : memref<22x128xf32, #tpu.memory_space<vmem>>, vector<1x16xf32>,
      %get3A_2024 = arith.constant 15 : i32
      %get3A_2025 = arith.index_cast %get3A_2024 : i32 to index
      %get3A_2026 = arith.constant 0 : index
      %get3A_2027 = tpu.vector_load %arg7[%get3A_2025, %get3A_2026] {strides = array<i32>} : memref<22x128xf32, #tpu.memory_space<vmem>>, vector<1x16xf32>,
      %get3A_2028 = vector.shape_cast %get3A_2027 : vector<1x16xf32> to vector<16xf32>
      %mul3A_2029 = arith.constant 11.3137083 : f32
      %mul3A_2030 = vector.broadcast %mul3A_2029 : f32 to vector<16xf32>
      %mul3A_2031 = arith.mulf %get3A_2028, %mul3A_2030 : vector<16xf32>
      %swap3A_2032 = arith.constant 15 : i32
      %swap3A_2033 = arith.index_cast %swap3A_2032 : i32 to index
      %swap3A_2034 = arith.constant 0 : index
      %swap3A_2035 = tpu.vector_load %arg7[%swap3A_2033, %swap3A_2034] {strides = array<i32>} : memref<22x128xf32, #tpu.memory_space<vmem>>, vector<1x16xf32>,
      %swap3A_2036 = vector.shape_cast %swap3A_2035 : vector<1x16xf32> to vector<16xf32>
      %swap3A_2037 = vector.shape_cast %mul3A_2031 : vector<16xf32> to vector<1x16xf32>
      tpu.vector_store %arg7[%swap3A_2033, %swap3A_2034], %swap3A_2037 {strides = array<i32>} : memref<22x128xf32, #tpu.memory_space<vmem>>, vector<1x16xf32>,
      %get3A_2038 = arith.constant 15 : i32
      %get3A_2039 = arith.index_cast %get3A_2038 : i32 to index
      %get3A_2040 = arith.constant 16 : index
      %get3A_2041 = tpu.vector_load %arg7[%get3A_2039, %get3A_2040] {strides = array<i32>} : memref<22x128xf32, #tpu.memory_space<vmem>>, vector<1x16xf32>,
      %get3A_2042 = vector.shape_cast %get3A_2041 : vector<1x16xf32> to vector<16xf32>
      %mul3A_2043 = arith.constant 11.3137083 : f32
      %mul3A_2044 = vector.broadcast %mul3A_2043 : f32 to vector<16xf32>
      %mul3A_2045 = arith.mulf %get3A_2042, %mul3A_2044 : vector<16xf32>
      %swap3A_2046 = arith.constant 15 : i32
      %swap3A_2047 = arith.index_cast %swap3A_2046 : i32 to index
      %swap3A_2048 = arith.constant 16 : index
      %swap3A_2049 = tpu.vector_load %arg7[%swap3A_2047, %swap3A_2048] {strides = array<i32>} : memref<22x128xf32, #tpu.memory_space<vmem>>, vector<1x16xf32>,
      %swap3A_2050 = vector.shape_cast %swap3A_2049 : vector<1x16xf32> to vector<16xf32>
      %swap3A_2051 = vector.shape_cast %mul3A_2045 : vector<16xf32> to vector<1x16xf32>
      tpu.vector_store %arg7[%swap3A_2047, %swap3A_2048], %swap3A_2051 {strides = array<i32>} : memref<22x128xf32, #tpu.memory_space<vmem>>, vector<1x16xf32>,
      %get3A_2052 = arith.constant 15 : i32
      %get3A_2053 = arith.index_cast %get3A_2052 : i32 to index
      %get3A_2054 = arith.constant 32 : index
      %get3A_2055 = tpu.vector_load %arg7[%get3A_2053, %get3A_2054] {strides = array<i32>} : memref<22x128xf32, #tpu.memory_space<vmem>>, vector<1x16xf32>,
      %get3A_2056 = vector.shape_cast %get3A_2055 : vector<1x16xf32> to vector<16xf32>
      %mul3A_2057 = arith.constant 11.3137083 : f32
      %mul3A_2058 = vector.broadcast %mul3A_2057 : f32 to vector<16xf32>
      %mul3A_2059 = arith.mulf %get3A_2056, %mul3A_2058 : vector<16xf32>
      %swap3A_2060 = arith.constant 15 : i32
      %swap3A_2061 = arith.index_cast %swap3A_2060 : i32 to index
      %swap3A_2062 = arith.constant 32 : index
      %swap3A_2063 = tpu.vector_load %arg7[%swap3A_2061, %swap3A_2062] {strides = array<i32>} : memref<22x128xf32, #tpu.memory_space<vmem>>, vector<1x16xf32>,
      %swap3A_2064 = vector.shape_cast %swap3A_2063 : vector<1x16xf32> to vector<16xf32>
      %swap3A_2065 = vector.shape_cast %mul3A_2059 : vector<16xf32> to vector<1x16xf32>
      tpu.vector_store %arg7[%swap3A_2061, %swap3A_2062], %swap3A_2065 {strides = array<i32>} : memref<22x128xf32, #tpu.memory_space<vmem>>, vector<1x16xf32>,
      %get3A_2066 = arith.constant 15 : i32
      %get3A_2067 = arith.index_cast %get3A_2066 : i32 to index
      %get3A_2068 = arith.constant 48 : index
      %get3A_2069 = tpu.vector_load %arg7[%get3A_2067, %get3A_2068] {strides = array<i32>} : memref<22x128xf32, #tpu.memory_space<vmem>>, vector<1x16xf32>,
      %get3A_2070 = vector.shape_cast %get3A_2069 : vector<1x16xf32> to vector<16xf32>
      %mul3A_2071 = arith.constant 11.3137083 : f32
      %mul3A_2072 = vector.broadcast %mul3A_2071 : f32 to vector<16xf32>
      %mul3A_2073 = arith.mulf %get3A_2070, %mul3A_2072 : vector<16xf32>
      %swap3A_2074 = arith.constant 15 : i32
      %swap3A_2075 = arith.index_cast %swap3A_2074 : i32 to index
      %swap3A_2076 = arith.constant 48 : index
      %swap3A_2077 = tpu.vector_load %arg7[%swap3A_2075, %swap3A_2076] {strides = array<i32>} : memref<22x128xf32, #tpu.memory_space<vmem>>, vector<1x16xf32>,
      %swap3A_2078 = vector.shape_cast %swap3A_2077 : vector<1x16xf32> to vector<16xf32>
      %swap3A_2079 = vector.shape_cast %mul3A_2073 : vector<16xf32> to vector<1x16xf32>
      tpu.vector_store %arg7[%swap3A_2075, %swap3A_2076], %swap3A_2079 {strides = array<i32>} : memref<22x128xf32, #tpu.memory_space<vmem>>, vector<1x16xf32>,
      %get3A_2080 = arith.constant 15 : i32
      %get3A_2081 = arith.index_cast %get3A_2080 : i32 to index
      %get3A_2082 = arith.constant 64 : index
      %get3A_2083 = tpu.vector_load %arg7[%get3A_2081, %get3A_2082] {strides = array<i32>} : memref<22x128xf32, #tpu.memory_space<vmem>>, vector<1x16xf32>,
      %get3A_2084 = vector.shape_cast %get3A_2083 : vector<1x16xf32> to vector<16xf32>
      %mul3A_2085 = arith.constant 11.3137083 : f32
      %mul3A_2086 = vector.broadcast %mul3A_2085 : f32 to vector<16xf32>
      %mul3A_2087 = arith.mulf %get3A_2084, %mul3A_2086 : vector<16xf32>
      %swap3A_2088 = arith.constant 15 : i32
      %swap3A_2089 = arith.index_cast %swap3A_2088 : i32 to index
      %swap3A_2090 = arith.constant 64 : index
      %swap3A_2091 = tpu.vector_load %arg7[%swap3A_2089, %swap3A_2090] {strides = array<i32>} : memref<22x128xf32, #tpu.memory_space<vmem>>, vector<1x16xf32>,
      %swap3A_2092 = vector.shape_cast %swap3A_2091 : vector<1x16xf32> to vector<16xf32>
      %swap3A_2093 = vector.shape_cast %mul3A_2087 : vector<16xf32> to vector<1x16xf32>
      tpu.vector_store %arg7[%swap3A_2089, %swap3A_2090], %swap3A_2093 {strides = array<i32>} : memref<22x128xf32, #tpu.memory_space<vmem>>, vector<1x16xf32>,
      %get3A_2094 = arith.constant 15 : i32
      %get3A_2095 = arith.index_cast %get3A_2094 : i32 to index
      %get3A_2096 = arith.constant 80 : index
      %get3A_2097 = tpu.vector_load %arg7[%get3A_2095, %get3A_2096] {strides = array<i32>} : memref<22x128xf32, #tpu.memory_space<vmem>>, vector<1x16xf32>,
      %get3A_2098 = vector.shape_cast %get3A_2097 : vector<1x16xf32> to vector<16xf32>
      %mul3A_2099 = arith.constant 11.3137083 : f32
      %mul3A_2100 = vector.broadcast %mul3A_2099 : f32 to vector<16xf32>
      %mul3A_2101 = arith.mulf %get3A_2098, %mul3A_2100 : vector<16xf32>
      %swap3A_2102 = arith.constant 15 : i32
      %swap3A_2103 = arith.index_cast %swap3A_2102 : i32 to index
      %swap3A_2104 = arith.constant 80 : index
      %swap3A_2105 = tpu.vector_load %arg7[%swap3A_2103, %swap3A_2104] {strides = array<i32>} : memref<22x128xf32, #tpu.memory_space<vmem>>, vector<1x16xf32>,
      %swap3A_2106 = vector.shape_cast %swap3A_2105 : vector<1x16xf32> to vector<16xf32>
      %swap3A_2107 = vector.shape_cast %mul3A_2101 : vector<16xf32> to vector<1x16xf32>
      tpu.vector_store %arg7[%swap3A_2103, %swap3A_2104], %swap3A_2107 {strides = array<i32>} : memref<22x128xf32, #tpu.memory_space<vmem>>, vector<1x16xf32>,
      %get3A_2108 = arith.constant 15 : i32
      %get3A_2109 = arith.index_cast %get3A_2108 : i32 to index
      %get3A_2110 = arith.constant 96 : index
      %get3A_2111 = tpu.vector_load %arg7[%get3A_2109, %get3A_2110] {strides = array<i32>} : memref<22x128xf32, #tpu.memory_space<vmem>>, vector<1x16xf32>,
      %get3A_2112 = vector.shape_cast %get3A_2111 : vector<1x16xf32> to vector<16xf32>
      %mul3A_2113 = arith.constant 11.3137083 : f32
      %mul3A_2114 = vector.broadcast %mul3A_2113 : f32 to vector<16xf32>
      %mul3A_2115 = arith.mulf %get3A_2112, %mul3A_2114 : vector<16xf32>
      %swap3A_2116 = arith.constant 15 : i32
      %swap3A_2117 = arith.index_cast %swap3A_2116 : i32 to index
      %swap3A_2118 = arith.constant 96 : index
      %swap3A_2119 = tpu.vector_load %arg7[%swap3A_2117, %swap3A_2118] {strides = array<i32>} : memref<22x128xf32, #tpu.memory_space<vmem>>, vector<1x16xf32>,
      %swap3A_2120 = vector.shape_cast %swap3A_2119 : vector<1x16xf32> to vector<16xf32>
      %swap3A_2121 = vector.shape_cast %mul3A_2115 : vector<16xf32> to vector<1x16xf32>
      tpu.vector_store %arg7[%swap3A_2117, %swap3A_2118], %swap3A_2121 {strides = array<i32>} : memref<22x128xf32, #tpu.memory_space<vmem>>, vector<1x16xf32>,
      %get3A_2122 = arith.constant 15 : i32
      %get3A_2123 = arith.index_cast %get3A_2122 : i32 to index
      %get3A_2124 = arith.constant 112 : index
      %get3A_2125 = tpu.vector_load %arg7[%get3A_2123, %get3A_2124] {strides = array<i32>} : memref<22x128xf32, #tpu.memory_space<vmem>>, vector<1x16xf32>,
      %get3A_2126 = vector.shape_cast %get3A_2125 : vector<1x16xf32> to vector<16xf32>
      %mul3A_2127 = arith.constant 11.3137083 : f32
      %mul3A_2128 = vector.broadcast %mul3A_2127 : f32 to vector<16xf32>
      %mul3A_2129 = arith.mulf %get3A_2126, %mul3A_2128 : vector<16xf32>
      %swap3A_2130 = arith.constant 15 : i32
      %swap3A_2131 = arith.index_cast %swap3A_2130 : i32 to index
      %swap3A_2132 = arith.constant 112 : index
      %swap3A_2133 = tpu.vector_load %arg7[%swap3A_2131, %swap3A_2132] {strides = array<i32>} : memref<22x128xf32, #tpu.memory_space<vmem>>, vector<1x16xf32>,
      %swap3A_2134 = vector.shape_cast %swap3A_2133 : vector<1x16xf32> to vector<16xf32>
      %swap3A_2135 = vector.shape_cast %mul3A_2129 : vector<16xf32> to vector<1x16xf32>
      tpu.vector_store %arg7[%swap3A_2131, %swap3A_2132], %swap3A_2135 {strides = array<i32>} : memref<22x128xf32, #tpu.memory_space<vmem>>, vector<1x16xf32>,
      %get3A_2136 = arith.constant 16 : i32
      %get3A_2137 = arith.index_cast %get3A_2136 : i32 to index
      %get3A_2138 = arith.constant 0 : index
      %get3A_2139 = tpu.vector_load %arg7[%get3A_2137, %get3A_2138] {strides = array<i32>} : memref<22x128xf32, #tpu.memory_space<vmem>>, vector<1x16xf32>,
      %get3A_2140 = vector.shape_cast %get3A_2139 : vector<1x16xf32> to vector<16xf32>
      %mul3A_2141 = arith.constant 11.3137083 : f32
      %mul3A_2142 = vector.broadcast %mul3A_2141 : f32 to vector<16xf32>
      %mul3A_2143 = arith.mulf %get3A_2140, %mul3A_2142 : vector<16xf32>
      %swap3A_2144 = arith.constant 16 : i32
      %swap3A_2145 = arith.index_cast %swap3A_2144 : i32 to index
      %swap3A_2146 = arith.constant 0 : index
      %swap3A_2147 = tpu.vector_load %arg7[%swap3A_2145, %swap3A_2146] {strides = array<i32>} : memref<22x128xf32, #tpu.memory_space<vmem>>, vector<1x16xf32>,
      %swap3A_2148 = vector.shape_cast %swap3A_2147 : vector<1x16xf32> to vector<16xf32>
      %swap3A_2149 = vector.shape_cast %mul3A_2143 : vector<16xf32> to vector<1x16xf32>
      tpu.vector_store %arg7[%swap3A_2145, %swap3A_2146], %swap3A_2149 {strides = array<i32>} : memref<22x128xf32, #tpu.memory_space<vmem>>, vector<1x16xf32>,
      %get3A_2150 = arith.constant 16 : i32
      %get3A_2151 = arith.index_cast %get3A_2150 : i32 to index
      %get3A_2152 = arith.constant 16 : index
      %get3A_2153 = tpu.vector_load %arg7[%get3A_2151, %get3A_2152] {strides = array<i32>} : memref<22x128xf32, #tpu.memory_space<vmem>>, vector<1x16xf32>,
      %get3A_2154 = vector.shape_cast %get3A_2153 : vector<1x16xf32> to vector<16xf32>
      %mul3A_2155 = arith.constant 11.3137083 : f32
      %mul3A_2156 = vector.broadcast %mul3A_2155 : f32 to vector<16xf32>
      %mul3A_2157 = arith.mulf %get3A_2154, %mul3A_2156 : vector<16xf32>
      %swap3A_2158 = arith.constant 16 : i32
      %swap3A_2159 = arith.index_cast %swap3A_2158 : i32 to index
      %swap3A_2160 = arith.constant 16 : index
      %swap3A_2161 = tpu.vector_load %arg7[%swap3A_2159, %swap3A_2160] {strides = array<i32>} : memref<22x128xf32, #tpu.memory_space<vmem>>, vector<1x16xf32>,
      %swap3A_2162 = vector.shape_cast %swap3A_2161 : vector<1x16xf32> to vector<16xf32>
      %swap3A_2163 = vector.shape_cast %mul3A_2157 : vector<16xf32> to vector<1x16xf32>
      tpu.vector_store %arg7[%swap3A_2159, %swap3A_2160], %swap3A_2163 {strides = array<i32>} : memref<22x128xf32, #tpu.memory_space<vmem>>, vector<1x16xf32>,
      %get3A_2164 = arith.constant 16 : i32
      %get3A_2165 = arith.index_cast %get3A_2164 : i32 to index
      %get3A_2166 = arith.constant 32 : index
      %get3A_2167 = tpu.vector_load %arg7[%get3A_2165, %get3A_2166] {strides = array<i32>} : memref<22x128xf32, #tpu.memory_space<vmem>>, vector<1x16xf32>,
      %get3A_2168 = vector.shape_cast %get3A_2167 : vector<1x16xf32> to vector<16xf32>
      %mul3A_2169 = arith.constant 11.3137083 : f32
      %mul3A_2170 = vector.broadcast %mul3A_2169 : f32 to vector<16xf32>
      %mul3A_2171 = arith.mulf %get3A_2168, %mul3A_2170 : vector<16xf32>
      %swap3A_2172 = arith.constant 16 : i32
      %swap3A_2173 = arith.index_cast %swap3A_2172 : i32 to index
      %swap3A_2174 = arith.constant 32 : index
      %swap3A_2175 = tpu.vector_load %arg7[%swap3A_2173, %swap3A_2174] {strides = array<i32>} : memref<22x128xf32, #tpu.memory_space<vmem>>, vector<1x16xf32>,
      %swap3A_2176 = vector.shape_cast %swap3A_2175 : vector<1x16xf32> to vector<16xf32>
      %swap3A_2177 = vector.shape_cast %mul3A_2171 : vector<16xf32> to vector<1x16xf32>
      tpu.vector_store %arg7[%swap3A_2173, %swap3A_2174], %swap3A_2177 {strides = array<i32>} : memref<22x128xf32, #tpu.memory_space<vmem>>, vector<1x16xf32>,
      %get3A_2178 = arith.constant 16 : i32
      %get3A_2179 = arith.index_cast %get3A_2178 : i32 to index
      %get3A_2180 = arith.constant 48 : index
      %get3A_2181 = tpu.vector_load %arg7[%get3A_2179, %get3A_2180] {strides = array<i32>} : memref<22x128xf32, #tpu.memory_space<vmem>>, vector<1x16xf32>,
      %get3A_2182 = vector.shape_cast %get3A_2181 : vector<1x16xf32> to vector<16xf32>
      %mul3A_2183 = arith.constant 11.3137083 : f32
      %mul3A_2184 = vector.broadcast %mul3A_2183 : f32 to vector<16xf32>
      %mul3A_2185 = arith.mulf %get3A_2182, %mul3A_2184 : vector<16xf32>
      %swap3A_2186 = arith.constant 16 : i32
      %swap3A_2187 = arith.index_cast %swap3A_2186 : i32 to index
      %swap3A_2188 = arith.constant 48 : index
      %swap3A_2189 = tpu.vector_load %arg7[%swap3A_2187, %swap3A_2188] {strides = array<i32>} : memref<22x128xf32, #tpu.memory_space<vmem>>, vector<1x16xf32>,
      %swap3A_2190 = vector.shape_cast %swap3A_2189 : vector<1x16xf32> to vector<16xf32>
      %swap3A_2191 = vector.shape_cast %mul3A_2185 : vector<16xf32> to vector<1x16xf32>
      tpu.vector_store %arg7[%swap3A_2187, %swap3A_2188], %swap3A_2191 {strides = array<i32>} : memref<22x128xf32, #tpu.memory_space<vmem>>, vector<1x16xf32>,
      %get3A_2192 = arith.constant 16 : i32
      %get3A_2193 = arith.index_cast %get3A_2192 : i32 to index
      %get3A_2194 = arith.constant 64 : index
      %get3A_2195 = tpu.vector_load %arg7[%get3A_2193, %get3A_2194] {strides = array<i32>} : memref<22x128xf32, #tpu.memory_space<vmem>>, vector<1x16xf32>,
      %get3A_2196 = vector.shape_cast %get3A_2195 : vector<1x16xf32> to vector<16xf32>
      %mul3A_2197 = arith.constant 11.3137083 : f32
      %mul3A_2198 = vector.broadcast %mul3A_2197 : f32 to vector<16xf32>
      %mul3A_2199 = arith.mulf %get3A_2196, %mul3A_2198 : vector<16xf32>
      %swap3A_2200 = arith.constant 16 : i32
      %swap3A_2201 = arith.index_cast %swap3A_2200 : i32 to index
      %swap3A_2202 = arith.constant 64 : index
      %swap3A_2203 = tpu.vector_load %arg7[%swap3A_2201, %swap3A_2202] {strides = array<i32>} : memref<22x128xf32, #tpu.memory_space<vmem>>, vector<1x16xf32>,
      %swap3A_2204 = vector.shape_cast %swap3A_2203 : vector<1x16xf32> to vector<16xf32>
      %swap3A_2205 = vector.shape_cast %mul3A_2199 : vector<16xf32> to vector<1x16xf32>
      tpu.vector_store %arg7[%swap3A_2201, %swap3A_2202], %swap3A_2205 {strides = array<i32>} : memref<22x128xf32, #tpu.memory_space<vmem>>, vector<1x16xf32>,
      %get3A_2206 = arith.constant 16 : i32
      %get3A_2207 = arith.index_cast %get3A_2206 : i32 to index
      %get3A_2208 = arith.constant 80 : index
      %get3A_2209 = tpu.vector_load %arg7[%get3A_2207, %get3A_2208] {strides = array<i32>} : memref<22x128xf32, #tpu.memory_space<vmem>>, vector<1x16xf32>,
      %get3A_2210 = vector.shape_cast %get3A_2209 : vector<1x16xf32> to vector<16xf32>
      %mul3A_2211 = arith.constant 11.3137083 : f32
      %mul3A_2212 = vector.broadcast %mul3A_2211 : f32 to vector<16xf32>
      %mul3A_2213 = arith.mulf %get3A_2210, %mul3A_2212 : vector<16xf32>
      %swap3A_2214 = arith.constant 16 : i32
      %swap3A_2215 = arith.index_cast %swap3A_2214 : i32 to index
      %swap3A_2216 = arith.constant 80 : index
      %swap3A_2217 = tpu.vector_load %arg7[%swap3A_2215, %swap3A_2216] {strides = array<i32>} : memref<22x128xf32, #tpu.memory_space<vmem>>, vector<1x16xf32>,
      %swap3A_2218 = vector.shape_cast %swap3A_2217 : vector<1x16xf32> to vector<16xf32>
      %swap3A_2219 = vector.shape_cast %mul3A_2213 : vector<16xf32> to vector<1x16xf32>
      tpu.vector_store %arg7[%swap3A_2215, %swap3A_2216], %swap3A_2219 {strides = array<i32>} : memref<22x128xf32, #tpu.memory_space<vmem>>, vector<1x16xf32>,
      %get3A_2220 = arith.constant 16 : i32
      %get3A_2221 = arith.index_cast %get3A_2220 : i32 to index
      %get3A_2222 = arith.constant 96 : index
      %get3A_2223 = tpu.vector_load %arg7[%get3A_2221, %get3A_2222] {strides = array<i32>} : memref<22x128xf32, #tpu.memory_space<vmem>>, vector<1x16xf32>,
      %get3A_2224 = vector.shape_cast %get3A_2223 : vector<1x16xf32> to vector<16xf32>
      %mul3A_2225 = arith.constant 11.3137083 : f32
      %mul3A_2226 = vector.broadcast %mul3A_2225 : f32 to vector<16xf32>
      %mul3A_2227 = arith.mulf %get3A_2224, %mul3A_2226 : vector<16xf32>
      %swap3A_2228 = arith.constant 16 : i32
      %swap3A_2229 = arith.index_cast %swap3A_2228 : i32 to index
      %swap3A_2230 = arith.constant 96 : index
      %swap3A_2231 = tpu.vector_load %arg7[%swap3A_2229, %swap3A_2230] {strides = array<i32>} : memref<22x128xf32, #tpu.memory_space<vmem>>, vector<1x16xf32>,
      %swap3A_2232 = vector.shape_cast %swap3A_2231 : vector<1x16xf32> to vector<16xf32>
      %swap3A_2233 = vector.shape_cast %mul3A_2227 : vector<16xf32> to vector<1x16xf32>
      tpu.vector_store %arg7[%swap3A_2229, %swap3A_2230], %swap3A_2233 {strides = array<i32>} : memref<22x128xf32, #tpu.memory_space<vmem>>, vector<1x16xf32>,
      %get3A_2234 = arith.constant 16 : i32
      %get3A_2235 = arith.index_cast %get3A_2234 : i32 to index
      %get3A_2236 = arith.constant 112 : index
      %get3A_2237 = tpu.vector_load %arg7[%get3A_2235, %get3A_2236] {strides = array<i32>} : memref<22x128xf32, #tpu.memory_space<vmem>>, vector<1x16xf32>,
      %get3A_2238 = vector.shape_cast %get3A_2237 : vector<1x16xf32> to vector<16xf32>
      %mul3A_2239 = arith.constant 11.3137083 : f32
      %mul3A_2240 = vector.broadcast %mul3A_2239 : f32 to vector<16xf32>
      %mul3A_2241 = arith.mulf %get3A_2238, %mul3A_2240 : vector<16xf32>
      %swap3A_2242 = arith.constant 16 : i32
      %swap3A_2243 = arith.index_cast %swap3A_2242 : i32 to index
      %swap3A_2244 = arith.constant 112 : index
      %swap3A_2245 = tpu.vector_load %arg7[%swap3A_2243, %swap3A_2244] {strides = array<i32>} : memref<22x128xf32, #tpu.memory_space<vmem>>, vector<1x16xf32>,
      %swap3A_2246 = vector.shape_cast %swap3A_2245 : vector<1x16xf32> to vector<16xf32>
      %swap3A_2247 = vector.shape_cast %mul3A_2241 : vector<16xf32> to vector<1x16xf32>
      tpu.vector_store %arg7[%swap3A_2243, %swap3A_2244], %swap3A_2247 {strides = array<i32>} : memref<22x128xf32, #tpu.memory_space<vmem>>, vector<1x16xf32>,
      %get3A_2248 = arith.constant 17 : i32
      %get3A_2249 = arith.index_cast %get3A_2248 : i32 to index
      %get3A_2250 = arith.constant 0 : index
      %get3A_2251 = tpu.vector_load %arg7[%get3A_2249, %get3A_2250] {strides = array<i32>} : memref<22x128xf32, #tpu.memory_space<vmem>>, vector<1x16xf32>,
      %get3A_2252 = vector.shape_cast %get3A_2251 : vector<1x16xf32> to vector<16xf32>
      %mul3A_2253 = arith.constant 11.3137083 : f32
      %mul3A_2254 = vector.broadcast %mul3A_2253 : f32 to vector<16xf32>
      %mul3A_2255 = arith.mulf %get3A_2252, %mul3A_2254 : vector<16xf32>
      %swap3A_2256 = arith.constant 17 : i32
      %swap3A_2257 = arith.index_cast %swap3A_2256 : i32 to index
      %swap3A_2258 = arith.constant 0 : index
      %swap3A_2259 = tpu.vector_load %arg7[%swap3A_2257, %swap3A_2258] {strides = array<i32>} : memref<22x128xf32, #tpu.memory_space<vmem>>, vector<1x16xf32>,
      %swap3A_2260 = vector.shape_cast %swap3A_2259 : vector<1x16xf32> to vector<16xf32>
      %swap3A_2261 = vector.shape_cast %mul3A_2255 : vector<16xf32> to vector<1x16xf32>
      tpu.vector_store %arg7[%swap3A_2257, %swap3A_2258], %swap3A_2261 {strides = array<i32>} : memref<22x128xf32, #tpu.memory_space<vmem>>, vector<1x16xf32>,
      %get3A_2262 = arith.constant 17 : i32
      %get3A_2263 = arith.index_cast %get3A_2262 : i32 to index
      %get3A_2264 = arith.constant 16 : index
      %get3A_2265 = tpu.vector_load %arg7[%get3A_2263, %get3A_2264] {strides = array<i32>} : memref<22x128xf32, #tpu.memory_space<vmem>>, vector<1x16xf32>,
      %get3A_2266 = vector.shape_cast %get3A_2265 : vector<1x16xf32> to vector<16xf32>
      %mul3A_2267 = arith.constant 11.3137083 : f32
      %mul3A_2268 = vector.broadcast %mul3A_2267 : f32 to vector<16xf32>
      %mul3A_2269 = arith.mulf %get3A_2266, %mul3A_2268 : vector<16xf32>
      %swap3A_2270 = arith.constant 17 : i32
      %swap3A_2271 = arith.index_cast %swap3A_2270 : i32 to index
      %swap3A_2272 = arith.constant 16 : index
      %swap3A_2273 = tpu.vector_load %arg7[%swap3A_2271, %swap3A_2272] {strides = array<i32>} : memref<22x128xf32, #tpu.memory_space<vmem>>, vector<1x16xf32>,
      %swap3A_2274 = vector.shape_cast %swap3A_2273 : vector<1x16xf32> to vector<16xf32>
      %swap3A_2275 = vector.shape_cast %mul3A_2269 : vector<16xf32> to vector<1x16xf32>
      tpu.vector_store %arg7[%swap3A_2271, %swap3A_2272], %swap3A_2275 {strides = array<i32>} : memref<22x128xf32, #tpu.memory_space<vmem>>, vector<1x16xf32>,
      %get3A_2276 = arith.constant 17 : i32
      %get3A_2277 = arith.index_cast %get3A_2276 : i32 to index
      %get3A_2278 = arith.constant 32 : index
      %get3A_2279 = tpu.vector_load %arg7[%get3A_2277, %get3A_2278] {strides = array<i32>} : memref<22x128xf32, #tpu.memory_space<vmem>>, vector<1x16xf32>,
      %get3A_2280 = vector.shape_cast %get3A_2279 : vector<1x16xf32> to vector<16xf32>
      %mul3A_2281 = arith.constant 11.3137083 : f32
      %mul3A_2282 = vector.broadcast %mul3A_2281 : f32 to vector<16xf32>
      %mul3A_2283 = arith.mulf %get3A_2280, %mul3A_2282 : vector<16xf32>
      %swap3A_2284 = arith.constant 17 : i32
      %swap3A_2285 = arith.index_cast %swap3A_2284 : i32 to index
      %swap3A_2286 = arith.constant 32 : index
      %swap3A_2287 = tpu.vector_load %arg7[%swap3A_2285, %swap3A_2286] {strides = array<i32>} : memref<22x128xf32, #tpu.memory_space<vmem>>, vector<1x16xf32>,
      %swap3A_2288 = vector.shape_cast %swap3A_2287 : vector<1x16xf32> to vector<16xf32>
      %swap3A_2289 = vector.shape_cast %mul3A_2283 : vector<16xf32> to vector<1x16xf32>
      tpu.vector_store %arg7[%swap3A_2285, %swap3A_2286], %swap3A_2289 {strides = array<i32>} : memref<22x128xf32, #tpu.memory_space<vmem>>, vector<1x16xf32>,
      %get3A_2290 = arith.constant 17 : i32
      %get3A_2291 = arith.index_cast %get3A_2290 : i32 to index
      %get3A_2292 = arith.constant 48 : index
      %get3A_2293 = tpu.vector_load %arg7[%get3A_2291, %get3A_2292] {strides = array<i32>} : memref<22x128xf32, #tpu.memory_space<vmem>>, vector<1x16xf32>,
      %get3A_2294 = vector.shape_cast %get3A_2293 : vector<1x16xf32> to vector<16xf32>
      %mul3A_2295 = arith.constant 11.3137083 : f32
      %mul3A_2296 = vector.broadcast %mul3A_2295 : f32 to vector<16xf32>
      %mul3A_2297 = arith.mulf %get3A_2294, %mul3A_2296 : vector<16xf32>
      %swap3A_2298 = arith.constant 17 : i32
      %swap3A_2299 = arith.index_cast %swap3A_2298 : i32 to index
      %swap3A_2300 = arith.constant 48 : index
      %swap3A_2301 = tpu.vector_load %arg7[%swap3A_2299, %swap3A_2300] {strides = array<i32>} : memref<22x128xf32, #tpu.memory_space<vmem>>, vector<1x16xf32>,
      %swap3A_2302 = vector.shape_cast %swap3A_2301 : vector<1x16xf32> to vector<16xf32>
      %swap3A_2303 = vector.shape_cast %mul3A_2297 : vector<16xf32> to vector<1x16xf32>
      tpu.vector_store %arg7[%swap3A_2299, %swap3A_2300], %swap3A_2303 {strides = array<i32>} : memref<22x128xf32, #tpu.memory_space<vmem>>, vector<1x16xf32>,
      %get3A_2304 = arith.constant 17 : i32
      %get3A_2305 = arith.index_cast %get3A_2304 : i32 to index
      %get3A_2306 = arith.constant 64 : index
      %get3A_2307 = tpu.vector_load %arg7[%get3A_2305, %get3A_2306] {strides = array<i32>} : memref<22x128xf32, #tpu.memory_space<vmem>>, vector<1x16xf32>,
      %get3A_2308 = vector.shape_cast %get3A_2307 : vector<1x16xf32> to vector<16xf32>
      %mul3A_2309 = arith.constant 11.3137083 : f32
      %mul3A_2310 = vector.broadcast %mul3A_2309 : f32 to vector<16xf32>
      %mul3A_2311 = arith.mulf %get3A_2308, %mul3A_2310 : vector<16xf32>
      %swap3A_2312 = arith.constant 17 : i32
      %swap3A_2313 = arith.index_cast %swap3A_2312 : i32 to index
      %swap3A_2314 = arith.constant 64 : index
      %swap3A_2315 = tpu.vector_load %arg7[%swap3A_2313, %swap3A_2314] {strides = array<i32>} : memref<22x128xf32, #tpu.memory_space<vmem>>, vector<1x16xf32>,
      %swap3A_2316 = vector.shape_cast %swap3A_2315 : vector<1x16xf32> to vector<16xf32>
      %swap3A_2317 = vector.shape_cast %mul3A_2311 : vector<16xf32> to vector<1x16xf32>
      tpu.vector_store %arg7[%swap3A_2313, %swap3A_2314], %swap3A_2317 {strides = array<i32>} : memref<22x128xf32, #tpu.memory_space<vmem>>, vector<1x16xf32>,
      %get3A_2318 = arith.constant 17 : i32
      %get3A_2319 = arith.index_cast %get3A_2318 : i32 to index
      %get3A_2320 = arith.constant 80 : index
      %get3A_2321 = tpu.vector_load %arg7[%get3A_2319, %get3A_2320] {strides = array<i32>} : memref<22x128xf32, #tpu.memory_space<vmem>>, vector<1x16xf32>,
      %get3A_2322 = vector.shape_cast %get3A_2321 : vector<1x16xf32> to vector<16xf32>
      %mul3A_2323 = arith.constant 11.3137083 : f32
      %mul3A_2324 = vector.broadcast %mul3A_2323 : f32 to vector<16xf32>
      %mul3A_2325 = arith.mulf %get3A_2322, %mul3A_2324 : vector<16xf32>
      %swap3A_2326 = arith.constant 17 : i32
      %swap3A_2327 = arith.index_cast %swap3A_2326 : i32 to index
      %swap3A_2328 = arith.constant 80 : index
      %swap3A_2329 = tpu.vector_load %arg7[%swap3A_2327, %swap3A_2328] {strides = array<i32>} : memref<22x128xf32, #tpu.memory_space<vmem>>, vector<1x16xf32>,
      %swap3A_2330 = vector.shape_cast %swap3A_2329 : vector<1x16xf32> to vector<16xf32>
      %swap3A_2331 = vector.shape_cast %mul3A_2325 : vector<16xf32> to vector<1x16xf32>
      tpu.vector_store %arg7[%swap3A_2327, %swap3A_2328], %swap3A_2331 {strides = array<i32>} : memref<22x128xf32, #tpu.memory_space<vmem>>, vector<1x16xf32>,
      %get3A_2332 = arith.constant 17 : i32
      %get3A_2333 = arith.index_cast %get3A_2332 : i32 to index
      %get3A_2334 = arith.constant 96 : index
      %get3A_2335 = tpu.vector_load %arg7[%get3A_2333, %get3A_2334] {strides = array<i32>} : memref<22x128xf32, #tpu.memory_space<vmem>>, vector<1x16xf32>,
      %get3A_2336 = vector.shape_cast %get3A_2335 : vector<1x16xf32> to vector<16xf32>
      %mul3A_2337 = arith.constant 11.3137083 : f32
      %mul3A_2338 = vector.broadcast %mul3A_2337 : f32 to vector<16xf32>
      %mul3A_2339 = arith.mulf %get3A_2336, %mul3A_2338 : vector<16xf32>
      %swap3A_2340 = arith.constant 17 : i32
      %swap3A_2341 = arith.index_cast %swap3A_2340 : i32 to index
      %swap3A_2342 = arith.constant 96 : index
      %swap3A_2343 = tpu.vector_load %arg7[%swap3A_2341, %swap3A_2342] {strides = array<i32>} : memref<22x128xf32, #tpu.memory_space<vmem>>, vector<1x16xf32>,
      %swap3A_2344 = vector.shape_cast %swap3A_2343 : vector<1x16xf32> to vector<16xf32>
      %swap3A_2345 = vector.shape_cast %mul3A_2339 : vector<16xf32> to vector<1x16xf32>
      tpu.vector_store %arg7[%swap3A_2341, %swap3A_2342], %swap3A_2345 {strides = array<i32>} : memref<22x128xf32, #tpu.memory_space<vmem>>, vector<1x16xf32>,
      %get3A_2346 = arith.constant 17 : i32
      %get3A_2347 = arith.index_cast %get3A_2346 : i32 to index
      %get3A_2348 = arith.constant 112 : index
      %get3A_2349 = tpu.vector_load %arg7[%get3A_2347, %get3A_2348] {strides = array<i32>} : memref<22x128xf32, #tpu.memory_space<vmem>>, vector<1x16xf32>,
      %get3A_2350 = vector.shape_cast %get3A_2349 : vector<1x16xf32> to vector<16xf32>
      %mul3A_2351 = arith.constant 11.3137083 : f32
      %mul3A_2352 = vector.broadcast %mul3A_2351 : f32 to vector<16xf32>
      %mul3A_2353 = arith.mulf %get3A_2350, %mul3A_2352 : vector<16xf32>
      %swap3A_2354 = arith.constant 17 : i32
      %swap3A_2355 = arith.index_cast %swap3A_2354 : i32 to index
      %swap3A_2356 = arith.constant 112 : index
      %swap3A_2357 = tpu.vector_load %arg7[%swap3A_2355, %swap3A_2356] {strides = array<i32>} : memref<22x128xf32, #tpu.memory_space<vmem>>, vector<1x16xf32>,
      %swap3A_2358 = vector.shape_cast %swap3A_2357 : vector<1x16xf32> to vector<16xf32>
      %swap3A_2359 = vector.shape_cast %mul3A_2353 : vector<16xf32> to vector<1x16xf32>
      tpu.vector_store %arg7[%swap3A_2355, %swap3A_2356], %swap3A_2359 {strides = array<i32>} : memref<22x128xf32, #tpu.memory_space<vmem>>, vector<1x16xf32>,
      %get3A_2360 = arith.constant 18 : i32
      %get3A_2361 = arith.index_cast %get3A_2360 : i32 to index
      %get3A_2362 = arith.constant 0 : index
      %get3A_2363 = tpu.vector_load %arg7[%get3A_2361, %get3A_2362] {strides = array<i32>} : memref<22x128xf32, #tpu.memory_space<vmem>>, vector<1x16xf32>,
      %get3A_2364 = vector.shape_cast %get3A_2363 : vector<1x16xf32> to vector<16xf32>
      %mul3A_2365 = arith.constant 11.3137083 : f32
      %mul3A_2366 = vector.broadcast %mul3A_2365 : f32 to vector<16xf32>
      %mul3A_2367 = arith.mulf %get3A_2364, %mul3A_2366 : vector<16xf32>
      %swap3A_2368 = arith.constant 18 : i32
      %swap3A_2369 = arith.index_cast %swap3A_2368 : i32 to index
      %swap3A_2370 = arith.constant 0 : index
      %swap3A_2371 = tpu.vector_load %arg7[%swap3A_2369, %swap3A_2370] {strides = array<i32>} : memref<22x128xf32, #tpu.memory_space<vmem>>, vector<1x16xf32>,
      %swap3A_2372 = vector.shape_cast %swap3A_2371 : vector<1x16xf32> to vector<16xf32>
      %swap3A_2373 = vector.shape_cast %mul3A_2367 : vector<16xf32> to vector<1x16xf32>
      tpu.vector_store %arg7[%swap3A_2369, %swap3A_2370], %swap3A_2373 {strides = array<i32>} : memref<22x128xf32, #tpu.memory_space<vmem>>, vector<1x16xf32>,
      %get3A_2374 = arith.constant 18 : i32
      %get3A_2375 = arith.index_cast %get3A_2374 : i32 to index
      %get3A_2376 = arith.constant 16 : index
      %get3A_2377 = tpu.vector_load %arg7[%get3A_2375, %get3A_2376] {strides = array<i32>} : memref<22x128xf32, #tpu.memory_space<vmem>>, vector<1x16xf32>,
      %get3A_2378 = vector.shape_cast %get3A_2377 : vector<1x16xf32> to vector<16xf32>
      %mul3A_2379 = arith.constant 11.3137083 : f32
      %mul3A_2380 = vector.broadcast %mul3A_2379 : f32 to vector<16xf32>
      %mul3A_2381 = arith.mulf %get3A_2378, %mul3A_2380 : vector<16xf32>
      %swap3A_2382 = arith.constant 18 : i32
      %swap3A_2383 = arith.index_cast %swap3A_2382 : i32 to index
      %swap3A_2384 = arith.constant 16 : index
      %swap3A_2385 = tpu.vector_load %arg7[%swap3A_2383, %swap3A_2384] {strides = array<i32>} : memref<22x128xf32, #tpu.memory_space<vmem>>, vector<1x16xf32>,
      %swap3A_2386 = vector.shape_cast %swap3A_2385 : vector<1x16xf32> to vector<16xf32>
      %swap3A_2387 = vector.shape_cast %mul3A_2381 : vector<16xf32> to vector<1x16xf32>
      tpu.vector_store %arg7[%swap3A_2383, %swap3A_2384], %swap3A_2387 {strides = array<i32>} : memref<22x128xf32, #tpu.memory_space<vmem>>, vector<1x16xf32>,
      %get3A_2388 = arith.constant 18 : i32
      %get3A_2389 = arith.index_cast %get3A_2388 : i32 to index
      %get3A_2390 = arith.constant 32 : index
      %get3A_2391 = tpu.vector_load %arg7[%get3A_2389, %get3A_2390] {strides = array<i32>} : memref<22x128xf32, #tpu.memory_space<vmem>>, vector<1x16xf32>,
      %get3A_2392 = vector.shape_cast %get3A_2391 : vector<1x16xf32> to vector<16xf32>
      %mul3A_2393 = arith.constant 11.3137083 : f32
      %mul3A_2394 = vector.broadcast %mul3A_2393 : f32 to vector<16xf32>
      %mul3A_2395 = arith.mulf %get3A_2392, %mul3A_2394 : vector<16xf32>
      %swap3A_2396 = arith.constant 18 : i32
      %swap3A_2397 = arith.index_cast %swap3A_2396 : i32 to index
      %swap3A_2398 = arith.constant 32 : index
      %swap3A_2399 = tpu.vector_load %arg7[%swap3A_2397, %swap3A_2398] {strides = array<i32>} : memref<22x128xf32, #tpu.memory_space<vmem>>, vector<1x16xf32>,
      %swap3A_2400 = vector.shape_cast %swap3A_2399 : vector<1x16xf32> to vector<16xf32>
      %swap3A_2401 = vector.shape_cast %mul3A_2395 : vector<16xf32> to vector<1x16xf32>
      tpu.vector_store %arg7[%swap3A_2397, %swap3A_2398], %swap3A_2401 {strides = array<i32>} : memref<22x128xf32, #tpu.memory_space<vmem>>, vector<1x16xf32>,
      %get3A_2402 = arith.constant 18 : i32
      %get3A_2403 = arith.index_cast %get3A_2402 : i32 to index
      %get3A_2404 = arith.constant 48 : index
      %get3A_2405 = tpu.vector_load %arg7[%get3A_2403, %get3A_2404] {strides = array<i32>} : memref<22x128xf32, #tpu.memory_space<vmem>>, vector<1x16xf32>,
      %get3A_2406 = vector.shape_cast %get3A_2405 : vector<1x16xf32> to vector<16xf32>
      %mul3A_2407 = arith.constant 11.3137083 : f32
      %mul3A_2408 = vector.broadcast %mul3A_2407 : f32 to vector<16xf32>
      %mul3A_2409 = arith.mulf %get3A_2406, %mul3A_2408 : vector<16xf32>
      %swap3A_2410 = arith.constant 18 : i32
      %swap3A_2411 = arith.index_cast %swap3A_2410 : i32 to index
      %swap3A_2412 = arith.constant 48 : index
      %swap3A_2413 = tpu.vector_load %arg7[%swap3A_2411, %swap3A_2412] {strides = array<i32>} : memref<22x128xf32, #tpu.memory_space<vmem>>, vector<1x16xf32>,
      %swap3A_2414 = vector.shape_cast %swap3A_2413 : vector<1x16xf32> to vector<16xf32>
      %swap3A_2415 = vector.shape_cast %mul3A_2409 : vector<16xf32> to vector<1x16xf32>
      tpu.vector_store %arg7[%swap3A_2411, %swap3A_2412], %swap3A_2415 {strides = array<i32>} : memref<22x128xf32, #tpu.memory_space<vmem>>, vector<1x16xf32>,
      %get3A_2416 = arith.constant 18 : i32
      %get3A_2417 = arith.index_cast %get3A_2416 : i32 to index
      %get3A_2418 = arith.constant 64 : index
      %get3A_2419 = tpu.vector_load %arg7[%get3A_2417, %get3A_2418] {strides = array<i32>} : memref<22x128xf32, #tpu.memory_space<vmem>>, vector<1x16xf32>,
      %get3A_2420 = vector.shape_cast %get3A_2419 : vector<1x16xf32> to vector<16xf32>
      %mul3A_2421 = arith.constant 11.3137083 : f32
      %mul3A_2422 = vector.broadcast %mul3A_2421 : f32 to vector<16xf32>
      %mul3A_2423 = arith.mulf %get3A_2420, %mul3A_2422 : vector<16xf32>
      %swap3A_2424 = arith.constant 18 : i32
      %swap3A_2425 = arith.index_cast %swap3A_2424 : i32 to index
      %swap3A_2426 = arith.constant 64 : index
      %swap3A_2427 = tpu.vector_load %arg7[%swap3A_2425, %swap3A_2426] {strides = array<i32>} : memref<22x128xf32, #tpu.memory_space<vmem>>, vector<1x16xf32>,
      %swap3A_2428 = vector.shape_cast %swap3A_2427 : vector<1x16xf32> to vector<16xf32>
      %swap3A_2429 = vector.shape_cast %mul3A_2423 : vector<16xf32> to vector<1x16xf32>
      tpu.vector_store %arg7[%swap3A_2425, %swap3A_2426], %swap3A_2429 {strides = array<i32>} : memref<22x128xf32, #tpu.memory_space<vmem>>, vector<1x16xf32>,
      %get3A_2430 = arith.constant 18 : i32
      %get3A_2431 = arith.index_cast %get3A_2430 : i32 to index
      %get3A_2432 = arith.constant 80 : index
      %get3A_2433 = tpu.vector_load %arg7[%get3A_2431, %get3A_2432] {strides = array<i32>} : memref<22x128xf32, #tpu.memory_space<vmem>>, vector<1x16xf32>,
      %get3A_2434 = vector.shape_cast %get3A_2433 : vector<1x16xf32> to vector<16xf32>
      %mul3A_2435 = arith.constant 11.3137083 : f32
      %mul3A_2436 = vector.broadcast %mul3A_2435 : f32 to vector<16xf32>
      %mul3A_2437 = arith.mulf %get3A_2434, %mul3A_2436 : vector<16xf32>
      %swap3A_2438 = arith.constant 18 : i32
      %swap3A_2439 = arith.index_cast %swap3A_2438 : i32 to index
      %swap3A_2440 = arith.constant 80 : index
      %swap3A_2441 = tpu.vector_load %arg7[%swap3A_2439, %swap3A_2440] {strides = array<i32>} : memref<22x128xf32, #tpu.memory_space<vmem>>, vector<1x16xf32>,
      %swap3A_2442 = vector.shape_cast %swap3A_2441 : vector<1x16xf32> to vector<16xf32>
      %swap3A_2443 = vector.shape_cast %mul3A_2437 : vector<16xf32> to vector<1x16xf32>
      tpu.vector_store %arg7[%swap3A_2439, %swap3A_2440], %swap3A_2443 {strides = array<i32>} : memref<22x128xf32, #tpu.memory_space<vmem>>, vector<1x16xf32>,
      %get3A_2444 = arith.constant 18 : i32
      %get3A_2445 = arith.index_cast %get3A_2444 : i32 to index
      %get3A_2446 = arith.constant 96 : index
      %get3A_2447 = tpu.vector_load %arg7[%get3A_2445, %get3A_2446] {strides = array<i32>} : memref<22x128xf32, #tpu.memory_space<vmem>>, vector<1x16xf32>,
      %get3A_2448 = vector.shape_cast %get3A_2447 : vector<1x16xf32> to vector<16xf32>
      %mul3A_2449 = arith.constant 11.3137083 : f32
      %mul3A_2450 = vector.broadcast %mul3A_2449 : f32 to vector<16xf32>
      %mul3A_2451 = arith.mulf %get3A_2448, %mul3A_2450 : vector<16xf32>
      %swap3A_2452 = arith.constant 18 : i32
      %swap3A_2453 = arith.index_cast %swap3A_2452 : i32 to index
      %swap3A_2454 = arith.constant 96 : index
      %swap3A_2455 = tpu.vector_load %arg7[%swap3A_2453, %swap3A_2454] {strides = array<i32>} : memref<22x128xf32, #tpu.memory_space<vmem>>, vector<1x16xf32>,
      %swap3A_2456 = vector.shape_cast %swap3A_2455 : vector<1x16xf32> to vector<16xf32>
      %swap3A_2457 = vector.shape_cast %mul3A_2451 : vector<16xf32> to vector<1x16xf32>
      tpu.vector_store %arg7[%swap3A_2453, %swap3A_2454], %swap3A_2457 {strides = array<i32>} : memref<22x128xf32, #tpu.memory_space<vmem>>, vector<1x16xf32>,
      %get3A_2458 = arith.constant 18 : i32
      %get3A_2459 = arith.index_cast %get3A_2458 : i32 to index
      %get3A_2460 = arith.constant 112 : index
      %get3A_2461 = tpu.vector_load %arg7[%get3A_2459, %get3A_2460] {strides = array<i32>} : memref<22x128xf32, #tpu.memory_space<vmem>>, vector<1x16xf32>,
      %get3A_2462 = vector.shape_cast %get3A_2461 : vector<1x16xf32> to vector<16xf32>
      %mul3A_2463 = arith.constant 11.3137083 : f32
      %mul3A_2464 = vector.broadcast %mul3A_2463 : f32 to vector<16xf32>
      %mul3A_2465 = arith.mulf %get3A_2462, %mul3A_2464 : vector<16xf32>
      %swap3A_2466 = arith.constant 18 : i32
      %swap3A_2467 = arith.index_cast %swap3A_2466 : i32 to index
      %swap3A_2468 = arith.constant 112 : index
      %swap3A_2469 = tpu.vector_load %arg7[%swap3A_2467, %swap3A_2468] {strides = array<i32>} : memref<22x128xf32, #tpu.memory_space<vmem>>, vector<1x16xf32>,
      %swap3A_2470 = vector.shape_cast %swap3A_2469 : vector<1x16xf32> to vector<16xf32>
      %swap3A_2471 = vector.shape_cast %mul3A_2465 : vector<16xf32> to vector<1x16xf32>
      tpu.vector_store %arg7[%swap3A_2467, %swap3A_2468], %swap3A_2471 {strides = array<i32>} : memref<22x128xf32, #tpu.memory_space<vmem>>, vector<1x16xf32>,
      %get3A_2472 = arith.constant 19 : i32
      %get3A_2473 = arith.index_cast %get3A_2472 : i32 to index
      %get3A_2474 = arith.constant 0 : index
      %get3A_2475 = tpu.vector_load %arg7[%get3A_2473, %get3A_2474] {strides = array<i32>} : memref<22x128xf32, #tpu.memory_space<vmem>>, vector<1x16xf32>,
      %get3A_2476 = vector.shape_cast %get3A_2475 : vector<1x16xf32> to vector<16xf32>
      %mul3A_2477 = arith.constant 11.3137083 : f32
      %mul3A_2478 = vector.broadcast %mul3A_2477 : f32 to vector<16xf32>
      %mul3A_2479 = arith.mulf %get3A_2476, %mul3A_2478 : vector<16xf32>
      %swap3A_2480 = arith.constant 19 : i32
      %swap3A_2481 = arith.index_cast %swap3A_2480 : i32 to index
      %swap3A_2482 = arith.constant 0 : index
      %swap3A_2483 = tpu.vector_load %arg7[%swap3A_2481, %swap3A_2482] {strides = array<i32>} : memref<22x128xf32, #tpu.memory_space<vmem>>, vector<1x16xf32>,
      %swap3A_2484 = vector.shape_cast %swap3A_2483 : vector<1x16xf32> to vector<16xf32>
      %swap3A_2485 = vector.shape_cast %mul3A_2479 : vector<16xf32> to vector<1x16xf32>
      tpu.vector_store %arg7[%swap3A_2481, %swap3A_2482], %swap3A_2485 {strides = array<i32>} : memref<22x128xf32, #tpu.memory_space<vmem>>, vector<1x16xf32>,
      %get3A_2486 = arith.constant 19 : i32
      %get3A_2487 = arith.index_cast %get3A_2486 : i32 to index
      %get3A_2488 = arith.constant 16 : index
      %get3A_2489 = tpu.vector_load %arg7[%get3A_2487, %get3A_2488] {strides = array<i32>} : memref<22x128xf32, #tpu.memory_space<vmem>>, vector<1x16xf32>,
      %get3A_2490 = vector.shape_cast %get3A_2489 : vector<1x16xf32> to vector<16xf32>
      %mul3A_2491 = arith.constant 11.3137083 : f32
      %mul3A_2492 = vector.broadcast %mul3A_2491 : f32 to vector<16xf32>
      %mul3A_2493 = arith.mulf %get3A_2490, %mul3A_2492 : vector<16xf32>
      %swap3A_2494 = arith.constant 19 : i32
      %swap3A_2495 = arith.index_cast %swap3A_2494 : i32 to index
      %swap3A_2496 = arith.constant 16 : index
      %swap3A_2497 = tpu.vector_load %arg7[%swap3A_2495, %swap3A_2496] {strides = array<i32>} : memref<22x128xf32, #tpu.memory_space<vmem>>, vector<1x16xf32>,
      %swap3A_2498 = vector.shape_cast %swap3A_2497 : vector<1x16xf32> to vector<16xf32>
      %swap3A_2499 = vector.shape_cast %mul3A_2493 : vector<16xf32> to vector<1x16xf32>
      tpu.vector_store %arg7[%swap3A_2495, %swap3A_2496], %swap3A_2499 {strides = array<i32>} : memref<22x128xf32, #tpu.memory_space<vmem>>, vector<1x16xf32>,
      %get3A_2500 = arith.constant 19 : i32
      %get3A_2501 = arith.index_cast %get3A_2500 : i32 to index
      %get3A_2502 = arith.constant 32 : index
      %get3A_2503 = tpu.vector_load %arg7[%get3A_2501, %get3A_2502] {strides = array<i32>} : memref<22x128xf32, #tpu.memory_space<vmem>>, vector<1x16xf32>,
      %get3A_2504 = vector.shape_cast %get3A_2503 : vector<1x16xf32> to vector<16xf32>
      %mul3A_2505 = arith.constant 11.3137083 : f32
      %mul3A_2506 = vector.broadcast %mul3A_2505 : f32 to vector<16xf32>
      %mul3A_2507 = arith.mulf %get3A_2504, %mul3A_2506 : vector<16xf32>
      %swap3A_2508 = arith.constant 19 : i32
      %swap3A_2509 = arith.index_cast %swap3A_2508 : i32 to index
      %swap3A_2510 = arith.constant 32 : index
      %swap3A_2511 = tpu.vector_load %arg7[%swap3A_2509, %swap3A_2510] {strides = array<i32>} : memref<22x128xf32, #tpu.memory_space<vmem>>, vector<1x16xf32>,
      %swap3A_2512 = vector.shape_cast %swap3A_2511 : vector<1x16xf32> to vector<16xf32>
      %swap3A_2513 = vector.shape_cast %mul3A_2507 : vector<16xf32> to vector<1x16xf32>
      tpu.vector_store %arg7[%swap3A_2509, %swap3A_2510], %swap3A_2513 {strides = array<i32>} : memref<22x128xf32, #tpu.memory_space<vmem>>, vector<1x16xf32>,
      %get3A_2514 = arith.constant 19 : i32
      %get3A_2515 = arith.index_cast %get3A_2514 : i32 to index
      %get3A_2516 = arith.constant 48 : index
      %get3A_2517 = tpu.vector_load %arg7[%get3A_2515, %get3A_2516] {strides = array<i32>} : memref<22x128xf32, #tpu.memory_space<vmem>>, vector<1x16xf32>,
      %get3A_2518 = vector.shape_cast %get3A_2517 : vector<1x16xf32> to vector<16xf32>
      %mul3A_2519 = arith.constant 11.3137083 : f32
      %mul3A_2520 = vector.broadcast %mul3A_2519 : f32 to vector<16xf32>
      %mul3A_2521 = arith.mulf %get3A_2518, %mul3A_2520 : vector<16xf32>
      %swap3A_2522 = arith.constant 19 : i32
      %swap3A_2523 = arith.index_cast %swap3A_2522 : i32 to index
      %swap3A_2524 = arith.constant 48 : index
      %swap3A_2525 = tpu.vector_load %arg7[%swap3A_2523, %swap3A_2524] {strides = array<i32>} : memref<22x128xf32, #tpu.memory_space<vmem>>, vector<1x16xf32>,
      %swap3A_2526 = vector.shape_cast %swap3A_2525 : vector<1x16xf32> to vector<16xf32>
      %swap3A_2527 = vector.shape_cast %mul3A_2521 : vector<16xf32> to vector<1x16xf32>
      tpu.vector_store %arg7[%swap3A_2523, %swap3A_2524], %swap3A_2527 {strides = array<i32>} : memref<22x128xf32, #tpu.memory_space<vmem>>, vector<1x16xf32>,
      %get3A_2528 = arith.constant 19 : i32
      %get3A_2529 = arith.index_cast %get3A_2528 : i32 to index
      %get3A_2530 = arith.constant 64 : index
      %get3A_2531 = tpu.vector_load %arg7[%get3A_2529, %get3A_2530] {strides = array<i32>} : memref<22x128xf32, #tpu.memory_space<vmem>>, vector<1x16xf32>,
      %get3A_2532 = vector.shape_cast %get3A_2531 : vector<1x16xf32> to vector<16xf32>
      %mul3A_2533 = arith.constant 11.3137083 : f32
      %mul3A_2534 = vector.broadcast %mul3A_2533 : f32 to vector<16xf32>
      %mul3A_2535 = arith.mulf %get3A_2532, %mul3A_2534 : vector<16xf32>
      %swap3A_2536 = arith.constant 19 : i32
      %swap3A_2537 = arith.index_cast %swap3A_2536 : i32 to index
      %swap3A_2538 = arith.constant 64 : index
      %swap3A_2539 = tpu.vector_load %arg7[%swap3A_2537, %swap3A_2538] {strides = array<i32>} : memref<22x128xf32, #tpu.memory_space<vmem>>, vector<1x16xf32>,
      %swap3A_2540 = vector.shape_cast %swap3A_2539 : vector<1x16xf32> to vector<16xf32>
      %swap3A_2541 = vector.shape_cast %mul3A_2535 : vector<16xf32> to vector<1x16xf32>
      tpu.vector_store %arg7[%swap3A_2537, %swap3A_2538], %swap3A_2541 {strides = array<i32>} : memref<22x128xf32, #tpu.memory_space<vmem>>, vector<1x16xf32>,
      %get3A_2542 = arith.constant 19 : i32
      %get3A_2543 = arith.index_cast %get3A_2542 : i32 to index
      %get3A_2544 = arith.constant 80 : index
      %get3A_2545 = tpu.vector_load %arg7[%get3A_2543, %get3A_2544] {strides = array<i32>} : memref<22x128xf32, #tpu.memory_space<vmem>>, vector<1x16xf32>,
      %get3A_2546 = vector.shape_cast %get3A_2545 : vector<1x16xf32> to vector<16xf32>
      %mul3A_2547 = arith.constant 11.3137083 : f32
      %mul3A_2548 = vector.broadcast %mul3A_2547 : f32 to vector<16xf32>
      %mul3A_2549 = arith.mulf %get3A_2546, %mul3A_2548 : vector<16xf32>
      %swap3A_2550 = arith.constant 19 : i32
      %swap3A_2551 = arith.index_cast %swap3A_2550 : i32 to index
      %swap3A_2552 = arith.constant 80 : index
      %swap3A_2553 = tpu.vector_load %arg7[%swap3A_2551, %swap3A_2552] {strides = array<i32>} : memref<22x128xf32, #tpu.memory_space<vmem>>, vector<1x16xf32>,
      %swap3A_2554 = vector.shape_cast %swap3A_2553 : vector<1x16xf32> to vector<16xf32>
      %swap3A_2555 = vector.shape_cast %mul3A_2549 : vector<16xf32> to vector<1x16xf32>
      tpu.vector_store %arg7[%swap3A_2551, %swap3A_2552], %swap3A_2555 {strides = array<i32>} : memref<22x128xf32, #tpu.memory_space<vmem>>, vector<1x16xf32>,
      %get3A_2556 = arith.constant 19 : i32
      %get3A_2557 = arith.index_cast %get3A_2556 : i32 to index
      %get3A_2558 = arith.constant 96 : index
      %get3A_2559 = tpu.vector_load %arg7[%get3A_2557, %get3A_2558] {strides = array<i32>} : memref<22x128xf32, #tpu.memory_space<vmem>>, vector<1x16xf32>,
      %get3A_2560 = vector.shape_cast %get3A_2559 : vector<1x16xf32> to vector<16xf32>
      %mul3A_2561 = arith.constant 11.3137083 : f32
      %mul3A_2562 = vector.broadcast %mul3A_2561 : f32 to vector<16xf32>
      %mul3A_2563 = arith.mulf %get3A_2560, %mul3A_2562 : vector<16xf32>
      %swap3A_2564 = arith.constant 19 : i32
      %swap3A_2565 = arith.index_cast %swap3A_2564 : i32 to index
      %swap3A_2566 = arith.constant 96 : index
      %swap3A_2567 = tpu.vector_load %arg7[%swap3A_2565, %swap3A_2566] {strides = array<i32>} : memref<22x128xf32, #tpu.memory_space<vmem>>, vector<1x16xf32>,
      %swap3A_2568 = vector.shape_cast %swap3A_2567 : vector<1x16xf32> to vector<16xf32>
      %swap3A_2569 = vector.shape_cast %mul3A_2563 : vector<16xf32> to vector<1x16xf32>
      tpu.vector_store %arg7[%swap3A_2565, %swap3A_2566], %swap3A_2569 {strides = array<i32>} : memref<22x128xf32, #tpu.memory_space<vmem>>, vector<1x16xf32>,
      %get3A_2570 = arith.constant 19 : i32
      %get3A_2571 = arith.index_cast %get3A_2570 : i32 to index
      %get3A_2572 = arith.constant 112 : index
      %get3A_2573 = tpu.vector_load %arg7[%get3A_2571, %get3A_2572] {strides = array<i32>} : memref<22x128xf32, #tpu.memory_space<vmem>>, vector<1x16xf32>,
      %get3A_2574 = vector.shape_cast %get3A_2573 : vector<1x16xf32> to vector<16xf32>
      %mul3A_2575 = arith.constant 11.3137083 : f32
      %mul3A_2576 = vector.broadcast %mul3A_2575 : f32 to vector<16xf32>
      %mul3A_2577 = arith.mulf %get3A_2574, %mul3A_2576 : vector<16xf32>
      %swap3A_2578 = arith.constant 19 : i32
      %swap3A_2579 = arith.index_cast %swap3A_2578 : i32 to index
      %swap3A_2580 = arith.constant 112 : index
      %swap3A_2581 = tpu.vector_load %arg7[%swap3A_2579, %swap3A_2580] {strides = array<i32>} : memref<22x128xf32, #tpu.memory_space<vmem>>, vector<1x16xf32>,
      %swap3A_2582 = vector.shape_cast %swap3A_2581 : vector<1x16xf32> to vector<16xf32>
      %swap3A_2583 = vector.shape_cast %mul3A_2577 : vector<16xf32> to vector<1x16xf32>
      tpu.vector_store %arg7[%swap3A_2579, %swap3A_2580], %swap3A_2583 {strides = array<i32>} : memref<22x128xf32, #tpu.memory_space<vmem>>, vector<1x16xf32>,
      %get3A_2584 = arith.constant 20 : i32
      %get3A_2585 = arith.index_cast %get3A_2584 : i32 to index
      %get3A_2586 = arith.constant 0 : index
      %get3A_2587 = tpu.vector_load %arg7[%get3A_2585, %get3A_2586] {strides = array<i32>} : memref<22x128xf32, #tpu.memory_space<vmem>>, vector<1x16xf32>,
      %get3A_2588 = vector.shape_cast %get3A_2587 : vector<1x16xf32> to vector<16xf32>
      %mul3A_2589 = arith.constant 11.3137083 : f32
      %mul3A_2590 = vector.broadcast %mul3A_2589 : f32 to vector<16xf32>
      %mul3A_2591 = arith.mulf %get3A_2588, %mul3A_2590 : vector<16xf32>
      %swap3A_2592 = arith.constant 20 : i32
      %swap3A_2593 = arith.index_cast %swap3A_2592 : i32 to index
      %swap3A_2594 = arith.constant 0 : index
      %swap3A_2595 = tpu.vector_load %arg7[%swap3A_2593, %swap3A_2594] {strides = array<i32>} : memref<22x128xf32, #tpu.memory_space<vmem>>, vector<1x16xf32>,
      %swap3A_2596 = vector.shape_cast %swap3A_2595 : vector<1x16xf32> to vector<16xf32>
      %swap3A_2597 = vector.shape_cast %mul3A_2591 : vector<16xf32> to vector<1x16xf32>
      tpu.vector_store %arg7[%swap3A_2593, %swap3A_2594], %swap3A_2597 {strides = array<i32>} : memref<22x128xf32, #tpu.memory_space<vmem>>, vector<1x16xf32>,
      %get3A_2598 = arith.constant 20 : i32
      %get3A_2599 = arith.index_cast %get3A_2598 : i32 to index
      %get3A_2600 = arith.constant 16 : index
      %get3A_2601 = tpu.vector_load %arg7[%get3A_2599, %get3A_2600] {strides = array<i32>} : memref<22x128xf32, #tpu.memory_space<vmem>>, vector<1x16xf32>,
      %get3A_2602 = vector.shape_cast %get3A_2601 : vector<1x16xf32> to vector<16xf32>
      %mul3A_2603 = arith.constant 11.3137083 : f32
      %mul3A_2604 = vector.broadcast %mul3A_2603 : f32 to vector<16xf32>
      %mul3A_2605 = arith.mulf %get3A_2602, %mul3A_2604 : vector<16xf32>
      %swap3A_2606 = arith.constant 20 : i32
      %swap3A_2607 = arith.index_cast %swap3A_2606 : i32 to index
      %swap3A_2608 = arith.constant 16 : index
      %swap3A_2609 = tpu.vector_load %arg7[%swap3A_2607, %swap3A_2608] {strides = array<i32>} : memref<22x128xf32, #tpu.memory_space<vmem>>, vector<1x16xf32>,
      %swap3A_2610 = vector.shape_cast %swap3A_2609 : vector<1x16xf32> to vector<16xf32>
      %swap3A_2611 = vector.shape_cast %mul3A_2605 : vector<16xf32> to vector<1x16xf32>
      tpu.vector_store %arg7[%swap3A_2607, %swap3A_2608], %swap3A_2611 {strides = array<i32>} : memref<22x128xf32, #tpu.memory_space<vmem>>, vector<1x16xf32>,
      %get3A_2612 = arith.constant 20 : i32
      %get3A_2613 = arith.index_cast %get3A_2612 : i32 to index
      %get3A_2614 = arith.constant 32 : index
      %get3A_2615 = tpu.vector_load %arg7[%get3A_2613, %get3A_2614] {strides = array<i32>} : memref<22x128xf32, #tpu.memory_space<vmem>>, vector<1x16xf32>,
      %get3A_2616 = vector.shape_cast %get3A_2615 : vector<1x16xf32> to vector<16xf32>
      %mul3A_2617 = arith.constant 11.3137083 : f32
      %mul3A_2618 = vector.broadcast %mul3A_2617 : f32 to vector<16xf32>
      %mul3A_2619 = arith.mulf %get3A_2616, %mul3A_2618 : vector<16xf32>
      %swap3A_2620 = arith.constant 20 : i32
      %swap3A_2621 = arith.index_cast %swap3A_2620 : i32 to index
      %swap3A_2622 = arith.constant 32 : index
      %swap3A_2623 = tpu.vector_load %arg7[%swap3A_2621, %swap3A_2622] {strides = array<i32>} : memref<22x128xf32, #tpu.memory_space<vmem>>, vector<1x16xf32>,
      %swap3A_2624 = vector.shape_cast %swap3A_2623 : vector<1x16xf32> to vector<16xf32>
      %swap3A_2625 = vector.shape_cast %mul3A_2619 : vector<16xf32> to vector<1x16xf32>
      tpu.vector_store %arg7[%swap3A_2621, %swap3A_2622], %swap3A_2625 {strides = array<i32>} : memref<22x128xf32, #tpu.memory_space<vmem>>, vector<1x16xf32>,
      %get3A_2626 = arith.constant 20 : i32
      %get3A_2627 = arith.index_cast %get3A_2626 : i32 to index
      %get3A_2628 = arith.constant 48 : index
      %get3A_2629 = tpu.vector_load %arg7[%get3A_2627, %get3A_2628] {strides = array<i32>} : memref<22x128xf32, #tpu.memory_space<vmem>>, vector<1x16xf32>,
      %get3A_2630 = vector.shape_cast %get3A_2629 : vector<1x16xf32> to vector<16xf32>
      %mul3A_2631 = arith.constant 11.3137083 : f32
      %mul3A_2632 = vector.broadcast %mul3A_2631 : f32 to vector<16xf32>
      %mul3A_2633 = arith.mulf %get3A_2630, %mul3A_2632 : vector<16xf32>
      %swap3A_2634 = arith.constant 20 : i32
      %swap3A_2635 = arith.index_cast %swap3A_2634 : i32 to index
      %swap3A_2636 = arith.constant 48 : index
      %swap3A_2637 = tpu.vector_load %arg7[%swap3A_2635, %swap3A_2636] {strides = array<i32>} : memref<22x128xf32, #tpu.memory_space<vmem>>, vector<1x16xf32>,
      %swap3A_2638 = vector.shape_cast %swap3A_2637 : vector<1x16xf32> to vector<16xf32>
      %swap3A_2639 = vector.shape_cast %mul3A_2633 : vector<16xf32> to vector<1x16xf32>
      tpu.vector_store %arg7[%swap3A_2635, %swap3A_2636], %swap3A_2639 {strides = array<i32>} : memref<22x128xf32, #tpu.memory_space<vmem>>, vector<1x16xf32>,
      %get3A_2640 = arith.constant 20 : i32
      %get3A_2641 = arith.index_cast %get3A_2640 : i32 to index
      %get3A_2642 = arith.constant 64 : index
      %get3A_2643 = tpu.vector_load %arg7[%get3A_2641, %get3A_2642] {strides = array<i32>} : memref<22x128xf32, #tpu.memory_space<vmem>>, vector<1x16xf32>,
      %get3A_2644 = vector.shape_cast %get3A_2643 : vector<1x16xf32> to vector<16xf32>
      %mul3A_2645 = arith.constant 11.3137083 : f32
      %mul3A_2646 = vector.broadcast %mul3A_2645 : f32 to vector<16xf32>
      %mul3A_2647 = arith.mulf %get3A_2644, %mul3A_2646 : vector<16xf32>
      %swap3A_2648 = arith.constant 20 : i32
      %swap3A_2649 = arith.index_cast %swap3A_2648 : i32 to index
      %swap3A_2650 = arith.constant 64 : index
      %swap3A_2651 = tpu.vector_load %arg7[%swap3A_2649, %swap3A_2650] {strides = array<i32>} : memref<22x128xf32, #tpu.memory_space<vmem>>, vector<1x16xf32>,
      %swap3A_2652 = vector.shape_cast %swap3A_2651 : vector<1x16xf32> to vector<16xf32>
      %swap3A_2653 = vector.shape_cast %mul3A_2647 : vector<16xf32> to vector<1x16xf32>
      tpu.vector_store %arg7[%swap3A_2649, %swap3A_2650], %swap3A_2653 {strides = array<i32>} : memref<22x128xf32, #tpu.memory_space<vmem>>, vector<1x16xf32>,
      %get3A_2654 = arith.constant 20 : i32
      %get3A_2655 = arith.index_cast %get3A_2654 : i32 to index
      %get3A_2656 = arith.constant 80 : index
      %get3A_2657 = tpu.vector_load %arg7[%get3A_2655, %get3A_2656] {strides = array<i32>} : memref<22x128xf32, #tpu.memory_space<vmem>>, vector<1x16xf32>,
      %get3A_2658 = vector.shape_cast %get3A_2657 : vector<1x16xf32> to vector<16xf32>
      %mul3A_2659 = arith.constant 11.3137083 : f32
      %mul3A_2660 = vector.broadcast %mul3A_2659 : f32 to vector<16xf32>
      %mul3A_2661 = arith.mulf %get3A_2658, %mul3A_2660 : vector<16xf32>
      %swap3A_2662 = arith.constant 20 : i32
      %swap3A_2663 = arith.index_cast %swap3A_2662 : i32 to index
      %swap3A_2664 = arith.constant 80 : index
      %swap3A_2665 = tpu.vector_load %arg7[%swap3A_2663, %swap3A_2664] {strides = array<i32>} : memref<22x128xf32, #tpu.memory_space<vmem>>, vector<1x16xf32>,
      %swap3A_2666 = vector.shape_cast %swap3A_2665 : vector<1x16xf32> to vector<16xf32>
      %swap3A_2667 = vector.shape_cast %mul3A_2661 : vector<16xf32> to vector<1x16xf32>
      tpu.vector_store %arg7[%swap3A_2663, %swap3A_2664], %swap3A_2667 {strides = array<i32>} : memref<22x128xf32, #tpu.memory_space<vmem>>, vector<1x16xf32>,
      %get3A_2668 = arith.constant 20 : i32
      %get3A_2669 = arith.index_cast %get3A_2668 : i32 to index
      %get3A_2670 = arith.constant 96 : index
      %get3A_2671 = tpu.vector_load %arg7[%get3A_2669, %get3A_2670] {strides = array<i32>} : memref<22x128xf32, #tpu.memory_space<vmem>>, vector<1x16xf32>,
      %get3A_2672 = vector.shape_cast %get3A_2671 : vector<1x16xf32> to vector<16xf32>
      %mul3A_2673 = arith.constant 11.3137083 : f32
      %mul3A_2674 = vector.broadcast %mul3A_2673 : f32 to vector<16xf32>
      %mul3A_2675 = arith.mulf %get3A_2672, %mul3A_2674 : vector<16xf32>
      %swap3A_2676 = arith.constant 20 : i32
      %swap3A_2677 = arith.index_cast %swap3A_2676 : i32 to index
      %swap3A_2678 = arith.constant 96 : index
      %swap3A_2679 = tpu.vector_load %arg7[%swap3A_2677, %swap3A_2678] {strides = array<i32>} : memref<22x128xf32, #tpu.memory_space<vmem>>, vector<1x16xf32>,
      %swap3A_2680 = vector.shape_cast %swap3A_2679 : vector<1x16xf32> to vector<16xf32>
      %swap3A_2681 = vector.shape_cast %mul3A_2675 : vector<16xf32> to vector<1x16xf32>
      tpu.vector_store %arg7[%swap3A_2677, %swap3A_2678], %swap3A_2681 {strides = array<i32>} : memref<22x128xf32, #tpu.memory_space<vmem>>, vector<1x16xf32>,
      %get3A_2682 = arith.constant 20 : i32
      %get3A_2683 = arith.index_cast %get3A_2682 : i32 to index
      %get3A_2684 = arith.constant 112 : index
      %get3A_2685 = tpu.vector_load %arg7[%get3A_2683, %get3A_2684] {strides = array<i32>} : memref<22x128xf32, #tpu.memory_space<vmem>>, vector<1x16xf32>,
      %get3A_2686 = vector.shape_cast %get3A_2685 : vector<1x16xf32> to vector<16xf32>
      %mul3A_2687 = arith.constant 11.3137083 : f32
      %mul3A_2688 = vector.broadcast %mul3A_2687 : f32 to vector<16xf32>
      %mul3A_2689 = arith.mulf %get3A_2686, %mul3A_2688 : vector<16xf32>
      %swap3A_2690 = arith.constant 20 : i32
      %swap3A_2691 = arith.index_cast %swap3A_2690 : i32 to index
      %swap3A_2692 = arith.constant 112 : index
      %swap3A_2693 = tpu.vector_load %arg7[%swap3A_2691, %swap3A_2692] {strides = array<i32>} : memref<22x128xf32, #tpu.memory_space<vmem>>, vector<1x16xf32>,
      %swap3A_2694 = vector.shape_cast %swap3A_2693 : vector<1x16xf32> to vector<16xf32>
      %swap3A_2695 = vector.shape_cast %mul3A_2689 : vector<16xf32> to vector<1x16xf32>
      tpu.vector_store %arg7[%swap3A_2691, %swap3A_2692], %swap3A_2695 {strides = array<i32>} : memref<22x128xf32, #tpu.memory_space<vmem>>, vector<1x16xf32>,
      %broadcast_in_dim3A = arith.constant 0.000000e+00 : f32
      %broadcast_in_dim3A_2696 = vector.broadcast %broadcast_in_dim3A : f32 to vector<16xf32>
      %swap3A_2697 = arith.constant 21 : i32
      %swap3A_2698 = arith.index_cast %swap3A_2697 : i32 to index
      %swap3A_2699 = arith.constant 0 : index
      %swap3A_2700 = tpu.vector_load %arg7[%swap3A_2698, %swap3A_2699] {strides = array<i32>} : memref<22x128xf32, #tpu.memory_space<vmem>>, vector<1x16xf32>,
      %swap3A_2701 = vector.shape_cast %swap3A_2700 : vector<1x16xf32> to vector<16xf32>
      %swap3A_2702 = vector.shape_cast %broadcast_in_dim3A_2696 : vector<16xf32> to vector<1x16xf32>
      tpu.vector_store %arg7[%swap3A_2698, %swap3A_2699], %swap3A_2702 {strides = array<i32>} : memref<22x128xf32, #tpu.memory_space<vmem>>, vector<1x16xf32>,
      %broadcast_in_dim3A_2703 = arith.constant 0.000000e+00 : f32
      %broadcast_in_dim3A_2704 = vector.broadcast %broadcast_in_dim3A_2703 : f32 to vector<16xf32>
      %swap3A_2705 = arith.constant 21 : i32
      %swap3A_2706 = arith.index_cast %swap3A_2705 : i32 to index
      %swap3A_2707 = arith.constant 16 : index
      %swap3A_2708 = tpu.vector_load %arg7[%swap3A_2706, %swap3A_2707] {strides = array<i32>} : memref<22x128xf32, #tpu.memory_space<vmem>>, vector<1x16xf32>,
      %swap3A_2709 = vector.shape_cast %swap3A_2708 : vector<1x16xf32> to vector<16xf32>
      %swap3A_2710 = vector.shape_cast %broadcast_in_dim3A_2704 : vector<16xf32> to vector<1x16xf32>
      tpu.vector_store %arg7[%swap3A_2706, %swap3A_2707], %swap3A_2710 {strides = array<i32>} : memref<22x128xf32, #tpu.memory_space<vmem>>, vector<1x16xf32>,
      %broadcast_in_dim3A_2711 = arith.constant 0.000000e+00 : f32
      %broadcast_in_dim3A_2712 = vector.broadcast %broadcast_in_dim3A_2711 : f32 to vector<16xf32>
      %swap3A_2713 = arith.constant 21 : i32
      %swap3A_2714 = arith.index_cast %swap3A_2713 : i32 to index
      %swap3A_2715 = arith.constant 32 : index
      %swap3A_2716 = tpu.vector_load %arg7[%swap3A_2714, %swap3A_2715] {strides = array<i32>} : memref<22x128xf32, #tpu.memory_space<vmem>>, vector<1x16xf32>,
      %swap3A_2717 = vector.shape_cast %swap3A_2716 : vector<1x16xf32> to vector<16xf32>
      %swap3A_2718 = vector.shape_cast %broadcast_in_dim3A_2712 : vector<16xf32> to vector<1x16xf32>
      tpu.vector_store %arg7[%swap3A_2714, %swap3A_2715], %swap3A_2718 {strides = array<i32>} : memref<22x128xf32, #tpu.memory_space<vmem>>, vector<1x16xf32>,
      %broadcast_in_dim3A_2719 = arith.constant 0.000000e+00 : f32
      %broadcast_in_dim3A_2720 = vector.broadcast %broadcast_in_dim3A_2719 : f32 to vector<16xf32>
      %swap3A_2721 = arith.constant 21 : i32
      %swap3A_2722 = arith.index_cast %swap3A_2721 : i32 to index
      %swap3A_2723 = arith.constant 48 : index
      %swap3A_2724 = tpu.vector_load %arg7[%swap3A_2722, %swap3A_2723] {strides = array<i32>} : memref<22x128xf32, #tpu.memory_space<vmem>>, vector<1x16xf32>,
      %swap3A_2725 = vector.shape_cast %swap3A_2724 : vector<1x16xf32> to vector<16xf32>
      %swap3A_2726 = vector.shape_cast %broadcast_in_dim3A_2720 : vector<16xf32> to vector<1x16xf32>
      tpu.vector_store %arg7[%swap3A_2722, %swap3A_2723], %swap3A_2726 {strides = array<i32>} : memref<22x128xf32, #tpu.memory_space<vmem>>, vector<1x16xf32>,
      %broadcast_in_dim3A_2727 = arith.constant 0.000000e+00 : f32
      %broadcast_in_dim3A_2728 = vector.broadcast %broadcast_in_dim3A_2727 : f32 to vector<16xf32>
      %swap3A_2729 = arith.constant 21 : i32
      %swap3A_2730 = arith.index_cast %swap3A_2729 : i32 to index
      %swap3A_2731 = arith.constant 64 : index
      %swap3A_2732 = tpu.vector_load %arg7[%swap3A_2730, %swap3A_2731] {strides = array<i32>} : memref<22x128xf32, #tpu.memory_space<vmem>>, vector<1x16xf32>,
      %swap3A_2733 = vector.shape_cast %swap3A_2732 : vector<1x16xf32> to vector<16xf32>
      %swap3A_2734 = vector.shape_cast %broadcast_in_dim3A_2728 : vector<16xf32> to vector<1x16xf32>
      tpu.vector_store %arg7[%swap3A_2730, %swap3A_2731], %swap3A_2734 {strides = array<i32>} : memref<22x128xf32, #tpu.memory_space<vmem>>, vector<1x16xf32>,
      %broadcast_in_dim3A_2735 = arith.constant 0.000000e+00 : f32
      %broadcast_in_dim3A_2736 = vector.broadcast %broadcast_in_dim3A_2735 : f32 to vector<16xf32>
      %swap3A_2737 = arith.constant 21 : i32
      %swap3A_2738 = arith.index_cast %swap3A_2737 : i32 to index
      %swap3A_2739 = arith.constant 80 : index
      %swap3A_2740 = tpu.vector_load %arg7[%swap3A_2738, %swap3A_2739] {strides = array<i32>} : memref<22x128xf32, #tpu.memory_space<vmem>>, vector<1x16xf32>,
      %swap3A_2741 = vector.shape_cast %swap3A_2740 : vector<1x16xf32> to vector<16xf32>
      %swap3A_2742 = vector.shape_cast %broadcast_in_dim3A_2736 : vector<16xf32> to vector<1x16xf32>
      tpu.vector_store %arg7[%swap3A_2738, %swap3A_2739], %swap3A_2742 {strides = array<i32>} : memref<22x128xf32, #tpu.memory_space<vmem>>, vector<1x16xf32>,
      %broadcast_in_dim3A_2743 = arith.constant 0.000000e+00 : f32
      %broadcast_in_dim3A_2744 = vector.broadcast %broadcast_in_dim3A_2743 : f32 to vector<16xf32>
      %swap3A_2745 = arith.constant 21 : i32
      %swap3A_2746 = arith.index_cast %swap3A_2745 : i32 to index
      %swap3A_2747 = arith.constant 96 : index
      %swap3A_2748 = tpu.vector_load %arg7[%swap3A_2746, %swap3A_2747] {strides = array<i32>} : memref<22x128xf32, #tpu.memory_space<vmem>>, vector<1x16xf32>,
      %swap3A_2749 = vector.shape_cast %swap3A_2748 : vector<1x16xf32> to vector<16xf32>
      %swap3A_2750 = vector.shape_cast %broadcast_in_dim3A_2744 : vector<16xf32> to vector<1x16xf32>
      tpu.vector_store %arg7[%swap3A_2746, %swap3A_2747], %swap3A_2750 {strides = array<i32>} : memref<22x128xf32, #tpu.memory_space<vmem>>, vector<1x16xf32>,
      %broadcast_in_dim3A_2751 = arith.constant 0.000000e+00 : f32
      %broadcast_in_dim3A_2752 = vector.broadcast %broadcast_in_dim3A_2751 : f32 to vector<16xf32>
      %swap3A_2753 = arith.constant 21 : i32
      %swap3A_2754 = arith.index_cast %swap3A_2753 : i32 to index
      %swap3A_2755 = arith.constant 112 : index
      %swap3A_2756 = tpu.vector_load %arg7[%swap3A_2754, %swap3A_2755] {strides = array<i32>} : memref<22x128xf32, #tpu.memory_space<vmem>>, vector<1x16xf32>,
      %swap3A_2757 = vector.shape_cast %swap3A_2756 : vector<1x16xf32> to vector<16xf32>
      %swap3A_2758 = vector.shape_cast %broadcast_in_dim3A_2752 : vector<16xf32> to vector<1x16xf32>
      tpu.vector_store %arg7[%swap3A_2754, %swap3A_2755], %swap3A_2758 {strides = array<i32>} : memref<22x128xf32, #tpu.memory_space<vmem>>, vector<1x16xf32>,
      "tpu.region"() ({
        %run_scoped3A = tpu.sem_alloc : memref<!tpu.dma_semaphore, #tpu.memory_space<semaphore_mem>>
        tpu.enqueue_dma source(%arg7 : memref<22x128xf32, #tpu.memory_space<vmem>>) target(%arg8 : memref<22x128xf32, #tpu.memory_space<vmem_shared>>) target_semaphore(%run_scoped3A : memref<!tpu.dma_semaphore, #tpu.memory_space<semaphore_mem>>)
        tpu.wait_dma2 semaphore(%run_scoped3A : memref<!tpu.dma_semaphore, #tpu.memory_space<semaphore_mem>>) src(%arg7 : memref<22x128xf32, #tpu.memory_space<vmem>>) dst(%arg8 : memref<22x128xf32, #tpu.memory_space<vmem_shared>>)
        tpu.yield
      }) : () -> ()
    } else {
    }
    %barrier3A = arith.constant 0 : index
    tpu.barrier barrier_id(%barrier3A)
    %mul3A_5 = arith.constant 200 : i32
    %mul3A_6 = arith.muli %add3A, %mul3A_5 : i32
    "tpu.region"() ({
      %run_scoped3A = tpu.sem_alloc : memref<!tpu.dma_semaphore, #tpu.memory_space<semaphore_mem>>
      %dma_start3A_346 = arith.constant 0 : i32
      %dma_start3A_347 = tpu.memref_slice %arg3[%mul3A_6, %dma_start3A_346] : memref<6400x128xi32, #tpu.memory_space<hbm>> -> memref<200x128xi32, #tpu.memory_space<hbm>>
      %dma_start3A_348 = arith.constant 0 : i32
      %dma_start3A_349 = tpu.memref_slice %arg3[%mul3A_6, %dma_start3A_348] : memref<6400x128xi32, #tpu.memory_space<hbm>> -> memref<200x128xi32, #tpu.memory_space<hbm>>
      tpu.enqueue_dma source(%dma_start3A_349 : memref<200x128xi32, #tpu.memory_space<hbm>>) target(%arg5 : memref<200x128xi32, #tpu.memory_space<vmem>>) target_semaphore(%run_scoped3A : memref<!tpu.dma_semaphore, #tpu.memory_space<semaphore_mem>>)
      %dma_wait3A_350 = arith.constant 0 : i32
      %dma_wait3A_351 = tpu.memref_slice %arg3[%mul3A_6, %dma_wait3A_350] : memref<6400x128xi32, #tpu.memory_space<hbm>> -> memref<200x128xi32, #tpu.memory_space<hbm>>
      %dma_wait3A_352 = arith.constant 0 : i32
      %dma_wait3A_353 = tpu.memref_slice %arg3[%mul3A_6, %dma_wait3A_352] : memref<6400x128xi32, #tpu.memory_space<hbm>> -> memref<200x128xi32, #tpu.memory_space<hbm>>
      tpu.wait_dma2 semaphore(%run_scoped3A : memref<!tpu.dma_semaphore, #tpu.memory_space<semaphore_mem>>) src(%dma_wait3A_353 : memref<200x128xi32, #tpu.memory_space<hbm>>) dst(%arg5 : memref<200x128xi32, #tpu.memory_space<vmem>>)
      tpu.yield
    }) : () -> ()
    %dma_start3A = arith.constant 0 : i32
    %dma_start3A_7 = arith.constant 0 : i32
    %dma_start3A_8 = arith.constant 0 : i32
    %dma_start3A_9 = arith.constant 0 : i32
    %dma_start3A_10 = tpu.memref_slice %arg6[%dma_start3A_7, %dma_start3A_8, %dma_start3A_9] : memref<3x256x128xf32, #tpu.memory_space<vmem>> -> memref<1x128x128xf32, #tpu.memory_space<vmem>>
    %dma_start3A_11 = tpu.memref_squeeze %dma_start3A_10 : memref<1x128x128xf32, #tpu.memory_space<vmem>> -> memref<128x128xf32, #tpu.memory_space<vmem>>
    %dma_start3A_12 = arith.constant 0 : i32
    %dma_start3A_13 = tpu.memref_slice %arg5[%dma_start3A, %dma_start3A_12] : memref<200x128xi32, #tpu.memory_space<vmem>> -> memref<1x128xi32, #tpu.memory_space<vmem>>
    %dma_start3A_14 = tpu.memref_squeeze %dma_start3A_13 : memref<1x128xi32, #tpu.memory_space<vmem>> -> memref<128xi32, #tpu.memory_space<vmem>>
    %dma_start3A_15 = arith.constant 0 : i32
    %dma_start3A_16 = arith.constant 0 : i32
    %dma_start3A_17 = tpu.memref_slice %arg8[%dma_start3A_15, %dma_start3A_16] : memref<22x128xf32, #tpu.memory_space<vmem_shared>> -> memref<22x128xf32, #tpu.memory_space<vmem_shared>>
    tpu.enqueue_indirect_dma source(%dma_start3A_17 : memref<22x128xf32, #tpu.memory_space<vmem_shared>>) target(%dma_start3A_11 : memref<128x128xf32, #tpu.memory_space<vmem>>) offsets(%dma_start3A_14 : memref<128xi32, #tpu.memory_space<vmem>>) semaphore(%arg9 : memref<!tpu.dma_semaphore, #tpu.memory_space<semaphore_mem>>)
    %dma_start3A_18 = arith.constant 1 : i32
    %dma_start3A_19 = arith.constant 0 : i32
    %dma_start3A_20 = arith.constant 128 : i32
    %dma_start3A_21 = arith.constant 0 : i32
    %dma_start3A_22 = tpu.memref_slice %arg6[%dma_start3A_19, %dma_start3A_20, %dma_start3A_21] : memref<3x256x128xf32, #tpu.memory_space<vmem>> -> memref<1x128x128xf32, #tpu.memory_space<vmem>>
    %dma_start3A_23 = tpu.memref_squeeze %dma_start3A_22 : memref<1x128x128xf32, #tpu.memory_space<vmem>> -> memref<128x128xf32, #tpu.memory_space<vmem>>
    %dma_start3A_24 = arith.constant 0 : i32
    %dma_start3A_25 = tpu.memref_slice %arg5[%dma_start3A_18, %dma_start3A_24] : memref<200x128xi32, #tpu.memory_space<vmem>> -> memref<1x128xi32, #tpu.memory_space<vmem>>
    %dma_start3A_26 = tpu.memref_squeeze %dma_start3A_25 : memref<1x128xi32, #tpu.memory_space<vmem>> -> memref<128xi32, #tpu.memory_space<vmem>>
    %dma_start3A_27 = arith.constant 0 : i32
    %dma_start3A_28 = arith.constant 0 : i32
    %dma_start3A_29 = tpu.memref_slice %arg8[%dma_start3A_27, %dma_start3A_28] : memref<22x128xf32, #tpu.memory_space<vmem_shared>> -> memref<22x128xf32, #tpu.memory_space<vmem_shared>>
    tpu.enqueue_indirect_dma source(%dma_start3A_29 : memref<22x128xf32, #tpu.memory_space<vmem_shared>>) target(%dma_start3A_23 : memref<128x128xf32, #tpu.memory_space<vmem>>) offsets(%dma_start3A_26 : memref<128xi32, #tpu.memory_space<vmem>>) semaphore(%arg9 : memref<!tpu.dma_semaphore, #tpu.memory_space<semaphore_mem>>)
    %dma_start3A_30 = arith.constant 2 : i32
    %dma_start3A_31 = arith.constant 1 : i32
    %dma_start3A_32 = arith.constant 0 : i32
    %dma_start3A_33 = arith.constant 0 : i32
    %dma_start3A_34 = tpu.memref_slice %arg6[%dma_start3A_31, %dma_start3A_32, %dma_start3A_33] : memref<3x256x128xf32, #tpu.memory_space<vmem>> -> memref<1x128x128xf32, #tpu.memory_space<vmem>>
    %dma_start3A_35 = tpu.memref_squeeze %dma_start3A_34 : memref<1x128x128xf32, #tpu.memory_space<vmem>> -> memref<128x128xf32, #tpu.memory_space<vmem>>
    %dma_start3A_36 = arith.constant 0 : i32
    %dma_start3A_37 = tpu.memref_slice %arg5[%dma_start3A_30, %dma_start3A_36] : memref<200x128xi32, #tpu.memory_space<vmem>> -> memref<1x128xi32, #tpu.memory_space<vmem>>
    %dma_start3A_38 = tpu.memref_squeeze %dma_start3A_37 : memref<1x128xi32, #tpu.memory_space<vmem>> -> memref<128xi32, #tpu.memory_space<vmem>>
    %dma_start3A_39 = arith.constant 0 : i32
    %dma_start3A_40 = arith.constant 0 : i32
    %dma_start3A_41 = tpu.memref_slice %arg8[%dma_start3A_39, %dma_start3A_40] : memref<22x128xf32, #tpu.memory_space<vmem_shared>> -> memref<22x128xf32, #tpu.memory_space<vmem_shared>>
    tpu.enqueue_indirect_dma source(%dma_start3A_41 : memref<22x128xf32, #tpu.memory_space<vmem_shared>>) target(%dma_start3A_35 : memref<128x128xf32, #tpu.memory_space<vmem>>) offsets(%dma_start3A_38 : memref<128xi32, #tpu.memory_space<vmem>>) semaphore(%arg9 : memref<!tpu.dma_semaphore, #tpu.memory_space<semaphore_mem>>)
    %dma_start3A_42 = arith.constant 3 : i32
    %dma_start3A_43 = arith.constant 1 : i32
    %dma_start3A_44 = arith.constant 128 : i32
    %dma_start3A_45 = arith.constant 0 : i32
    %dma_start3A_46 = tpu.memref_slice %arg6[%dma_start3A_43, %dma_start3A_44, %dma_start3A_45] : memref<3x256x128xf32, #tpu.memory_space<vmem>> -> memref<1x128x128xf32, #tpu.memory_space<vmem>>
    %dma_start3A_47 = tpu.memref_squeeze %dma_start3A_46 : memref<1x128x128xf32, #tpu.memory_space<vmem>> -> memref<128x128xf32, #tpu.memory_space<vmem>>
    %dma_start3A_48 = arith.constant 0 : i32
    %dma_start3A_49 = tpu.memref_slice %arg5[%dma_start3A_42, %dma_start3A_48] : memref<200x128xi32, #tpu.memory_space<vmem>> -> memref<1x128xi32, #tpu.memory_space<vmem>>
    %dma_start3A_50 = tpu.memref_squeeze %dma_start3A_49 : memref<1x128xi32, #tpu.memory_space<vmem>> -> memref<128xi32, #tpu.memory_space<vmem>>
    %dma_start3A_51 = arith.constant 0 : i32
    %dma_start3A_52 = arith.constant 0 : i32
    %dma_start3A_53 = tpu.memref_slice %arg8[%dma_start3A_51, %dma_start3A_52] : memref<22x128xf32, #tpu.memory_space<vmem_shared>> -> memref<22x128xf32, #tpu.memory_space<vmem_shared>>
    tpu.enqueue_indirect_dma source(%dma_start3A_53 : memref<22x128xf32, #tpu.memory_space<vmem_shared>>) target(%dma_start3A_47 : memref<128x128xf32, #tpu.memory_space<vmem>>) offsets(%dma_start3A_50 : memref<128xi32, #tpu.memory_space<vmem>>) semaphore(%arg9 : memref<!tpu.dma_semaphore, #tpu.memory_space<semaphore_mem>>)
    %dma_wait3A = arith.constant 0 : i32
    %dma_wait3A_54 = arith.constant 0 : i32
    %dma_wait3A_55 = arith.constant 0 : i32
    %dma_wait3A_56 = tpu.memref_slice %arg6[%dma_wait3A, %dma_wait3A_54, %dma_wait3A_55] : memref<3x256x128xf32, #tpu.memory_space<vmem>> -> memref<1x128x128xf32, #tpu.memory_space<vmem>>
    %dma_wait3A_57 = tpu.memref_squeeze %dma_wait3A_56 : memref<1x128x128xf32, #tpu.memory_space<vmem>> -> memref<128x128xf32, #tpu.memory_space<vmem>>
    %dma_wait3A_58 = arith.constant 0 : i32
    %dma_wait3A_59 = arith.constant 0 : i32
    %dma_wait3A_60 = tpu.memref_slice %arg4[%dma_wait3A_58, %dma_wait3A_59] : memref<819200x128xf32, #tpu.memory_space<hbm>> -> memref<128x128xf32, #tpu.memory_space<hbm>>
    %dma_wait3A_61 = arith.constant 0 : i32
    %dma_wait3A_62 = arith.constant 0 : i32
    %dma_wait3A_63 = tpu.memref_slice %arg6[%dma_wait3A, %dma_wait3A_61, %dma_wait3A_62] : memref<3x256x128xf32, #tpu.memory_space<vmem>> -> memref<1x128x128xf32, #tpu.memory_space<vmem>>
    %dma_wait3A_64 = tpu.memref_squeeze %dma_wait3A_63 : memref<1x128x128xf32, #tpu.memory_space<vmem>> -> memref<128x128xf32, #tpu.memory_space<vmem>>
    %dma_wait3A_65 = arith.constant 0 : i32
    %dma_wait3A_66 = arith.constant 0 : i32
    %dma_wait3A_67 = tpu.memref_slice %arg4[%dma_wait3A_65, %dma_wait3A_66] : memref<819200x128xf32, #tpu.memory_space<hbm>> -> memref<128x128xf32, #tpu.memory_space<hbm>>
    tpu.wait_dma2 semaphore(%arg9 : memref<!tpu.dma_semaphore, #tpu.memory_space<semaphore_mem>>) src(%dma_wait3A_67 : memref<128x128xf32, #tpu.memory_space<hbm>>) dst(%dma_wait3A_64 : memref<128x128xf32, #tpu.memory_space<vmem>>)
    %dma_wait3A_68 = arith.constant 0 : i32
    %dma_wait3A_69 = arith.constant 128 : i32
    %dma_wait3A_70 = arith.constant 0 : i32
    %dma_wait3A_71 = tpu.memref_slice %arg6[%dma_wait3A_68, %dma_wait3A_69, %dma_wait3A_70] : memref<3x256x128xf32, #tpu.memory_space<vmem>> -> memref<1x128x128xf32, #tpu.memory_space<vmem>>
    %dma_wait3A_72 = tpu.memref_squeeze %dma_wait3A_71 : memref<1x128x128xf32, #tpu.memory_space<vmem>> -> memref<128x128xf32, #tpu.memory_space<vmem>>
    %dma_wait3A_73 = arith.constant 0 : i32
    %dma_wait3A_74 = arith.constant 0 : i32
    %dma_wait3A_75 = tpu.memref_slice %arg4[%dma_wait3A_73, %dma_wait3A_74] : memref<819200x128xf32, #tpu.memory_space<hbm>> -> memref<128x128xf32, #tpu.memory_space<hbm>>
    %dma_wait3A_76 = arith.constant 128 : i32
    %dma_wait3A_77 = arith.constant 0 : i32
    %dma_wait3A_78 = tpu.memref_slice %arg6[%dma_wait3A_68, %dma_wait3A_76, %dma_wait3A_77] : memref<3x256x128xf32, #tpu.memory_space<vmem>> -> memref<1x128x128xf32, #tpu.memory_space<vmem>>
    %dma_wait3A_79 = tpu.memref_squeeze %dma_wait3A_78 : memref<1x128x128xf32, #tpu.memory_space<vmem>> -> memref<128x128xf32, #tpu.memory_space<vmem>>
    %dma_wait3A_80 = arith.constant 0 : i32
    %dma_wait3A_81 = arith.constant 0 : i32
    %dma_wait3A_82 = tpu.memref_slice %arg4[%dma_wait3A_80, %dma_wait3A_81] : memref<819200x128xf32, #tpu.memory_space<hbm>> -> memref<128x128xf32, #tpu.memory_space<hbm>>
    tpu.wait_dma2 semaphore(%arg9 : memref<!tpu.dma_semaphore, #tpu.memory_space<semaphore_mem>>) src(%dma_wait3A_82 : memref<128x128xf32, #tpu.memory_space<hbm>>) dst(%dma_wait3A_79 : memref<128x128xf32, #tpu.memory_space<vmem>>)
    %add3A_83 = arith.constant 0 : i32
    %add3A_84 = arith.addi %mul3A_2, %add3A_83 : i32
    %dma_start3A_85 = arith.constant 0 : i32
    %dma_start3A_86 = arith.constant 0 : i32
    %dma_start3A_87 = arith.constant 0 : i32
    %dma_start3A_88 = tpu.memref_slice %arg6[%dma_start3A_85, %dma_start3A_86, %dma_start3A_87] : memref<3x256x128xf32, #tpu.memory_space<vmem>> -> memref<1x256x128xf32, #tpu.memory_space<vmem>>
    %dma_start3A_89 = tpu.memref_squeeze %dma_start3A_88 : memref<1x256x128xf32, #tpu.memory_space<vmem>> -> memref<256x128xf32, #tpu.memory_space<vmem>>
    %dma_start3A_90 = arith.constant 0 : i32
    %dma_start3A_91 = tpu.memref_slice %arg4[%add3A_84, %dma_start3A_90] : memref<819200x128xf32, #tpu.memory_space<hbm>> -> memref<256x128xf32, #tpu.memory_space<hbm>>
    %dma_start3A_92 = arith.constant 0 : i32
    %dma_start3A_93 = tpu.memref_slice %arg4[%add3A_84, %dma_start3A_92] : memref<819200x128xf32, #tpu.memory_space<hbm>> -> memref<256x128xf32, #tpu.memory_space<hbm>>
    %dma_start3A_94 = arith.constant 0 : i32
    %dma_start3A_95 = arith.constant 0 : i32
    %dma_start3A_96 = tpu.memref_slice %arg6[%dma_start3A_85, %dma_start3A_94, %dma_start3A_95] : memref<3x256x128xf32, #tpu.memory_space<vmem>> -> memref<1x256x128xf32, #tpu.memory_space<vmem>>
    %dma_start3A_97 = tpu.memref_squeeze %dma_start3A_96 : memref<1x256x128xf32, #tpu.memory_space<vmem>> -> memref<256x128xf32, #tpu.memory_space<vmem>>
    tpu.enqueue_dma source(%dma_start3A_97 : memref<256x128xf32, #tpu.memory_space<vmem>>) target(%dma_start3A_93 : memref<256x128xf32, #tpu.memory_space<hbm>>) target_semaphore(%arg10 : memref<!tpu.dma_semaphore, #tpu.memory_space<semaphore_mem>>)
    %scan3A = arith.constant 0 : i32
    %scan3A_98 = arith.constant 0 : i32
    %scan3A_99 = arith.constant 32 : i32
    %scan3A_100 = arith.addi %scan3A_98, %scan3A_99 : i32
    %scan3A_101 = arith.constant 1 : i32
    scf.for %scan3A_346 = %scan3A_98 to %scan3A_100 step %scan3A_101  : i32 {
      %mul3A_347 = arith.constant 3 : i32
      %mul3A_348 = arith.muli %mul3A_347, %scan3A_346 : i32
      %add3A_349 = arith.constant 1 : i32
      %add3A_350 = arith.addi %mul3A_348, %add3A_349 : i32
      %add3A_351 = arith.constant 1 : i32
      %add3A_352 = arith.addi %add3A_350, %add3A_351 : i32
      %mul3A_353 = arith.constant 2 : i32
      %mul3A_354 = arith.muli %mul3A_353, %add3A_352 : i32
      %dma_start3A_355 = arith.constant 2 : i32
      %dma_start3A_356 = arith.constant 0 : i32
      %dma_start3A_357 = arith.constant 0 : i32
      %dma_start3A_358 = tpu.memref_slice %arg6[%dma_start3A_355, %dma_start3A_356, %dma_start3A_357] : memref<3x256x128xf32, #tpu.memory_space<vmem>> -> memref<1x128x128xf32, #tpu.memory_space<vmem>>
      %dma_start3A_359 = tpu.memref_squeeze %dma_start3A_358 : memref<1x128x128xf32, #tpu.memory_space<vmem>> -> memref<128x128xf32, #tpu.memory_space<vmem>>
      %dma_start3A_360 = arith.constant 0 : i32
      %dma_start3A_361 = tpu.memref_slice %arg5[%mul3A_354, %dma_start3A_360] : memref<200x128xi32, #tpu.memory_space<vmem>> -> memref<1x128xi32, #tpu.memory_space<vmem>>
      %dma_start3A_362 = tpu.memref_squeeze %dma_start3A_361 : memref<1x128xi32, #tpu.memory_space<vmem>> -> memref<128xi32, #tpu.memory_space<vmem>>
      %dma_start3A_363 = arith.constant 0 : i32
      %dma_start3A_364 = arith.constant 0 : i32
      %dma_start3A_365 = tpu.memref_slice %arg8[%dma_start3A_363, %dma_start3A_364] : memref<22x128xf32, #tpu.memory_space<vmem_shared>> -> memref<22x128xf32, #tpu.memory_space<vmem_shared>>
      tpu.enqueue_indirect_dma source(%dma_start3A_365 : memref<22x128xf32, #tpu.memory_space<vmem_shared>>) target(%dma_start3A_359 : memref<128x128xf32, #tpu.memory_space<vmem>>) offsets(%dma_start3A_362 : memref<128xi32, #tpu.memory_space<vmem>>) semaphore(%arg9 : memref<!tpu.dma_semaphore, #tpu.memory_space<semaphore_mem>>)
      %mul3A_366 = arith.constant 2 : i32
      %mul3A_367 = arith.muli %mul3A_366, %add3A_352 : i32
      %add3A_368 = arith.constant 1 : i32
      %add3A_369 = arith.addi %mul3A_367, %add3A_368 : i32
      %dma_start3A_370 = arith.constant 2 : i32
      %dma_start3A_371 = arith.constant 128 : i32
      %dma_start3A_372 = arith.constant 0 : i32
      %dma_start3A_373 = tpu.memref_slice %arg6[%dma_start3A_370, %dma_start3A_371, %dma_start3A_372] : memref<3x256x128xf32, #tpu.memory_space<vmem>> -> memref<1x128x128xf32, #tpu.memory_space<vmem>>
      %dma_start3A_374 = tpu.memref_squeeze %dma_start3A_373 : memref<1x128x128xf32, #tpu.memory_space<vmem>> -> memref<128x128xf32, #tpu.memory_space<vmem>>
      %dma_start3A_375 = arith.constant 0 : i32
      %dma_start3A_376 = tpu.memref_slice %arg5[%add3A_369, %dma_start3A_375] : memref<200x128xi32, #tpu.memory_space<vmem>> -> memref<1x128xi32, #tpu.memory_space<vmem>>
      %dma_start3A_377 = tpu.memref_squeeze %dma_start3A_376 : memref<1x128xi32, #tpu.memory_space<vmem>> -> memref<128xi32, #tpu.memory_space<vmem>>
      %dma_start3A_378 = arith.constant 0 : i32
      %dma_start3A_379 = arith.constant 0 : i32
      %dma_start3A_380 = tpu.memref_slice %arg8[%dma_start3A_378, %dma_start3A_379] : memref<22x128xf32, #tpu.memory_space<vmem_shared>> -> memref<22x128xf32, #tpu.memory_space<vmem_shared>>
      tpu.enqueue_indirect_dma source(%dma_start3A_380 : memref<22x128xf32, #tpu.memory_space<vmem_shared>>) target(%dma_start3A_374 : memref<128x128xf32, #tpu.memory_space<vmem>>) offsets(%dma_start3A_377 : memref<128xi32, #tpu.memory_space<vmem>>) semaphore(%arg9 : memref<!tpu.dma_semaphore, #tpu.memory_space<semaphore_mem>>)
      %dma_wait3A_381 = arith.constant 1 : i32
      %dma_wait3A_382 = arith.constant 0 : i32
      %dma_wait3A_383 = arith.constant 0 : i32
      %dma_wait3A_384 = tpu.memref_slice %arg6[%dma_wait3A_381, %dma_wait3A_382, %dma_wait3A_383] : memref<3x256x128xf32, #tpu.memory_space<vmem>> -> memref<1x128x128xf32, #tpu.memory_space<vmem>>
      %dma_wait3A_385 = tpu.memref_squeeze %dma_wait3A_384 : memref<1x128x128xf32, #tpu.memory_space<vmem>> -> memref<128x128xf32, #tpu.memory_space<vmem>>
      %dma_wait3A_386 = arith.constant 0 : i32
      %dma_wait3A_387 = arith.constant 0 : i32
      %dma_wait3A_388 = tpu.memref_slice %arg4[%dma_wait3A_386, %dma_wait3A_387] : memref<819200x128xf32, #tpu.memory_space<hbm>> -> memref<128x128xf32, #tpu.memory_space<hbm>>
      %dma_wait3A_389 = arith.constant 0 : i32
      %dma_wait3A_390 = arith.constant 0 : i32
      %dma_wait3A_391 = tpu.memref_slice %arg6[%dma_wait3A_381, %dma_wait3A_389, %dma_wait3A_390] : memref<3x256x128xf32, #tpu.memory_space<vmem>> -> memref<1x128x128xf32, #tpu.memory_space<vmem>>
      %dma_wait3A_392 = tpu.memref_squeeze %dma_wait3A_391 : memref<1x128x128xf32, #tpu.memory_space<vmem>> -> memref<128x128xf32, #tpu.memory_space<vmem>>
      %dma_wait3A_393 = arith.constant 0 : i32
      %dma_wait3A_394 = arith.constant 0 : i32
      %dma_wait3A_395 = tpu.memref_slice %arg4[%dma_wait3A_393, %dma_wait3A_394] : memref<819200x128xf32, #tpu.memory_space<hbm>> -> memref<128x128xf32, #tpu.memory_space<hbm>>
      tpu.wait_dma2 semaphore(%arg9 : memref<!tpu.dma_semaphore, #tpu.memory_space<semaphore_mem>>) src(%dma_wait3A_395 : memref<128x128xf32, #tpu.memory_space<hbm>>) dst(%dma_wait3A_392 : memref<128x128xf32, #tpu.memory_space<vmem>>)
      %dma_wait3A_396 = arith.constant 1 : i32
      %dma_wait3A_397 = arith.constant 128 : i32
      %dma_wait3A_398 = arith.constant 0 : i32
      %dma_wait3A_399 = tpu.memref_slice %arg6[%dma_wait3A_396, %dma_wait3A_397, %dma_wait3A_398] : memref<3x256x128xf32, #tpu.memory_space<vmem>> -> memref<1x128x128xf32, #tpu.memory_space<vmem>>
      %dma_wait3A_400 = tpu.memref_squeeze %dma_wait3A_399 : memref<1x128x128xf32, #tpu.memory_space<vmem>> -> memref<128x128xf32, #tpu.memory_space<vmem>>
      %dma_wait3A_401 = arith.constant 0 : i32
      %dma_wait3A_402 = arith.constant 0 : i32
      %dma_wait3A_403 = tpu.memref_slice %arg4[%dma_wait3A_401, %dma_wait3A_402] : memref<819200x128xf32, #tpu.memory_space<hbm>> -> memref<128x128xf32, #tpu.memory_space<hbm>>
      %dma_wait3A_404 = arith.constant 128 : i32
      %dma_wait3A_405 = arith.constant 0 : i32
      %dma_wait3A_406 = tpu.memref_slice %arg6[%dma_wait3A_396, %dma_wait3A_404, %dma_wait3A_405] : memref<3x256x128xf32, #tpu.memory_space<vmem>> -> memref<1x128x128xf32, #tpu.memory_space<vmem>>
      %dma_wait3A_407 = tpu.memref_squeeze %dma_wait3A_406 : memref<1x128x128xf32, #tpu.memory_space<vmem>> -> memref<128x128xf32, #tpu.memory_space<vmem>>
      %dma_wait3A_408 = arith.constant 0 : i32
      %dma_wait3A_409 = arith.constant 0 : i32
      %dma_wait3A_410 = tpu.memref_slice %arg4[%dma_wait3A_408, %dma_wait3A_409] : memref<819200x128xf32, #tpu.memory_space<hbm>> -> memref<128x128xf32, #tpu.memory_space<hbm>>
      tpu.wait_dma2 semaphore(%arg9 : memref<!tpu.dma_semaphore, #tpu.memory_space<semaphore_mem>>) src(%dma_wait3A_410 : memref<128x128xf32, #tpu.memory_space<hbm>>) dst(%dma_wait3A_407 : memref<128x128xf32, #tpu.memory_space<vmem>>)
      %mul3A_411 = arith.constant 256 : i32
      %mul3A_412 = arith.muli %add3A_350, %mul3A_411 : i32
      %add3A_413 = arith.addi %mul3A_2, %mul3A_412 : i32
      %dma_start3A_414 = arith.constant 1 : i32
      %dma_start3A_415 = arith.constant 0 : i32
      %dma_start3A_416 = arith.constant 0 : i32
      %dma_start3A_417 = tpu.memref_slice %arg6[%dma_start3A_414, %dma_start3A_415, %dma_start3A_416] : memref<3x256x128xf32, #tpu.memory_space<vmem>> -> memref<1x256x128xf32, #tpu.memory_space<vmem>>
      %dma_start3A_418 = tpu.memref_squeeze %dma_start3A_417 : memref<1x256x128xf32, #tpu.memory_space<vmem>> -> memref<256x128xf32, #tpu.memory_space<vmem>>
      %dma_start3A_419 = arith.constant 0 : i32
      %dma_start3A_420 = tpu.memref_slice %arg4[%add3A_413, %dma_start3A_419] : memref<819200x128xf32, #tpu.memory_space<hbm>> -> memref<256x128xf32, #tpu.memory_space<hbm>>
      %dma_start3A_421 = arith.constant 0 : i32
      %dma_start3A_422 = tpu.memref_slice %arg4[%add3A_413, %dma_start3A_421] : memref<819200x128xf32, #tpu.memory_space<hbm>> -> memref<256x128xf32, #tpu.memory_space<hbm>>
      %dma_start3A_423 = arith.constant 0 : i32
      %dma_start3A_424 = arith.constant 0 : i32
      %dma_start3A_425 = tpu.memref_slice %arg6[%dma_start3A_414, %dma_start3A_423, %dma_start3A_424] : memref<3x256x128xf32, #tpu.memory_space<vmem>> -> memref<1x256x128xf32, #tpu.memory_space<vmem>>
      %dma_start3A_426 = tpu.memref_squeeze %dma_start3A_425 : memref<1x256x128xf32, #tpu.memory_space<vmem>> -> memref<256x128xf32, #tpu.memory_space<vmem>>
      tpu.enqueue_dma source(%dma_start3A_426 : memref<256x128xf32, #tpu.memory_space<vmem>>) target(%dma_start3A_422 : memref<256x128xf32, #tpu.memory_space<hbm>>) target_semaphore(%arg10 : memref<!tpu.dma_semaphore, #tpu.memory_space<semaphore_mem>>)
      %dma_wait3A_427 = arith.constant 0 : i32
      %dma_wait3A_428 = arith.constant 0 : i32
      %dma_wait3A_429 = arith.constant 0 : i32
      %dma_wait3A_430 = tpu.memref_slice %arg6[%dma_wait3A_427, %dma_wait3A_428, %dma_wait3A_429] : memref<3x256x128xf32, #tpu.memory_space<vmem>> -> memref<1x256x128xf32, #tpu.memory_space<vmem>>
      %dma_wait3A_431 = tpu.memref_squeeze %dma_wait3A_430 : memref<1x256x128xf32, #tpu.memory_space<vmem>> -> memref<256x128xf32, #tpu.memory_space<vmem>>
      %dma_wait3A_432 = arith.constant 0 : i32
      %dma_wait3A_433 = arith.constant 0 : i32
      %dma_wait3A_434 = tpu.memref_slice %arg4[%dma_wait3A_432, %dma_wait3A_433] : memref<819200x128xf32, #tpu.memory_space<hbm>> -> memref<256x128xf32, #tpu.memory_space<hbm>>
      %dma_wait3A_435 = arith.constant 0 : i32
      %dma_wait3A_436 = arith.constant 0 : i32
      %dma_wait3A_437 = tpu.memref_slice %arg4[%dma_wait3A_435, %dma_wait3A_436] : memref<819200x128xf32, #tpu.memory_space<hbm>> -> memref<256x128xf32, #tpu.memory_space<hbm>>
      %dma_wait3A_438 = arith.constant 0 : i32
      %dma_wait3A_439 = arith.constant 0 : i32
      %dma_wait3A_440 = tpu.memref_slice %arg6[%dma_wait3A_427, %dma_wait3A_438, %dma_wait3A_439] : memref<3x256x128xf32, #tpu.memory_space<vmem>> -> memref<1x256x128xf32, #tpu.memory_space<vmem>>
      %dma_wait3A_441 = tpu.memref_squeeze %dma_wait3A_440 : memref<1x256x128xf32, #tpu.memory_space<vmem>> -> memref<256x128xf32, #tpu.memory_space<vmem>>
      tpu.wait_dma2 semaphore(%arg10 : memref<!tpu.dma_semaphore, #tpu.memory_space<semaphore_mem>>) src(%dma_wait3A_441 : memref<256x128xf32, #tpu.memory_space<vmem>>) dst(%dma_wait3A_437 : memref<256x128xf32, #tpu.memory_space<hbm>>)
      %add3A_442 = arith.constant 1 : i32
      %add3A_443 = arith.addi %add3A_350, %add3A_442 : i32
      %add3A_444 = arith.constant 1 : i32
      %add3A_445 = arith.addi %add3A_443, %add3A_444 : i32
      %mul3A_446 = arith.constant 2 : i32
      %mul3A_447 = arith.muli %mul3A_446, %add3A_445 : i32
      %dma_start3A_448 = arith.constant 0 : i32
      %dma_start3A_449 = arith.constant 0 : i32
      %dma_start3A_450 = arith.constant 0 : i32
      %dma_start3A_451 = tpu.memref_slice %arg6[%dma_start3A_448, %dma_start3A_449, %dma_start3A_450] : memref<3x256x128xf32, #tpu.memory_space<vmem>> -> memref<1x128x128xf32, #tpu.memory_space<vmem>>
      %dma_start3A_452 = tpu.memref_squeeze %dma_start3A_451 : memref<1x128x128xf32, #tpu.memory_space<vmem>> -> memref<128x128xf32, #tpu.memory_space<vmem>>
      %dma_start3A_453 = arith.constant 0 : i32
      %dma_start3A_454 = tpu.memref_slice %arg5[%mul3A_447, %dma_start3A_453] : memref<200x128xi32, #tpu.memory_space<vmem>> -> memref<1x128xi32, #tpu.memory_space<vmem>>
      %dma_start3A_455 = tpu.memref_squeeze %dma_start3A_454 : memref<1x128xi32, #tpu.memory_space<vmem>> -> memref<128xi32, #tpu.memory_space<vmem>>
      %dma_start3A_456 = arith.constant 0 : i32
      %dma_start3A_457 = arith.constant 0 : i32
      %dma_start3A_458 = tpu.memref_slice %arg8[%dma_start3A_456, %dma_start3A_457] : memref<22x128xf32, #tpu.memory_space<vmem_shared>> -> memref<22x128xf32, #tpu.memory_space<vmem_shared>>
      tpu.enqueue_indirect_dma source(%dma_start3A_458 : memref<22x128xf32, #tpu.memory_space<vmem_shared>>) target(%dma_start3A_452 : memref<128x128xf32, #tpu.memory_space<vmem>>) offsets(%dma_start3A_455 : memref<128xi32, #tpu.memory_space<vmem>>) semaphore(%arg9 : memref<!tpu.dma_semaphore, #tpu.memory_space<semaphore_mem>>)
      %mul3A_459 = arith.constant 2 : i32
      %mul3A_460 = arith.muli %mul3A_459, %add3A_445 : i32
      %add3A_461 = arith.constant 1 : i32
      %add3A_462 = arith.addi %mul3A_460, %add3A_461 : i32
      %dma_start3A_463 = arith.constant 0 : i32
      %dma_start3A_464 = arith.constant 128 : i32
      %dma_start3A_465 = arith.constant 0 : i32
      %dma_start3A_466 = tpu.memref_slice %arg6[%dma_start3A_463, %dma_start3A_464, %dma_start3A_465] : memref<3x256x128xf32, #tpu.memory_space<vmem>> -> memref<1x128x128xf32, #tpu.memory_space<vmem>>
      %dma_start3A_467 = tpu.memref_squeeze %dma_start3A_466 : memref<1x128x128xf32, #tpu.memory_space<vmem>> -> memref<128x128xf32, #tpu.memory_space<vmem>>
      %dma_start3A_468 = arith.constant 0 : i32
      %dma_start3A_469 = tpu.memref_slice %arg5[%add3A_462, %dma_start3A_468] : memref<200x128xi32, #tpu.memory_space<vmem>> -> memref<1x128xi32, #tpu.memory_space<vmem>>
      %dma_start3A_470 = tpu.memref_squeeze %dma_start3A_469 : memref<1x128xi32, #tpu.memory_space<vmem>> -> memref<128xi32, #tpu.memory_space<vmem>>
      %dma_start3A_471 = arith.constant 0 : i32
      %dma_start3A_472 = arith.constant 0 : i32
      %dma_start3A_473 = tpu.memref_slice %arg8[%dma_start3A_471, %dma_start3A_472] : memref<22x128xf32, #tpu.memory_space<vmem_shared>> -> memref<22x128xf32, #tpu.memory_space<vmem_shared>>
      tpu.enqueue_indirect_dma source(%dma_start3A_473 : memref<22x128xf32, #tpu.memory_space<vmem_shared>>) target(%dma_start3A_467 : memref<128x128xf32, #tpu.memory_space<vmem>>) offsets(%dma_start3A_470 : memref<128xi32, #tpu.memory_space<vmem>>) semaphore(%arg9 : memref<!tpu.dma_semaphore, #tpu.memory_space<semaphore_mem>>)
      %dma_wait3A_474 = arith.constant 2 : i32
      %dma_wait3A_475 = arith.constant 0 : i32
      %dma_wait3A_476 = arith.constant 0 : i32
      %dma_wait3A_477 = tpu.memref_slice %arg6[%dma_wait3A_474, %dma_wait3A_475, %dma_wait3A_476] : memref<3x256x128xf32, #tpu.memory_space<vmem>> -> memref<1x128x128xf32, #tpu.memory_space<vmem>>
      %dma_wait3A_478 = tpu.memref_squeeze %dma_wait3A_477 : memref<1x128x128xf32, #tpu.memory_space<vmem>> -> memref<128x128xf32, #tpu.memory_space<vmem>>
      %dma_wait3A_479 = arith.constant 0 : i32
      %dma_wait3A_480 = arith.constant 0 : i32
      %dma_wait3A_481 = tpu.memref_slice %arg4[%dma_wait3A_479, %dma_wait3A_480] : memref<819200x128xf32, #tpu.memory_space<hbm>> -> memref<128x128xf32, #tpu.memory_space<hbm>>
      %dma_wait3A_482 = arith.constant 0 : i32
      %dma_wait3A_483 = arith.constant 0 : i32
      %dma_wait3A_484 = tpu.memref_slice %arg6[%dma_wait3A_474, %dma_wait3A_482, %dma_wait3A_483] : memref<3x256x128xf32, #tpu.memory_space<vmem>> -> memref<1x128x128xf32, #tpu.memory_space<vmem>>
      %dma_wait3A_485 = tpu.memref_squeeze %dma_wait3A_484 : memref<1x128x128xf32, #tpu.memory_space<vmem>> -> memref<128x128xf32, #tpu.memory_space<vmem>>
      %dma_wait3A_486 = arith.constant 0 : i32
      %dma_wait3A_487 = arith.constant 0 : i32
      %dma_wait3A_488 = tpu.memref_slice %arg4[%dma_wait3A_486, %dma_wait3A_487] : memref<819200x128xf32, #tpu.memory_space<hbm>> -> memref<128x128xf32, #tpu.memory_space<hbm>>
      tpu.wait_dma2 semaphore(%arg9 : memref<!tpu.dma_semaphore, #tpu.memory_space<semaphore_mem>>) src(%dma_wait3A_488 : memref<128x128xf32, #tpu.memory_space<hbm>>) dst(%dma_wait3A_485 : memref<128x128xf32, #tpu.memory_space<vmem>>)
      %dma_wait3A_489 = arith.constant 2 : i32
      %dma_wait3A_490 = arith.constant 128 : i32
      %dma_wait3A_491 = arith.constant 0 : i32
      %dma_wait3A_492 = tpu.memref_slice %arg6[%dma_wait3A_489, %dma_wait3A_490, %dma_wait3A_491] : memref<3x256x128xf32, #tpu.memory_space<vmem>> -> memref<1x128x128xf32, #tpu.memory_space<vmem>>
      %dma_wait3A_493 = tpu.memref_squeeze %dma_wait3A_492 : memref<1x128x128xf32, #tpu.memory_space<vmem>> -> memref<128x128xf32, #tpu.memory_space<vmem>>
      %dma_wait3A_494 = arith.constant 0 : i32
      %dma_wait3A_495 = arith.constant 0 : i32
      %dma_wait3A_496 = tpu.memref_slice %arg4[%dma_wait3A_494, %dma_wait3A_495] : memref<819200x128xf32, #tpu.memory_space<hbm>> -> memref<128x128xf32, #tpu.memory_space<hbm>>
      %dma_wait3A_497 = arith.constant 128 : i32
      %dma_wait3A_498 = arith.constant 0 : i32
      %dma_wait3A_499 = tpu.memref_slice %arg6[%dma_wait3A_489, %dma_wait3A_497, %dma_wait3A_498] : memref<3x256x128xf32, #tpu.memory_space<vmem>> -> memref<1x128x128xf32, #tpu.memory_space<vmem>>
      %dma_wait3A_500 = tpu.memref_squeeze %dma_wait3A_499 : memref<1x128x128xf32, #tpu.memory_space<vmem>> -> memref<128x128xf32, #tpu.memory_space<vmem>>
      %dma_wait3A_501 = arith.constant 0 : i32
      %dma_wait3A_502 = arith.constant 0 : i32
      %dma_wait3A_503 = tpu.memref_slice %arg4[%dma_wait3A_501, %dma_wait3A_502] : memref<819200x128xf32, #tpu.memory_space<hbm>> -> memref<128x128xf32, #tpu.memory_space<hbm>>
      tpu.wait_dma2 semaphore(%arg9 : memref<!tpu.dma_semaphore, #tpu.memory_space<semaphore_mem>>) src(%dma_wait3A_503 : memref<128x128xf32, #tpu.memory_space<hbm>>) dst(%dma_wait3A_500 : memref<128x128xf32, #tpu.memory_space<vmem>>)
      %mul3A_504 = arith.constant 256 : i32
      %mul3A_505 = arith.muli %add3A_443, %mul3A_504 : i32
      %add3A_506 = arith.addi %mul3A_2, %mul3A_505 : i32
      %dma_start3A_507 = arith.constant 2 : i32
      %dma_start3A_508 = arith.constant 0 : i32
      %dma_start3A_509 = arith.constant 0 : i32
      %dma_start3A_510 = tpu.memref_slice %arg6[%dma_start3A_507, %dma_start3A_508, %dma_start3A_509] : memref<3x256x128xf32, #tpu.memory_space<vmem>> -> memref<1x256x128xf32, #tpu.memory_space<vmem>>
      %dma_start3A_511 = tpu.memref_squeeze %dma_start3A_510 : memref<1x256x128xf32, #tpu.memory_space<vmem>> -> memref<256x128xf32, #tpu.memory_space<vmem>>
      %dma_start3A_512 = arith.constant 0 : i32
      %dma_start3A_513 = tpu.memref_slice %arg4[%add3A_506, %dma_start3A_512] : memref<819200x128xf32, #tpu.memory_space<hbm>> -> memref<256x128xf32, #tpu.memory_space<hbm>>
      %dma_start3A_514 = arith.constant 0 : i32
      %dma_start3A_515 = tpu.memref_slice %arg4[%add3A_506, %dma_start3A_514] : memref<819200x128xf32, #tpu.memory_space<hbm>> -> memref<256x128xf32, #tpu.memory_space<hbm>>
      %dma_start3A_516 = arith.constant 0 : i32
      %dma_start3A_517 = arith.constant 0 : i32
      %dma_start3A_518 = tpu.memref_slice %arg6[%dma_start3A_507, %dma_start3A_516, %dma_start3A_517] : memref<3x256x128xf32, #tpu.memory_space<vmem>> -> memref<1x256x128xf32, #tpu.memory_space<vmem>>
      %dma_start3A_519 = tpu.memref_squeeze %dma_start3A_518 : memref<1x256x128xf32, #tpu.memory_space<vmem>> -> memref<256x128xf32, #tpu.memory_space<vmem>>
      tpu.enqueue_dma source(%dma_start3A_519 : memref<256x128xf32, #tpu.memory_space<vmem>>) target(%dma_start3A_515 : memref<256x128xf32, #tpu.memory_space<hbm>>) target_semaphore(%arg10 : memref<!tpu.dma_semaphore, #tpu.memory_space<semaphore_mem>>)
      %dma_wait3A_520 = arith.constant 1 : i32
      %dma_wait3A_521 = arith.constant 0 : i32
      %dma_wait3A_522 = arith.constant 0 : i32
      %dma_wait3A_523 = tpu.memref_slice %arg6[%dma_wait3A_520, %dma_wait3A_521, %dma_wait3A_522] : memref<3x256x128xf32, #tpu.memory_space<vmem>> -> memref<1x256x128xf32, #tpu.memory_space<vmem>>
      %dma_wait3A_524 = tpu.memref_squeeze %dma_wait3A_523 : memref<1x256x128xf32, #tpu.memory_space<vmem>> -> memref<256x128xf32, #tpu.memory_space<vmem>>
      %dma_wait3A_525 = arith.constant 0 : i32
      %dma_wait3A_526 = arith.constant 0 : i32
      %dma_wait3A_527 = tpu.memref_slice %arg4[%dma_wait3A_525, %dma_wait3A_526] : memref<819200x128xf32, #tpu.memory_space<hbm>> -> memref<256x128xf32, #tpu.memory_space<hbm>>
      %dma_wait3A_528 = arith.constant 0 : i32
      %dma_wait3A_529 = arith.constant 0 : i32
      %dma_wait3A_530 = tpu.memref_slice %arg4[%dma_wait3A_528, %dma_wait3A_529] : memref<819200x128xf32, #tpu.memory_space<hbm>> -> memref<256x128xf32, #tpu.memory_space<hbm>>
      %dma_wait3A_531 = arith.constant 0 : i32
      %dma_wait3A_532 = arith.constant 0 : i32
      %dma_wait3A_533 = tpu.memref_slice %arg6[%dma_wait3A_520, %dma_wait3A_531, %dma_wait3A_532] : memref<3x256x128xf32, #tpu.memory_space<vmem>> -> memref<1x256x128xf32, #tpu.memory_space<vmem>>
      %dma_wait3A_534 = tpu.memref_squeeze %dma_wait3A_533 : memref<1x256x128xf32, #tpu.memory_space<vmem>> -> memref<256x128xf32, #tpu.memory_space<vmem>>
      tpu.wait_dma2 semaphore(%arg10 : memref<!tpu.dma_semaphore, #tpu.memory_space<semaphore_mem>>) src(%dma_wait3A_534 : memref<256x128xf32, #tpu.memory_space<vmem>>) dst(%dma_wait3A_530 : memref<256x128xf32, #tpu.memory_space<hbm>>)
      %add3A_535 = arith.constant 2 : i32
      %add3A_536 = arith.addi %add3A_350, %add3A_535 : i32
      %add3A_537 = arith.constant 1 : i32
      %add3A_538 = arith.addi %add3A_536, %add3A_537 : i32
      %mul3A_539 = arith.constant 2 : i32
      %mul3A_540 = arith.muli %mul3A_539, %add3A_538 : i32
      %dma_start3A_541 = arith.constant 1 : i32
      %dma_start3A_542 = arith.constant 0 : i32
      %dma_start3A_543 = arith.constant 0 : i32
      %dma_start3A_544 = tpu.memref_slice %arg6[%dma_start3A_541, %dma_start3A_542, %dma_start3A_543] : memref<3x256x128xf32, #tpu.memory_space<vmem>> -> memref<1x128x128xf32, #tpu.memory_space<vmem>>
      %dma_start3A_545 = tpu.memref_squeeze %dma_start3A_544 : memref<1x128x128xf32, #tpu.memory_space<vmem>> -> memref<128x128xf32, #tpu.memory_space<vmem>>
      %dma_start3A_546 = arith.constant 0 : i32
      %dma_start3A_547 = tpu.memref_slice %arg5[%mul3A_540, %dma_start3A_546] : memref<200x128xi32, #tpu.memory_space<vmem>> -> memref<1x128xi32, #tpu.memory_space<vmem>>
      %dma_start3A_548 = tpu.memref_squeeze %dma_start3A_547 : memref<1x128xi32, #tpu.memory_space<vmem>> -> memref<128xi32, #tpu.memory_space<vmem>>
      %dma_start3A_549 = arith.constant 0 : i32
      %dma_start3A_550 = arith.constant 0 : i32
      %dma_start3A_551 = tpu.memref_slice %arg8[%dma_start3A_549, %dma_start3A_550] : memref<22x128xf32, #tpu.memory_space<vmem_shared>> -> memref<22x128xf32, #tpu.memory_space<vmem_shared>>
      tpu.enqueue_indirect_dma source(%dma_start3A_551 : memref<22x128xf32, #tpu.memory_space<vmem_shared>>) target(%dma_start3A_545 : memref<128x128xf32, #tpu.memory_space<vmem>>) offsets(%dma_start3A_548 : memref<128xi32, #tpu.memory_space<vmem>>) semaphore(%arg9 : memref<!tpu.dma_semaphore, #tpu.memory_space<semaphore_mem>>)
      %mul3A_552 = arith.constant 2 : i32
      %mul3A_553 = arith.muli %mul3A_552, %add3A_538 : i32
      %add3A_554 = arith.constant 1 : i32
      %add3A_555 = arith.addi %mul3A_553, %add3A_554 : i32
      %dma_start3A_556 = arith.constant 1 : i32
      %dma_start3A_557 = arith.constant 128 : i32
      %dma_start3A_558 = arith.constant 0 : i32
      %dma_start3A_559 = tpu.memref_slice %arg6[%dma_start3A_556, %dma_start3A_557, %dma_start3A_558] : memref<3x256x128xf32, #tpu.memory_space<vmem>> -> memref<1x128x128xf32, #tpu.memory_space<vmem>>
      %dma_start3A_560 = tpu.memref_squeeze %dma_start3A_559 : memref<1x128x128xf32, #tpu.memory_space<vmem>> -> memref<128x128xf32, #tpu.memory_space<vmem>>
      %dma_start3A_561 = arith.constant 0 : i32
      %dma_start3A_562 = tpu.memref_slice %arg5[%add3A_555, %dma_start3A_561] : memref<200x128xi32, #tpu.memory_space<vmem>> -> memref<1x128xi32, #tpu.memory_space<vmem>>
      %dma_start3A_563 = tpu.memref_squeeze %dma_start3A_562 : memref<1x128xi32, #tpu.memory_space<vmem>> -> memref<128xi32, #tpu.memory_space<vmem>>
      %dma_start3A_564 = arith.constant 0 : i32
      %dma_start3A_565 = arith.constant 0 : i32
      %dma_start3A_566 = tpu.memref_slice %arg8[%dma_start3A_564, %dma_start3A_565] : memref<22x128xf32, #tpu.memory_space<vmem_shared>> -> memref<22x128xf32, #tpu.memory_space<vmem_shared>>
      tpu.enqueue_indirect_dma source(%dma_start3A_566 : memref<22x128xf32, #tpu.memory_space<vmem_shared>>) target(%dma_start3A_560 : memref<128x128xf32, #tpu.memory_space<vmem>>) offsets(%dma_start3A_563 : memref<128xi32, #tpu.memory_space<vmem>>) semaphore(%arg9 : memref<!tpu.dma_semaphore, #tpu.memory_space<semaphore_mem>>)
      %dma_wait3A_567 = arith.constant 0 : i32
      %dma_wait3A_568 = arith.constant 0 : i32
      %dma_wait3A_569 = arith.constant 0 : i32
      %dma_wait3A_570 = tpu.memref_slice %arg6[%dma_wait3A_567, %dma_wait3A_568, %dma_wait3A_569] : memref<3x256x128xf32, #tpu.memory_space<vmem>> -> memref<1x128x128xf32, #tpu.memory_space<vmem>>
      %dma_wait3A_571 = tpu.memref_squeeze %dma_wait3A_570 : memref<1x128x128xf32, #tpu.memory_space<vmem>> -> memref<128x128xf32, #tpu.memory_space<vmem>>
      %dma_wait3A_572 = arith.constant 0 : i32
      %dma_wait3A_573 = arith.constant 0 : i32
      %dma_wait3A_574 = tpu.memref_slice %arg4[%dma_wait3A_572, %dma_wait3A_573] : memref<819200x128xf32, #tpu.memory_space<hbm>> -> memref<128x128xf32, #tpu.memory_space<hbm>>
      %dma_wait3A_575 = arith.constant 0 : i32
      %dma_wait3A_576 = arith.constant 0 : i32
      %dma_wait3A_577 = tpu.memref_slice %arg6[%dma_wait3A_567, %dma_wait3A_575, %dma_wait3A_576] : memref<3x256x128xf32, #tpu.memory_space<vmem>> -> memref<1x128x128xf32, #tpu.memory_space<vmem>>
      %dma_wait3A_578 = tpu.memref_squeeze %dma_wait3A_577 : memref<1x128x128xf32, #tpu.memory_space<vmem>> -> memref<128x128xf32, #tpu.memory_space<vmem>>
      %dma_wait3A_579 = arith.constant 0 : i32
      %dma_wait3A_580 = arith.constant 0 : i32
      %dma_wait3A_581 = tpu.memref_slice %arg4[%dma_wait3A_579, %dma_wait3A_580] : memref<819200x128xf32, #tpu.memory_space<hbm>> -> memref<128x128xf32, #tpu.memory_space<hbm>>
      tpu.wait_dma2 semaphore(%arg9 : memref<!tpu.dma_semaphore, #tpu.memory_space<semaphore_mem>>) src(%dma_wait3A_581 : memref<128x128xf32, #tpu.memory_space<hbm>>) dst(%dma_wait3A_578 : memref<128x128xf32, #tpu.memory_space<vmem>>)
      %dma_wait3A_582 = arith.constant 0 : i32
      %dma_wait3A_583 = arith.constant 128 : i32
      %dma_wait3A_584 = arith.constant 0 : i32
      %dma_wait3A_585 = tpu.memref_slice %arg6[%dma_wait3A_582, %dma_wait3A_583, %dma_wait3A_584] : memref<3x256x128xf32, #tpu.memory_space<vmem>> -> memref<1x128x128xf32, #tpu.memory_space<vmem>>
      %dma_wait3A_586 = tpu.memref_squeeze %dma_wait3A_585 : memref<1x128x128xf32, #tpu.memory_space<vmem>> -> memref<128x128xf32, #tpu.memory_space<vmem>>
      %dma_wait3A_587 = arith.constant 0 : i32
      %dma_wait3A_588 = arith.constant 0 : i32
      %dma_wait3A_589 = tpu.memref_slice %arg4[%dma_wait3A_587, %dma_wait3A_588] : memref<819200x128xf32, #tpu.memory_space<hbm>> -> memref<128x128xf32, #tpu.memory_space<hbm>>
      %dma_wait3A_590 = arith.constant 128 : i32
      %dma_wait3A_591 = arith.constant 0 : i32
      %dma_wait3A_592 = tpu.memref_slice %arg6[%dma_wait3A_582, %dma_wait3A_590, %dma_wait3A_591] : memref<3x256x128xf32, #tpu.memory_space<vmem>> -> memref<1x128x128xf32, #tpu.memory_space<vmem>>
      %dma_wait3A_593 = tpu.memref_squeeze %dma_wait3A_592 : memref<1x128x128xf32, #tpu.memory_space<vmem>> -> memref<128x128xf32, #tpu.memory_space<vmem>>
      %dma_wait3A_594 = arith.constant 0 : i32
      %dma_wait3A_595 = arith.constant 0 : i32
      %dma_wait3A_596 = tpu.memref_slice %arg4[%dma_wait3A_594, %dma_wait3A_595] : memref<819200x128xf32, #tpu.memory_space<hbm>> -> memref<128x128xf32, #tpu.memory_space<hbm>>
      tpu.wait_dma2 semaphore(%arg9 : memref<!tpu.dma_semaphore, #tpu.memory_space<semaphore_mem>>) src(%dma_wait3A_596 : memref<128x128xf32, #tpu.memory_space<hbm>>) dst(%dma_wait3A_593 : memref<128x128xf32, #tpu.memory_space<vmem>>)
      %mul3A_597 = arith.constant 256 : i32
      %mul3A_598 = arith.muli %add3A_536, %mul3A_597 : i32
      %add3A_599 = arith.addi %mul3A_2, %mul3A_598 : i32
      %dma_start3A_600 = arith.constant 0 : i32
      %dma_start3A_601 = arith.constant 0 : i32
      %dma_start3A_602 = arith.constant 0 : i32
      %dma_start3A_603 = tpu.memref_slice %arg6[%dma_start3A_600, %dma_start3A_601, %dma_start3A_602] : memref<3x256x128xf32, #tpu.memory_space<vmem>> -> memref<1x256x128xf32, #tpu.memory_space<vmem>>
      %dma_start3A_604 = tpu.memref_squeeze %dma_start3A_603 : memref<1x256x128xf32, #tpu.memory_space<vmem>> -> memref<256x128xf32, #tpu.memory_space<vmem>>
      %dma_start3A_605 = arith.constant 0 : i32
      %dma_start3A_606 = tpu.memref_slice %arg4[%add3A_599, %dma_start3A_605] : memref<819200x128xf32, #tpu.memory_space<hbm>> -> memref<256x128xf32, #tpu.memory_space<hbm>>
      %dma_start3A_607 = arith.constant 0 : i32
      %dma_start3A_608 = tpu.memref_slice %arg4[%add3A_599, %dma_start3A_607] : memref<819200x128xf32, #tpu.memory_space<hbm>> -> memref<256x128xf32, #tpu.memory_space<hbm>>
      %dma_start3A_609 = arith.constant 0 : i32
      %dma_start3A_610 = arith.constant 0 : i32
      %dma_start3A_611 = tpu.memref_slice %arg6[%dma_start3A_600, %dma_start3A_609, %dma_start3A_610] : memref<3x256x128xf32, #tpu.memory_space<vmem>> -> memref<1x256x128xf32, #tpu.memory_space<vmem>>
      %dma_start3A_612 = tpu.memref_squeeze %dma_start3A_611 : memref<1x256x128xf32, #tpu.memory_space<vmem>> -> memref<256x128xf32, #tpu.memory_space<vmem>>
      tpu.enqueue_dma source(%dma_start3A_612 : memref<256x128xf32, #tpu.memory_space<vmem>>) target(%dma_start3A_608 : memref<256x128xf32, #tpu.memory_space<hbm>>) target_semaphore(%arg10 : memref<!tpu.dma_semaphore, #tpu.memory_space<semaphore_mem>>)
      %dma_wait3A_613 = arith.constant 2 : i32
      %dma_wait3A_614 = arith.constant 0 : i32
      %dma_wait3A_615 = arith.constant 0 : i32
      %dma_wait3A_616 = tpu.memref_slice %arg6[%dma_wait3A_613, %dma_wait3A_614, %dma_wait3A_615] : memref<3x256x128xf32, #tpu.memory_space<vmem>> -> memref<1x256x128xf32, #tpu.memory_space<vmem>>
      %dma_wait3A_617 = tpu.memref_squeeze %dma_wait3A_616 : memref<1x256x128xf32, #tpu.memory_space<vmem>> -> memref<256x128xf32, #tpu.memory_space<vmem>>
      %dma_wait3A_618 = arith.constant 0 : i32
      %dma_wait3A_619 = arith.constant 0 : i32
      %dma_wait3A_620 = tpu.memref_slice %arg4[%dma_wait3A_618, %dma_wait3A_619] : memref<819200x128xf32, #tpu.memory_space<hbm>> -> memref<256x128xf32, #tpu.memory_space<hbm>>
      %dma_wait3A_621 = arith.constant 0 : i32
      %dma_wait3A_622 = arith.constant 0 : i32
      %dma_wait3A_623 = tpu.memref_slice %arg4[%dma_wait3A_621, %dma_wait3A_622] : memref<819200x128xf32, #tpu.memory_space<hbm>> -> memref<256x128xf32, #tpu.memory_space<hbm>>
      %dma_wait3A_624 = arith.constant 0 : i32
      %dma_wait3A_625 = arith.constant 0 : i32
      %dma_wait3A_626 = tpu.memref_slice %arg6[%dma_wait3A_613, %dma_wait3A_624, %dma_wait3A_625] : memref<3x256x128xf32, #tpu.memory_space<vmem>> -> memref<1x256x128xf32, #tpu.memory_space<vmem>>
      %dma_wait3A_627 = tpu.memref_squeeze %dma_wait3A_626 : memref<1x256x128xf32, #tpu.memory_space<vmem>> -> memref<256x128xf32, #tpu.memory_space<vmem>>
      tpu.wait_dma2 semaphore(%arg10 : memref<!tpu.dma_semaphore, #tpu.memory_space<semaphore_mem>>) src(%dma_wait3A_627 : memref<256x128xf32, #tpu.memory_space<vmem>>) dst(%dma_wait3A_623 : memref<256x128xf32, #tpu.memory_space<hbm>>)
    }
    %scan3A_102 = arith.constant 32 : i32
    %dma_start3A_103 = arith.constant 196 : i32
    %dma_start3A_104 = arith.constant 2 : i32
    %dma_start3A_105 = arith.constant 0 : i32
    %dma_start3A_106 = arith.constant 0 : i32
    %dma_start3A_107 = tpu.memref_slice %arg6[%dma_start3A_104, %dma_start3A_105, %dma_start3A_106] : memref<3x256x128xf32, #tpu.memory_space<vmem>> -> memref<1x128x128xf32, #tpu.memory_space<vmem>>
    %dma_start3A_108 = tpu.memref_squeeze %dma_start3A_107 : memref<1x128x128xf32, #tpu.memory_space<vmem>> -> memref<128x128xf32, #tpu.memory_space<vmem>>
    %dma_start3A_109 = arith.constant 0 : i32
    %dma_start3A_110 = tpu.memref_slice %arg5[%dma_start3A_103, %dma_start3A_109] : memref<200x128xi32, #tpu.memory_space<vmem>> -> memref<1x128xi32, #tpu.memory_space<vmem>>
    %dma_start3A_111 = tpu.memref_squeeze %dma_start3A_110 : memref<1x128xi32, #tpu.memory_space<vmem>> -> memref<128xi32, #tpu.memory_space<vmem>>
    %dma_start3A_112 = arith.constant 0 : i32
    %dma_start3A_113 = arith.constant 0 : i32
    %dma_start3A_114 = tpu.memref_slice %arg8[%dma_start3A_112, %dma_start3A_113] : memref<22x128xf32, #tpu.memory_space<vmem_shared>> -> memref<22x128xf32, #tpu.memory_space<vmem_shared>>
    tpu.enqueue_indirect_dma source(%dma_start3A_114 : memref<22x128xf32, #tpu.memory_space<vmem_shared>>) target(%dma_start3A_108 : memref<128x128xf32, #tpu.memory_space<vmem>>) offsets(%dma_start3A_111 : memref<128xi32, #tpu.memory_space<vmem>>) semaphore(%arg9 : memref<!tpu.dma_semaphore, #tpu.memory_space<semaphore_mem>>)
    %dma_start3A_115 = arith.constant 197 : i32
    %dma_start3A_116 = arith.constant 2 : i32
    %dma_start3A_117 = arith.constant 128 : i32
    %dma_start3A_118 = arith.constant 0 : i32
    %dma_start3A_119 = tpu.memref_slice %arg6[%dma_start3A_116, %dma_start3A_117, %dma_start3A_118] : memref<3x256x128xf32, #tpu.memory_space<vmem>> -> memref<1x128x128xf32, #tpu.memory_space<vmem>>
    %dma_start3A_120 = tpu.memref_squeeze %dma_start3A_119 : memref<1x128x128xf32, #tpu.memory_space<vmem>> -> memref<128x128xf32, #tpu.memory_space<vmem>>
    %dma_start3A_121 = arith.constant 0 : i32
    %dma_start3A_122 = tpu.memref_slice %arg5[%dma_start3A_115, %dma_start3A_121] : memref<200x128xi32, #tpu.memory_space<vmem>> -> memref<1x128xi32, #tpu.memory_space<vmem>>
    %dma_start3A_123 = tpu.memref_squeeze %dma_start3A_122 : memref<1x128xi32, #tpu.memory_space<vmem>> -> memref<128xi32, #tpu.memory_space<vmem>>
    %dma_start3A_124 = arith.constant 0 : i32
    %dma_start3A_125 = arith.constant 0 : i32
    %dma_start3A_126 = tpu.memref_slice %arg8[%dma_start3A_124, %dma_start3A_125] : memref<22x128xf32, #tpu.memory_space<vmem_shared>> -> memref<22x128xf32, #tpu.memory_space<vmem_shared>>
    tpu.enqueue_indirect_dma source(%dma_start3A_126 : memref<22x128xf32, #tpu.memory_space<vmem_shared>>) target(%dma_start3A_120 : memref<128x128xf32, #tpu.memory_space<vmem>>) offsets(%dma_start3A_123 : memref<128xi32, #tpu.memory_space<vmem>>) semaphore(%arg9 : memref<!tpu.dma_semaphore, #tpu.memory_space<semaphore_mem>>)
    %dma_wait3A_127 = arith.constant 1 : i32
    %dma_wait3A_128 = arith.constant 0 : i32
    %dma_wait3A_129 = arith.constant 0 : i32
    %dma_wait3A_130 = tpu.memref_slice %arg6[%dma_wait3A_127, %dma_wait3A_128, %dma_wait3A_129] : memref<3x256x128xf32, #tpu.memory_space<vmem>> -> memref<1x128x128xf32, #tpu.memory_space<vmem>>
    %dma_wait3A_131 = tpu.memref_squeeze %dma_wait3A_130 : memref<1x128x128xf32, #tpu.memory_space<vmem>> -> memref<128x128xf32, #tpu.memory_space<vmem>>
    %dma_wait3A_132 = arith.constant 0 : i32
    %dma_wait3A_133 = arith.constant 0 : i32
    %dma_wait3A_134 = tpu.memref_slice %arg4[%dma_wait3A_132, %dma_wait3A_133] : memref<819200x128xf32, #tpu.memory_space<hbm>> -> memref<128x128xf32, #tpu.memory_space<hbm>>
    %dma_wait3A_135 = arith.constant 0 : i32
    %dma_wait3A_136 = arith.constant 0 : i32
    %dma_wait3A_137 = tpu.memref_slice %arg6[%dma_wait3A_127, %dma_wait3A_135, %dma_wait3A_136] : memref<3x256x128xf32, #tpu.memory_space<vmem>> -> memref<1x128x128xf32, #tpu.memory_space<vmem>>
    %dma_wait3A_138 = tpu.memref_squeeze %dma_wait3A_137 : memref<1x128x128xf32, #tpu.memory_space<vmem>> -> memref<128x128xf32, #tpu.memory_space<vmem>>
    %dma_wait3A_139 = arith.constant 0 : i32
    %dma_wait3A_140 = arith.constant 0 : i32
    %dma_wait3A_141 = tpu.memref_slice %arg4[%dma_wait3A_139, %dma_wait3A_140] : memref<819200x128xf32, #tpu.memory_space<hbm>> -> memref<128x128xf32, #tpu.memory_space<hbm>>
    tpu.wait_dma2 semaphore(%arg9 : memref<!tpu.dma_semaphore, #tpu.memory_space<semaphore_mem>>) src(%dma_wait3A_141 : memref<128x128xf32, #tpu.memory_space<hbm>>) dst(%dma_wait3A_138 : memref<128x128xf32, #tpu.memory_space<vmem>>)
    %dma_wait3A_142 = arith.constant 1 : i32
    %dma_wait3A_143 = arith.constant 128 : i32
    %dma_wait3A_144 = arith.constant 0 : i32
    %dma_wait3A_145 = tpu.memref_slice %arg6[%dma_wait3A_142, %dma_wait3A_143, %dma_wait3A_144] : memref<3x256x128xf32, #tpu.memory_space<vmem>> -> memref<1x128x128xf32, #tpu.memory_space<vmem>>
    %dma_wait3A_146 = tpu.memref_squeeze %dma_wait3A_145 : memref<1x128x128xf32, #tpu.memory_space<vmem>> -> memref<128x128xf32, #tpu.memory_space<vmem>>
    %dma_wait3A_147 = arith.constant 0 : i32
    %dma_wait3A_148 = arith.constant 0 : i32
    %dma_wait3A_149 = tpu.memref_slice %arg4[%dma_wait3A_147, %dma_wait3A_148] : memref<819200x128xf32, #tpu.memory_space<hbm>> -> memref<128x128xf32, #tpu.memory_space<hbm>>
    %dma_wait3A_150 = arith.constant 128 : i32
    %dma_wait3A_151 = arith.constant 0 : i32
    %dma_wait3A_152 = tpu.memref_slice %arg6[%dma_wait3A_142, %dma_wait3A_150, %dma_wait3A_151] : memref<3x256x128xf32, #tpu.memory_space<vmem>> -> memref<1x128x128xf32, #tpu.memory_space<vmem>>
    %dma_wait3A_153 = tpu.memref_squeeze %dma_wait3A_152 : memref<1x128x128xf32, #tpu.memory_space<vmem>> -> memref<128x128xf32, #tpu.memory_space<vmem>>
    %dma_wait3A_154 = arith.constant 0 : i32
    %dma_wait3A_155 = arith.constant 0 : i32
    %dma_wait3A_156 = tpu.memref_slice %arg4[%dma_wait3A_154, %dma_wait3A_155] : memref<819200x128xf32, #tpu.memory_space<hbm>> -> memref<128x128xf32, #tpu.memory_space<hbm>>
    tpu.wait_dma2 semaphore(%arg9 : memref<!tpu.dma_semaphore, #tpu.memory_space<semaphore_mem>>) src(%dma_wait3A_156 : memref<128x128xf32, #tpu.memory_space<hbm>>) dst(%dma_wait3A_153 : memref<128x128xf32, #tpu.memory_space<vmem>>)
    %add3A_157 = arith.constant 24832 : i32
    %add3A_158 = arith.addi %mul3A_2, %add3A_157 : i32
    %dma_start3A_159 = arith.constant 1 : i32
    %dma_start3A_160 = arith.constant 0 : i32
    %dma_start3A_161 = arith.constant 0 : i32
    %dma_start3A_162 = tpu.memref_slice %arg6[%dma_start3A_159, %dma_start3A_160, %dma_start3A_161] : memref<3x256x128xf32, #tpu.memory_space<vmem>> -> memref<1x256x128xf32, #tpu.memory_space<vmem>>
    %dma_start3A_163 = tpu.memref_squeeze %dma_start3A_162 : memref<1x256x128xf32, #tpu.memory_space<vmem>> -> memref<256x128xf32, #tpu.memory_space<vmem>>
    %dma_start3A_164 = arith.constant 0 : i32
    %dma_start3A_165 = tpu.memref_slice %arg4[%add3A_158, %dma_start3A_164] : memref<819200x128xf32, #tpu.memory_space<hbm>> -> memref<256x128xf32, #tpu.memory_space<hbm>>
    %dma_start3A_166 = arith.constant 0 : i32
    %dma_start3A_167 = tpu.memref_slice %arg4[%add3A_158, %dma_start3A_166] : memref<819200x128xf32, #tpu.memory_space<hbm>> -> memref<256x128xf32, #tpu.memory_space<hbm>>
    %dma_start3A_168 = arith.constant 0 : i32
    %dma_start3A_169 = arith.constant 0 : i32
    %dma_start3A_170 = tpu.memref_slice %arg6[%dma_start3A_159, %dma_start3A_168, %dma_start3A_169] : memref<3x256x128xf32, #tpu.memory_space<vmem>> -> memref<1x256x128xf32, #tpu.memory_space<vmem>>
    %dma_start3A_171 = tpu.memref_squeeze %dma_start3A_170 : memref<1x256x128xf32, #tpu.memory_space<vmem>> -> memref<256x128xf32, #tpu.memory_space<vmem>>
    tpu.enqueue_dma source(%dma_start3A_171 : memref<256x128xf32, #tpu.memory_space<vmem>>) target(%dma_start3A_167 : memref<256x128xf32, #tpu.memory_space<hbm>>) target_semaphore(%arg10 : memref<!tpu.dma_semaphore, #tpu.memory_space<semaphore_mem>>)
    %dma_wait3A_172 = arith.constant 0 : i32
    %dma_wait3A_173 = arith.constant 0 : i32
    %dma_wait3A_174 = arith.constant 0 : i32
    %dma_wait3A_175 = tpu.memref_slice %arg6[%dma_wait3A_172, %dma_wait3A_173, %dma_wait3A_174] : memref<3x256x128xf32, #tpu.memory_space<vmem>> -> memref<1x256x128xf32, #tpu.memory_space<vmem>>
    %dma_wait3A_176 = tpu.memref_squeeze %dma_wait3A_175 : memref<1x256x128xf32, #tpu.memory_space<vmem>> -> memref<256x128xf32, #tpu.memory_space<vmem>>
    %dma_wait3A_177 = arith.constant 0 : i32
    %dma_wait3A_178 = arith.constant 0 : i32
    %dma_wait3A_179 = tpu.memref_slice %arg4[%dma_wait3A_177, %dma_wait3A_178] : memref<819200x128xf32, #tpu.memory_space<hbm>> -> memref<256x128xf32, #tpu.memory_space<hbm>>
    %dma_wait3A_180 = arith.constant 0 : i32
    %dma_wait3A_181 = arith.constant 0 : i32
    %dma_wait3A_182 = tpu.memref_slice %arg4[%dma_wait3A_180, %dma_wait3A_181] : memref<819200x128xf32, #tpu.memory_space<hbm>> -> memref<256x128xf32, #tpu.memory_space<hbm>>
    %dma_wait3A_183 = arith.constant 0 : i32
    %dma_wait3A_184 = arith.constant 0 : i32
    %dma_wait3A_185 = tpu.memref_slice %arg6[%dma_wait3A_172, %dma_wait3A_183, %dma_wait3A_184] : memref<3x256x128xf32, #tpu.memory_space<vmem>> -> memref<1x256x128xf32, #tpu.memory_space<vmem>>
    %dma_wait3A_186 = tpu.memref_squeeze %dma_wait3A_185 : memref<1x256x128xf32, #tpu.memory_space<vmem>> -> memref<256x128xf32, #tpu.memory_space<vmem>>
    tpu.wait_dma2 semaphore(%arg10 : memref<!tpu.dma_semaphore, #tpu.memory_space<semaphore_mem>>) src(%dma_wait3A_186 : memref<256x128xf32, #tpu.memory_space<vmem>>) dst(%dma_wait3A_182 : memref<256x128xf32, #tpu.memory_space<hbm>>)
    %dma_start3A_187 = arith.constant 198 : i32
    %dma_start3A_188 = arith.constant 0 : i32
    %dma_start3A_189 = arith.constant 0 : i32
    %dma_start3A_190 = arith.constant 0 : i32
    %dma_start3A_191 = tpu.memref_slice %arg6[%dma_start3A_188, %dma_start3A_189, %dma_start3A_190] : memref<3x256x128xf32, #tpu.memory_space<vmem>> -> memref<1x128x128xf32, #tpu.memory_space<vmem>>
    %dma_start3A_192 = tpu.memref_squeeze %dma_start3A_191 : memref<1x128x128xf32, #tpu.memory_space<vmem>> -> memref<128x128xf32, #tpu.memory_space<vmem>>
    %dma_start3A_193 = arith.constant 0 : i32
    %dma_start3A_194 = tpu.memref_slice %arg5[%dma_start3A_187, %dma_start3A_193] : memref<200x128xi32, #tpu.memory_space<vmem>> -> memref<1x128xi32, #tpu.memory_space<vmem>>
    %dma_start3A_195 = tpu.memref_squeeze %dma_start3A_194 : memref<1x128xi32, #tpu.memory_space<vmem>> -> memref<128xi32, #tpu.memory_space<vmem>>
    %dma_start3A_196 = arith.constant 0 : i32
    %dma_start3A_197 = arith.constant 0 : i32
    %dma_start3A_198 = tpu.memref_slice %arg8[%dma_start3A_196, %dma_start3A_197] : memref<22x128xf32, #tpu.memory_space<vmem_shared>> -> memref<22x128xf32, #tpu.memory_space<vmem_shared>>
    tpu.enqueue_indirect_dma source(%dma_start3A_198 : memref<22x128xf32, #tpu.memory_space<vmem_shared>>) target(%dma_start3A_192 : memref<128x128xf32, #tpu.memory_space<vmem>>) offsets(%dma_start3A_195 : memref<128xi32, #tpu.memory_space<vmem>>) semaphore(%arg9 : memref<!tpu.dma_semaphore, #tpu.memory_space<semaphore_mem>>)
    %dma_start3A_199 = arith.constant 199 : i32
    %dma_start3A_200 = arith.constant 0 : i32
    %dma_start3A_201 = arith.constant 128 : i32
    %dma_start3A_202 = arith.constant 0 : i32
    %dma_start3A_203 = tpu.memref_slice %arg6[%dma_start3A_200, %dma_start3A_201, %dma_start3A_202] : memref<3x256x128xf32, #tpu.memory_space<vmem>> -> memref<1x128x128xf32, #tpu.memory_space<vmem>>
    %dma_start3A_204 = tpu.memref_squeeze %dma_start3A_203 : memref<1x128x128xf32, #tpu.memory_space<vmem>> -> memref<128x128xf32, #tpu.memory_space<vmem>>
    %dma_start3A_205 = arith.constant 0 : i32
    %dma_start3A_206 = tpu.memref_slice %arg5[%dma_start3A_199, %dma_start3A_205] : memref<200x128xi32, #tpu.memory_space<vmem>> -> memref<1x128xi32, #tpu.memory_space<vmem>>
    %dma_start3A_207 = tpu.memref_squeeze %dma_start3A_206 : memref<1x128xi32, #tpu.memory_space<vmem>> -> memref<128xi32, #tpu.memory_space<vmem>>
    %dma_start3A_208 = arith.constant 0 : i32
    %dma_start3A_209 = arith.constant 0 : i32
    %dma_start3A_210 = tpu.memref_slice %arg8[%dma_start3A_208, %dma_start3A_209] : memref<22x128xf32, #tpu.memory_space<vmem_shared>> -> memref<22x128xf32, #tpu.memory_space<vmem_shared>>
    tpu.enqueue_indirect_dma source(%dma_start3A_210 : memref<22x128xf32, #tpu.memory_space<vmem_shared>>) target(%dma_start3A_204 : memref<128x128xf32, #tpu.memory_space<vmem>>) offsets(%dma_start3A_207 : memref<128xi32, #tpu.memory_space<vmem>>) semaphore(%arg9 : memref<!tpu.dma_semaphore, #tpu.memory_space<semaphore_mem>>)
    %dma_wait3A_211 = arith.constant 2 : i32
    %dma_wait3A_212 = arith.constant 0 : i32
    %dma_wait3A_213 = arith.constant 0 : i32
    %dma_wait3A_214 = tpu.memref_slice %arg6[%dma_wait3A_211, %dma_wait3A_212, %dma_wait3A_213] : memref<3x256x128xf32, #tpu.memory_space<vmem>> -> memref<1x128x128xf32, #tpu.memory_space<vmem>>
    %dma_wait3A_215 = tpu.memref_squeeze %dma_wait3A_214 : memref<1x128x128xf32, #tpu.memory_space<vmem>> -> memref<128x128xf32, #tpu.memory_space<vmem>>
    %dma_wait3A_216 = arith.constant 0 : i32
    %dma_wait3A_217 = arith.constant 0 : i32
    %dma_wait3A_218 = tpu.memref_slice %arg4[%dma_wait3A_216, %dma_wait3A_217] : memref<819200x128xf32, #tpu.memory_space<hbm>> -> memref<128x128xf32, #tpu.memory_space<hbm>>
    %dma_wait3A_219 = arith.constant 0 : i32
    %dma_wait3A_220 = arith.constant 0 : i32
    %dma_wait3A_221 = tpu.memref_slice %arg6[%dma_wait3A_211, %dma_wait3A_219, %dma_wait3A_220] : memref<3x256x128xf32, #tpu.memory_space<vmem>> -> memref<1x128x128xf32, #tpu.memory_space<vmem>>
    %dma_wait3A_222 = tpu.memref_squeeze %dma_wait3A_221 : memref<1x128x128xf32, #tpu.memory_space<vmem>> -> memref<128x128xf32, #tpu.memory_space<vmem>>
    %dma_wait3A_223 = arith.constant 0 : i32
    %dma_wait3A_224 = arith.constant 0 : i32
    %dma_wait3A_225 = tpu.memref_slice %arg4[%dma_wait3A_223, %dma_wait3A_224] : memref<819200x128xf32, #tpu.memory_space<hbm>> -> memref<128x128xf32, #tpu.memory_space<hbm>>
    tpu.wait_dma2 semaphore(%arg9 : memref<!tpu.dma_semaphore, #tpu.memory_space<semaphore_mem>>) src(%dma_wait3A_225 : memref<128x128xf32, #tpu.memory_space<hbm>>) dst(%dma_wait3A_222 : memref<128x128xf32, #tpu.memory_space<vmem>>)
    %dma_wait3A_226 = arith.constant 2 : i32
    %dma_wait3A_227 = arith.constant 128 : i32
    %dma_wait3A_228 = arith.constant 0 : i32
    %dma_wait3A_229 = tpu.memref_slice %arg6[%dma_wait3A_226, %dma_wait3A_227, %dma_wait3A_228] : memref<3x256x128xf32, #tpu.memory_space<vmem>> -> memref<1x128x128xf32, #tpu.memory_space<vmem>>
    %dma_wait3A_230 = tpu.memref_squeeze %dma_wait3A_229 : memref<1x128x128xf32, #tpu.memory_space<vmem>> -> memref<128x128xf32, #tpu.memory_space<vmem>>
    %dma_wait3A_231 = arith.constant 0 : i32
    %dma_wait3A_232 = arith.constant 0 : i32
    %dma_wait3A_233 = tpu.memref_slice %arg4[%dma_wait3A_231, %dma_wait3A_232] : memref<819200x128xf32, #tpu.memory_space<hbm>> -> memref<128x128xf32, #tpu.memory_space<hbm>>
    %dma_wait3A_234 = arith.constant 128 : i32
    %dma_wait3A_235 = arith.constant 0 : i32
    %dma_wait3A_236 = tpu.memref_slice %arg6[%dma_wait3A_226, %dma_wait3A_234, %dma_wait3A_235] : memref<3x256x128xf32, #tpu.memory_space<vmem>> -> memref<1x128x128xf32, #tpu.memory_space<vmem>>
    %dma_wait3A_237 = tpu.memref_squeeze %dma_wait3A_236 : memref<1x128x128xf32, #tpu.memory_space<vmem>> -> memref<128x128xf32, #tpu.memory_space<vmem>>
    %dma_wait3A_238 = arith.constant 0 : i32
    %dma_wait3A_239 = arith.constant 0 : i32
    %dma_wait3A_240 = tpu.memref_slice %arg4[%dma_wait3A_238, %dma_wait3A_239] : memref<819200x128xf32, #tpu.memory_space<hbm>> -> memref<128x128xf32, #tpu.memory_space<hbm>>
    tpu.wait_dma2 semaphore(%arg9 : memref<!tpu.dma_semaphore, #tpu.memory_space<semaphore_mem>>) src(%dma_wait3A_240 : memref<128x128xf32, #tpu.memory_space<hbm>>) dst(%dma_wait3A_237 : memref<128x128xf32, #tpu.memory_space<vmem>>)
    %add3A_241 = arith.constant 25088 : i32
    %add3A_242 = arith.addi %mul3A_2, %add3A_241 : i32
    %dma_start3A_243 = arith.constant 2 : i32
    %dma_start3A_244 = arith.constant 0 : i32
    %dma_start3A_245 = arith.constant 0 : i32
    %dma_start3A_246 = tpu.memref_slice %arg6[%dma_start3A_243, %dma_start3A_244, %dma_start3A_245] : memref<3x256x128xf32, #tpu.memory_space<vmem>> -> memref<1x256x128xf32, #tpu.memory_space<vmem>>
    %dma_start3A_247 = tpu.memref_squeeze %dma_start3A_246 : memref<1x256x128xf32, #tpu.memory_space<vmem>> -> memref<256x128xf32, #tpu.memory_space<vmem>>
    %dma_start3A_248 = arith.constant 0 : i32
    %dma_start3A_249 = tpu.memref_slice %arg4[%add3A_242, %dma_start3A_248] : memref<819200x128xf32, #tpu.memory_space<hbm>> -> memref<256x128xf32, #tpu.memory_space<hbm>>
    %dma_start3A_250 = arith.constant 0 : i32
    %dma_start3A_251 = tpu.memref_slice %arg4[%add3A_242, %dma_start3A_250] : memref<819200x128xf32, #tpu.memory_space<hbm>> -> memref<256x128xf32, #tpu.memory_space<hbm>>
    %dma_start3A_252 = arith.constant 0 : i32
    %dma_start3A_253 = arith.constant 0 : i32
    %dma_start3A_254 = tpu.memref_slice %arg6[%dma_start3A_243, %dma_start3A_252, %dma_start3A_253] : memref<3x256x128xf32, #tpu.memory_space<vmem>> -> memref<1x256x128xf32, #tpu.memory_space<vmem>>
    %dma_start3A_255 = tpu.memref_squeeze %dma_start3A_254 : memref<1x256x128xf32, #tpu.memory_space<vmem>> -> memref<256x128xf32, #tpu.memory_space<vmem>>
    tpu.enqueue_dma source(%dma_start3A_255 : memref<256x128xf32, #tpu.memory_space<vmem>>) target(%dma_start3A_251 : memref<256x128xf32, #tpu.memory_space<hbm>>) target_semaphore(%arg10 : memref<!tpu.dma_semaphore, #tpu.memory_space<semaphore_mem>>)
    %dma_wait3A_256 = arith.constant 1 : i32
    %dma_wait3A_257 = arith.constant 0 : i32
    %dma_wait3A_258 = arith.constant 0 : i32
    %dma_wait3A_259 = tpu.memref_slice %arg6[%dma_wait3A_256, %dma_wait3A_257, %dma_wait3A_258] : memref<3x256x128xf32, #tpu.memory_space<vmem>> -> memref<1x256x128xf32, #tpu.memory_space<vmem>>
    %dma_wait3A_260 = tpu.memref_squeeze %dma_wait3A_259 : memref<1x256x128xf32, #tpu.memory_space<vmem>> -> memref<256x128xf32, #tpu.memory_space<vmem>>
    %dma_wait3A_261 = arith.constant 0 : i32
    %dma_wait3A_262 = arith.constant 0 : i32
    %dma_wait3A_263 = tpu.memref_slice %arg4[%dma_wait3A_261, %dma_wait3A_262] : memref<819200x128xf32, #tpu.memory_space<hbm>> -> memref<256x128xf32, #tpu.memory_space<hbm>>
    %dma_wait3A_264 = arith.constant 0 : i32
    %dma_wait3A_265 = arith.constant 0 : i32
    %dma_wait3A_266 = tpu.memref_slice %arg4[%dma_wait3A_264, %dma_wait3A_265] : memref<819200x128xf32, #tpu.memory_space<hbm>> -> memref<256x128xf32, #tpu.memory_space<hbm>>
    %dma_wait3A_267 = arith.constant 0 : i32
    %dma_wait3A_268 = arith.constant 0 : i32
    %dma_wait3A_269 = tpu.memref_slice %arg6[%dma_wait3A_256, %dma_wait3A_267, %dma_wait3A_268] : memref<3x256x128xf32, #tpu.memory_space<vmem>> -> memref<1x256x128xf32, #tpu.memory_space<vmem>>
    %dma_wait3A_270 = tpu.memref_squeeze %dma_wait3A_269 : memref<1x256x128xf32, #tpu.memory_space<vmem>> -> memref<256x128xf32, #tpu.memory_space<vmem>>
    tpu.wait_dma2 semaphore(%arg10 : memref<!tpu.dma_semaphore, #tpu.memory_space<semaphore_mem>>) src(%dma_wait3A_270 : memref<256x128xf32, #tpu.memory_space<vmem>>) dst(%dma_wait3A_266 : memref<256x128xf32, #tpu.memory_space<hbm>>)
    %dma_wait3A_271 = arith.constant 0 : i32
    %dma_wait3A_272 = arith.constant 0 : i32
    %dma_wait3A_273 = arith.constant 0 : i32
    %dma_wait3A_274 = tpu.memref_slice %arg6[%dma_wait3A_271, %dma_wait3A_272, %dma_wait3A_273] : memref<3x256x128xf32, #tpu.memory_space<vmem>> -> memref<1x128x128xf32, #tpu.memory_space<vmem>>
    %dma_wait3A_275 = tpu.memref_squeeze %dma_wait3A_274 : memref<1x128x128xf32, #tpu.memory_space<vmem>> -> memref<128x128xf32, #tpu.memory_space<vmem>>
    %dma_wait3A_276 = arith.constant 0 : i32
    %dma_wait3A_277 = arith.constant 0 : i32
    %dma_wait3A_278 = tpu.memref_slice %arg4[%dma_wait3A_276, %dma_wait3A_277] : memref<819200x128xf32, #tpu.memory_space<hbm>> -> memref<128x128xf32, #tpu.memory_space<hbm>>
    %dma_wait3A_279 = arith.constant 0 : i32
    %dma_wait3A_280 = arith.constant 0 : i32
    %dma_wait3A_281 = tpu.memref_slice %arg6[%dma_wait3A_271, %dma_wait3A_279, %dma_wait3A_280] : memref<3x256x128xf32, #tpu.memory_space<vmem>> -> memref<1x128x128xf32, #tpu.memory_space<vmem>>
    %dma_wait3A_282 = tpu.memref_squeeze %dma_wait3A_281 : memref<1x128x128xf32, #tpu.memory_space<vmem>> -> memref<128x128xf32, #tpu.memory_space<vmem>>
    %dma_wait3A_283 = arith.constant 0 : i32
    %dma_wait3A_284 = arith.constant 0 : i32
    %dma_wait3A_285 = tpu.memref_slice %arg4[%dma_wait3A_283, %dma_wait3A_284] : memref<819200x128xf32, #tpu.memory_space<hbm>> -> memref<128x128xf32, #tpu.memory_space<hbm>>
    tpu.wait_dma2 semaphore(%arg9 : memref<!tpu.dma_semaphore, #tpu.memory_space<semaphore_mem>>) src(%dma_wait3A_285 : memref<128x128xf32, #tpu.memory_space<hbm>>) dst(%dma_wait3A_282 : memref<128x128xf32, #tpu.memory_space<vmem>>)
    %dma_wait3A_286 = arith.constant 0 : i32
    %dma_wait3A_287 = arith.constant 128 : i32
    %dma_wait3A_288 = arith.constant 0 : i32
    %dma_wait3A_289 = tpu.memref_slice %arg6[%dma_wait3A_286, %dma_wait3A_287, %dma_wait3A_288] : memref<3x256x128xf32, #tpu.memory_space<vmem>> -> memref<1x128x128xf32, #tpu.memory_space<vmem>>
    %dma_wait3A_290 = tpu.memref_squeeze %dma_wait3A_289 : memref<1x128x128xf32, #tpu.memory_space<vmem>> -> memref<128x128xf32, #tpu.memory_space<vmem>>
    %dma_wait3A_291 = arith.constant 0 : i32
    %dma_wait3A_292 = arith.constant 0 : i32
    %dma_wait3A_293 = tpu.memref_slice %arg4[%dma_wait3A_291, %dma_wait3A_292] : memref<819200x128xf32, #tpu.memory_space<hbm>> -> memref<128x128xf32, #tpu.memory_space<hbm>>
    %dma_wait3A_294 = arith.constant 128 : i32
    %dma_wait3A_295 = arith.constant 0 : i32
    %dma_wait3A_296 = tpu.memref_slice %arg6[%dma_wait3A_286, %dma_wait3A_294, %dma_wait3A_295] : memref<3x256x128xf32, #tpu.memory_space<vmem>> -> memref<1x128x128xf32, #tpu.memory_space<vmem>>
    %dma_wait3A_297 = tpu.memref_squeeze %dma_wait3A_296 : memref<1x128x128xf32, #tpu.memory_space<vmem>> -> memref<128x128xf32, #tpu.memory_space<vmem>>
    %dma_wait3A_298 = arith.constant 0 : i32
    %dma_wait3A_299 = arith.constant 0 : i32
    %dma_wait3A_300 = tpu.memref_slice %arg4[%dma_wait3A_298, %dma_wait3A_299] : memref<819200x128xf32, #tpu.memory_space<hbm>> -> memref<128x128xf32, #tpu.memory_space<hbm>>
    tpu.wait_dma2 semaphore(%arg9 : memref<!tpu.dma_semaphore, #tpu.memory_space<semaphore_mem>>) src(%dma_wait3A_300 : memref<128x128xf32, #tpu.memory_space<hbm>>) dst(%dma_wait3A_297 : memref<128x128xf32, #tpu.memory_space<vmem>>)
    %add3A_301 = arith.constant 25344 : i32
    %add3A_302 = arith.addi %mul3A_2, %add3A_301 : i32
    %dma_start3A_303 = arith.constant 0 : i32
    %dma_start3A_304 = arith.constant 0 : i32
    %dma_start3A_305 = arith.constant 0 : i32
    %dma_start3A_306 = tpu.memref_slice %arg6[%dma_start3A_303, %dma_start3A_304, %dma_start3A_305] : memref<3x256x128xf32, #tpu.memory_space<vmem>> -> memref<1x256x128xf32, #tpu.memory_space<vmem>>
    %dma_start3A_307 = tpu.memref_squeeze %dma_start3A_306 : memref<1x256x128xf32, #tpu.memory_space<vmem>> -> memref<256x128xf32, #tpu.memory_space<vmem>>
    %dma_start3A_308 = arith.constant 0 : i32
    %dma_start3A_309 = tpu.memref_slice %arg4[%add3A_302, %dma_start3A_308] : memref<819200x128xf32, #tpu.memory_space<hbm>> -> memref<256x128xf32, #tpu.memory_space<hbm>>
    %dma_start3A_310 = arith.constant 0 : i32
    %dma_start3A_311 = tpu.memref_slice %arg4[%add3A_302, %dma_start3A_310] : memref<819200x128xf32, #tpu.memory_space<hbm>> -> memref<256x128xf32, #tpu.memory_space<hbm>>
    %dma_start3A_312 = arith.constant 0 : i32
    %dma_start3A_313 = arith.constant 0 : i32
    %dma_start3A_314 = tpu.memref_slice %arg6[%dma_start3A_303, %dma_start3A_312, %dma_start3A_313] : memref<3x256x128xf32, #tpu.memory_space<vmem>> -> memref<1x256x128xf32, #tpu.memory_space<vmem>>
    %dma_start3A_315 = tpu.memref_squeeze %dma_start3A_314 : memref<1x256x128xf32, #tpu.memory_space<vmem>> -> memref<256x128xf32, #tpu.memory_space<vmem>>
    tpu.enqueue_dma source(%dma_start3A_315 : memref<256x128xf32, #tpu.memory_space<vmem>>) target(%dma_start3A_311 : memref<256x128xf32, #tpu.memory_space<hbm>>) target_semaphore(%arg10 : memref<!tpu.dma_semaphore, #tpu.memory_space<semaphore_mem>>)
    %dma_wait3A_316 = arith.constant 2 : i32
    %dma_wait3A_317 = arith.constant 0 : i32
    %dma_wait3A_318 = arith.constant 0 : i32
    %dma_wait3A_319 = tpu.memref_slice %arg6[%dma_wait3A_316, %dma_wait3A_317, %dma_wait3A_318] : memref<3x256x128xf32, #tpu.memory_space<vmem>> -> memref<1x256x128xf32, #tpu.memory_space<vmem>>
    %dma_wait3A_320 = tpu.memref_squeeze %dma_wait3A_319 : memref<1x256x128xf32, #tpu.memory_space<vmem>> -> memref<256x128xf32, #tpu.memory_space<vmem>>
    %dma_wait3A_321 = arith.constant 0 : i32
    %dma_wait3A_322 = arith.constant 0 : i32
    %dma_wait3A_323 = tpu.memref_slice %arg4[%dma_wait3A_321, %dma_wait3A_322] : memref<819200x128xf32, #tpu.memory_space<hbm>> -> memref<256x128xf32, #tpu.memory_space<hbm>>
    %dma_wait3A_324 = arith.constant 0 : i32
    %dma_wait3A_325 = arith.constant 0 : i32
    %dma_wait3A_326 = tpu.memref_slice %arg4[%dma_wait3A_324, %dma_wait3A_325] : memref<819200x128xf32, #tpu.memory_space<hbm>> -> memref<256x128xf32, #tpu.memory_space<hbm>>
    %dma_wait3A_327 = arith.constant 0 : i32
    %dma_wait3A_328 = arith.constant 0 : i32
    %dma_wait3A_329 = tpu.memref_slice %arg6[%dma_wait3A_316, %dma_wait3A_327, %dma_wait3A_328] : memref<3x256x128xf32, #tpu.memory_space<vmem>> -> memref<1x256x128xf32, #tpu.memory_space<vmem>>
    %dma_wait3A_330 = tpu.memref_squeeze %dma_wait3A_329 : memref<1x256x128xf32, #tpu.memory_space<vmem>> -> memref<256x128xf32, #tpu.memory_space<vmem>>
    tpu.wait_dma2 semaphore(%arg10 : memref<!tpu.dma_semaphore, #tpu.memory_space<semaphore_mem>>) src(%dma_wait3A_330 : memref<256x128xf32, #tpu.memory_space<vmem>>) dst(%dma_wait3A_326 : memref<256x128xf32, #tpu.memory_space<hbm>>)
    %dma_wait3A_331 = arith.constant 0 : i32
    %dma_wait3A_332 = arith.constant 0 : i32
    %dma_wait3A_333 = arith.constant 0 : i32
    %dma_wait3A_334 = tpu.memref_slice %arg6[%dma_wait3A_331, %dma_wait3A_332, %dma_wait3A_333] : memref<3x256x128xf32, #tpu.memory_space<vmem>> -> memref<1x256x128xf32, #tpu.memory_space<vmem>>
    %dma_wait3A_335 = tpu.memref_squeeze %dma_wait3A_334 : memref<1x256x128xf32, #tpu.memory_space<vmem>> -> memref<256x128xf32, #tpu.memory_space<vmem>>
    %dma_wait3A_336 = arith.constant 0 : i32
    %dma_wait3A_337 = arith.constant 0 : i32
    %dma_wait3A_338 = tpu.memref_slice %arg4[%dma_wait3A_336, %dma_wait3A_337] : memref<819200x128xf32, #tpu.memory_space<hbm>> -> memref<256x128xf32, #tpu.memory_space<hbm>>
    %dma_wait3A_339 = arith.constant 0 : i32
    %dma_wait3A_340 = arith.constant 0 : i32
    %dma_wait3A_341 = tpu.memref_slice %arg4[%dma_wait3A_339, %dma_wait3A_340] : memref<819200x128xf32, #tpu.memory_space<hbm>> -> memref<256x128xf32, #tpu.memory_space<hbm>>
    %dma_wait3A_342 = arith.constant 0 : i32
    %dma_wait3A_343 = arith.constant 0 : i32
    %dma_wait3A_344 = tpu.memref_slice %arg6[%dma_wait3A_331, %dma_wait3A_342, %dma_wait3A_343] : memref<3x256x128xf32, #tpu.memory_space<vmem>> -> memref<1x256x128xf32, #tpu.memory_space<vmem>>
    %dma_wait3A_345 = tpu.memref_squeeze %dma_wait3A_344 : memref<1x256x128xf32, #tpu.memory_space<vmem>> -> memref<256x128xf32, #tpu.memory_space<vmem>>
    tpu.wait_dma2 semaphore(%arg10 : memref<!tpu.dma_semaphore, #tpu.memory_space<semaphore_mem>>) src(%dma_wait3A_345 : memref<256x128xf32, #tpu.memory_space<vmem>>) dst(%dma_wait3A_341 : memref<256x128xf32, #tpu.memory_space<hbm>>)
    return
  }
}

</mosaic_0001>

<sc_bundles>
// kernel: kernel.3.cloned.1.call-start
scs
__scs_entry_jumppad:
0x0: {  	(pc) =	sbr.rel $0x88, $3  }
0x1: {  	(tag) =	ssettag $0x0;
	lr =	simm.s32 $0x1  }
0x2: {  	[smem:$0x3F9F] =	sst lr;
	_ =	strace $0xD0000000  }
0x3: {  	_ = 	snop  }
0x4: {  	_ = 	snop  }
0x5: {  	_ = 	snop  }
0x6: {  	_ = 	snop  }
0x7: {  	_ = 	snop  }
__scs_overlays_trampoline_lowered:
0x8: {  	[smem:$0x3FAE] =	sst s0  }
0x9: {  	[smem:$0x3FAF] =	sst s1  }
0xa: {  	[smem:$0x3FB0] =	sst s2  }
0xb: {  	[smem:$0x3FB1] =	sst s3  }
0xc: {  	[smem:$0x3FB2] =	sst s4  }
0xd: {  	[smem:$0x3FB3] =	sst s5  }
0xe: {  	[smem:$0x3FB4] =	sst s6  }
0xf: {  	[smem:$0x3FB5] =	sst s7  }
0x10: {  	[smem:$0x3FB6] =	sst s8  }
0x11: {  	[smem:$0x3FB7] =	sst s9;
	s0 =	simm.s32 @!p0 $0x0  }
0x12: {  	s1 =	sld [smem:$0x3F9D];
	s0 =	simm.s32 @p0 $0x1  }
0x13: {  	[smem:$0x3FB8] =	sst s0;
	s0 =	simm.s32 @!p1 $0x0  }
0x14: {  	s2 =	sld [smem:$0x3F9C];
	s0 =	simm.s32 @p1 $0x1  }
0x15: {  	[smem:$0x3FB9] =	sst s0;
	s0 =	simm.s32 @!p2 $0x0  }
0x16: {  	s3 =	sld [smem:$0x3FDB];
	s0 =	simm.s32 @p2 $0x1  }
0x17: {  	s4 =	simm.s32 $0x1BF5;
	[smem:$0x3FBB] =	sst s0  }
0x18: {  	s0 =	sld [smem:$0x3F9E];
	_ =	swait.ge [sflag:s4], $0x0  }
0x19: {  	s7 =	sld [smem:$0x3F9F]  }
0x1a: {  	s8 =	sadd.s32 $0xFFFFE003, lr  }
0x1b: {  	s9 =	sadd.s32 $0xFFFFFEF7, lr;
	s5 =	simm.s32 $0xFFFFFFFF;
	p2 =	slt.u32 s8, $0xFFFFF086  }
0x1c: {  	p1 =	slt.u32 s9, $0xF7A;
	s5 =	simm.s32 @!p2 $0x0  }
0x1d: {  	s5 =	simm.s32 @p1 $0x1;
	p0 =	seq.s32 s7, s2  }
0x1e: {  	s7 =	smul.u32 @!p0 $0xF7A, s2;
	p2 =	seq.s32 @!p0 s5, $0x0  }
0x1f: {  	s9 =	smul.u32 $0xF7A, s1;
	s8 =	simm.s32 @!p0 $0x1BF5;
	p2 =	por !p2, p0  }
0x20: {  	[sflag:s8] =	ssyncset.s32 @!p0 $0xFFFFF086;
	s6 =	sadd.s32 @!p0 s3, s7;
	s7 =	simm.s32 @!p0 $0x108  }
0x21: {  	s3 =	sadd.s32 s3, s9;
	s6 =	sadd.s32 @!p0 $0x88, s6;
	s7 =	simm.s32 @p2 $0x1082  }
0x22: {  	[simem:s7], [sflag:s8] =	dma.local @!p0 [hbm:s6], $0xF7A  }
0x23: {  	s9 =	sor.u32 $0xD0000000, s2;
	s6 =	simm.s32 $0x108;
	_ =	swait.ge @!p0 [sflag:s8], $0x0  }
0x24: {  	s3 =	sadd.s32 $0x88, s3;
	s6 =	simm.s32 @!p1 $0x1082;
	[sflag:s4] =	ssyncset.s32 $0xFFFFF086  }
0x25: {  	[simem:s6], [sflag:s4] =	dma.local [hbm:s3], $0xF7A  }
0x26: {  	[smem:$0x3F9F] =	sst s1;
	(tag) =	ssettag s2;
	_ =	strace s9  }
0x27: {  	s1 =	sld [smem:$0x3FAF]  }
0x28: {  	s2 =	sld [smem:$0x3FB0]  }
0x29: {  	s4 =	sld [smem:$0x3FB2]  }
0x2a: {  	p0 =	seq.s32 s5, $0x0;
	s5 =	sld [smem:$0x3FB3]  }
0x2b: {  	s6 =	sld [smem:$0x3FB4]  }
0x2c: {  	s7 =	sld [smem:$0x3FB5]  }
0x2d: {  	s3 =	simm.s32 $0x108;
	s8 =	sld [smem:$0x3FB6]  }
0x2e: {  	s3 =	simm.s32 @!p0 $0x1082;
	s9 =	sld [smem:$0x3FB7]  }
0x2f: {  	lr =	sadd.s32 s0, s3;
	s0 =	sld [smem:$0x3FAE]  }
0x30: {  	s3 =	sld [smem:$0x3FB1]  }
0x31: {  	[smem:$0x3FBA] =	sst s10  }
0x32: {  	s10 =	sld [smem:$0x3FB8];
	_ =	sdelay $0x3  }
0x33: {  	p0 =	seq.s32 s10, $0x1;
	s10 =	sld [smem:$0x3FBA];
	_ =	sdelay $0x3  }
0x34: {  	[smem:$0x3FBA] =	sst s10  }
0x35: {  	s10 =	sld [smem:$0x3FB9];
	_ =	sdelay $0x3  }
0x36: {  	p1 =	seq.s32 s10, $0x1;
	s10 =	sld [smem:$0x3FBA];
	_ =	sdelay $0x3  }
0x37: {  	[smem:$0x3FBA] =	sst s10  }
0x38: {  	s10 =	sld [smem:$0x3FBB]  }
0x39: {  	_ = 	snop;
	(pc) =	sbr.ind lr, $3  }
0x3a: {  	_ = 	snop  }
0x3b: {  	_ = 	snop  }
0x3c: {  	p2 =	seq.s32 s10, $0x1;
	s10 =	sld [smem:$0x3FBA]  }
0x3d: {  	_ =	shalt  }
0x3e: {  	_ =	shalt  }
0x3f: {  	_ =	shalt  }
0x40: {  	_ =	shalt  }
0x41: {  	_ =	shalt  }
0x42: {  	_ =	shalt  }
0x43: {  	_ =	shalt  }
0x44: {  	_ =	shalt  }
0x45: {  	_ =	shalt  }
0x46: {  	_ =	shalt  }
0x47: {  	_ =	shalt  }
0x48: {  	_ =	shalt  }
0x49: {  	_ =	shalt  }
0x4a: {  	_ =	shalt  }
0x4b: {  	_ =	shalt  }
0x4c: {  	_ =	shalt  }
0x4d: {  	_ =	shalt  }
0x4e: {  	_ =	shalt  }
0x4f: {  	_ =	shalt  }
0x50: {  	_ =	shalt  }
0x51: {  	_ =	shalt  }
0x52: {  	_ =	shalt  }
0x53: {  	_ =	shalt  }
0x54: {  	_ =	shalt  }
0x55: {  	_ =	shalt  }
0x56: {  	_ =	shalt  }
0x57: {  	_ =	shalt  }
0x58: {  	_ =	shalt  }
0x59: {  	_ =	shalt  }
0x5a: {  	_ =	shalt  }
0x5b: {  	_ =	shalt  }
0x5c: {  	_ =	shalt  }
0x5d: {  	_ =	shalt  }
0x5e: {  	_ =	shalt  }
0x5f: {  	_ =	shalt  }
0x60: {  	_ =	shalt  }
0x61: {  	_ =	shalt  }
0x62: {  	_ =	shalt  }
0x63: {  	_ =	shalt  }
0x64: {  	_ =	shalt  }
0x65: {  	_ =	shalt  }
0x66: {  	_ =	shalt  }
0x67: {  	_ =	shalt  }
0x68: {  	_ =	shalt  }
0x69: {  	_ =	shalt  }
0x6a: {  	_ =	shalt  }
0x6b: {  	_ =	shalt  }
0x6c: {  	_ =	shalt  }
0x6d: {  	_ =	shalt  }
0x6e: {  	_ =	shalt  }
0x6f: {  	_ =	shalt  }
0x70: {  	_ =	shalt  }
0x71: {  	_ =	shalt  }
0x72: {  	_ =	shalt  }
0x73: {  	_ =	shalt  }
0x74: {  	_ =	shalt  }
0x75: {  	_ =	shalt  }
0x76: {  	_ =	shalt  }
0x77: {  	_ =	shalt  }
0x78: {  	_ =	shalt  }
0x79: {  	_ =	shalt  }
0x7a: {  	_ =	shalt  }
0x7b: {  	_ =	shalt  }
0x7c: {  	_ =	shalt  }
0x7d: {  	_ =	shalt  }
0x7e: {  	_ =	shalt  }
0x7f: {  	_ =	shalt  }
0x80: {  	_ =	shalt  }
0x81: {  	_ =	shalt  }
0x82: {  	_ =	shalt  }
0x83: {  	_ =	shalt  }
0x84: {  	_ =	shalt  }
0x85: {  	_ =	shalt  }
0x86: {  	_ =	shalt  }
0x87: {  	_ =	shalt  }
.Lfunc_end0:
.L_simem_size_0:
called_computation_lowered:
.L_overlay_start_0:
0x88: {  	s2 =	sld [smem:$0x3FD9]  }
0x89: {  	s3 =	sld [smem:$0x3FFE];
	_ =	sdelay $0x1  }
0x8a: {  	s1 =	srdreg.scid  }
0x8b: {  	s0 =	sand.u32 $0x1, s1  }
0x8c: {  	s17 =	sshll.u32 s0, $0xA;
	s2 =	sadd.s32 s3, s2  }
0x8d: {  	s2 =	sadd.s32 s2, s17  }
0x8e: {  	[smem:$0x3FC6] =	sst s2  }
0x8f: {  	_ = 	snop  }
0x90: {  	s2 =	sld [smem:$0x3FC8]  }
0x91: {  	s18 =	sld [smem:$0x3FD0];
	(tm) =	ssettm $0x1  }
0x92: {  	s4 =	sld [smem:$0x3FFB];
	_ =	sdelay $0x3  }
0x93: {  	_ =	strace s4  }
0x94: {  	s4 =	sld [smem:$0x3FFC];
	_ =	sdelay $0x3  }
0x95: {  	_ =	strace s4  }
0x96: {  	s4 =	sld [smem:$0x3FFD];
	_ =	sdelay $0x3  }
0x97: {  	_ =	strace s4  }
0x98: {  	_ =	strace $0x8FFFFFFF  }
0x99: {  	s19 =	sld [smem:$0x3FDB];
	_ =	sdelay $0x1  }
0x9a: {  	s5 =	simm.s32 $_scs_section_size  }
0x9b: {  	s6 =	simm.s32 $_size__tile_overlayer_lowered;
	s7 =	simm.s32 $_tile_overlayer_lowered  }
0x9c: {  	s22 =	simm.s32 $0x1BFF;
	s21 =	sshll.u32 s7, $0x1;
	s4 =	sadd.s32 s5, s19  }
0x9d: {  	s8 =	simm.s32 $0x0;
	s20 =	sshll.u32 s6, $0x1;
	s6 =	sadd.s32 s21, s4  }
0x9e: {  	[timem:s8], [sflag:s22] =	dma.local [hbm:s6], s20  }
0x9f: {  	_ =	swait.ge [sflag:s22], s20  }
0xa0: {  	s5 =	ssub.s32 $0x0, s20;
	[sflag:s22] =	ssyncset.done $0x0  }
0xa1: {  	[sflag:s22] =	ssyncadd.s32 s5;
	_ =	sdelay $0x1  }
0xa2: {  	s23 =	simm.s32 $0x1B8B  }
0xa3: {  	_ =	swait.ge [sflag:s23], $0x1  }
0xa4: {  	[sflag:s23] =	ssyncset.done $0x0  }
0xa5: {  	s25 =	simm.s32 $0x1B8E;
	s24 =	sld [smem:$0x3FFE];
	[sflag:s23] =	ssyncadd.s32 $0xFFFFFFFF  }
0xa6: {  	s26 =	simm.s32 $execute0_lowered;
	[smem:$0x3FD2] =	sst s25  }
0xa7: {  	s6 =	sshll.u32 s26, $0x1;
	_ =	strace $0x80000046;
	[dreg:$0x1] =	wrdreg $0xFFFFFFFF  }
0xa8: {  	s28 =	simm.s32 $_size_execute0_lowered;
	s4 =	sadd.s32 s4, s6;
	[dreg:$0x0] =	wrdreg $0x0  }
0xa9: {  	s6 =	sshll.u32 s28, $0x1;
	[dreg:$0x2] =	wrdreg s4  }
0xaa: {  	[dreg:$0x3] =	wrdreg s6  }
0xab: {  	[dreg:$0x4] =	wrdreg $0xC0  }
0xac: {  	_ =	task [dreg:s8], $0x5FFFF  }
0xad: {  	[dreg:$0x1] =	wrdreg $0xFFFFFFFF  }
0xae: {  	[dreg:$0x0] =	wrdreg $0x60  }
0xaf: {  	[dreg:$0x2] =	wrdreg s2  }
0xb0: {  	[dreg:$0x3] =	wrdreg s24  }
0xb1: {  	[dreg:$0x4] =	wrdreg s18  }
0xb2: {  	[dreg:$0x5] =	wrdreg $0x1F0000  }
0xb3: {  	[dreg:$0x6] =	wrdreg $0x9  }
0xb4: {  	_ =	task.clear_ibuf [dreg:s8], $0x7FFFF;
	_ =	strace $0x90000046  }
0xb5: {  	s29 =	simm.s32 $0x9;
	_ =	strace $0x80000048  }
0xb6: {  	_ =	swait.ge [sflag:s29], $0x1  }
0xb7: {  	[sflag:s29] =	ssyncadd.s32 $0xFFFFFFFF  }
0xb8: {  	_ =	strace $0x90000048  }
0xb9: {  	_ =	sfence  }
0xba: {  	s30 =	sld [smem:$0x0];
	_ =	sdelay $0x2  }
0xbb: {  	s31 =	sshll.u32 s1, $0xD;
	s1 =	sshrl.u32 s1, $0x2  }
0xbc: {  	s3 =	sand.u32 $0x4000, s31;
	s1 =	sadd.s32 s1, s30  }
0xbd: {  	s0 =	sor.u32 s3, s0;
	s1 =	sshll.u32 s1, $0x11  }
0xbe: {  	s0 =	sor.u32 s1, s0  }
0xbf: {  	s0 =	sadd.s32 $0x8F2B, s0  }
0xc0: {  	[sflag:s0] =	ssyncadd.remote.s32 $0x1  }
0xc1: {  	_ =	sfence.sel $0xFFFF  }
0xc2: {  	[dreg:$0x0] =	wrdreg $0xFFFFFFFF;
	(pc) =	sbr.abs _section_cstart, $3  }
0xc3: {  	[dreg:$0x1] =	wrdreg $0xFFFFFFFF  }
0xc4: {  	_ =	task.clear_ibuf [dreg:s8], $0x2FFFF;
	_ =	strace $0x9FFFFFFF  }
0xc5: {  	(tm) =	ssettm $0x7FFFFFFF  }
tec
execute0_lowered:
.L_overlay_start_1:
0x0: {  	(tag) =	ssettag $0x1  }
0x1: {  	s0 =	rddreg [dreg:$0x1]  }
0x2: {  	s1 =	rddreg [dreg:$0x2];
	s3 =	srdreg.scid  }
0x3: {  	s13 =	stileid.u32;
	s2 =	rddreg [dreg:$0x3]  }
0x4: {  	s15 =	simm.s32 $0x80;
	s16 =	simm.s32 $0x6400;
	s17 =	simm.s32 $0xA400  }
0x5: {  	s19 =	simm.s32 $0xE400;
	s30 =	simm.s32 $0x6380;
	s11 =	smul.u32 $0xC8000, s13  }
0x6: {  	s31 =	simm.s32 $0x0;
	s9 =	sand.u32 $0x1, s3;
	s12 =	smul.u32 $0x640000, s13  }
0x7: {  	s4 =	sshll.u32 s13, $0x1;
	s3 =	simm.s32 $0x0;
	s14 =	smul.u32 $0x320000, s9  }
0x8: {  	p0 =	sne.s32 s13, $0x0;
	s4 =	sor.u32 s9, s4;
	s24 =	smul.u32 $0x64000, s9  }
0x9: {  	[smem:$0x7FF] =	sst s3;
	s6 =	ssub.s32 $0x2, s9;
	s5 =	smul.u32 $0xC80, s4  }
0xa: {  	_ =	strace $0x80000047;
	s7 =	smul.u32 $0x320000, s4;
	s21 =	sshrl.u32 s6, $0x1  }
0xb: {  	s8 =	smul.u32 $0x64000, s4;
	s25 =	sadd.s32 s11, s1;
	s10 =	ssub.s32 s6, s21  }
0xc: {  	s26 =	sadd.s32 s14, s12;
	s14 =	simm.s32 $0x3;
	s21 =	simm.s32 $0x12400  }
0xd: {  	s0 =	sadd.s32 s5, s0;
	s22 =	sshrl.u32 s7, $0x3;
	s5 =	sadd.s32 s1, s8  }
0xe: {  	s9 =	smax.u32 s10, $0x1;
	s12 =	sor.u32 $0x18000, s26;
	s11 =	sor.u32 $0x10000, s26  }
0xf: {  	s4 =	sadd.s32 $0x400, s0;
	s23 =	sadd.s32 s1, s22;
	s0 =	sadd.s32 s24, s25  }
0x10: {  	s28 =	sshrl.u32 s12, $0x3;
	s29 =	sshrl.u32 s11, $0x3;
	s22 =	simm.s32 $0x1  }
0x11: {  	s24 =	simm.s32 $0x1A400;
	s25 =	simm.s32 $0x2;
	s6 =	sadd.s32 $0x61000, s23  }
0x12: {  	s7 =	sadd.s32 $0x62000, s23;
	s8 =	sadd.s32 $0x63000, s23;
	s10 =	sadd.s32 $0x1000, s0  }
0x13: {  	v0 =	vimm.f32 $0.0e+00;
	s11 =	sadd.s32 s28, s1;
	s12 =	sadd.s32 s29, s1;
	s23 =	simm.s32 $0x16400  }
.LBB2_1:
.Ltmp0:
0x14: {  	(pc) =	sbr.rel @p0 .LBB2_3-.Ltmp0, $1  }
0x15: {  	_ =	sdelay $0x3  }
0x16: {  	s0 =	rddreg [dreg:$0x0];
	s1 =	simm.s32 $0x1E400  }
0x17: {  	[tilespmem:s1], [sflag:$0x3] =	stream.linear.gather [hbm4b:s0+s3], $0xB00, $0x38;
	[tilespmem:$0x1F0B0] =	vst v63  }
0x18: {  	_ =	swait.ge [sflag:s14], $0xB00  }
0x19: {  	[sflag:s14] =	ssyncset.done $0x0  }
0x1a: {  	[sflag:s14] =	ssyncadd.s32 $0xFFFFF500  }
0x1b: {  	[tilespmem:$0x1EE80] =	vst v0  }
0x1c: {  	v1 =	vld [tilespmem:$0x1E400];
	[tilespmem:$0x1EE90] =	vst v0  }
0x1d: {  	v2 =	vld [tilespmem:$0x1E410];
	[tilespmem:$0x1EEA0] =	vst v0  }
0x1e: {  	v3 =	vld [tilespmem:$0x1E420];
	[tilespmem:$0x1EEB0] =	vst v0  }
0x1f: {  	v4 =	vld [tilespmem:$0x1E430];
	[tilespmem:$0x1EEC0] =	vst v0  }
0x20: {  	v5 =	vld [tilespmem:$0x1E440];
	[tilespmem:$0x1EED0] =	vst v0  }
0x21: {  	v6 =	vld [tilespmem:$0x1E450];
	[tilespmem:$0x1EEE0] =	vst v0;
	v1 =	vmul.f32 $1.131370830e+01, v1  }
0x22: {  	v7 =	vld [tilespmem:$0x1E460];
	[tilespmem:$0x1EEF0] =	vst v0;
	v2 =	vmul.f32 $1.131370830e+01, v2  }
0x23: {  	[tilespmem:$0x1E400] =	vst v1;
	v1 =	vmul.f32 $1.131370830e+01, v3;
	v3 =	vld [tilespmem:$0x1E470]  }
0x24: {  	v46 =	vld [tilespmem:$0x1E480];
	[tilespmem:$0x1E410] =	vst v2;
	v2 =	vmul.f32 $1.131370830e+01, v4  }
0x25: {  	v47 =	vld [tilespmem:$0x1E490];
	[tilespmem:$0x1E420] =	vst v1;
	v1 =	vmul.f32 $1.131370830e+01, v5  }
0x26: {  	v48 =	vld [tilespmem:$0x1E4A0];
	[tilespmem:$0x1E430] =	vst v2;
	v2 =	vmul.f32 $1.131370830e+01, v6  }
0x27: {  	v49 =	vld [tilespmem:$0x1E4B0];
	[tilespmem:$0x1E440] =	vst v1;
	v1 =	vmul.f32 $1.131370830e+01, v7  }
0x28: {  	[tilespmem:$0x1E450] =	vst v2;
	v2 =	vmul.f32 $1.131370830e+01, v3;
	v3 =	vld [tilespmem:$0x1E4C0]  }
0x29: {  	v50 =	vld [tilespmem:$0x1E4D0];
	[tilespmem:$0x1E460] =	vst v1;
	v1 =	vmul.f32 $1.131370830e+01, v46  }
0x2a: {  	v51 =	vld [tilespmem:$0x1E4E0];
	[tilespmem:$0x1E470] =	vst v2;
	v2 =	vmul.f32 $1.131370830e+01, v47  }
0x2b: {  	v52 =	vld [tilespmem:$0x1E4F0];
	[tilespmem:$0x1E480] =	vst v1;
	v1 =	vmul.f32 $1.131370830e+01, v48  }
0x2c: {  	v53 =	vld [tilespmem:$0x1E500];
	[tilespmem:$0x1E490] =	vst v2;
	v2 =	vmul.f32 $1.131370830e+01, v49  }
0x2d: {  	[tilespmem:$0x1E4A0] =	vst v1;
	v1 =	vmul.f32 $1.131370830e+01, v3;
	v3 =	vld [tilespmem:$0x1E510]  }
0x2e: {  	v54 =	vld [tilespmem:$0x1E520];
	[tilespmem:$0x1E4B0] =	vst v2;
	v2 =	vmul.f32 $1.131370830e+01, v50  }
0x2f: {  	v55 =	vld [tilespmem:$0x1E530];
	[tilespmem:$0x1E4C0] =	vst v1;
	v1 =	vmul.f32 $1.131370830e+01, v51  }
0x30: {  	v56 =	vld [tilespmem:$0x1E540];
	[tilespmem:$0x1E4D0] =	vst v2;
	v2 =	vmul.f32 $1.131370830e+01, v52  }
0x31: {  	v57 =	vld [tilespmem:$0x1E550];
	[tilespmem:$0x1E4E0] =	vst v1;
	v1 =	vmul.f32 $1.131370830e+01, v53  }
0x32: {  	[tilespmem:$0x1E4F0] =	vst v2;
	v2 =	vmul.f32 $1.131370830e+01, v3;
	v3 =	vld [tilespmem:$0x1E560]  }
0x33: {  	v58 =	vld [tilespmem:$0x1E570];
	[tilespmem:$0x1E500] =	vst v1;
	v1 =	vmul.f32 $1.131370830e+01, v54  }
0x34: {  	v59 =	vld [tilespmem:$0x1E580];
	[tilespmem:$0x1E510] =	vst v2;
	v2 =	vmul.f32 $1.131370830e+01, v55  }
0x35: {  	v60 =	vld [tilespmem:$0x1E590];
	[tilespmem:$0x1E520] =	vst v1;
	v1 =	vmul.f32 $1.131370830e+01, v56  }
0x36: {  	v61 =	vld [tilespmem:$0x1E5A0];
	[tilespmem:$0x1E530] =	vst v2;
	v2 =	vmul.f32 $1.131370830e+01, v57  }
0x37: {  	[tilespmem:$0x1E540] =	vst v1;
	v1 =	vmul.f32 $1.131370830e+01, v3;
	v3 =	vld [tilespmem:$0x1E5B0]  }
0x38: {  	v62 =	vld [tilespmem:$0x1E5C0];
	[tilespmem:$0x1E550] =	vst v2;
	v2 =	vmul.f32 $1.131370830e+01, v58  }
0x39: {  	v63 =	vld [tilespmem:$0x1E5D0];
	[tilespmem:$0x1E560] =	vst v1;
	v1 =	vmul.f32 $1.131370830e+01, v59  }
0x3a: {  	v9 =	vld [tilespmem:$0x1E5E0];
	[tilespmem:$0x1E570] =	vst v2;
	v2 =	vmul.f32 $1.131370830e+01, v60  }
0x3b: {  	v10 =	vld [tilespmem:$0x1E5F0];
	[tilespmem:$0x1E580] =	vst v1;
	v1 =	vmul.f32 $1.131370830e+01, v61  }
0x3c: {  	[tilespmem:$0x1E590] =	vst v2;
	v2 =	vmul.f32 $1.131370830e+01, v3;
	v3 =	vld [tilespmem:$0x1E600]  }
0x3d: {  	v11 =	vld [tilespmem:$0x1E610];
	[tilespmem:$0x1E5A0] =	vst v1;
	v1 =	vmul.f32 $1.131370830e+01, v62  }
0x3e: {  	v12 =	vld [tilespmem:$0x1E620];
	[tilespmem:$0x1E5B0] =	vst v2;
	v2 =	vmul.f32 $1.131370830e+01, v63  }
0x3f: {  	v13 =	vld [tilespmem:$0x1E630];
	[tilespmem:$0x1E5C0] =	vst v1;
	v1 =	vmul.f32 $1.131370830e+01, v9  }
0x40: {  	v14 =	vld [tilespmem:$0x1E640];
	[tilespmem:$0x1E5D0] =	vst v2;
	v2 =	vmul.f32 $1.131370830e+01, v10  }
0x41: {  	[tilespmem:$0x1E5E0] =	vst v1;
	v1 =	vmul.f32 $1.131370830e+01, v3;
	v3 =	vld [tilespmem:$0x1E650]  }
0x42: {  	v15 =	vld [tilespmem:$0x1E660];
	[tilespmem:$0x1E5F0] =	vst v2;
	v2 =	vmul.f32 $1.131370830e+01, v11  }
0x43: {  	v16 =	vld [tilespmem:$0x1E670];
	[tilespmem:$0x1E600] =	vst v1;
	v1 =	vmul.f32 $1.131370830e+01, v12  }
0x44: {  	v17 =	vld [tilespmem:$0x1E680];
	[tilespmem:$0x1E610] =	vst v2;
	v2 =	vmul.f32 $1.131370830e+01, v13  }
0x45: {  	v18 =	vld [tilespmem:$0x1E690];
	[tilespmem:$0x1E620] =	vst v1;
	v1 =	vmul.f32 $1.131370830e+01, v14  }
0x46: {  	[tilespmem:$0x1E630] =	vst v2;
	v2 =	vmul.f32 $1.131370830e+01, v3;
	v3 =	vld [tilespmem:$0x1E6A0]  }
0x47: {  	v19 =	vld [tilespmem:$0x1E6B0];
	[tilespmem:$0x1E640] =	vst v1;
	v1 =	vmul.f32 $1.131370830e+01, v15  }
0x48: {  	v20 =	vld [tilespmem:$0x1E6C0];
	[tilespmem:$0x1E650] =	vst v2;
	v2 =	vmul.f32 $1.131370830e+01, v16  }
0x49: {  	v21 =	vld [tilespmem:$0x1E6D0];
	[tilespmem:$0x1E660] =	vst v1;
	v1 =	vmul.f32 $1.131370830e+01, v17  }
0x4a: {  	v22 =	vld [tilespmem:$0x1E6E0];
	[tilespmem:$0x1E670] =	vst v2;
	v2 =	vmul.f32 $1.131370830e+01, v18  }
0x4b: {  	[tilespmem:$0x1E680] =	vst v1;
	v1 =	vmul.f32 $1.131370830e+01, v3;
	v3 =	vld [tilespmem:$0x1E6F0]  }
0x4c: {  	v23 =	vld [tilespmem:$0x1E700];
	[tilespmem:$0x1E690] =	vst v2;
	v2 =	vmul.f32 $1.131370830e+01, v19  }
0x4d: {  	v24 =	vld [tilespmem:$0x1E710];
	[tilespmem:$0x1E6A0] =	vst v1;
	v1 =	vmul.f32 $1.131370830e+01, v20  }
0x4e: {  	v25 =	vld [tilespmem:$0x1E720];
	[tilespmem:$0x1E6B0] =	vst v2;
	v2 =	vmul.f32 $1.131370830e+01, v21  }
0x4f: {  	v26 =	vld [tilespmem:$0x1E730];
	[tilespmem:$0x1E6C0] =	vst v1;
	v1 =	vmul.f32 $1.131370830e+01, v22  }
0x50: {  	[tilespmem:$0x1E6D0] =	vst v2;
	v2 =	vmul.f32 $1.131370830e+01, v3;
	v3 =	vld [tilespmem:$0x1E740]  }
0x51: {  	v27 =	vld [tilespmem:$0x1E750];
	[tilespmem:$0x1E6E0] =	vst v1;
	v1 =	vmul.f32 $1.131370830e+01, v23  }
0x52: {  	v28 =	vld [tilespmem:$0x1E760];
	[tilespmem:$0x1E6F0] =	vst v2;
	v2 =	vmul.f32 $1.131370830e+01, v24  }
0x53: {  	v29 =	vld [tilespmem:$0x1E770];
	[tilespmem:$0x1E700] =	vst v1;
	v1 =	vmul.f32 $1.131370830e+01, v25  }
0x54: {  	v30 =	vld [tilespmem:$0x1E780];
	[tilespmem:$0x1E710] =	vst v2;
	v2 =	vmul.f32 $1.131370830e+01, v26  }
0x55: {  	[tilespmem:$0x1E720] =	vst v1;
	v1 =	vmul.f32 $1.131370830e+01, v3;
	v3 =	vld [tilespmem:$0x1E790]  }
0x56: {  	v31 =	vld [tilespmem:$0x1E7A0];
	[tilespmem:$0x1E730] =	vst v2;
	v2 =	vmul.f32 $1.131370830e+01, v27  }
0x57: {  	v32 =	vld [tilespmem:$0x1E7B0];
	[tilespmem:$0x1E740] =	vst v1;
	v1 =	vmul.f32 $1.131370830e+01, v28  }
0x58: {  	v33 =	vld [tilespmem:$0x1E7C0];
	[tilespmem:$0x1E750] =	vst v2;
	v2 =	vmul.f32 $1.131370830e+01, v29  }
0x59: {  	v34 =	vld [tilespmem:$0x1E7D0];
	[tilespmem:$0x1E760] =	vst v1;
	v1 =	vmul.f32 $1.131370830e+01, v30  }
0x5a: {  	[tilespmem:$0x1E770] =	vst v2;
	v2 =	vmul.f32 $1.131370830e+01, v3;
	v3 =	vld [tilespmem:$0x1E7E0]  }
0x5b: {  	v35 =	vld [tilespmem:$0x1E7F0];
	[tilespmem:$0x1E780] =	vst v1;
	v1 =	vmul.f32 $1.131370830e+01, v31  }
0x5c: {  	v36 =	vld [tilespmem:$0x1E800];
	[tilespmem:$0x1E790] =	vst v2;
	v2 =	vmul.f32 $1.131370830e+01, v32  }
0x5d: {  	v37 =	vld [tilespmem:$0x1E810];
	[tilespmem:$0x1E7A0] =	vst v1;
	v1 =	vmul.f32 $1.131370830e+01, v33  }
0x5e: {  	v38 =	vld [tilespmem:$0x1E820];
	[tilespmem:$0x1E7B0] =	vst v2;
	v2 =	vmul.f32 $1.131370830e+01, v34  }
0x5f: {  	[tilespmem:$0x1E7C0] =	vst v1;
	v1 =	vmul.f32 $1.131370830e+01, v3;
	v3 =	vld [tilespmem:$0x1E830]  }
0x60: {  	v39 =	vld [tilespmem:$0x1E840];
	[tilespmem:$0x1E7D0] =	vst v2;
	v2 =	vmul.f32 $1.131370830e+01, v35  }
0x61: {  	v40 =	vld [tilespmem:$0x1E850];
	[tilespmem:$0x1E7E0] =	vst v1;
	v1 =	vmul.f32 $1.131370830e+01, v36  }
0x62: {  	v41 =	vld [tilespmem:$0x1E860];
	[tilespmem:$0x1E7F0] =	vst v2;
	v2 =	vmul.f32 $1.131370830e+01, v37  }
0x63: {  	v42 =	vld [tilespmem:$0x1E870];
	[tilespmem:$0x1E800] =	vst v1;
	v1 =	vmul.f32 $1.131370830e+01, v38  }
0x64: {  	[tilespmem:$0x1E810] =	vst v2;
	v2 =	vmul.f32 $1.131370830e+01, v3;
	v3 =	vld [tilespmem:$0x1E880]  }
0x65: {  	v43 =	vld [tilespmem:$0x1E890];
	[tilespmem:$0x1E820] =	vst v1;
	v1 =	vmul.f32 $1.131370830e+01, v39  }
0x66: {  	v44 =	vld [tilespmem:$0x1E8A0];
	[tilespmem:$0x1E830] =	vst v2;
	v2 =	vmul.f32 $1.131370830e+01, v40  }
0x67: {  	v45 =	vld [tilespmem:$0x1E8B0];
	[tilespmem:$0x1E840] =	vst v1;
	v1 =	vmul.f32 $1.131370830e+01, v41  }
0x68: {  	v46 =	vld [tilespmem:$0x1E8C0];
	[tilespmem:$0x1E850] =	vst v2;
	v2 =	vmul.f32 $1.131370830e+01, v42  }
0x69: {  	[tilespmem:$0x1E860] =	vst v1;
	v1 =	vmul.f32 $1.131370830e+01, v3;
	v3 =	vld [tilespmem:$0x1E8D0]  }
0x6a: {  	v47 =	vld [tilespmem:$0x1E8E0];
	[tilespmem:$0x1E870] =	vst v2;
	v2 =	vmul.f32 $1.131370830e+01, v43  }
0x6b: {  	v48 =	vld [tilespmem:$0x1E8F0];
	[tilespmem:$0x1E880] =	vst v1;
	v1 =	vmul.f32 $1.131370830e+01, v44  }
0x6c: {  	v49 =	vld [tilespmem:$0x1E900];
	[tilespmem:$0x1E890] =	vst v2;
	v2 =	vmul.f32 $1.131370830e+01, v45  }
0x6d: {  	v50 =	vld [tilespmem:$0x1E910];
	[tilespmem:$0x1E8A0] =	vst v1;
	v1 =	vmul.f32 $1.131370830e+01, v46  }
0x6e: {  	[tilespmem:$0x1E8B0] =	vst v2;
	v2 =	vmul.f32 $1.131370830e+01, v3;
	v3 =	vld [tilespmem:$0x1E920]  }
0x6f: {  	v51 =	vld [tilespmem:$0x1E930];
	[tilespmem:$0x1E8C0] =	vst v1;
	v1 =	vmul.f32 $1.131370830e+01, v47  }
0x70: {  	v52 =	vld [tilespmem:$0x1E940];
	[tilespmem:$0x1E8D0] =	vst v2;
	v2 =	vmul.f32 $1.131370830e+01, v48  }
0x71: {  	v53 =	vld [tilespmem:$0x1E950];
	[tilespmem:$0x1E8E0] =	vst v1;
	v1 =	vmul.f32 $1.131370830e+01, v49  }
0x72: {  	v54 =	vld [tilespmem:$0x1E960];
	[tilespmem:$0x1E8F0] =	vst v2;
	v2 =	vmul.f32 $1.131370830e+01, v50  }
0x73: {  	[tilespmem:$0x1E900] =	vst v1;
	v1 =	vmul.f32 $1.131370830e+01, v3;
	v3 =	vld [tilespmem:$0x1E970]  }
0x74: {  	v55 =	vld [tilespmem:$0x1E980];
	[tilespmem:$0x1E910] =	vst v2;
	v2 =	vmul.f32 $1.131370830e+01, v51  }
0x75: {  	v56 =	vld [tilespmem:$0x1E990];
	[tilespmem:$0x1E920] =	vst v1;
	v1 =	vmul.f32 $1.131370830e+01, v52  }
0x76: {  	v57 =	vld [tilespmem:$0x1E9A0];
	[tilespmem:$0x1E930] =	vst v2;
	v2 =	vmul.f32 $1.131370830e+01, v53  }
0x77: {  	v58 =	vld [tilespmem:$0x1E9B0];
	[tilespmem:$0x1E940] =	vst v1;
	v1 =	vmul.f32 $1.131370830e+01, v54  }
0x78: {  	[tilespmem:$0x1E950] =	vst v2;
	v2 =	vmul.f32 $1.131370830e+01, v3;
	v3 =	vld [tilespmem:$0x1E9C0]  }
0x79: {  	v59 =	vld [tilespmem:$0x1E9D0];
	[tilespmem:$0x1E960] =	vst v1;
	v1 =	vmul.f32 $1.131370830e+01, v55  }
0x7a: {  	v60 =	vld [tilespmem:$0x1E9E0];
	[tilespmem:$0x1E970] =	vst v2;
	v2 =	vmul.f32 $1.131370830e+01, v56  }
0x7b: {  	v61 =	vld [tilespmem:$0x1E9F0];
	[tilespmem:$0x1E980] =	vst v1;
	v1 =	vmul.f32 $1.131370830e+01, v57  }
0x7c: {  	v62 =	vld [tilespmem:$0x1EA00];
	[tilespmem:$0x1E990] =	vst v2;
	v2 =	vmul.f32 $1.131370830e+01, v58  }
0x7d: {  	[tilespmem:$0x1E9A0] =	vst v1;
	v1 =	vmul.f32 $1.131370830e+01, v3;
	v3 =	vld [tilespmem:$0x1EA10]  }
0x7e: {  	v63 =	vld [tilespmem:$0x1EA20];
	[tilespmem:$0x1E9B0] =	vst v2;
	v2 =	vmul.f32 $1.131370830e+01, v59  }
0x7f: {  	v9 =	vld [tilespmem:$0x1EA30];
	[tilespmem:$0x1E9C0] =	vst v1;
	v1 =	vmul.f32 $1.131370830e+01, v60  }
0x80: {  	v10 =	vld [tilespmem:$0x1EA40];
	[tilespmem:$0x1E9D0] =	vst v2;
	v2 =	vmul.f32 $1.131370830e+01, v61  }
0x81: {  	v11 =	vld [tilespmem:$0x1EA50];
	[tilespmem:$0x1E9E0] =	vst v1;
	v1 =	vmul.f32 $1.131370830e+01, v62  }
0x82: {  	[tilespmem:$0x1E9F0] =	vst v2;
	v2 =	vmul.f32 $1.131370830e+01, v3;
	v3 =	vld [tilespmem:$0x1EA60]  }
0x83: {  	v12 =	vld [tilespmem:$0x1EA70];
	[tilespmem:$0x1EA00] =	vst v1;
	v1 =	vmul.f32 $1.131370830e+01, v63  }
0x84: {  	v13 =	vld [tilespmem:$0x1EA80];
	[tilespmem:$0x1EA10] =	vst v2;
	v2 =	vmul.f32 $1.131370830e+01, v9  }
0x85: {  	v14 =	vld [tilespmem:$0x1EA90];
	[tilespmem:$0x1EA20] =	vst v1;
	v1 =	vmul.f32 $1.131370830e+01, v10  }
0x86: {  	v15 =	vld [tilespmem:$0x1EAA0];
	[tilespmem:$0x1EA30] =	vst v2;
	v2 =	vmul.f32 $1.131370830e+01, v11  }
0x87: {  	[tilespmem:$0x1EA40] =	vst v1;
	v1 =	vmul.f32 $1.131370830e+01, v3;
	v3 =	vld [tilespmem:$0x1EAB0]  }
0x88: {  	v16 =	vld [tilespmem:$0x1EAC0];
	[tilespmem:$0x1EA50] =	vst v2;
	v2 =	vmul.f32 $1.131370830e+01, v12  }
0x89: {  	v17 =	vld [tilespmem:$0x1EAD0];
	[tilespmem:$0x1EA60] =	vst v1;
	v1 =	vmul.f32 $1.131370830e+01, v13  }
0x8a: {  	v18 =	vld [tilespmem:$0x1EAE0];
	[tilespmem:$0x1EA70] =	vst v2;
	v2 =	vmul.f32 $1.131370830e+01, v14  }
0x8b: {  	v19 =	vld [tilespmem:$0x1EAF0];
	[tilespmem:$0x1EA80] =	vst v1;
	v1 =	vmul.f32 $1.131370830e+01, v15  }
0x8c: {  	[tilespmem:$0x1EA90] =	vst v2;
	v2 =	vmul.f32 $1.131370830e+01, v3;
	v3 =	vld [tilespmem:$0x1EB00]  }
0x8d: {  	v20 =	vld [tilespmem:$0x1EB10];
	[tilespmem:$0x1EAA0] =	vst v1;
	v1 =	vmul.f32 $1.131370830e+01, v16  }
0x8e: {  	v21 =	vld [tilespmem:$0x1EB20];
	[tilespmem:$0x1EAB0] =	vst v2;
	v2 =	vmul.f32 $1.131370830e+01, v17  }
0x8f: {  	v22 =	vld [tilespmem:$0x1EB30];
	[tilespmem:$0x1EAC0] =	vst v1;
	v1 =	vmul.f32 $1.131370830e+01, v18  }
0x90: {  	v23 =	vld [tilespmem:$0x1EB40];
	[tilespmem:$0x1EAD0] =	vst v2;
	v2 =	vmul.f32 $1.131370830e+01, v19  }
0x91: {  	[tilespmem:$0x1EAE0] =	vst v1;
	v1 =	vmul.f32 $1.131370830e+01, v3;
	v3 =	vld [tilespmem:$0x1EB50]  }
0x92: {  	v24 =	vld [tilespmem:$0x1EB60];
	[tilespmem:$0x1EAF0] =	vst v2;
	v2 =	vmul.f32 $1.131370830e+01, v20  }
0x93: {  	v25 =	vld [tilespmem:$0x1EB70];
	[tilespmem:$0x1EB00] =	vst v1;
	v1 =	vmul.f32 $1.131370830e+01, v21  }
0x94: {  	v26 =	vld [tilespmem:$0x1EB80];
	[tilespmem:$0x1EB10] =	vst v2;
	v2 =	vmul.f32 $1.131370830e+01, v22  }
0x95: {  	v27 =	vld [tilespmem:$0x1EB90];
	[tilespmem:$0x1EB20] =	vst v1;
	v1 =	vmul.f32 $1.131370830e+01, v23  }
0x96: {  	[tilespmem:$0x1EB30] =	vst v2;
	v2 =	vmul.f32 $1.131370830e+01, v3;
	v3 =	vld [tilespmem:$0x1EBA0]  }
0x97: {  	v28 =	vld [tilespmem:$0x1EBB0];
	[tilespmem:$0x1EB40] =	vst v1;
	v1 =	vmul.f32 $1.131370830e+01, v24  }
0x98: {  	v29 =	vld [tilespmem:$0x1EBC0];
	[tilespmem:$0x1EB50] =	vst v2;
	v2 =	vmul.f32 $1.131370830e+01, v25  }
0x99: {  	v30 =	vld [tilespmem:$0x1EBD0];
	[tilespmem:$0x1EB60] =	vst v1;
	v1 =	vmul.f32 $1.131370830e+01, v26  }
0x9a: {  	v31 =	vld [tilespmem:$0x1EBE0];
	[tilespmem:$0x1EB70] =	vst v2;
	v2 =	vmul.f32 $1.131370830e+01, v27  }
0x9b: {  	[tilespmem:$0x1EB80] =	vst v1;
	v1 =	vmul.f32 $1.131370830e+01, v3;
	v3 =	vld [tilespmem:$0x1EBF0]  }
0x9c: {  	v32 =	vld [tilespmem:$0x1EC00];
	[tilespmem:$0x1EB90] =	vst v2;
	v2 =	vmul.f32 $1.131370830e+01, v28  }
0x9d: {  	v33 =	vld [tilespmem:$0x1EC10];
	[tilespmem:$0x1EBA0] =	vst v1;
	v1 =	vmul.f32 $1.131370830e+01, v29  }
0x9e: {  	v34 =	vld [tilespmem:$0x1EC20];
	[tilespmem:$0x1EBB0] =	vst v2;
	v2 =	vmul.f32 $1.131370830e+01, v30  }
0x9f: {  	v35 =	vld [tilespmem:$0x1EC30];
	[tilespmem:$0x1EBC0] =	vst v1;
	v1 =	vmul.f32 $1.131370830e+01, v31  }
0xa0: {  	[tilespmem:$0x1EBD0] =	vst v2;
	v2 =	vmul.f32 $1.131370830e+01, v3;
	v3 =	vld [tilespmem:$0x1EC40]  }
0xa1: {  	v36 =	vld [tilespmem:$0x1EC50];
	[tilespmem:$0x1EBE0] =	vst v1;
	v1 =	vmul.f32 $1.131370830e+01, v32  }
0xa2: {  	v37 =	vld [tilespmem:$0x1EC60];
	[tilespmem:$0x1EBF0] =	vst v2;
	v2 =	vmul.f32 $1.131370830e+01, v33  }
0xa3: {  	v38 =	vld [tilespmem:$0x1EC70];
	[tilespmem:$0x1EC00] =	vst v1;
	v1 =	vmul.f32 $1.131370830e+01, v34  }
0xa4: {  	v39 =	vld [tilespmem:$0x1EC80];
	[tilespmem:$0x1EC10] =	vst v2;
	v2 =	vmul.f32 $1.131370830e+01, v35  }
0xa5: {  	[tilespmem:$0x1EC20] =	vst v1;
	v1 =	vmul.f32 $1.131370830e+01, v3;
	v3 =	vld [tilespmem:$0x1EC90]  }
0xa6: {  	v40 =	vld [tilespmem:$0x1ECA0];
	[tilespmem:$0x1EC30] =	vst v2;
	v2 =	vmul.f32 $1.131370830e+01, v36  }
0xa7: {  	v41 =	vld [tilespmem:$0x1ECB0];
	[tilespmem:$0x1EC40] =	vst v1;
	v1 =	vmul.f32 $1.131370830e+01, v37  }
0xa8: {  	v42 =	vld [tilespmem:$0x1ECC0];
	[tilespmem:$0x1EC50] =	vst v2;
	v2 =	vmul.f32 $1.131370830e+01, v38  }
0xa9: {  	v43 =	vld [tilespmem:$0x1ECD0];
	[tilespmem:$0x1EC60] =	vst v1;
	v1 =	vmul.f32 $1.131370830e+01, v39  }
0xaa: {  	[tilespmem:$0x1EC70] =	vst v2;
	v2 =	vmul.f32 $1.131370830e+01, v3;
	v3 =	vld [tilespmem:$0x1ECE0]  }
0xab: {  	v44 =	vld [tilespmem:$0x1ECF0];
	[tilespmem:$0x1EC80] =	vst v1;
	v1 =	vmul.f32 $1.131370830e+01, v40  }
0xac: {  	v45 =	vld [tilespmem:$0x1ED00];
	[tilespmem:$0x1EC90] =	vst v2;
	v2 =	vmul.f32 $1.131370830e+01, v41  }
0xad: {  	v46 =	vld [tilespmem:$0x1ED10];
	[tilespmem:$0x1ECA0] =	vst v1;
	v1 =	vmul.f32 $1.131370830e+01, v42  }
0xae: {  	v47 =	vld [tilespmem:$0x1ED20];
	[tilespmem:$0x1ECB0] =	vst v2;
	v2 =	vmul.f32 $1.131370830e+01, v43  }
0xaf: {  	[tilespmem:$0x1ECC0] =	vst v1;
	v1 =	vmul.f32 $1.131370830e+01, v3;
	v3 =	vld [tilespmem:$0x1ED30]  }
0xb0: {  	v48 =	vld [tilespmem:$0x1ED40];
	[tilespmem:$0x1ECD0] =	vst v2;
	v2 =	vmul.f32 $1.131370830e+01, v44  }
0xb1: {  	v49 =	vld [tilespmem:$0x1ED50];
	[tilespmem:$0x1ECE0] =	vst v1;
	v1 =	vmul.f32 $1.131370830e+01, v45  }
0xb2: {  	v50 =	vld [tilespmem:$0x1ED60];
	[tilespmem:$0x1ECF0] =	vst v2;
	v2 =	vmul.f32 $1.131370830e+01, v46  }
0xb3: {  	v51 =	vld [tilespmem:$0x1ED70];
	[tilespmem:$0x1ED00] =	vst v1;
	v1 =	vmul.f32 $1.131370830e+01, v47  }
0xb4: {  	[tilespmem:$0x1ED10] =	vst v2;
	v2 =	vmul.f32 $1.131370830e+01, v3;
	v3 =	vld [tilespmem:$0x1ED80]  }
0xb5: {  	v52 =	vld [tilespmem:$0x1ED90];
	[tilespmem:$0x1ED20] =	vst v1;
	v1 =	vmul.f32 $1.131370830e+01, v48  }
0xb6: {  	v53 =	vld [tilespmem:$0x1EDA0];
	[tilespmem:$0x1ED30] =	vst v2;
	v2 =	vmul.f32 $1.131370830e+01, v49  }
0xb7: {  	v54 =	vld [tilespmem:$0x1EDB0];
	[tilespmem:$0x1ED40] =	vst v1;
	v1 =	vmul.f32 $1.131370830e+01, v50  }
0xb8: {  	v55 =	vld [tilespmem:$0x1EDC0];
	[tilespmem:$0x1ED50] =	vst v2;
	v2 =	vmul.f32 $1.131370830e+01, v51  }
0xb9: {  	[tilespmem:$0x1ED60] =	vst v1;
	v1 =	vmul.f32 $1.131370830e+01, v3;
	v3 =	vld [tilespmem:$0x1EDD0]  }
0xba: {  	v56 =	vld [tilespmem:$0x1EDE0];
	[tilespmem:$0x1ED70] =	vst v2;
	v2 =	vmul.f32 $1.131370830e+01, v52  }
0xbb: {  	v57 =	vld [tilespmem:$0x1EDF0];
	[tilespmem:$0x1ED80] =	vst v1;
	v1 =	vmul.f32 $1.131370830e+01, v53  }
0xbc: {  	v58 =	vld [tilespmem:$0x1EE00];
	[tilespmem:$0x1ED90] =	vst v2;
	v2 =	vmul.f32 $1.131370830e+01, v54  }
0xbd: {  	v59 =	vld [tilespmem:$0x1EE10];
	[tilespmem:$0x1EDA0] =	vst v1;
	v1 =	vmul.f32 $1.131370830e+01, v55  }
0xbe: {  	[tilespmem:$0x1EDB0] =	vst v2;
	v2 =	vmul.f32 $1.131370830e+01, v3;
	v3 =	vld [tilespmem:$0x1EE20]  }
0xbf: {  	v60 =	vld [tilespmem:$0x1EE30];
	[tilespmem:$0x1EDC0] =	vst v1;
	v1 =	vmul.f32 $1.131370830e+01, v56  }
0xc0: {  	v61 =	vld [tilespmem:$0x1EE40];
	[tilespmem:$0x1EDD0] =	vst v2;
	v2 =	vmul.f32 $1.131370830e+01, v57  }
0xc1: {  	v62 =	vld [tilespmem:$0x1EE50];
	[tilespmem:$0x1EDE0] =	vst v1;
	v1 =	vmul.f32 $1.131370830e+01, v58  }
0xc2: {  	v63 =	vld [tilespmem:$0x1EE60];
	[tilespmem:$0x1EDF0] =	vst v2;
	v2 =	vmul.f32 $1.131370830e+01, v59  }
0xc3: {  	[tilespmem:$0x1EE00] =	vst v1;
	v1 =	vmul.f32 $1.131370830e+01, v3;
	v3 =	vld [tilespmem:$0x1EE70]  }
0xc4: {  	[tilespmem:$0x1EE10] =	vst v2;
	v2 =	vmul.f32 $1.131370830e+01, v60  }
0xc5: {  	[tilespmem:$0x1EE20] =	vst v1;
	v1 =	vmul.f32 $1.131370830e+01, v61  }
0xc6: {  	[tilespmem:$0x1EE30] =	vst v2;
	v2 =	vmul.f32 $1.131370830e+01, v62  }
0xc7: {  	[tilespmem:$0x1EE40] =	vst v1;
	v1 =	vmul.f32 $1.131370830e+01, v63  }
0xc8: {  	[tilespmem:$0x1EE50] =	vst v2;
	v2 =	vmul.f32 $1.131370830e+01, v3  }
0xc9: {  	[tilespmem:$0x1EE60] =	vst v1  }
0xca: {  	[tilespmem:$0x1EE70] =	vst v2  }
0xcb: {  	[spmem:s2] =	stream.linear.scatter [tilespmem:s1], [sflag:$0x3], $0xB00, $0x38;
	[tilespmem:$0x1F0B0] =	vst v63  }
0xcc: {  	_ =	swait.ge [sflag:s14], $0xB00  }
0xcd: {  	[sflag:s14] =	ssyncset.done $0x0  }
0xce: {  	[sflag:s14] =	ssyncadd.s32 $0xFFFFF500  }
.LBB2_3:
0xcf: {  	[bflag:$0x0] =	sbarrier.arrive $0xFFFF;
	s0 =	simm.s32 $0x0  }
0xd0: {  	[tilespmem:s0], [sflag:$0x3] =	stream.linear.gather [hbm4b:s4+s0], $0x6400, $0x38;
	[tilespmem:$0x1F0B0] =	vst v63  }
0xd1: {  	_ =	swait.ge [sflag:s14], $0x6400  }
0xd2: {  	[sflag:s14] =	ssyncset.done $0x0  }
0xd3: {  	[sflag:s14] =	ssyncadd.s32 $0xFFFF9C00  }
0xd4: {  	[tilespmem:s16], [sflag:$0x1] =	stream.indirect.gather [spmem:s2], $0x80, s0, s15, $0xb8;
	[tilespmem:$0x1F0B0] =	vst v63  }
0xd5: {  	_ = 	snop  }
0xd6: {  	[tilespmem:s17], [sflag:$0x1] =	stream.indirect.gather [spmem:s2], $0x80, s15, s15, $0xb8;
	[tilespmem:$0x1F0B0] =	vst v63  }
0xd7: {  	s1 =	simm.s32 $0x100  }
0xd8: {  	[tilespmem:s19], [sflag:$0x1] =	stream.indirect.gather [spmem:s2], $0x80, s1, s15, $0xb8;
	[tilespmem:$0x1F0B0] =	vst v63  }
0xd9: {  	s29 =	simm.s32 $0x180  }
0xda: {  	[tilespmem:s21], [sflag:$0x1] =	stream.indirect.gather [spmem:s2], $0x80, s29, s15, $0xb8;
	[tilespmem:$0x1F0B0] =	vst v63  }
0xdb: {  	_ =	swait.ge [sflag:s22], $0x4000  }
0xdc: {  	[sflag:s22] =	ssyncset.done $0x0  }
0xdd: {  	[sflag:s22] =	ssyncadd.s32 $0xFFFFC000  }
0xde: {  	_ =	swait.ge [sflag:s22], $0x4000  }
0xdf: {  	[sflag:s22] =	ssyncset.done $0x0  }
0xe0: {  	[sflag:s22] =	ssyncadd.s32 $0xFFFFC000  }
0xe1: {  	[hbm4b:s5+s0] =	stream.linear.scatter [tilespmem:s16], [sflag:$0x2], $0x8000, $0x38;
	[tilespmem:$0x1F0B0] =	vst v63  }
0xe2: {  	s13 =	simm.s32 $0x200  }
0xe3: {  	[tilespmem:s23], [sflag:$0x1] =	stream.indirect.gather [spmem:s2], $0x80, s13, s15, $0xb8;
	[tilespmem:$0x1F0B0] =	vst v63  }
0xe4: {  	s18 =	simm.s32 $0x280  }
0xe5: {  	[tilespmem:s24], [sflag:$0x1] =	stream.indirect.gather [spmem:s2], $0x80, s18, s15, $0xb8;
	[tilespmem:$0x1F0B0] =	vst v63  }
0xe6: {  	_ =	swait.ge [sflag:s22], $0x4000  }
0xe7: {  	[sflag:s22] =	ssyncset.done $0x0  }
0xe8: {  	[sflag:s22] =	ssyncadd.s32 $0xFFFFC000  }
0xe9: {  	_ =	swait.ge [sflag:s22], $0x4000  }
0xea: {  	[sflag:s22] =	ssyncset.done $0x0  }
0xeb: {  	[sflag:s22] =	ssyncadd.s32 $0xFFFFC000  }
0xec: {  	[hbm4b:s10+s3] =	stream.linear.scatter [tilespmem:s19], [sflag:$0x2], $0x8000, $0x38;
	[tilespmem:$0x1F0B0] =	vst v63  }
0xed: {  	_ =	swait.ge [sflag:s25], $0x8000  }
0xee: {  	[sflag:s25] =	ssyncset.done $0x0  }
0xef: {  	s20 =	simm.s32 $0x300;
	[sflag:s25] =	ssyncadd.s32 $0xFFFF8000  }
0xf0: {  	[tilespmem:s16], [sflag:$0x1] =	stream.indirect.gather [spmem:s2], $0x80, s20, s15, $0xb8;
	[tilespmem:$0x1F0B0] =	vst v63  }
0xf1: {  	s26 =	simm.s32 $0x380  }
0xf2: {  	[tilespmem:s17], [sflag:$0x1] =	stream.indirect.gather [spmem:s2], $0x80, s26, s15, $0xb8;
	[tilespmem:$0x1F0B0] =	vst v63  }
0xf3: {  	_ =	swait.ge [sflag:s22], $0x4000  }
0xf4: {  	[sflag:s22] =	ssyncset.done $0x0  }
0xf5: {  	[sflag:s22] =	ssyncadd.s32 $0xFFFFC000  }
0xf6: {  	_ =	swait.ge [sflag:s22], $0x4000  }
0xf7: {  	[sflag:s22] =	ssyncset.done $0x0  }
0xf8: {  	[sflag:s22] =	ssyncadd.s32 $0xFFFFC000  }
0xf9: {  	[hbm4b:s12+s3] =	stream.linear.scatter [tilespmem:s23], [sflag:$0x2], $0x8000, $0x38;
	[tilespmem:$0x1F0B0] =	vst v63  }
0xfa: {  	_ =	swait.ge [sflag:s25], $0x8000  }
0xfb: {  	[sflag:s25] =	ssyncset.done $0x0  }
0xfc: {  	s28 =	simm.s32 $0x400;
	[sflag:s25] =	ssyncadd.s32 $0xFFFF8000  }
0xfd: {  	[tilespmem:s19], [sflag:$0x1] =	stream.indirect.gather [spmem:s2], $0x80, s28, s15, $0xb8;
	[tilespmem:$0x1F0B0] =	vst v63  }
0xfe: {  	s29 =	simm.s32 $0x480  }
0xff: {  	[tilespmem:s21], [sflag:$0x1] =	stream.indirect.gather [spmem:s2], $0x80, s29, s15, $0xb8;
	[tilespmem:$0x1F0B0] =	vst v63  }
0x100: {  	_ =	swait.ge [sflag:s22], $0x4000  }
0x101: {  	[sflag:s22] =	ssyncset.done $0x0  }
0x102: {  	[sflag:s22] =	ssyncadd.s32 $0xFFFFC000  }
0x103: {  	_ =	swait.ge [sflag:s22], $0x4000  }
0x104: {  	[sflag:s22] =	ssyncset.done $0x0  }
0x105: {  	s1 =	sadd.s32 $0x3000, s11;
	[sflag:s22] =	ssyncadd.s32 $0xFFFFC000  }
0x106: {  	[hbm4b:s11+s3] =	stream.linear.scatter [tilespmem:s16], [sflag:$0x2], $0x8000, $0x38;
	[tilespmem:$0x1F0B0] =	vst v63  }
0x107: {  	s0 =	sadd.s32 $0x3000, s12;
	s13 =	simm.s32 $0x300;
	_ =	swait.ge [sflag:s25], $0x8000  }
0x108: {  	s18 =	sadd.s32 $0x3000, s10;
	s20 =	simm.s32 $0x1800;
	[sflag:s25] =	ssyncset.done $0x0  }
.LBB2_4:
0x109: {  	s29 =	sadd.s32 $0x200, s13  }
0x10a: {  	[sflag:s25] =	ssyncadd.s32 $0xFFFF8000;
	s26 =	smov.u32 s20;
	s28 =	sadd.s32 $0xC00, s20  }
0x10b: {  	[tilespmem:s23], [sflag:$0x1] =	stream.indirect.gather [spmem:s2], $0x80, s29, s15, $0xb8;
	[tilespmem:$0x1F0B0] =	vst v63  }
0x10c: {  	p1 =	sne.s32 s20, $0x17400;
	s20 =	sadd.s32 $0x280, s13  }
0x10d: {  	[tilespmem:s24], [sflag:$0x1] =	stream.indirect.gather [spmem:s2], $0x80, s20, s15, $0xb8;
	[tilespmem:$0x1F0B0] =	vst v63  }
0x10e: {  	_ =	swait.ge [sflag:s22], $0x4000  }
0x10f: {  	[sflag:s22] =	ssyncset.done $0x0  }
0x110: {  	[sflag:s22] =	ssyncadd.s32 $0xFFFFC000  }
0x111: {  	_ =	swait.ge [sflag:s22], $0x4000  }
0x112: {  	[sflag:s22] =	ssyncset.done $0x0  }
0x113: {  	[sflag:s22] =	ssyncadd.s32 $0xFFFFC000  }
0x114: {  	[hbm4b:s18+s3] =	stream.linear.scatter [tilespmem:s19], [sflag:$0x2], $0x8000, $0x38;
	[tilespmem:$0x1F0B0] =	vst v63  }
0x115: {  	_ =	swait.ge [sflag:s25], $0x8000  }
0x116: {  	[sflag:s25] =	ssyncset.done $0x0  }
0x117: {  	s20 =	sadd.s32 $0x300, s13;
	[sflag:s25] =	ssyncadd.s32 $0xFFFF8000  }
0x118: {  	[tilespmem:s16], [sflag:$0x1] =	stream.indirect.gather [spmem:s2], $0x80, s20, s15, $0xb8;
	[tilespmem:$0x1F0B0] =	vst v63  }
0x119: {  	s20 =	sadd.s32 $0x380, s13  }
0x11a: {  	[tilespmem:s17], [sflag:$0x1] =	stream.indirect.gather [spmem:s2], $0x80, s20, s15, $0xb8;
	[tilespmem:$0x1F0B0] =	vst v63  }
0x11b: {  	_ =	swait.ge [sflag:s22], $0x4000  }
0x11c: {  	[sflag:s22] =	ssyncset.done $0x0  }
0x11d: {  	[sflag:s22] =	ssyncadd.s32 $0xFFFFC000  }
0x11e: {  	_ =	swait.ge [sflag:s22], $0x4000  }
0x11f: {  	[sflag:s22] =	ssyncset.done $0x0  }
0x120: {  	[sflag:s22] =	ssyncadd.s32 $0xFFFFC000  }
0x121: {  	[hbm4b:s0+s3] =	stream.linear.scatter [tilespmem:s23], [sflag:$0x2], $0x8000, $0x38;
	[tilespmem:$0x1F0B0] =	vst v63  }
0x122: {  	_ =	swait.ge [sflag:s25], $0x8000  }
0x123: {  	[sflag:s25] =	ssyncset.done $0x0  }
0x124: {  	s20 =	sadd.s32 $0x400, s13;
	[sflag:s25] =	ssyncadd.s32 $0xFFFF8000  }
0x125: {  	[tilespmem:s19], [sflag:$0x1] =	stream.indirect.gather [spmem:s2], $0x80, s20, s15, $0xb8;
	[tilespmem:$0x1F0B0] =	vst v63  }
0x126: {  	s13 =	sadd.s32 $0x480, s13  }
0x127: {  	[tilespmem:s21], [sflag:$0x1] =	stream.indirect.gather [spmem:s2], $0x80, s13, s15, $0xb8;
	[tilespmem:$0x1F0B0] =	vst v63  }
0x128: {  	_ =	swait.ge [sflag:s22], $0x4000  }
0x129: {  	[sflag:s22] =	ssyncset.done $0x0  }
0x12a: {  	[sflag:s22] =	ssyncadd.s32 $0xFFFFC000  }
0x12b: {  	_ =	swait.ge [sflag:s22], $0x4000  }
.Ltmp1:
0x12c: {  	[sflag:s22] =	ssyncset.done $0x0;
	(pc) =	sbr.rel @p1 .LBB2_4-.Ltmp1, $4  }
0x12d: {  	s18 =	sadd.s32 $0x3000, s18;
	[sflag:s22] =	ssyncadd.s32 $0xFFFFC000  }
0x12e: {  	[hbm4b:s1+s3] =	stream.linear.scatter [tilespmem:s16], [sflag:$0x2], $0x8000, $0x38;
	[tilespmem:$0x1F0B0] =	vst v63  }
0x12f: {  	s0 =	sadd.s32 $0x3000, s0;
	s1 =	sadd.s32 $0x3000, s1;
	_ =	swait.ge [sflag:s25], $0x8000  }
0x130: {  	s20 =	smov.u32 s28;
	s13 =	sshra.s32 s26, $0x2;
	[sflag:s25] =	ssyncset.done $0x0  }
0x131: {  	s20 =	sadd.s32 $0x200, s13;
	[sflag:s25] =	ssyncadd.s32 $0xFFFF8000  }
0x132: {  	[tilespmem:s23], [sflag:$0x1] =	stream.indirect.gather [spmem:s2], $0x80, s20, s15, $0xb8;
	[tilespmem:$0x1F0B0] =	vst v63  }
0x133: {  	s26 =	sadd.s32 $0x280, s13  }
0x134: {  	[tilespmem:s24], [sflag:$0x1] =	stream.indirect.gather [spmem:s2], $0x80, s26, s15, $0xb8;
	[tilespmem:$0x1F0B0] =	vst v63  }
0x135: {  	_ =	swait.ge [sflag:s22], $0x4000  }
0x136: {  	[sflag:s22] =	ssyncset.done $0x0  }
0x137: {  	[sflag:s22] =	ssyncadd.s32 $0xFFFFC000  }
0x138: {  	_ =	swait.ge [sflag:s22], $0x4000  }
0x139: {  	[sflag:s22] =	ssyncset.done $0x0  }
0x13a: {  	[sflag:s22] =	ssyncadd.s32 $0xFFFFC000  }
0x13b: {  	[hbm4b:s18+s3] =	stream.linear.scatter [tilespmem:s19], [sflag:$0x2], $0x8000, $0x38;
	[tilespmem:$0x1F0B0] =	vst v63  }
0x13c: {  	_ =	swait.ge [sflag:s25], $0x8000  }
0x13d: {  	[sflag:s25] =	ssyncset.done $0x0  }
0x13e: {  	s28 =	sadd.s32 $0x300, s13;
	[sflag:s25] =	ssyncadd.s32 $0xFFFF8000  }
0x13f: {  	[tilespmem:s16], [sflag:$0x1] =	stream.indirect.gather [spmem:s2], $0x80, s28, s15, $0xb8;
	[tilespmem:$0x1F0B0] =	vst v63  }
0x140: {  	s29 =	sadd.s32 $0x380, s13  }
0x141: {  	[tilespmem:s17], [sflag:$0x1] =	stream.indirect.gather [spmem:s2], $0x80, s29, s15, $0xb8;
	[tilespmem:$0x1F0B0] =	vst v63  }
0x142: {  	_ =	swait.ge [sflag:s22], $0x4000  }
0x143: {  	[sflag:s22] =	ssyncset.done $0x0  }
0x144: {  	[sflag:s22] =	ssyncadd.s32 $0xFFFFC000  }
0x145: {  	_ =	swait.ge [sflag:s22], $0x4000  }
0x146: {  	[sflag:s22] =	ssyncset.done $0x0  }
0x147: {  	[sflag:s22] =	ssyncadd.s32 $0xFFFFC000  }
0x148: {  	[hbm4b:s0+s3] =	stream.linear.scatter [tilespmem:s23], [sflag:$0x2], $0x8000, $0x38;
	[tilespmem:$0x1F0B0] =	vst v63  }
0x149: {  	_ =	swait.ge [sflag:s25], $0x8000  }
0x14a: {  	[sflag:s25] =	ssyncset.done $0x0  }
0x14b: {  	s18 =	sadd.s32 $0x400, s13;
	[sflag:s25] =	ssyncadd.s32 $0xFFFF8000  }
0x14c: {  	[tilespmem:s19], [sflag:$0x1] =	stream.indirect.gather [spmem:s2], $0x80, s18, s15, $0xb8;
	[tilespmem:$0x1F0B0] =	vst v63  }
0x14d: {  	s20 =	sadd.s32 $0x480, s13  }
0x14e: {  	[tilespmem:s21], [sflag:$0x1] =	stream.indirect.gather [spmem:s2], $0x80, s20, s15, $0xb8;
	[tilespmem:$0x1F0B0] =	vst v63  }
0x14f: {  	_ =	swait.ge [sflag:s22], $0x4000  }
0x150: {  	[sflag:s22] =	ssyncset.done $0x0  }
0x151: {  	[sflag:s22] =	ssyncadd.s32 $0xFFFFC000  }
0x152: {  	_ =	swait.ge [sflag:s22], $0x4000  }
0x153: {  	[sflag:s22] =	ssyncset.done $0x0  }
0x154: {  	[sflag:s22] =	ssyncadd.s32 $0xFFFFC000  }
0x155: {  	[hbm4b:s1+s3] =	stream.linear.scatter [tilespmem:s16], [sflag:$0x2], $0x8000, $0x38;
	[tilespmem:$0x1F0B0] =	vst v63  }
0x156: {  	_ =	swait.ge [sflag:s25], $0x8000  }
0x157: {  	[sflag:s25] =	ssyncset.done $0x0  }
0x158: {  	s26 =	simm.s32 $0x6200;
	[sflag:s25] =	ssyncadd.s32 $0xFFFF8000  }
0x159: {  	[tilespmem:s23], [sflag:$0x1] =	stream.indirect.gather [spmem:s2], $0x80, s26, s15, $0xb8;
	[tilespmem:$0x1F0B0] =	vst v63  }
0x15a: {  	s28 =	simm.s32 $0x6280  }
0x15b: {  	[tilespmem:s24], [sflag:$0x1] =	stream.indirect.gather [spmem:s2], $0x80, s28, s15, $0xb8;
	[tilespmem:$0x1F0B0] =	vst v63  }
0x15c: {  	_ =	swait.ge [sflag:s22], $0x4000  }
0x15d: {  	[sflag:s22] =	ssyncset.done $0x0  }
0x15e: {  	[sflag:s22] =	ssyncadd.s32 $0xFFFFC000  }
0x15f: {  	_ =	swait.ge [sflag:s22], $0x4000  }
0x160: {  	[sflag:s22] =	ssyncset.done $0x0  }
0x161: {  	[sflag:s22] =	ssyncadd.s32 $0xFFFFC000  }
0x162: {  	[hbm4b:s6+s3] =	stream.linear.scatter [tilespmem:s19], [sflag:$0x2], $0x8000, $0x38;
	[tilespmem:$0x1F0B0] =	vst v63  }
0x163: {  	_ =	swait.ge [sflag:s25], $0x8000  }
0x164: {  	[sflag:s25] =	ssyncset.done $0x0  }
0x165: {  	s29 =	simm.s32 $0x6300;
	[sflag:s25] =	ssyncadd.s32 $0xFFFF8000  }
0x166: {  	[tilespmem:s16], [sflag:$0x1] =	stream.indirect.gather [spmem:s2], $0x80, s29, s15, $0xb8;
	[tilespmem:$0x1F0B0] =	vst v63  }
0x167: {  	_ = 	snop  }
0x168: {  	[tilespmem:s17], [sflag:$0x1] =	stream.indirect.gather [spmem:s2], $0x80, s30, s15, $0xb8;
	[tilespmem:$0x1F0B0] =	vst v63  }
0x169: {  	_ =	swait.ge [sflag:s22], $0x4000  }
0x16a: {  	[sflag:s22] =	ssyncset.done $0x0  }
0x16b: {  	[sflag:s22] =	ssyncadd.s32 $0xFFFFC000  }
0x16c: {  	_ =	swait.ge [sflag:s22], $0x4000  }
0x16d: {  	[sflag:s22] =	ssyncset.done $0x0  }
0x16e: {  	[sflag:s22] =	ssyncadd.s32 $0xFFFFC000  }
0x16f: {  	[hbm4b:s7+s3] =	stream.linear.scatter [tilespmem:s23], [sflag:$0x2], $0x8000, $0x38;
	[tilespmem:$0x1F0B0] =	vst v63  }
0x170: {  	_ =	swait.ge [sflag:s25], $0x8000  }
0x171: {  	[sflag:s25] =	ssyncset.done $0x0  }
0x172: {  	[sflag:s25] =	ssyncadd.s32 $0xFFFF8000  }
0x173: {  	_ =	swait.ge [sflag:s22], $0x4000  }
0x174: {  	[sflag:s22] =	ssyncset.done $0x0  }
0x175: {  	[sflag:s22] =	ssyncadd.s32 $0xFFFFC000  }
0x176: {  	_ =	swait.ge [sflag:s22], $0x4000  }
0x177: {  	[sflag:s22] =	ssyncset.done $0x0  }
0x178: {  	s31 =	sadd.s32 $0x1, s31;
	[sflag:s22] =	ssyncadd.s32 $0xFFFFC000  }
0x179: {  	[hbm4b:s8+s3] =	stream.linear.scatter [tilespmem:s16], [sflag:$0x2], $0x8000, $0x38;
	[tilespmem:$0x1F0B0] =	vst v63  }
0x17a: {  	p1 =	sne.s32 s31, s9;
	_ =	swait.ge [sflag:s25], $0x8000  }
.Ltmp2:
0x17b: {  	[sflag:s25] =	ssyncset.done $0x0;
	(pc) =	sbr.rel @p1 .LBB2_1-.Ltmp2, $4  }
0x17c: {  	[sflag:s25] =	ssyncadd.s32 $0xFFFF8000  }
0x17d: {  	_ =	swait.ge [sflag:s25], $0x8000  }
0x17e: {  	[sflag:s25] =	ssyncset.done $0x0  }
0x17f: {  	[sflag:s25] =	ssyncadd.s32 $0xFFFF8000  }
0x180: {  	_ =	sfence.sel $0x180000  }
0x181: {  	[bflag:$0x0] =	sbarrier.arrive $0xFFFF  }
0x182: {  	_ =	strace $0x90000047  }
0x183: {  	[bflag:$0x2] =	sbarrier.arrive $0xFFFF  }
0x184: {  	s0 =	rddreg [dreg:$0x4]  }
0x185: {  	s0 =	sadd.s32 @!p0 $0x100000, s0  }
0x186: {  	[sflag:s0] =	ssyncadd.tile.s32 @!p0 $0x1;
	_ =	shalt  }
.Lfunc_end2:
_tile_overlayer_lowered:
.L_overlay_start_2:
0x187: {  	(tag) =	ssettag $0x2  }
0x188: {  	s0 =	rddreg [dreg:$0x0];
	s2 =	stileid.u32  }
0x189: {  	s1 =	rddreg [dreg:$0x1];
	p0 =	sne.s32 s2, $0x0  }
0x18a: {  	s3 =	rddreg [dreg:$0x2];
	[bflag:$0x3] =	sbarrier.arrive $0xFFFF;
	s2 =	simm.s32 @!p0 $0x1C03  }
0x18b: {  	[timem:s3], [sflag:s2] =	dma.local @!p0 [hbm:s0], s1  }
0x18c: {  	s0 =	simm.s32 @!p0 $0x3  }
0x18d: {  	_ =	swait.ge @!p0 [sflag:s0], s1  }
0x18e: {  	s1 =	ssub.s32 @!p0 $0x0, s1;
	[sflag:s0] =	ssyncset.done @!p0 $0x0  }
0x18f: {  	[sflag:s0] =	ssyncadd.s32 @!p0 s1  }
0x190: {  	[bflag:$0x3] =	sbarrier.arrive $0xFFFF  }
0x191: {  	_ =	shalt  }

</sc_bundles>
